<compile_context>
chip_gen: v7x
topology: tpu7x:2x2x1
jax: 0.10.2.dev20260603
libtpu: 0.0.44.dev20260713+nightly
codegen_flags: <defaults>
</compile_context>

<pallas_src>
import functools

import jax
import jax.numpy as jnp
from jax import lax
from jax.experimental import pallas as pl
from jax.experimental.pallas import tpu as pltpu
from jax.experimental.pallas import tpu_sc as plsc

B = 8192
D_IN = 1024
FEAT = 512
E = 16
CLS = 64
BT = 1024
SUB = 256

NWORK = 32
CHUNK = B // NWORK


def _moe_block(x_ref, wbb_ref, bbb_ref, wc_ref, bc_ref, we_ref, be_ref,
               coarse_ref, eid_ref, sel_ref, wcat_ref):
    @pl.when(pl.program_id(0) == 0)
    def _init():
        for e in range(E):
            wcat_ref[:, e * CLS:(e + 1) * CLS] = we_ref[e]

    wbb = wbb_ref[...]
    wc = wc_ref[...]
    wcat = wcat_ref[...]
    for s in range(BT // SUB):
        r0 = s * SUB
        xb = x_ref[r0:r0 + SUB].reshape(SUB, D_IN)
        sf = jnp.maximum(jnp.dot(xb, wbb,
                                 preferred_element_type=jnp.float32)
                         + bbb_ref[...], 0.0)
        coarse = jnp.dot(sf, wc,
                         preferred_element_type=jnp.float32) + bc_ref[...]
        coarse_ref[r0:r0 + SUB] = coarse
        eid = jnp.argmax(coarse, axis=1).astype(jnp.int32)
        eid_ref[r0:r0 + SUB] = eid[:, None]

        all_l = jnp.dot(sf, wcat,
                        preferred_element_type=jnp.float32) + be_ref[...]

        pid = eid >> 1
        sel2 = all_l[:, 0:2 * CLS]
        for p in range(1, E // 2):
            sel2 = jnp.where((pid == p)[:, None],
                             all_l[:, p * 2 * CLS:(p + 1) * 2 * CLS], sel2)
        sel_ref[r0:r0 + SUB] = jnp.where((eid & 1 == 1)[:, None],
                                         sel2[:, CLS:2 * CLS],
                                         sel2[:, 0:CLS])


def _sc_epilogue(sel1, eid1):
    mesh = plsc.VectorSubcoreMesh(core_axis_name="c", subcore_axis_name="s")

    @functools.partial(
        pl.kernel, mesh=mesh,
        out_type=[jax.ShapeDtypeStruct((B * CLS,), jnp.float32),
                  jax.ShapeDtypeStruct((B,), jnp.float32)],
        scratch_types=[pltpu.VMEM((CHUNK * CLS,), jnp.float32),
                       pltpu.VMEM((CHUNK,), jnp.int32),
                       pltpu.VMEM((CHUNK * CLS,), jnp.float32),
                       pltpu.VMEM((CHUNK,), jnp.float32)],
    )
    def k(sel_hbm, eid_hbm, lp_hbm, gp_hbm, sel_v, eid_v, lp_v, gp_v):
        wid = lax.axis_index("s") * 2 + lax.axis_index("c")
        base = wid * CHUNK
        pltpu.sync_copy(sel_hbm.at[pl.ds(base * CLS, CHUNK * CLS)], sel_v)
        pltpu.sync_copy(eid_hbm.at[pl.ds(base, CHUNK)], eid_v)
        io = lax.broadcasted_iota(jnp.int32, (16,), 0)
        big = jnp.int32(1 << 20)

        def lanered(v, op):
            for sh in (8, 4, 2, 1):
                perm = io ^ sh
                shuf = lax.gather(
                    v, perm[:, None],
                    lax.GatherDimensionNumbers(offset_dims=(),
                                               collapsed_slice_dims=(0,),
                                               start_index_map=(0,)),
                    slice_sizes=(1,),
                    mode=lax.GatherScatterMode.PROMISE_IN_BOUNDS)
                v = op(v, shuf)
            return v

        def bcast(v, j):
            return lax.gather(
                v, jnp.full((16, 1), j, jnp.int32),
                lax.GatherDimensionNumbers(offset_dims=(),
                                           collapsed_slice_dims=(0,),
                                           start_index_map=(0,)),
                slice_sizes=(1,),
                mode=lax.GatherScatterMode.PROMISE_IN_BOUNDS)

        def group(g, carry):
            lc_vec = jnp.zeros((16,), jnp.int32)
            tot_vec = jnp.zeros((16,), jnp.float32)
            for j in range(16):
                o = (g * 16 + j) * CLS
                v0 = sel_v[pl.ds(o, 16)]
                v1 = sel_v[pl.ds(o + 16, 16)]
                v2 = sel_v[pl.ds(o + 32, 16)]
                v3 = sel_v[pl.ds(o + 48, 16)]
                m = lanered(jnp.maximum(jnp.maximum(v0, v1),
                                        jnp.maximum(v2, v3)), jnp.maximum)
                i0 = jnp.where(v0 == m, io, big)
                i1 = jnp.where(v1 == m, io + 16, big)
                i2 = jnp.where(v2 == m, io + 32, big)
                i3 = jnp.where(v3 == m, io + 48, big)
                local = lanered(jnp.minimum(jnp.minimum(i0, i1),
                                            jnp.minimum(i2, i3)), jnp.minimum)
                e0 = jnp.exp(v0 - m)
                e1 = jnp.exp(v1 - m)
                e2 = jnp.exp(v2 - m)
                e3 = jnp.exp(v3 - m)
                tot = lanered(e0 + e1 + e2 + e3, jnp.add)
                lp_v[pl.ds(o, 16)] = e0
                lp_v[pl.ds(o + 16, 16)] = e1
                lp_v[pl.ds(o + 32, 16)] = e2
                lp_v[pl.ds(o + 48, 16)] = e3
                lc_vec = jnp.where(io == j, local, lc_vec)
                tot_vec = jnp.where(io == j, tot, tot_vec)
            rcp_vec = 1.0 / tot_vec
            for j in range(16):
                o = (g * 16 + j) * CLS
                r = bcast(rcp_vec, j)
                lp_v[pl.ds(o, 16)] = lp_v[pl.ds(o, 16)] * r
                lp_v[pl.ds(o + 16, 16)] = lp_v[pl.ds(o + 16, 16)] * r
                lp_v[pl.ds(o + 32, 16)] = lp_v[pl.ds(o + 32, 16)] * r
                lp_v[pl.ds(o + 48, 16)] = lp_v[pl.ds(o + 48, 16)] * r
            ev = eid_v[pl.ds(g * 16, 16)]
            gp_v[pl.ds(g * 16, 16)] = (lc_vec + ev * CLS).astype(jnp.float32)
            return carry

        lax.fori_loop(0, CHUNK // 16, group, 0)
        pltpu.sync_copy(lp_v, lp_hbm.at[pl.ds(base * CLS, CHUNK * CLS)])
        pltpu.sync_copy(gp_v, gp_hbm.at[pl.ds(base, CHUNK)])

    return k(sel1, eid1)


@jax.jit
def _moe_fused(x4, W_bb, b_bb2, W_c, b_c2, W_e, b_e):
    grid = (B // BT,)
    coarse, eid, sel = pl.pallas_call(
        _moe_block,
        grid=grid,
        in_specs=[
            pl.BlockSpec((BT, 1, 1, D_IN), lambda i: (i, 0, 0, 0)),
            pl.BlockSpec((D_IN, FEAT), lambda i: (0, 0)),
            pl.BlockSpec((1, FEAT), lambda i: (0, 0)),
            pl.BlockSpec((FEAT, E), lambda i: (0, 0)),
            pl.BlockSpec((1, E), lambda i: (0, 0)),
            pl.BlockSpec((E, FEAT, CLS), lambda i: (0, 0, 0)),
            pl.BlockSpec((1, E * CLS), lambda i: (0, 0)),
        ],
        out_specs=[
            pl.BlockSpec((BT, E), lambda i: (i, 0)),
            pl.BlockSpec((BT, 1), lambda i: (i, 0)),
            pl.BlockSpec((BT, CLS), lambda i: (i, 0)),
        ],
        out_shape=[
            jax.ShapeDtypeStruct((B, E), jnp.float32),
            jax.ShapeDtypeStruct((B, 1), jnp.int32),
            jax.ShapeDtypeStruct((B, CLS), jnp.float32),
        ],
        scratch_shapes=[pltpu.VMEM((FEAT, E * CLS), jnp.float32)],
        compiler_params=pltpu.CompilerParams(
            dimension_semantics=("arbitrary",),
        ),
    )(x4, W_bb, b_bb2, W_c, b_c2, W_e, b_e)

    eid1 = eid.reshape(B)
    lp1, gp = _sc_epilogue(sel.reshape(B * CLS), eid1)
    return coarse, eid1, lp1.reshape(B, CLS), gp


def kernel(x, W_bb, b_bb, W_c, b_c, W_e, b_e):
    return _moe_fused(x, W_bb, b_bb.reshape(1, FEAT),
                      W_c, b_c.reshape(1, E), W_e,
                      b_e.reshape(1, E * CLS))

# --- scband reference (transcript-rebuilt; emitter-appended) ---
"""Pipeline reference for scband-mixture-of-experts-64407329570976 (READ-ONLY COPY).

The authoritative reference and input builder live on the scoring server;
editing this copy changes nothing except your own understanding.
"""

import jax, jax.numpy as jnp
import numpy as np

B = 8192
C, H, W = 1, 1, 1024
FEAT = 512
E = 16
CLS = 64  # classes per expert (uniform class_ranges of width 64)
STARTS = jnp.arange(E, dtype=jnp.int32) * CLS


def setup_inputs(seed: int = 0) -> dict:
    key = jax.random.key(seed)
    ks = jax.random.split(key, 6)
    x = jax.random.normal(ks[0], (B, C, H, W), dtype=jnp.float32)
    W_bb = jax.random.normal(ks[1], (C * H * W, FEAT), dtype=jnp.float32) * 0.02
    b_bb = jnp.zeros((FEAT,), dtype=jnp.float32)
    W_c = jax.random.normal(ks[2], (FEAT, E), dtype=jnp.float32) * 0.02
    b_c = jnp.zeros((E,), dtype=jnp.float32)
    W_e = jax.random.normal(ks[3], (E, FEAT, CLS), dtype=jnp.float32) * 0.02
    b_e = jnp.zeros((E, CLS), dtype=jnp.float32)
    return {"x": x, "W_bb": W_bb, "b_bb": b_bb, "W_c": W_c, "b_c": b_c, "W_e": W_e, "b_e": b_e}


def reference(x, W_bb, b_bb, W_c, b_c, W_e, b_e):
    # shared backbone (resnet18_backbone approximated as flatten + linear + relu producing feat_dim=512)
    flat = x.reshape(x.shape[0], -1)
    shared_features = jax.nn.relu(flat @ W_bb + b_bb)
    # coarse head -> router logits over experts
    coarse_output = shared_features @ W_c + b_c
    # select_expert: hard top-1 routing
    expert_id = jnp.argmax(coarse_output, axis=1)
    # compute all expert head logits, then gather the routed one per token
    all_logits = jnp.einsum('bd,edk->bek', shared_features, W_e) + b_e[None, :, :]
    sel_logits = jnp.take_along_axis(all_logits, expert_id[:, None, None], axis=1)[:, 0, :]  # [B, CLS]
    local_class = jnp.argmax(sel_logits, axis=1)
    global_preds = (local_class + STARTS[expert_id]).astype(jnp.float32)
    # all experts have the same num_classes (== max_expert_classes), so local_preds is full softmax
    local_preds = jax.nn.softmax(sel_logits, axis=1)
    return (coarse_output, expert_id, local_preds, global_preds)

if __name__ == "__main__":
    import jax
    _d = setup_inputs()
    print(jax.jit(kernel)(*tuple(_d.values())))

</pallas_src>

<mosaic_0001>
#map = affine_map<(d0, d1) -> (0)>
module attributes {stable_mosaic.version = 14 : i64} {
  func.func @k(%arg0: i32, %arg1: i32, %arg2: memref<524288xf32, #tpu.memory_space<hbm>>, %arg3: memref<8192xi32, #tpu.memory_space<hbm>>, %arg4: memref<524288xf32, #tpu.memory_space<hbm>>, %arg5: memref<8192xf32, #tpu.memory_space<hbm>>, %arg6: memref<16384xf32, #tpu.memory_space<vmem>>, %arg7: memref<256xi32, #tpu.memory_space<vmem>>, %arg8: memref<16384xf32, #tpu.memory_space<vmem>>, %arg9: memref<256xf32, #tpu.memory_space<vmem>>) attributes {dimension_semantics = [#tpu.dimension_semantics<core_parallel>, #tpu.dimension_semantics<subcore_parallel>], iteration_bounds = array<i64: 2, 16>, scalar_prefetch = 0 : i64, scratch_operands = 4 : i64, tpu.core_type = #tpu.core_type<sc_vector_subcore>, window_params = [{transform_indices = #map}, {transform_indices = #map}, {transform_indices = #map}, {transform_indices = #map}]} {
    %mul3A = arith.constant 2 : i32
    %mul3A_0 = arith.muli %arg1, %mul3A : i32
    %add3A = arith.addi %mul3A_0, %arg0 : i32
    %mul3A_1 = arith.constant 256 : i32
    %mul3A_2 = arith.muli %add3A, %mul3A_1 : i32
    %mul3A_3 = arith.constant 64 : i32
    %mul3A_4 = arith.muli %mul3A_2, %mul3A_3 : i32
    "tpu.region"() ({
      %run_scoped3A = tpu.sem_alloc : memref<!tpu.dma_semaphore, #tpu.memory_space<semaphore_mem>>
      %dma_start3A = tpu.memref_slice %arg2[%mul3A_4] : memref<524288xf32, #tpu.memory_space<hbm>> -> memref<16384xf32, #tpu.memory_space<hbm>>
      %dma_start3A_13 = tpu.memref_slice %arg2[%mul3A_4] : memref<524288xf32, #tpu.memory_space<hbm>> -> memref<16384xf32, #tpu.memory_space<hbm>>
      tpu.enqueue_dma source(%dma_start3A_13 : memref<16384xf32, #tpu.memory_space<hbm>>) target(%arg6 : memref<16384xf32, #tpu.memory_space<vmem>>) target_semaphore(%run_scoped3A : memref<!tpu.dma_semaphore, #tpu.memory_space<semaphore_mem>>)
      %dma_wait3A = tpu.memref_slice %arg2[%mul3A_4] : memref<524288xf32, #tpu.memory_space<hbm>> -> memref<16384xf32, #tpu.memory_space<hbm>>
      %dma_wait3A_14 = tpu.memref_slice %arg2[%mul3A_4] : memref<524288xf32, #tpu.memory_space<hbm>> -> memref<16384xf32, #tpu.memory_space<hbm>>
      tpu.wait_dma2 semaphore(%run_scoped3A : memref<!tpu.dma_semaphore, #tpu.memory_space<semaphore_mem>>) src(%dma_wait3A_14 : memref<16384xf32, #tpu.memory_space<hbm>>) dst(%arg6 : memref<16384xf32, #tpu.memory_space<vmem>>)
      tpu.yield
    }) : () -> ()
    "tpu.region"() ({
      %run_scoped3A = tpu.sem_alloc : memref<!tpu.dma_semaphore, #tpu.memory_space<semaphore_mem>>
      %dma_start3A = tpu.memref_slice %arg3[%mul3A_2] : memref<8192xi32, #tpu.memory_space<hbm>> -> memref<256xi32, #tpu.memory_space<hbm>>
      %dma_start3A_13 = tpu.memref_slice %arg3[%mul3A_2] : memref<8192xi32, #tpu.memory_space<hbm>> -> memref<256xi32, #tpu.memory_space<hbm>>
      tpu.enqueue_dma source(%dma_start3A_13 : memref<256xi32, #tpu.memory_space<hbm>>) target(%arg7 : memref<256xi32, #tpu.memory_space<vmem>>) target_semaphore(%run_scoped3A : memref<!tpu.dma_semaphore, #tpu.memory_space<semaphore_mem>>)
      %dma_wait3A = tpu.memref_slice %arg3[%mul3A_2] : memref<8192xi32, #tpu.memory_space<hbm>> -> memref<256xi32, #tpu.memory_space<hbm>>
      %dma_wait3A_14 = tpu.memref_slice %arg3[%mul3A_2] : memref<8192xi32, #tpu.memory_space<hbm>> -> memref<256xi32, #tpu.memory_space<hbm>>
      tpu.wait_dma2 semaphore(%run_scoped3A : memref<!tpu.dma_semaphore, #tpu.memory_space<semaphore_mem>>) src(%dma_wait3A_14 : memref<256xi32, #tpu.memory_space<hbm>>) dst(%arg7 : memref<256xi32, #tpu.memory_space<vmem>>)
      tpu.yield
    }) : () -> ()
    %iota3A = tpu.iota {dimensions = array<i32: 0>} : vector<16xi32>
    %scan3A = arith.constant 0 : i32
    %scan3A_5 = arith.constant 1048576 : i32
    %scan3A_6 = arith.constant 0 : i32
    %scan3A_7 = arith.constant 16 : i32
    %scan3A_8 = arith.addi %scan3A_6, %scan3A_7 : i32
    %scan3A_9 = arith.constant 1 : i32
    scf.for %scan3A_13 = %scan3A_6 to %scan3A_8 step %scan3A_9  : i32 {
      %broadcast_in_dim3A = arith.constant 0 : i32
      %broadcast_in_dim3A_14 = vector.broadcast %broadcast_in_dim3A : i32 to vector<16xi32>
      %broadcast_in_dim3A_15 = arith.constant 0.000000e+00 : f32
      %broadcast_in_dim3A_16 = vector.broadcast %broadcast_in_dim3A_15 : f32 to vector<16xf32>
      %mul3A_17 = arith.constant 16 : i32
      %mul3A_18 = arith.muli %scan3A_13, %mul3A_17 : i32
      %add3A_19 = arith.constant 0 : i32
      %add3A_20 = arith.addi %mul3A_18, %add3A_19 : i32
      %mul3A_21 = arith.constant 64 : i32
      %mul3A_22 = arith.muli %add3A_20, %mul3A_21 : i32
      %get3A = arith.index_cast %mul3A_22 : i32 to index
      %get3A_23 = tpu.vector_load %arg6[%get3A] {strides = array<i32>} : memref<16384xf32, #tpu.memory_space<vmem>>, vector<16xf32>,
      %get3A_24 = vector.shape_cast %get3A_23 : vector<16xf32> to vector<16xf32>
      %add3A_25 = arith.constant 16 : i32
      %add3A_26 = arith.addi %mul3A_22, %add3A_25 : i32
      %get3A_27 = arith.index_cast %add3A_26 : i32 to index
      %get3A_28 = tpu.vector_load %arg6[%get3A_27] {strides = array<i32>} : memref<16384xf32, #tpu.memory_space<vmem>>, vector<16xf32>,
      %get3A_29 = vector.shape_cast %get3A_28 : vector<16xf32> to vector<16xf32>
      %add3A_30 = arith.constant 32 : i32
      %add3A_31 = arith.addi %mul3A_22, %add3A_30 : i32
      %get3A_32 = arith.index_cast %add3A_31 : i32 to index
      %get3A_33 = tpu.vector_load %arg6[%get3A_32] {strides = array<i32>} : memref<16384xf32, #tpu.memory_space<vmem>>, vector<16xf32>,
      %get3A_34 = vector.shape_cast %get3A_33 : vector<16xf32> to vector<16xf32>
      %add3A_35 = arith.constant 48 : i32
      %add3A_36 = arith.addi %mul3A_22, %add3A_35 : i32
      %get3A_37 = arith.index_cast %add3A_36 : i32 to index
      %get3A_38 = tpu.vector_load %arg6[%get3A_37] {strides = array<i32>} : memref<16384xf32, #tpu.memory_space<vmem>>, vector<16xf32>,
      %get3A_39 = vector.shape_cast %get3A_38 : vector<16xf32> to vector<16xf32>
      %max3A = arith.maximumf %get3A_24, %get3A_29 : vector<16xf32>
      %max3A_40 = arith.maximumf %get3A_34, %get3A_39 : vector<16xf32>
      %max3A_41 = arith.maximumf %max3A, %max3A_40 : vector<16xf32>
      %xor3A = arith.constant 8 : i32
      %xor3A_42 = vector.broadcast %xor3A : i32 to vector<16xi32>
      %xor3A_43 = arith.xori %iota3A, %xor3A_42 : vector<16xi32>
      %broadcast_in_dim3A_44 = vector.shape_cast %xor3A_43 : vector<16xi32> to vector<16x1xi32>
      %gather3A = vector.shape_cast %broadcast_in_dim3A_44 : vector<16x1xi32> to vector<16xi32>
      %gather3A_45 = tpu.dynamic_gather %max3A_41[%gather3A] in [0] : vector<16xf32>, vector<16xi32> -> vector<16xf32>
      %max3A_46 = arith.maximumf %max3A_41, %gather3A_45 : vector<16xf32>
      %xor3A_47 = arith.constant 4 : i32
      %xor3A_48 = vector.broadcast %xor3A_47 : i32 to vector<16xi32>
      %xor3A_49 = arith.xori %iota3A, %xor3A_48 : vector<16xi32>
      %broadcast_in_dim3A_50 = vector.shape_cast %xor3A_49 : vector<16xi32> to vector<16x1xi32>
      %gather3A_51 = vector.shape_cast %broadcast_in_dim3A_50 : vector<16x1xi32> to vector<16xi32>
      %gather3A_52 = tpu.dynamic_gather %max3A_46[%gather3A_51] in [0] : vector<16xf32>, vector<16xi32> -> vector<16xf32>
      %max3A_53 = arith.maximumf %max3A_46, %gather3A_52 : vector<16xf32>
      %xor3A_54 = arith.constant 2 : i32
      %xor3A_55 = vector.broadcast %xor3A_54 : i32 to vector<16xi32>
      %xor3A_56 = arith.xori %iota3A, %xor3A_55 : vector<16xi32>
      %broadcast_in_dim3A_57 = vector.shape_cast %xor3A_56 : vector<16xi32> to vector<16x1xi32>
      %gather3A_58 = vector.shape_cast %broadcast_in_dim3A_57 : vector<16x1xi32> to vector<16xi32>
      %gather3A_59 = tpu.dynamic_gather %max3A_53[%gather3A_58] in [0] : vector<16xf32>, vector<16xi32> -> vector<16xf32>
      %max3A_60 = arith.maximumf %max3A_53, %gather3A_59 : vector<16xf32>
      %xor3A_61 = arith.constant 1 : i32
      %xor3A_62 = vector.broadcast %xor3A_61 : i32 to vector<16xi32>
      %xor3A_63 = arith.xori %iota3A, %xor3A_62 : vector<16xi32>
      %broadcast_in_dim3A_64 = vector.shape_cast %xor3A_63 : vector<16xi32> to vector<16x1xi32>
      %gather3A_65 = vector.shape_cast %broadcast_in_dim3A_64 : vector<16x1xi32> to vector<16xi32>
      %gather3A_66 = tpu.dynamic_gather %max3A_60[%gather3A_65] in [0] : vector<16xf32>, vector<16xi32> -> vector<16xf32>
      %max3A_67 = arith.maximumf %max3A_60, %gather3A_66 : vector<16xf32>
      %eq3A = arith.cmpf oeq, %get3A_24, %max3A_67 : vector<16xf32>
      %broadcast_in_dim3A_68 = vector.broadcast %scan3A_5 : i32 to vector<16xi32>
      %select_n3A = arith.select %eq3A, %iota3A, %broadcast_in_dim3A_68 : vector<16xi1>, vector<16xi32>
      %eq3A_69 = arith.cmpf oeq, %get3A_29, %max3A_67 : vector<16xf32>
      %add3A_70 = arith.constant 16 : i32
      %add3A_71 = vector.broadcast %add3A_70 : i32 to vector<16xi32>
      %add3A_72 = arith.addi %iota3A, %add3A_71 : vector<16xi32>
      %broadcast_in_dim3A_73 = vector.broadcast %scan3A_5 : i32 to vector<16xi32>
      %select_n3A_74 = arith.select %eq3A_69, %add3A_72, %broadcast_in_dim3A_73 : vector<16xi1>, vector<16xi32>
      %eq3A_75 = arith.cmpf oeq, %get3A_34, %max3A_67 : vector<16xf32>
      %add3A_76 = arith.constant 32 : i32
      %add3A_77 = vector.broadcast %add3A_76 : i32 to vector<16xi32>
      %add3A_78 = arith.addi %iota3A, %add3A_77 : vector<16xi32>
      %broadcast_in_dim3A_79 = vector.broadcast %scan3A_5 : i32 to vector<16xi32>
      %select_n3A_80 = arith.select %eq3A_75, %add3A_78, %broadcast_in_dim3A_79 : vector<16xi1>, vector<16xi32>
      %eq3A_81 = arith.cmpf oeq, %get3A_39, %max3A_67 : vector<16xf32>
      %add3A_82 = arith.constant 48 : i32
      %add3A_83 = vector.broadcast %add3A_82 : i32 to vector<16xi32>
      %add3A_84 = arith.addi %iota3A, %add3A_83 : vector<16xi32>
      %broadcast_in_dim3A_85 = vector.broadcast %scan3A_5 : i32 to vector<16xi32>
      %select_n3A_86 = arith.select %eq3A_81, %add3A_84, %broadcast_in_dim3A_85 : vector<16xi1>, vector<16xi32>
      %min3A = arith.minsi %select_n3A, %select_n3A_74 : vector<16xi32>
      %min3A_87 = arith.minsi %select_n3A_80, %select_n3A_86 : vector<16xi32>
      %min3A_88 = arith.minsi %min3A, %min3A_87 : vector<16xi32>
      %xor3A_89 = arith.constant 8 : i32
      %xor3A_90 = vector.broadcast %xor3A_89 : i32 to vector<16xi32>
      %xor3A_91 = arith.xori %iota3A, %xor3A_90 : vector<16xi32>
      %broadcast_in_dim3A_92 = vector.shape_cast %xor3A_91 : vector<16xi32> to vector<16x1xi32>
      %gather3A_93 = vector.shape_cast %broadcast_in_dim3A_92 : vector<16x1xi32> to vector<16xi32>
      %gather3A_94 = tpu.dynamic_gather %min3A_88[%gather3A_93] in [0] : vector<16xi32>, vector<16xi32> -> vector<16xi32>
      %min3A_95 = arith.minsi %min3A_88, %gather3A_94 : vector<16xi32>
      %xor3A_96 = arith.constant 4 : i32
      %xor3A_97 = vector.broadcast %xor3A_96 : i32 to vector<16xi32>
      %xor3A_98 = arith.xori %iota3A, %xor3A_97 : vector<16xi32>
      %broadcast_in_dim3A_99 = vector.shape_cast %xor3A_98 : vector<16xi32> to vector<16x1xi32>
      %gather3A_100 = vector.shape_cast %broadcast_in_dim3A_99 : vector<16x1xi32> to vector<16xi32>
      %gather3A_101 = tpu.dynamic_gather %min3A_95[%gather3A_100] in [0] : vector<16xi32>, vector<16xi32> -> vector<16xi32>
      %min3A_102 = arith.minsi %min3A_95, %gather3A_101 : vector<16xi32>
      %xor3A_103 = arith.constant 2 : i32
      %xor3A_104 = vector.broadcast %xor3A_103 : i32 to vector<16xi32>
      %xor3A_105 = arith.xori %iota3A, %xor3A_104 : vector<16xi32>
      %broadcast_in_dim3A_106 = vector.shape_cast %xor3A_105 : vector<16xi32> to vector<16x1xi32>
      %gather3A_107 = vector.shape_cast %broadcast_in_dim3A_106 : vector<16x1xi32> to vector<16xi32>
      %gather3A_108 = tpu.dynamic_gather %min3A_102[%gather3A_107] in [0] : vector<16xi32>, vector<16xi32> -> vector<16xi32>
      %min3A_109 = arith.minsi %min3A_102, %gather3A_108 : vector<16xi32>
      %xor3A_110 = arith.constant 1 : i32
      %xor3A_111 = vector.broadcast %xor3A_110 : i32 to vector<16xi32>
      %xor3A_112 = arith.xori %iota3A, %xor3A_111 : vector<16xi32>
      %broadcast_in_dim3A_113 = vector.shape_cast %xor3A_112 : vector<16xi32> to vector<16x1xi32>
      %gather3A_114 = vector.shape_cast %broadcast_in_dim3A_113 : vector<16x1xi32> to vector<16xi32>
      %gather3A_115 = tpu.dynamic_gather %min3A_109[%gather3A_114] in [0] : vector<16xi32>, vector<16xi32> -> vector<16xi32>
      %min3A_116 = arith.minsi %min3A_109, %gather3A_115 : vector<16xi32>
      %sub3A = arith.subf %get3A_24, %max3A_67 : vector<16xf32>
      %exp3A = math.exp %sub3A : vector<16xf32>
      %sub3A_117 = arith.subf %get3A_29, %max3A_67 : vector<16xf32>
      %exp3A_118 = math.exp %sub3A_117 : vector<16xf32>
      %sub3A_119 = arith.subf %get3A_34, %max3A_67 : vector<16xf32>
      %exp3A_120 = math.exp %sub3A_119 : vector<16xf32>
      %sub3A_121 = arith.subf %get3A_39, %max3A_67 : vector<16xf32>
      %exp3A_122 = math.exp %sub3A_121 : vector<16xf32>
      %add3A_123 = arith.addf %exp3A, %exp3A_118 : vector<16xf32>
      %add3A_124 = arith.addf %add3A_123, %exp3A_120 : vector<16xf32>
      %add3A_125 = arith.addf %add3A_124, %exp3A_122 : vector<16xf32>
      %xor3A_126 = arith.constant 8 : i32
      %xor3A_127 = vector.broadcast %xor3A_126 : i32 to vector<16xi32>
      %xor3A_128 = arith.xori %iota3A, %xor3A_127 : vector<16xi32>
      %broadcast_in_dim3A_129 = vector.shape_cast %xor3A_128 : vector<16xi32> to vector<16x1xi32>
      %gather3A_130 = vector.shape_cast %broadcast_in_dim3A_129 : vector<16x1xi32> to vector<16xi32>
      %gather3A_131 = tpu.dynamic_gather %add3A_125[%gather3A_130] in [0] : vector<16xf32>, vector<16xi32> -> vector<16xf32>
      %add3A_132 = arith.addf %add3A_125, %gather3A_131 : vector<16xf32>
      %xor3A_133 = arith.constant 4 : i32
      %xor3A_134 = vector.broadcast %xor3A_133 : i32 to vector<16xi32>
      %xor3A_135 = arith.xori %iota3A, %xor3A_134 : vector<16xi32>
      %broadcast_in_dim3A_136 = vector.shape_cast %xor3A_135 : vector<16xi32> to vector<16x1xi32>
      %gather3A_137 = vector.shape_cast %broadcast_in_dim3A_136 : vector<16x1xi32> to vector<16xi32>
      %gather3A_138 = tpu.dynamic_gather %add3A_132[%gather3A_137] in [0] : vector<16xf32>, vector<16xi32> -> vector<16xf32>
      %add3A_139 = arith.addf %add3A_132, %gather3A_138 : vector<16xf32>
      %xor3A_140 = arith.constant 2 : i32
      %xor3A_141 = vector.broadcast %xor3A_140 : i32 to vector<16xi32>
      %xor3A_142 = arith.xori %iota3A, %xor3A_141 : vector<16xi32>
      %broadcast_in_dim3A_143 = vector.shape_cast %xor3A_142 : vector<16xi32> to vector<16x1xi32>
      %gather3A_144 = vector.shape_cast %broadcast_in_dim3A_143 : vector<16x1xi32> to vector<16xi32>
      %gather3A_145 = tpu.dynamic_gather %add3A_139[%gather3A_144] in [0] : vector<16xf32>, vector<16xi32> -> vector<16xf32>
      %add3A_146 = arith.addf %add3A_139, %gather3A_145 : vector<16xf32>
      %xor3A_147 = arith.constant 1 : i32
      %xor3A_148 = vector.broadcast %xor3A_147 : i32 to vector<16xi32>
      %xor3A_149 = arith.xori %iota3A, %xor3A_148 : vector<16xi32>
      %broadcast_in_dim3A_150 = vector.shape_cast %xor3A_149 : vector<16xi32> to vector<16x1xi32>
      %gather3A_151 = vector.shape_cast %broadcast_in_dim3A_150 : vector<16x1xi32> to vector<16xi32>
      %gather3A_152 = tpu.dynamic_gather %add3A_146[%gather3A_151] in [0] : vector<16xf32>, vector<16xi32> -> vector<16xf32>
      %add3A_153 = arith.addf %add3A_146, %gather3A_152 : vector<16xf32>
      %swap3A = arith.index_cast %mul3A_22 : i32 to index
      %swap3A_154 = tpu.vector_load %arg8[%swap3A] {strides = array<i32>} : memref<16384xf32, #tpu.memory_space<vmem>>, vector<16xf32>,
      %swap3A_155 = vector.shape_cast %swap3A_154 : vector<16xf32> to vector<16xf32>
      %swap3A_156 = vector.shape_cast %exp3A : vector<16xf32> to vector<16xf32>
      tpu.vector_store %arg8[%swap3A], %swap3A_156 {strides = array<i32>} : memref<16384xf32, #tpu.memory_space<vmem>>, vector<16xf32>,
      %add3A_157 = arith.constant 16 : i32
      %add3A_158 = arith.addi %mul3A_22, %add3A_157 : i32
      %swap3A_159 = arith.index_cast %add3A_158 : i32 to index
      %swap3A_160 = tpu.vector_load %arg8[%swap3A_159] {strides = array<i32>} : memref<16384xf32, #tpu.memory_space<vmem>>, vector<16xf32>,
      %swap3A_161 = vector.shape_cast %swap3A_160 : vector<16xf32> to vector<16xf32>
      %swap3A_162 = vector.shape_cast %exp3A_118 : vector<16xf32> to vector<16xf32>
      tpu.vector_store %arg8[%swap3A_159], %swap3A_162 {strides = array<i32>} : memref<16384xf32, #tpu.memory_space<vmem>>, vector<16xf32>,
      %add3A_163 = arith.constant 32 : i32
      %add3A_164 = arith.addi %mul3A_22, %add3A_163 : i32
      %swap3A_165 = arith.index_cast %add3A_164 : i32 to index
      %swap3A_166 = tpu.vector_load %arg8[%swap3A_165] {strides = array<i32>} : memref<16384xf32, #tpu.memory_space<vmem>>, vector<16xf32>,
      %swap3A_167 = vector.shape_cast %swap3A_166 : vector<16xf32> to vector<16xf32>
      %swap3A_168 = vector.shape_cast %exp3A_120 : vector<16xf32> to vector<16xf32>
      tpu.vector_store %arg8[%swap3A_165], %swap3A_168 {strides = array<i32>} : memref<16384xf32, #tpu.memory_space<vmem>>, vector<16xf32>,
      %add3A_169 = arith.constant 48 : i32
      %add3A_170 = arith.addi %mul3A_22, %add3A_169 : i32
      %swap3A_171 = arith.index_cast %add3A_170 : i32 to index
      %swap3A_172 = tpu.vector_load %arg8[%swap3A_171] {strides = array<i32>} : memref<16384xf32, #tpu.memory_space<vmem>>, vector<16xf32>,
      %swap3A_173 = vector.shape_cast %swap3A_172 : vector<16xf32> to vector<16xf32>
      %swap3A_174 = vector.shape_cast %exp3A_122 : vector<16xf32> to vector<16xf32>
      tpu.vector_store %arg8[%swap3A_171], %swap3A_174 {strides = array<i32>} : memref<16384xf32, #tpu.memory_space<vmem>>, vector<16xf32>,
      %eq3A_175 = arith.constant 0 : i32
      %eq3A_176 = vector.broadcast %eq3A_175 : i32 to vector<16xi32>
      %eq3A_177 = arith.cmpi eq, %iota3A, %eq3A_176 : vector<16xi32>
      %select_n3A_178 = arith.select %eq3A_177, %min3A_116, %broadcast_in_dim3A_14 : vector<16xi1>, vector<16xi32>
      %eq3A_179 = arith.constant 0 : i32
      %eq3A_180 = vector.broadcast %eq3A_179 : i32 to vector<16xi32>
      %eq3A_181 = arith.cmpi eq, %iota3A, %eq3A_180 : vector<16xi32>
      %select_n3A_182 = arith.select %eq3A_181, %add3A_153, %broadcast_in_dim3A_16 : vector<16xi1>, vector<16xf32>
      %mul3A_183 = arith.constant 16 : i32
      %mul3A_184 = arith.muli %scan3A_13, %mul3A_183 : i32
      %add3A_185 = arith.constant 1 : i32
      %add3A_186 = arith.addi %mul3A_184, %add3A_185 : i32
      %mul3A_187 = arith.constant 64 : i32
      %mul3A_188 = arith.muli %add3A_186, %mul3A_187 : i32
      %get3A_189 = arith.index_cast %mul3A_188 : i32 to index
      %get3A_190 = tpu.vector_load %arg6[%get3A_189] {strides = array<i32>} : memref<16384xf32, #tpu.memory_space<vmem>>, vector<16xf32>,
      %get3A_191 = vector.shape_cast %get3A_190 : vector<16xf32> to vector<16xf32>
      %add3A_192 = arith.constant 16 : i32
      %add3A_193 = arith.addi %mul3A_188, %add3A_192 : i32
      %get3A_194 = arith.index_cast %add3A_193 : i32 to index
      %get3A_195 = tpu.vector_load %arg6[%get3A_194] {strides = array<i32>} : memref<16384xf32, #tpu.memory_space<vmem>>, vector<16xf32>,
      %get3A_196 = vector.shape_cast %get3A_195 : vector<16xf32> to vector<16xf32>
      %add3A_197 = arith.constant 32 : i32
      %add3A_198 = arith.addi %mul3A_188, %add3A_197 : i32
      %get3A_199 = arith.index_cast %add3A_198 : i32 to index
      %get3A_200 = tpu.vector_load %arg6[%get3A_199] {strides = array<i32>} : memref<16384xf32, #tpu.memory_space<vmem>>, vector<16xf32>,
      %get3A_201 = vector.shape_cast %get3A_200 : vector<16xf32> to vector<16xf32>
      %add3A_202 = arith.constant 48 : i32
      %add3A_203 = arith.addi %mul3A_188, %add3A_202 : i32
      %get3A_204 = arith.index_cast %add3A_203 : i32 to index
      %get3A_205 = tpu.vector_load %arg6[%get3A_204] {strides = array<i32>} : memref<16384xf32, #tpu.memory_space<vmem>>, vector<16xf32>,
      %get3A_206 = vector.shape_cast %get3A_205 : vector<16xf32> to vector<16xf32>
      %max3A_207 = arith.maximumf %get3A_191, %get3A_196 : vector<16xf32>
      %max3A_208 = arith.maximumf %get3A_201, %get3A_206 : vector<16xf32>
      %max3A_209 = arith.maximumf %max3A_207, %max3A_208 : vector<16xf32>
      %xor3A_210 = arith.constant 8 : i32
      %xor3A_211 = vector.broadcast %xor3A_210 : i32 to vector<16xi32>
      %xor3A_212 = arith.xori %iota3A, %xor3A_211 : vector<16xi32>
      %broadcast_in_dim3A_213 = vector.shape_cast %xor3A_212 : vector<16xi32> to vector<16x1xi32>
      %gather3A_214 = vector.shape_cast %broadcast_in_dim3A_213 : vector<16x1xi32> to vector<16xi32>
      %gather3A_215 = tpu.dynamic_gather %max3A_209[%gather3A_214] in [0] : vector<16xf32>, vector<16xi32> -> vector<16xf32>
      %max3A_216 = arith.maximumf %max3A_209, %gather3A_215 : vector<16xf32>
      %xor3A_217 = arith.constant 4 : i32
      %xor3A_218 = vector.broadcast %xor3A_217 : i32 to vector<16xi32>
      %xor3A_219 = arith.xori %iota3A, %xor3A_218 : vector<16xi32>
      %broadcast_in_dim3A_220 = vector.shape_cast %xor3A_219 : vector<16xi32> to vector<16x1xi32>
      %gather3A_221 = vector.shape_cast %broadcast_in_dim3A_220 : vector<16x1xi32> to vector<16xi32>
      %gather3A_222 = tpu.dynamic_gather %max3A_216[%gather3A_221] in [0] : vector<16xf32>, vector<16xi32> -> vector<16xf32>
      %max3A_223 = arith.maximumf %max3A_216, %gather3A_222 : vector<16xf32>
      %xor3A_224 = arith.constant 2 : i32
      %xor3A_225 = vector.broadcast %xor3A_224 : i32 to vector<16xi32>
      %xor3A_226 = arith.xori %iota3A, %xor3A_225 : vector<16xi32>
      %broadcast_in_dim3A_227 = vector.shape_cast %xor3A_226 : vector<16xi32> to vector<16x1xi32>
      %gather3A_228 = vector.shape_cast %broadcast_in_dim3A_227 : vector<16x1xi32> to vector<16xi32>
      %gather3A_229 = tpu.dynamic_gather %max3A_223[%gather3A_228] in [0] : vector<16xf32>, vector<16xi32> -> vector<16xf32>
      %max3A_230 = arith.maximumf %max3A_223, %gather3A_229 : vector<16xf32>
      %xor3A_231 = arith.constant 1 : i32
      %xor3A_232 = vector.broadcast %xor3A_231 : i32 to vector<16xi32>
      %xor3A_233 = arith.xori %iota3A, %xor3A_232 : vector<16xi32>
      %broadcast_in_dim3A_234 = vector.shape_cast %xor3A_233 : vector<16xi32> to vector<16x1xi32>
      %gather3A_235 = vector.shape_cast %broadcast_in_dim3A_234 : vector<16x1xi32> to vector<16xi32>
      %gather3A_236 = tpu.dynamic_gather %max3A_230[%gather3A_235] in [0] : vector<16xf32>, vector<16xi32> -> vector<16xf32>
      %max3A_237 = arith.maximumf %max3A_230, %gather3A_236 : vector<16xf32>
      %eq3A_238 = arith.cmpf oeq, %get3A_191, %max3A_237 : vector<16xf32>
      %broadcast_in_dim3A_239 = vector.broadcast %scan3A_5 : i32 to vector<16xi32>
      %select_n3A_240 = arith.select %eq3A_238, %iota3A, %broadcast_in_dim3A_239 : vector<16xi1>, vector<16xi32>
      %eq3A_241 = arith.cmpf oeq, %get3A_196, %max3A_237 : vector<16xf32>
      %add3A_242 = arith.constant 16 : i32
      %add3A_243 = vector.broadcast %add3A_242 : i32 to vector<16xi32>
      %add3A_244 = arith.addi %iota3A, %add3A_243 : vector<16xi32>
      %broadcast_in_dim3A_245 = vector.broadcast %scan3A_5 : i32 to vector<16xi32>
      %select_n3A_246 = arith.select %eq3A_241, %add3A_244, %broadcast_in_dim3A_245 : vector<16xi1>, vector<16xi32>
      %eq3A_247 = arith.cmpf oeq, %get3A_201, %max3A_237 : vector<16xf32>
      %add3A_248 = arith.constant 32 : i32
      %add3A_249 = vector.broadcast %add3A_248 : i32 to vector<16xi32>
      %add3A_250 = arith.addi %iota3A, %add3A_249 : vector<16xi32>
      %broadcast_in_dim3A_251 = vector.broadcast %scan3A_5 : i32 to vector<16xi32>
      %select_n3A_252 = arith.select %eq3A_247, %add3A_250, %broadcast_in_dim3A_251 : vector<16xi1>, vector<16xi32>
      %eq3A_253 = arith.cmpf oeq, %get3A_206, %max3A_237 : vector<16xf32>
      %add3A_254 = arith.constant 48 : i32
      %add3A_255 = vector.broadcast %add3A_254 : i32 to vector<16xi32>
      %add3A_256 = arith.addi %iota3A, %add3A_255 : vector<16xi32>
      %broadcast_in_dim3A_257 = vector.broadcast %scan3A_5 : i32 to vector<16xi32>
      %select_n3A_258 = arith.select %eq3A_253, %add3A_256, %broadcast_in_dim3A_257 : vector<16xi1>, vector<16xi32>
      %min3A_259 = arith.minsi %select_n3A_240, %select_n3A_246 : vector<16xi32>
      %min3A_260 = arith.minsi %select_n3A_252, %select_n3A_258 : vector<16xi32>
      %min3A_261 = arith.minsi %min3A_259, %min3A_260 : vector<16xi32>
      %xor3A_262 = arith.constant 8 : i32
      %xor3A_263 = vector.broadcast %xor3A_262 : i32 to vector<16xi32>
      %xor3A_264 = arith.xori %iota3A, %xor3A_263 : vector<16xi32>
      %broadcast_in_dim3A_265 = vector.shape_cast %xor3A_264 : vector<16xi32> to vector<16x1xi32>
      %gather3A_266 = vector.shape_cast %broadcast_in_dim3A_265 : vector<16x1xi32> to vector<16xi32>
      %gather3A_267 = tpu.dynamic_gather %min3A_261[%gather3A_266] in [0] : vector<16xi32>, vector<16xi32> -> vector<16xi32>
      %min3A_268 = arith.minsi %min3A_261, %gather3A_267 : vector<16xi32>
      %xor3A_269 = arith.constant 4 : i32
      %xor3A_270 = vector.broadcast %xor3A_269 : i32 to vector<16xi32>
      %xor3A_271 = arith.xori %iota3A, %xor3A_270 : vector<16xi32>
      %broadcast_in_dim3A_272 = vector.shape_cast %xor3A_271 : vector<16xi32> to vector<16x1xi32>
      %gather3A_273 = vector.shape_cast %broadcast_in_dim3A_272 : vector<16x1xi32> to vector<16xi32>
      %gather3A_274 = tpu.dynamic_gather %min3A_268[%gather3A_273] in [0] : vector<16xi32>, vector<16xi32> -> vector<16xi32>
      %min3A_275 = arith.minsi %min3A_268, %gather3A_274 : vector<16xi32>
      %xor3A_276 = arith.constant 2 : i32
      %xor3A_277 = vector.broadcast %xor3A_276 : i32 to vector<16xi32>
      %xor3A_278 = arith.xori %iota3A, %xor3A_277 : vector<16xi32>
      %broadcast_in_dim3A_279 = vector.shape_cast %xor3A_278 : vector<16xi32> to vector<16x1xi32>
      %gather3A_280 = vector.shape_cast %broadcast_in_dim3A_279 : vector<16x1xi32> to vector<16xi32>
      %gather3A_281 = tpu.dynamic_gather %min3A_275[%gather3A_280] in [0] : vector<16xi32>, vector<16xi32> -> vector<16xi32>
      %min3A_282 = arith.minsi %min3A_275, %gather3A_281 : vector<16xi32>
      %xor3A_283 = arith.constant 1 : i32
      %xor3A_284 = vector.broadcast %xor3A_283 : i32 to vector<16xi32>
      %xor3A_285 = arith.xori %iota3A, %xor3A_284 : vector<16xi32>
      %broadcast_in_dim3A_286 = vector.shape_cast %xor3A_285 : vector<16xi32> to vector<16x1xi32>
      %gather3A_287 = vector.shape_cast %broadcast_in_dim3A_286 : vector<16x1xi32> to vector<16xi32>
      %gather3A_288 = tpu.dynamic_gather %min3A_282[%gather3A_287] in [0] : vector<16xi32>, vector<16xi32> -> vector<16xi32>
      %min3A_289 = arith.minsi %min3A_282, %gather3A_288 : vector<16xi32>
      %sub3A_290 = arith.subf %get3A_191, %max3A_237 : vector<16xf32>
      %exp3A_291 = math.exp %sub3A_290 : vector<16xf32>
      %sub3A_292 = arith.subf %get3A_196, %max3A_237 : vector<16xf32>
      %exp3A_293 = math.exp %sub3A_292 : vector<16xf32>
      %sub3A_294 = arith.subf %get3A_201, %max3A_237 : vector<16xf32>
      %exp3A_295 = math.exp %sub3A_294 : vector<16xf32>
      %sub3A_296 = arith.subf %get3A_206, %max3A_237 : vector<16xf32>
      %exp3A_297 = math.exp %sub3A_296 : vector<16xf32>
      %add3A_298 = arith.addf %exp3A_291, %exp3A_293 : vector<16xf32>
      %add3A_299 = arith.addf %add3A_298, %exp3A_295 : vector<16xf32>
      %add3A_300 = arith.addf %add3A_299, %exp3A_297 : vector<16xf32>
      %xor3A_301 = arith.constant 8 : i32
      %xor3A_302 = vector.broadcast %xor3A_301 : i32 to vector<16xi32>
      %xor3A_303 = arith.xori %iota3A, %xor3A_302 : vector<16xi32>
      %broadcast_in_dim3A_304 = vector.shape_cast %xor3A_303 : vector<16xi32> to vector<16x1xi32>
      %gather3A_305 = vector.shape_cast %broadcast_in_dim3A_304 : vector<16x1xi32> to vector<16xi32>
      %gather3A_306 = tpu.dynamic_gather %add3A_300[%gather3A_305] in [0] : vector<16xf32>, vector<16xi32> -> vector<16xf32>
      %add3A_307 = arith.addf %add3A_300, %gather3A_306 : vector<16xf32>
      %xor3A_308 = arith.constant 4 : i32
      %xor3A_309 = vector.broadcast %xor3A_308 : i32 to vector<16xi32>
      %xor3A_310 = arith.xori %iota3A, %xor3A_309 : vector<16xi32>
      %broadcast_in_dim3A_311 = vector.shape_cast %xor3A_310 : vector<16xi32> to vector<16x1xi32>
      %gather3A_312 = vector.shape_cast %broadcast_in_dim3A_311 : vector<16x1xi32> to vector<16xi32>
      %gather3A_313 = tpu.dynamic_gather %add3A_307[%gather3A_312] in [0] : vector<16xf32>, vector<16xi32> -> vector<16xf32>
      %add3A_314 = arith.addf %add3A_307, %gather3A_313 : vector<16xf32>
      %xor3A_315 = arith.constant 2 : i32
      %xor3A_316 = vector.broadcast %xor3A_315 : i32 to vector<16xi32>
      %xor3A_317 = arith.xori %iota3A, %xor3A_316 : vector<16xi32>
      %broadcast_in_dim3A_318 = vector.shape_cast %xor3A_317 : vector<16xi32> to vector<16x1xi32>
      %gather3A_319 = vector.shape_cast %broadcast_in_dim3A_318 : vector<16x1xi32> to vector<16xi32>
      %gather3A_320 = tpu.dynamic_gather %add3A_314[%gather3A_319] in [0] : vector<16xf32>, vector<16xi32> -> vector<16xf32>
      %add3A_321 = arith.addf %add3A_314, %gather3A_320 : vector<16xf32>
      %xor3A_322 = arith.constant 1 : i32
      %xor3A_323 = vector.broadcast %xor3A_322 : i32 to vector<16xi32>
      %xor3A_324 = arith.xori %iota3A, %xor3A_323 : vector<16xi32>
      %broadcast_in_dim3A_325 = vector.shape_cast %xor3A_324 : vector<16xi32> to vector<16x1xi32>
      %gather3A_326 = vector.shape_cast %broadcast_in_dim3A_325 : vector<16x1xi32> to vector<16xi32>
      %gather3A_327 = tpu.dynamic_gather %add3A_321[%gather3A_326] in [0] : vector<16xf32>, vector<16xi32> -> vector<16xf32>
      %add3A_328 = arith.addf %add3A_321, %gather3A_327 : vector<16xf32>
      %swap3A_329 = arith.index_cast %mul3A_188 : i32 to index
      %swap3A_330 = tpu.vector_load %arg8[%swap3A_329] {strides = array<i32>} : memref<16384xf32, #tpu.memory_space<vmem>>, vector<16xf32>,
      %swap3A_331 = vector.shape_cast %swap3A_330 : vector<16xf32> to vector<16xf32>
      %swap3A_332 = vector.shape_cast %exp3A_291 : vector<16xf32> to vector<16xf32>
      tpu.vector_store %arg8[%swap3A_329], %swap3A_332 {strides = array<i32>} : memref<16384xf32, #tpu.memory_space<vmem>>, vector<16xf32>,
      %add3A_333 = arith.constant 16 : i32
      %add3A_334 = arith.addi %mul3A_188, %add3A_333 : i32
      %swap3A_335 = arith.index_cast %add3A_334 : i32 to index
      %swap3A_336 = tpu.vector_load %arg8[%swap3A_335] {strides = array<i32>} : memref<16384xf32, #tpu.memory_space<vmem>>, vector<16xf32>,
      %swap3A_337 = vector.shape_cast %swap3A_336 : vector<16xf32> to vector<16xf32>
      %swap3A_338 = vector.shape_cast %exp3A_293 : vector<16xf32> to vector<16xf32>
      tpu.vector_store %arg8[%swap3A_335], %swap3A_338 {strides = array<i32>} : memref<16384xf32, #tpu.memory_space<vmem>>, vector<16xf32>,
      %add3A_339 = arith.constant 32 : i32
      %add3A_340 = arith.addi %mul3A_188, %add3A_339 : i32
      %swap3A_341 = arith.index_cast %add3A_340 : i32 to index
      %swap3A_342 = tpu.vector_load %arg8[%swap3A_341] {strides = array<i32>} : memref<16384xf32, #tpu.memory_space<vmem>>, vector<16xf32>,
      %swap3A_343 = vector.shape_cast %swap3A_342 : vector<16xf32> to vector<16xf32>
      %swap3A_344 = vector.shape_cast %exp3A_295 : vector<16xf32> to vector<16xf32>
      tpu.vector_store %arg8[%swap3A_341], %swap3A_344 {strides = array<i32>} : memref<16384xf32, #tpu.memory_space<vmem>>, vector<16xf32>,
      %add3A_345 = arith.constant 48 : i32
      %add3A_346 = arith.addi %mul3A_188, %add3A_345 : i32
      %swap3A_347 = arith.index_cast %add3A_346 : i32 to index
      %swap3A_348 = tpu.vector_load %arg8[%swap3A_347] {strides = array<i32>} : memref<16384xf32, #tpu.memory_space<vmem>>, vector<16xf32>,
      %swap3A_349 = vector.shape_cast %swap3A_348 : vector<16xf32> to vector<16xf32>
      %swap3A_350 = vector.shape_cast %exp3A_297 : vector<16xf32> to vector<16xf32>
      tpu.vector_store %arg8[%swap3A_347], %swap3A_350 {strides = array<i32>} : memref<16384xf32, #tpu.memory_space<vmem>>, vector<16xf32>,
      %eq3A_351 = arith.constant 1 : i32
      %eq3A_352 = vector.broadcast %eq3A_351 : i32 to vector<16xi32>
      %eq3A_353 = arith.cmpi eq, %iota3A, %eq3A_352 : vector<16xi32>
      %select_n3A_354 = arith.select %eq3A_353, %min3A_289, %select_n3A_178 : vector<16xi1>, vector<16xi32>
      %eq3A_355 = arith.constant 1 : i32
      %eq3A_356 = vector.broadcast %eq3A_355 : i32 to vector<16xi32>
      %eq3A_357 = arith.cmpi eq, %iota3A, %eq3A_356 : vector<16xi32>
      %select_n3A_358 = arith.select %eq3A_357, %add3A_328, %select_n3A_182 : vector<16xi1>, vector<16xf32>
      %mul3A_359 = arith.constant 16 : i32
      %mul3A_360 = arith.muli %scan3A_13, %mul3A_359 : i32
      %add3A_361 = arith.constant 2 : i32
      %add3A_362 = arith.addi %mul3A_360, %add3A_361 : i32
      %mul3A_363 = arith.constant 64 : i32
      %mul3A_364 = arith.muli %add3A_362, %mul3A_363 : i32
      %get3A_365 = arith.index_cast %mul3A_364 : i32 to index
      %get3A_366 = tpu.vector_load %arg6[%get3A_365] {strides = array<i32>} : memref<16384xf32, #tpu.memory_space<vmem>>, vector<16xf32>,
      %get3A_367 = vector.shape_cast %get3A_366 : vector<16xf32> to vector<16xf32>
      %add3A_368 = arith.constant 16 : i32
      %add3A_369 = arith.addi %mul3A_364, %add3A_368 : i32
      %get3A_370 = arith.index_cast %add3A_369 : i32 to index
      %get3A_371 = tpu.vector_load %arg6[%get3A_370] {strides = array<i32>} : memref<16384xf32, #tpu.memory_space<vmem>>, vector<16xf32>,
      %get3A_372 = vector.shape_cast %get3A_371 : vector<16xf32> to vector<16xf32>
      %add3A_373 = arith.constant 32 : i32
      %add3A_374 = arith.addi %mul3A_364, %add3A_373 : i32
      %get3A_375 = arith.index_cast %add3A_374 : i32 to index
      %get3A_376 = tpu.vector_load %arg6[%get3A_375] {strides = array<i32>} : memref<16384xf32, #tpu.memory_space<vmem>>, vector<16xf32>,
      %get3A_377 = vector.shape_cast %get3A_376 : vector<16xf32> to vector<16xf32>
      %add3A_378 = arith.constant 48 : i32
      %add3A_379 = arith.addi %mul3A_364, %add3A_378 : i32
      %get3A_380 = arith.index_cast %add3A_379 : i32 to index
      %get3A_381 = tpu.vector_load %arg6[%get3A_380] {strides = array<i32>} : memref<16384xf32, #tpu.memory_space<vmem>>, vector<16xf32>,
      %get3A_382 = vector.shape_cast %get3A_381 : vector<16xf32> to vector<16xf32>
      %max3A_383 = arith.maximumf %get3A_367, %get3A_372 : vector<16xf32>
      %max3A_384 = arith.maximumf %get3A_377, %get3A_382 : vector<16xf32>
      %max3A_385 = arith.maximumf %max3A_383, %max3A_384 : vector<16xf32>
      %xor3A_386 = arith.constant 8 : i32
      %xor3A_387 = vector.broadcast %xor3A_386 : i32 to vector<16xi32>
      %xor3A_388 = arith.xori %iota3A, %xor3A_387 : vector<16xi32>
      %broadcast_in_dim3A_389 = vector.shape_cast %xor3A_388 : vector<16xi32> to vector<16x1xi32>
      %gather3A_390 = vector.shape_cast %broadcast_in_dim3A_389 : vector<16x1xi32> to vector<16xi32>
      %gather3A_391 = tpu.dynamic_gather %max3A_385[%gather3A_390] in [0] : vector<16xf32>, vector<16xi32> -> vector<16xf32>
      %max3A_392 = arith.maximumf %max3A_385, %gather3A_391 : vector<16xf32>
      %xor3A_393 = arith.constant 4 : i32
      %xor3A_394 = vector.broadcast %xor3A_393 : i32 to vector<16xi32>
      %xor3A_395 = arith.xori %iota3A, %xor3A_394 : vector<16xi32>
      %broadcast_in_dim3A_396 = vector.shape_cast %xor3A_395 : vector<16xi32> to vector<16x1xi32>
      %gather3A_397 = vector.shape_cast %broadcast_in_dim3A_396 : vector<16x1xi32> to vector<16xi32>
      %gather3A_398 = tpu.dynamic_gather %max3A_392[%gather3A_397] in [0] : vector<16xf32>, vector<16xi32> -> vector<16xf32>
      %max3A_399 = arith.maximumf %max3A_392, %gather3A_398 : vector<16xf32>
      %xor3A_400 = arith.constant 2 : i32
      %xor3A_401 = vector.broadcast %xor3A_400 : i32 to vector<16xi32>
      %xor3A_402 = arith.xori %iota3A, %xor3A_401 : vector<16xi32>
      %broadcast_in_dim3A_403 = vector.shape_cast %xor3A_402 : vector<16xi32> to vector<16x1xi32>
      %gather3A_404 = vector.shape_cast %broadcast_in_dim3A_403 : vector<16x1xi32> to vector<16xi32>
      %gather3A_405 = tpu.dynamic_gather %max3A_399[%gather3A_404] in [0] : vector<16xf32>, vector<16xi32> -> vector<16xf32>
      %max3A_406 = arith.maximumf %max3A_399, %gather3A_405 : vector<16xf32>
      %xor3A_407 = arith.constant 1 : i32
      %xor3A_408 = vector.broadcast %xor3A_407 : i32 to vector<16xi32>
      %xor3A_409 = arith.xori %iota3A, %xor3A_408 : vector<16xi32>
      %broadcast_in_dim3A_410 = vector.shape_cast %xor3A_409 : vector<16xi32> to vector<16x1xi32>
      %gather3A_411 = vector.shape_cast %broadcast_in_dim3A_410 : vector<16x1xi32> to vector<16xi32>
      %gather3A_412 = tpu.dynamic_gather %max3A_406[%gather3A_411] in [0] : vector<16xf32>, vector<16xi32> -> vector<16xf32>
      %max3A_413 = arith.maximumf %max3A_406, %gather3A_412 : vector<16xf32>
      %eq3A_414 = arith.cmpf oeq, %get3A_367, %max3A_413 : vector<16xf32>
      %broadcast_in_dim3A_415 = vector.broadcast %scan3A_5 : i32 to vector<16xi32>
      %select_n3A_416 = arith.select %eq3A_414, %iota3A, %broadcast_in_dim3A_415 : vector<16xi1>, vector<16xi32>
      %eq3A_417 = arith.cmpf oeq, %get3A_372, %max3A_413 : vector<16xf32>
      %add3A_418 = arith.constant 16 : i32
      %add3A_419 = vector.broadcast %add3A_418 : i32 to vector<16xi32>
      %add3A_420 = arith.addi %iota3A, %add3A_419 : vector<16xi32>
      %broadcast_in_dim3A_421 = vector.broadcast %scan3A_5 : i32 to vector<16xi32>
      %select_n3A_422 = arith.select %eq3A_417, %add3A_420, %broadcast_in_dim3A_421 : vector<16xi1>, vector<16xi32>
      %eq3A_423 = arith.cmpf oeq, %get3A_377, %max3A_413 : vector<16xf32>
      %add3A_424 = arith.constant 32 : i32
      %add3A_425 = vector.broadcast %add3A_424 : i32 to vector<16xi32>
      %add3A_426 = arith.addi %iota3A, %add3A_425 : vector<16xi32>
      %broadcast_in_dim3A_427 = vector.broadcast %scan3A_5 : i32 to vector<16xi32>
      %select_n3A_428 = arith.select %eq3A_423, %add3A_426, %broadcast_in_dim3A_427 : vector<16xi1>, vector<16xi32>
      %eq3A_429 = arith.cmpf oeq, %get3A_382, %max3A_413 : vector<16xf32>
      %add3A_430 = arith.constant 48 : i32
      %add3A_431 = vector.broadcast %add3A_430 : i32 to vector<16xi32>
      %add3A_432 = arith.addi %iota3A, %add3A_431 : vector<16xi32>
      %broadcast_in_dim3A_433 = vector.broadcast %scan3A_5 : i32 to vector<16xi32>
      %select_n3A_434 = arith.select %eq3A_429, %add3A_432, %broadcast_in_dim3A_433 : vector<16xi1>, vector<16xi32>
      %min3A_435 = arith.minsi %select_n3A_416, %select_n3A_422 : vector<16xi32>
      %min3A_436 = arith.minsi %select_n3A_428, %select_n3A_434 : vector<16xi32>
      %min3A_437 = arith.minsi %min3A_435, %min3A_436 : vector<16xi32>
      %xor3A_438 = arith.constant 8 : i32
      %xor3A_439 = vector.broadcast %xor3A_438 : i32 to vector<16xi32>
      %xor3A_440 = arith.xori %iota3A, %xor3A_439 : vector<16xi32>
      %broadcast_in_dim3A_441 = vector.shape_cast %xor3A_440 : vector<16xi32> to vector<16x1xi32>
      %gather3A_442 = vector.shape_cast %broadcast_in_dim3A_441 : vector<16x1xi32> to vector<16xi32>
      %gather3A_443 = tpu.dynamic_gather %min3A_437[%gather3A_442] in [0] : vector<16xi32>, vector<16xi32> -> vector<16xi32>
      %min3A_444 = arith.minsi %min3A_437, %gather3A_443 : vector<16xi32>
      %xor3A_445 = arith.constant 4 : i32
      %xor3A_446 = vector.broadcast %xor3A_445 : i32 to vector<16xi32>
      %xor3A_447 = arith.xori %iota3A, %xor3A_446 : vector<16xi32>
      %broadcast_in_dim3A_448 = vector.shape_cast %xor3A_447 : vector<16xi32> to vector<16x1xi32>
      %gather3A_449 = vector.shape_cast %broadcast_in_dim3A_448 : vector<16x1xi32> to vector<16xi32>
      %gather3A_450 = tpu.dynamic_gather %min3A_444[%gather3A_449] in [0] : vector<16xi32>, vector<16xi32> -> vector<16xi32>
      %min3A_451 = arith.minsi %min3A_444, %gather3A_450 : vector<16xi32>
      %xor3A_452 = arith.constant 2 : i32
      %xor3A_453 = vector.broadcast %xor3A_452 : i32 to vector<16xi32>
      %xor3A_454 = arith.xori %iota3A, %xor3A_453 : vector<16xi32>
      %broadcast_in_dim3A_455 = vector.shape_cast %xor3A_454 : vector<16xi32> to vector<16x1xi32>
      %gather3A_456 = vector.shape_cast %broadcast_in_dim3A_455 : vector<16x1xi32> to vector<16xi32>
      %gather3A_457 = tpu.dynamic_gather %min3A_451[%gather3A_456] in [0] : vector<16xi32>, vector<16xi32> -> vector<16xi32>
      %min3A_458 = arith.minsi %min3A_451, %gather3A_457 : vector<16xi32>
      %xor3A_459 = arith.constant 1 : i32
      %xor3A_460 = vector.broadcast %xor3A_459 : i32 to vector<16xi32>
      %xor3A_461 = arith.xori %iota3A, %xor3A_460 : vector<16xi32>
      %broadcast_in_dim3A_462 = vector.shape_cast %xor3A_461 : vector<16xi32> to vector<16x1xi32>
      %gather3A_463 = vector.shape_cast %broadcast_in_dim3A_462 : vector<16x1xi32> to vector<16xi32>
      %gather3A_464 = tpu.dynamic_gather %min3A_458[%gather3A_463] in [0] : vector<16xi32>, vector<16xi32> -> vector<16xi32>
      %min3A_465 = arith.minsi %min3A_458, %gather3A_464 : vector<16xi32>
      %sub3A_466 = arith.subf %get3A_367, %max3A_413 : vector<16xf32>
      %exp3A_467 = math.exp %sub3A_466 : vector<16xf32>
      %sub3A_468 = arith.subf %get3A_372, %max3A_413 : vector<16xf32>
      %exp3A_469 = math.exp %sub3A_468 : vector<16xf32>
      %sub3A_470 = arith.subf %get3A_377, %max3A_413 : vector<16xf32>
      %exp3A_471 = math.exp %sub3A_470 : vector<16xf32>
      %sub3A_472 = arith.subf %get3A_382, %max3A_413 : vector<16xf32>
      %exp3A_473 = math.exp %sub3A_472 : vector<16xf32>
      %add3A_474 = arith.addf %exp3A_467, %exp3A_469 : vector<16xf32>
      %add3A_475 = arith.addf %add3A_474, %exp3A_471 : vector<16xf32>
      %add3A_476 = arith.addf %add3A_475, %exp3A_473 : vector<16xf32>
      %xor3A_477 = arith.constant 8 : i32
      %xor3A_478 = vector.broadcast %xor3A_477 : i32 to vector<16xi32>
      %xor3A_479 = arith.xori %iota3A, %xor3A_478 : vector<16xi32>
      %broadcast_in_dim3A_480 = vector.shape_cast %xor3A_479 : vector<16xi32> to vector<16x1xi32>
      %gather3A_481 = vector.shape_cast %broadcast_in_dim3A_480 : vector<16x1xi32> to vector<16xi32>
      %gather3A_482 = tpu.dynamic_gather %add3A_476[%gather3A_481] in [0] : vector<16xf32>, vector<16xi32> -> vector<16xf32>
      %add3A_483 = arith.addf %add3A_476, %gather3A_482 : vector<16xf32>
      %xor3A_484 = arith.constant 4 : i32
      %xor3A_485 = vector.broadcast %xor3A_484 : i32 to vector<16xi32>
      %xor3A_486 = arith.xori %iota3A, %xor3A_485 : vector<16xi32>
      %broadcast_in_dim3A_487 = vector.shape_cast %xor3A_486 : vector<16xi32> to vector<16x1xi32>
      %gather3A_488 = vector.shape_cast %broadcast_in_dim3A_487 : vector<16x1xi32> to vector<16xi32>
      %gather3A_489 = tpu.dynamic_gather %add3A_483[%gather3A_488] in [0] : vector<16xf32>, vector<16xi32> -> vector<16xf32>
      %add3A_490 = arith.addf %add3A_483, %gather3A_489 : vector<16xf32>
      %xor3A_491 = arith.constant 2 : i32
      %xor3A_492 = vector.broadcast %xor3A_491 : i32 to vector<16xi32>
      %xor3A_493 = arith.xori %iota3A, %xor3A_492 : vector<16xi32>
      %broadcast_in_dim3A_494 = vector.shape_cast %xor3A_493 : vector<16xi32> to vector<16x1xi32>
      %gather3A_495 = vector.shape_cast %broadcast_in_dim3A_494 : vector<16x1xi32> to vector<16xi32>
      %gather3A_496 = tpu.dynamic_gather %add3A_490[%gather3A_495] in [0] : vector<16xf32>, vector<16xi32> -> vector<16xf32>
      %add3A_497 = arith.addf %add3A_490, %gather3A_496 : vector<16xf32>
      %xor3A_498 = arith.constant 1 : i32
      %xor3A_499 = vector.broadcast %xor3A_498 : i32 to vector<16xi32>
      %xor3A_500 = arith.xori %iota3A, %xor3A_499 : vector<16xi32>
      %broadcast_in_dim3A_501 = vector.shape_cast %xor3A_500 : vector<16xi32> to vector<16x1xi32>
      %gather3A_502 = vector.shape_cast %broadcast_in_dim3A_501 : vector<16x1xi32> to vector<16xi32>
      %gather3A_503 = tpu.dynamic_gather %add3A_497[%gather3A_502] in [0] : vector<16xf32>, vector<16xi32> -> vector<16xf32>
      %add3A_504 = arith.addf %add3A_497, %gather3A_503 : vector<16xf32>
      %swap3A_505 = arith.index_cast %mul3A_364 : i32 to index
      %swap3A_506 = tpu.vector_load %arg8[%swap3A_505] {strides = array<i32>} : memref<16384xf32, #tpu.memory_space<vmem>>, vector<16xf32>,
      %swap3A_507 = vector.shape_cast %swap3A_506 : vector<16xf32> to vector<16xf32>
      %swap3A_508 = vector.shape_cast %exp3A_467 : vector<16xf32> to vector<16xf32>
      tpu.vector_store %arg8[%swap3A_505], %swap3A_508 {strides = array<i32>} : memref<16384xf32, #tpu.memory_space<vmem>>, vector<16xf32>,
      %add3A_509 = arith.constant 16 : i32
      %add3A_510 = arith.addi %mul3A_364, %add3A_509 : i32
      %swap3A_511 = arith.index_cast %add3A_510 : i32 to index
      %swap3A_512 = tpu.vector_load %arg8[%swap3A_511] {strides = array<i32>} : memref<16384xf32, #tpu.memory_space<vmem>>, vector<16xf32>,
      %swap3A_513 = vector.shape_cast %swap3A_512 : vector<16xf32> to vector<16xf32>
      %swap3A_514 = vector.shape_cast %exp3A_469 : vector<16xf32> to vector<16xf32>
      tpu.vector_store %arg8[%swap3A_511], %swap3A_514 {strides = array<i32>} : memref<16384xf32, #tpu.memory_space<vmem>>, vector<16xf32>,
      %add3A_515 = arith.constant 32 : i32
      %add3A_516 = arith.addi %mul3A_364, %add3A_515 : i32
      %swap3A_517 = arith.index_cast %add3A_516 : i32 to index
      %swap3A_518 = tpu.vector_load %arg8[%swap3A_517] {strides = array<i32>} : memref<16384xf32, #tpu.memory_space<vmem>>, vector<16xf32>,
      %swap3A_519 = vector.shape_cast %swap3A_518 : vector<16xf32> to vector<16xf32>
      %swap3A_520 = vector.shape_cast %exp3A_471 : vector<16xf32> to vector<16xf32>
      tpu.vector_store %arg8[%swap3A_517], %swap3A_520 {strides = array<i32>} : memref<16384xf32, #tpu.memory_space<vmem>>, vector<16xf32>,
      %add3A_521 = arith.constant 48 : i32
      %add3A_522 = arith.addi %mul3A_364, %add3A_521 : i32
      %swap3A_523 = arith.index_cast %add3A_522 : i32 to index
      %swap3A_524 = tpu.vector_load %arg8[%swap3A_523] {strides = array<i32>} : memref<16384xf32, #tpu.memory_space<vmem>>, vector<16xf32>,
      %swap3A_525 = vector.shape_cast %swap3A_524 : vector<16xf32> to vector<16xf32>
      %swap3A_526 = vector.shape_cast %exp3A_473 : vector<16xf32> to vector<16xf32>
      tpu.vector_store %arg8[%swap3A_523], %swap3A_526 {strides = array<i32>} : memref<16384xf32, #tpu.memory_space<vmem>>, vector<16xf32>,
      %eq3A_527 = arith.constant 2 : i32
      %eq3A_528 = vector.broadcast %eq3A_527 : i32 to vector<16xi32>
      %eq3A_529 = arith.cmpi eq, %iota3A, %eq3A_528 : vector<16xi32>
      %select_n3A_530 = arith.select %eq3A_529, %min3A_465, %select_n3A_354 : vector<16xi1>, vector<16xi32>
      %eq3A_531 = arith.constant 2 : i32
      %eq3A_532 = vector.broadcast %eq3A_531 : i32 to vector<16xi32>
      %eq3A_533 = arith.cmpi eq, %iota3A, %eq3A_532 : vector<16xi32>
      %select_n3A_534 = arith.select %eq3A_533, %add3A_504, %select_n3A_358 : vector<16xi1>, vector<16xf32>
      %mul3A_535 = arith.constant 16 : i32
      %mul3A_536 = arith.muli %scan3A_13, %mul3A_535 : i32
      %add3A_537 = arith.constant 3 : i32
      %add3A_538 = arith.addi %mul3A_536, %add3A_537 : i32
      %mul3A_539 = arith.constant 64 : i32
      %mul3A_540 = arith.muli %add3A_538, %mul3A_539 : i32
      %get3A_541 = arith.index_cast %mul3A_540 : i32 to index
      %get3A_542 = tpu.vector_load %arg6[%get3A_541] {strides = array<i32>} : memref<16384xf32, #tpu.memory_space<vmem>>, vector<16xf32>,
      %get3A_543 = vector.shape_cast %get3A_542 : vector<16xf32> to vector<16xf32>
      %add3A_544 = arith.constant 16 : i32
      %add3A_545 = arith.addi %mul3A_540, %add3A_544 : i32
      %get3A_546 = arith.index_cast %add3A_545 : i32 to index
      %get3A_547 = tpu.vector_load %arg6[%get3A_546] {strides = array<i32>} : memref<16384xf32, #tpu.memory_space<vmem>>, vector<16xf32>,
      %get3A_548 = vector.shape_cast %get3A_547 : vector<16xf32> to vector<16xf32>
      %add3A_549 = arith.constant 32 : i32
      %add3A_550 = arith.addi %mul3A_540, %add3A_549 : i32
      %get3A_551 = arith.index_cast %add3A_550 : i32 to index
      %get3A_552 = tpu.vector_load %arg6[%get3A_551] {strides = array<i32>} : memref<16384xf32, #tpu.memory_space<vmem>>, vector<16xf32>,
      %get3A_553 = vector.shape_cast %get3A_552 : vector<16xf32> to vector<16xf32>
      %add3A_554 = arith.constant 48 : i32
      %add3A_555 = arith.addi %mul3A_540, %add3A_554 : i32
      %get3A_556 = arith.index_cast %add3A_555 : i32 to index
      %get3A_557 = tpu.vector_load %arg6[%get3A_556] {strides = array<i32>} : memref<16384xf32, #tpu.memory_space<vmem>>, vector<16xf32>,
      %get3A_558 = vector.shape_cast %get3A_557 : vector<16xf32> to vector<16xf32>
      %max3A_559 = arith.maximumf %get3A_543, %get3A_548 : vector<16xf32>
      %max3A_560 = arith.maximumf %get3A_553, %get3A_558 : vector<16xf32>
      %max3A_561 = arith.maximumf %max3A_559, %max3A_560 : vector<16xf32>
      %xor3A_562 = arith.constant 8 : i32
      %xor3A_563 = vector.broadcast %xor3A_562 : i32 to vector<16xi32>
      %xor3A_564 = arith.xori %iota3A, %xor3A_563 : vector<16xi32>
      %broadcast_in_dim3A_565 = vector.shape_cast %xor3A_564 : vector<16xi32> to vector<16x1xi32>
      %gather3A_566 = vector.shape_cast %broadcast_in_dim3A_565 : vector<16x1xi32> to vector<16xi32>
      %gather3A_567 = tpu.dynamic_gather %max3A_561[%gather3A_566] in [0] : vector<16xf32>, vector<16xi32> -> vector<16xf32>
      %max3A_568 = arith.maximumf %max3A_561, %gather3A_567 : vector<16xf32>
      %xor3A_569 = arith.constant 4 : i32
      %xor3A_570 = vector.broadcast %xor3A_569 : i32 to vector<16xi32>
      %xor3A_571 = arith.xori %iota3A, %xor3A_570 : vector<16xi32>
      %broadcast_in_dim3A_572 = vector.shape_cast %xor3A_571 : vector<16xi32> to vector<16x1xi32>
      %gather3A_573 = vector.shape_cast %broadcast_in_dim3A_572 : vector<16x1xi32> to vector<16xi32>
      %gather3A_574 = tpu.dynamic_gather %max3A_568[%gather3A_573] in [0] : vector<16xf32>, vector<16xi32> -> vector<16xf32>
      %max3A_575 = arith.maximumf %max3A_568, %gather3A_574 : vector<16xf32>
      %xor3A_576 = arith.constant 2 : i32
      %xor3A_577 = vector.broadcast %xor3A_576 : i32 to vector<16xi32>
      %xor3A_578 = arith.xori %iota3A, %xor3A_577 : vector<16xi32>
      %broadcast_in_dim3A_579 = vector.shape_cast %xor3A_578 : vector<16xi32> to vector<16x1xi32>
      %gather3A_580 = vector.shape_cast %broadcast_in_dim3A_579 : vector<16x1xi32> to vector<16xi32>
      %gather3A_581 = tpu.dynamic_gather %max3A_575[%gather3A_580] in [0] : vector<16xf32>, vector<16xi32> -> vector<16xf32>
      %max3A_582 = arith.maximumf %max3A_575, %gather3A_581 : vector<16xf32>
      %xor3A_583 = arith.constant 1 : i32
      %xor3A_584 = vector.broadcast %xor3A_583 : i32 to vector<16xi32>
      %xor3A_585 = arith.xori %iota3A, %xor3A_584 : vector<16xi32>
      %broadcast_in_dim3A_586 = vector.shape_cast %xor3A_585 : vector<16xi32> to vector<16x1xi32>
      %gather3A_587 = vector.shape_cast %broadcast_in_dim3A_586 : vector<16x1xi32> to vector<16xi32>
      %gather3A_588 = tpu.dynamic_gather %max3A_582[%gather3A_587] in [0] : vector<16xf32>, vector<16xi32> -> vector<16xf32>
      %max3A_589 = arith.maximumf %max3A_582, %gather3A_588 : vector<16xf32>
      %eq3A_590 = arith.cmpf oeq, %get3A_543, %max3A_589 : vector<16xf32>
      %broadcast_in_dim3A_591 = vector.broadcast %scan3A_5 : i32 to vector<16xi32>
      %select_n3A_592 = arith.select %eq3A_590, %iota3A, %broadcast_in_dim3A_591 : vector<16xi1>, vector<16xi32>
      %eq3A_593 = arith.cmpf oeq, %get3A_548, %max3A_589 : vector<16xf32>
      %add3A_594 = arith.constant 16 : i32
      %add3A_595 = vector.broadcast %add3A_594 : i32 to vector<16xi32>
      %add3A_596 = arith.addi %iota3A, %add3A_595 : vector<16xi32>
      %broadcast_in_dim3A_597 = vector.broadcast %scan3A_5 : i32 to vector<16xi32>
      %select_n3A_598 = arith.select %eq3A_593, %add3A_596, %broadcast_in_dim3A_597 : vector<16xi1>, vector<16xi32>
      %eq3A_599 = arith.cmpf oeq, %get3A_553, %max3A_589 : vector<16xf32>
      %add3A_600 = arith.constant 32 : i32
      %add3A_601 = vector.broadcast %add3A_600 : i32 to vector<16xi32>
      %add3A_602 = arith.addi %iota3A, %add3A_601 : vector<16xi32>
      %broadcast_in_dim3A_603 = vector.broadcast %scan3A_5 : i32 to vector<16xi32>
      %select_n3A_604 = arith.select %eq3A_599, %add3A_602, %broadcast_in_dim3A_603 : vector<16xi1>, vector<16xi32>
      %eq3A_605 = arith.cmpf oeq, %get3A_558, %max3A_589 : vector<16xf32>
      %add3A_606 = arith.constant 48 : i32
      %add3A_607 = vector.broadcast %add3A_606 : i32 to vector<16xi32>
      %add3A_608 = arith.addi %iota3A, %add3A_607 : vector<16xi32>
      %broadcast_in_dim3A_609 = vector.broadcast %scan3A_5 : i32 to vector<16xi32>
      %select_n3A_610 = arith.select %eq3A_605, %add3A_608, %broadcast_in_dim3A_609 : vector<16xi1>, vector<16xi32>
      %min3A_611 = arith.minsi %select_n3A_592, %select_n3A_598 : vector<16xi32>
      %min3A_612 = arith.minsi %select_n3A_604, %select_n3A_610 : vector<16xi32>
      %min3A_613 = arith.minsi %min3A_611, %min3A_612 : vector<16xi32>
      %xor3A_614 = arith.constant 8 : i32
      %xor3A_615 = vector.broadcast %xor3A_614 : i32 to vector<16xi32>
      %xor3A_616 = arith.xori %iota3A, %xor3A_615 : vector<16xi32>
      %broadcast_in_dim3A_617 = vector.shape_cast %xor3A_616 : vector<16xi32> to vector<16x1xi32>
      %gather3A_618 = vector.shape_cast %broadcast_in_dim3A_617 : vector<16x1xi32> to vector<16xi32>
      %gather3A_619 = tpu.dynamic_gather %min3A_613[%gather3A_618] in [0] : vector<16xi32>, vector<16xi32> -> vector<16xi32>
      %min3A_620 = arith.minsi %min3A_613, %gather3A_619 : vector<16xi32>
      %xor3A_621 = arith.constant 4 : i32
      %xor3A_622 = vector.broadcast %xor3A_621 : i32 to vector<16xi32>
      %xor3A_623 = arith.xori %iota3A, %xor3A_622 : vector<16xi32>
      %broadcast_in_dim3A_624 = vector.shape_cast %xor3A_623 : vector<16xi32> to vector<16x1xi32>
      %gather3A_625 = vector.shape_cast %broadcast_in_dim3A_624 : vector<16x1xi32> to vector<16xi32>
      %gather3A_626 = tpu.dynamic_gather %min3A_620[%gather3A_625] in [0] : vector<16xi32>, vector<16xi32> -> vector<16xi32>
      %min3A_627 = arith.minsi %min3A_620, %gather3A_626 : vector<16xi32>
      %xor3A_628 = arith.constant 2 : i32
      %xor3A_629 = vector.broadcast %xor3A_628 : i32 to vector<16xi32>
      %xor3A_630 = arith.xori %iota3A, %xor3A_629 : vector<16xi32>
      %broadcast_in_dim3A_631 = vector.shape_cast %xor3A_630 : vector<16xi32> to vector<16x1xi32>
      %gather3A_632 = vector.shape_cast %broadcast_in_dim3A_631 : vector<16x1xi32> to vector<16xi32>
      %gather3A_633 = tpu.dynamic_gather %min3A_627[%gather3A_632] in [0] : vector<16xi32>, vector<16xi32> -> vector<16xi32>
      %min3A_634 = arith.minsi %min3A_627, %gather3A_633 : vector<16xi32>
      %xor3A_635 = arith.constant 1 : i32
      %xor3A_636 = vector.broadcast %xor3A_635 : i32 to vector<16xi32>
      %xor3A_637 = arith.xori %iota3A, %xor3A_636 : vector<16xi32>
      %broadcast_in_dim3A_638 = vector.shape_cast %xor3A_637 : vector<16xi32> to vector<16x1xi32>
      %gather3A_639 = vector.shape_cast %broadcast_in_dim3A_638 : vector<16x1xi32> to vector<16xi32>
      %gather3A_640 = tpu.dynamic_gather %min3A_634[%gather3A_639] in [0] : vector<16xi32>, vector<16xi32> -> vector<16xi32>
      %min3A_641 = arith.minsi %min3A_634, %gather3A_640 : vector<16xi32>
      %sub3A_642 = arith.subf %get3A_543, %max3A_589 : vector<16xf32>
      %exp3A_643 = math.exp %sub3A_642 : vector<16xf32>
      %sub3A_644 = arith.subf %get3A_548, %max3A_589 : vector<16xf32>
      %exp3A_645 = math.exp %sub3A_644 : vector<16xf32>
      %sub3A_646 = arith.subf %get3A_553, %max3A_589 : vector<16xf32>
      %exp3A_647 = math.exp %sub3A_646 : vector<16xf32>
      %sub3A_648 = arith.subf %get3A_558, %max3A_589 : vector<16xf32>
      %exp3A_649 = math.exp %sub3A_648 : vector<16xf32>
      %add3A_650 = arith.addf %exp3A_643, %exp3A_645 : vector<16xf32>
      %add3A_651 = arith.addf %add3A_650, %exp3A_647 : vector<16xf32>
      %add3A_652 = arith.addf %add3A_651, %exp3A_649 : vector<16xf32>
      %xor3A_653 = arith.constant 8 : i32
      %xor3A_654 = vector.broadcast %xor3A_653 : i32 to vector<16xi32>
      %xor3A_655 = arith.xori %iota3A, %xor3A_654 : vector<16xi32>
      %broadcast_in_dim3A_656 = vector.shape_cast %xor3A_655 : vector<16xi32> to vector<16x1xi32>
      %gather3A_657 = vector.shape_cast %broadcast_in_dim3A_656 : vector<16x1xi32> to vector<16xi32>
      %gather3A_658 = tpu.dynamic_gather %add3A_652[%gather3A_657] in [0] : vector<16xf32>, vector<16xi32> -> vector<16xf32>
      %add3A_659 = arith.addf %add3A_652, %gather3A_658 : vector<16xf32>
      %xor3A_660 = arith.constant 4 : i32
      %xor3A_661 = vector.broadcast %xor3A_660 : i32 to vector<16xi32>
      %xor3A_662 = arith.xori %iota3A, %xor3A_661 : vector<16xi32>
      %broadcast_in_dim3A_663 = vector.shape_cast %xor3A_662 : vector<16xi32> to vector<16x1xi32>
      %gather3A_664 = vector.shape_cast %broadcast_in_dim3A_663 : vector<16x1xi32> to vector<16xi32>
      %gather3A_665 = tpu.dynamic_gather %add3A_659[%gather3A_664] in [0] : vector<16xf32>, vector<16xi32> -> vector<16xf32>
      %add3A_666 = arith.addf %add3A_659, %gather3A_665 : vector<16xf32>
      %xor3A_667 = arith.constant 2 : i32
      %xor3A_668 = vector.broadcast %xor3A_667 : i32 to vector<16xi32>
      %xor3A_669 = arith.xori %iota3A, %xor3A_668 : vector<16xi32>
      %broadcast_in_dim3A_670 = vector.shape_cast %xor3A_669 : vector<16xi32> to vector<16x1xi32>
      %gather3A_671 = vector.shape_cast %broadcast_in_dim3A_670 : vector<16x1xi32> to vector<16xi32>
      %gather3A_672 = tpu.dynamic_gather %add3A_666[%gather3A_671] in [0] : vector<16xf32>, vector<16xi32> -> vector<16xf32>
      %add3A_673 = arith.addf %add3A_666, %gather3A_672 : vector<16xf32>
      %xor3A_674 = arith.constant 1 : i32
      %xor3A_675 = vector.broadcast %xor3A_674 : i32 to vector<16xi32>
      %xor3A_676 = arith.xori %iota3A, %xor3A_675 : vector<16xi32>
      %broadcast_in_dim3A_677 = vector.shape_cast %xor3A_676 : vector<16xi32> to vector<16x1xi32>
      %gather3A_678 = vector.shape_cast %broadcast_in_dim3A_677 : vector<16x1xi32> to vector<16xi32>
      %gather3A_679 = tpu.dynamic_gather %add3A_673[%gather3A_678] in [0] : vector<16xf32>, vector<16xi32> -> vector<16xf32>
      %add3A_680 = arith.addf %add3A_673, %gather3A_679 : vector<16xf32>
      %swap3A_681 = arith.index_cast %mul3A_540 : i32 to index
      %swap3A_682 = tpu.vector_load %arg8[%swap3A_681] {strides = array<i32>} : memref<16384xf32, #tpu.memory_space<vmem>>, vector<16xf32>,
      %swap3A_683 = vector.shape_cast %swap3A_682 : vector<16xf32> to vector<16xf32>
      %swap3A_684 = vector.shape_cast %exp3A_643 : vector<16xf32> to vector<16xf32>
      tpu.vector_store %arg8[%swap3A_681], %swap3A_684 {strides = array<i32>} : memref<16384xf32, #tpu.memory_space<vmem>>, vector<16xf32>,
      %add3A_685 = arith.constant 16 : i32
      %add3A_686 = arith.addi %mul3A_540, %add3A_685 : i32
      %swap3A_687 = arith.index_cast %add3A_686 : i32 to index
      %swap3A_688 = tpu.vector_load %arg8[%swap3A_687] {strides = array<i32>} : memref<16384xf32, #tpu.memory_space<vmem>>, vector<16xf32>,
      %swap3A_689 = vector.shape_cast %swap3A_688 : vector<16xf32> to vector<16xf32>
      %swap3A_690 = vector.shape_cast %exp3A_645 : vector<16xf32> to vector<16xf32>
      tpu.vector_store %arg8[%swap3A_687], %swap3A_690 {strides = array<i32>} : memref<16384xf32, #tpu.memory_space<vmem>>, vector<16xf32>,
      %add3A_691 = arith.constant 32 : i32
      %add3A_692 = arith.addi %mul3A_540, %add3A_691 : i32
      %swap3A_693 = arith.index_cast %add3A_692 : i32 to index
      %swap3A_694 = tpu.vector_load %arg8[%swap3A_693] {strides = array<i32>} : memref<16384xf32, #tpu.memory_space<vmem>>, vector<16xf32>,
      %swap3A_695 = vector.shape_cast %swap3A_694 : vector<16xf32> to vector<16xf32>
      %swap3A_696 = vector.shape_cast %exp3A_647 : vector<16xf32> to vector<16xf32>
      tpu.vector_store %arg8[%swap3A_693], %swap3A_696 {strides = array<i32>} : memref<16384xf32, #tpu.memory_space<vmem>>, vector<16xf32>,
      %add3A_697 = arith.constant 48 : i32
      %add3A_698 = arith.addi %mul3A_540, %add3A_697 : i32
      %swap3A_699 = arith.index_cast %add3A_698 : i32 to index
      %swap3A_700 = tpu.vector_load %arg8[%swap3A_699] {strides = array<i32>} : memref<16384xf32, #tpu.memory_space<vmem>>, vector<16xf32>,
      %swap3A_701 = vector.shape_cast %swap3A_700 : vector<16xf32> to vector<16xf32>
      %swap3A_702 = vector.shape_cast %exp3A_649 : vector<16xf32> to vector<16xf32>
      tpu.vector_store %arg8[%swap3A_699], %swap3A_702 {strides = array<i32>} : memref<16384xf32, #tpu.memory_space<vmem>>, vector<16xf32>,
      %eq3A_703 = arith.constant 3 : i32
      %eq3A_704 = vector.broadcast %eq3A_703 : i32 to vector<16xi32>
      %eq3A_705 = arith.cmpi eq, %iota3A, %eq3A_704 : vector<16xi32>
      %select_n3A_706 = arith.select %eq3A_705, %min3A_641, %select_n3A_530 : vector<16xi1>, vector<16xi32>
      %eq3A_707 = arith.constant 3 : i32
      %eq3A_708 = vector.broadcast %eq3A_707 : i32 to vector<16xi32>
      %eq3A_709 = arith.cmpi eq, %iota3A, %eq3A_708 : vector<16xi32>
      %select_n3A_710 = arith.select %eq3A_709, %add3A_680, %select_n3A_534 : vector<16xi1>, vector<16xf32>
      %mul3A_711 = arith.constant 16 : i32
      %mul3A_712 = arith.muli %scan3A_13, %mul3A_711 : i32
      %add3A_713 = arith.constant 4 : i32
      %add3A_714 = arith.addi %mul3A_712, %add3A_713 : i32
      %mul3A_715 = arith.constant 64 : i32
      %mul3A_716 = arith.muli %add3A_714, %mul3A_715 : i32
      %get3A_717 = arith.index_cast %mul3A_716 : i32 to index
      %get3A_718 = tpu.vector_load %arg6[%get3A_717] {strides = array<i32>} : memref<16384xf32, #tpu.memory_space<vmem>>, vector<16xf32>,
      %get3A_719 = vector.shape_cast %get3A_718 : vector<16xf32> to vector<16xf32>
      %add3A_720 = arith.constant 16 : i32
      %add3A_721 = arith.addi %mul3A_716, %add3A_720 : i32
      %get3A_722 = arith.index_cast %add3A_721 : i32 to index
      %get3A_723 = tpu.vector_load %arg6[%get3A_722] {strides = array<i32>} : memref<16384xf32, #tpu.memory_space<vmem>>, vector<16xf32>,
      %get3A_724 = vector.shape_cast %get3A_723 : vector<16xf32> to vector<16xf32>
      %add3A_725 = arith.constant 32 : i32
      %add3A_726 = arith.addi %mul3A_716, %add3A_725 : i32
      %get3A_727 = arith.index_cast %add3A_726 : i32 to index
      %get3A_728 = tpu.vector_load %arg6[%get3A_727] {strides = array<i32>} : memref<16384xf32, #tpu.memory_space<vmem>>, vector<16xf32>,
      %get3A_729 = vector.shape_cast %get3A_728 : vector<16xf32> to vector<16xf32>
      %add3A_730 = arith.constant 48 : i32
      %add3A_731 = arith.addi %mul3A_716, %add3A_730 : i32
      %get3A_732 = arith.index_cast %add3A_731 : i32 to index
      %get3A_733 = tpu.vector_load %arg6[%get3A_732] {strides = array<i32>} : memref<16384xf32, #tpu.memory_space<vmem>>, vector<16xf32>,
      %get3A_734 = vector.shape_cast %get3A_733 : vector<16xf32> to vector<16xf32>
      %max3A_735 = arith.maximumf %get3A_719, %get3A_724 : vector<16xf32>
      %max3A_736 = arith.maximumf %get3A_729, %get3A_734 : vector<16xf32>
      %max3A_737 = arith.maximumf %max3A_735, %max3A_736 : vector<16xf32>
      %xor3A_738 = arith.constant 8 : i32
      %xor3A_739 = vector.broadcast %xor3A_738 : i32 to vector<16xi32>
      %xor3A_740 = arith.xori %iota3A, %xor3A_739 : vector<16xi32>
      %broadcast_in_dim3A_741 = vector.shape_cast %xor3A_740 : vector<16xi32> to vector<16x1xi32>
      %gather3A_742 = vector.shape_cast %broadcast_in_dim3A_741 : vector<16x1xi32> to vector<16xi32>
      %gather3A_743 = tpu.dynamic_gather %max3A_737[%gather3A_742] in [0] : vector<16xf32>, vector<16xi32> -> vector<16xf32>
      %max3A_744 = arith.maximumf %max3A_737, %gather3A_743 : vector<16xf32>
      %xor3A_745 = arith.constant 4 : i32
      %xor3A_746 = vector.broadcast %xor3A_745 : i32 to vector<16xi32>
      %xor3A_747 = arith.xori %iota3A, %xor3A_746 : vector<16xi32>
      %broadcast_in_dim3A_748 = vector.shape_cast %xor3A_747 : vector<16xi32> to vector<16x1xi32>
      %gather3A_749 = vector.shape_cast %broadcast_in_dim3A_748 : vector<16x1xi32> to vector<16xi32>
      %gather3A_750 = tpu.dynamic_gather %max3A_744[%gather3A_749] in [0] : vector<16xf32>, vector<16xi32> -> vector<16xf32>
      %max3A_751 = arith.maximumf %max3A_744, %gather3A_750 : vector<16xf32>
      %xor3A_752 = arith.constant 2 : i32
      %xor3A_753 = vector.broadcast %xor3A_752 : i32 to vector<16xi32>
      %xor3A_754 = arith.xori %iota3A, %xor3A_753 : vector<16xi32>
      %broadcast_in_dim3A_755 = vector.shape_cast %xor3A_754 : vector<16xi32> to vector<16x1xi32>
      %gather3A_756 = vector.shape_cast %broadcast_in_dim3A_755 : vector<16x1xi32> to vector<16xi32>
      %gather3A_757 = tpu.dynamic_gather %max3A_751[%gather3A_756] in [0] : vector<16xf32>, vector<16xi32> -> vector<16xf32>
      %max3A_758 = arith.maximumf %max3A_751, %gather3A_757 : vector<16xf32>
      %xor3A_759 = arith.constant 1 : i32
      %xor3A_760 = vector.broadcast %xor3A_759 : i32 to vector<16xi32>
      %xor3A_761 = arith.xori %iota3A, %xor3A_760 : vector<16xi32>
      %broadcast_in_dim3A_762 = vector.shape_cast %xor3A_761 : vector<16xi32> to vector<16x1xi32>
      %gather3A_763 = vector.shape_cast %broadcast_in_dim3A_762 : vector<16x1xi32> to vector<16xi32>
      %gather3A_764 = tpu.dynamic_gather %max3A_758[%gather3A_763] in [0] : vector<16xf32>, vector<16xi32> -> vector<16xf32>
      %max3A_765 = arith.maximumf %max3A_758, %gather3A_764 : vector<16xf32>
      %eq3A_766 = arith.cmpf oeq, %get3A_719, %max3A_765 : vector<16xf32>
      %broadcast_in_dim3A_767 = vector.broadcast %scan3A_5 : i32 to vector<16xi32>
      %select_n3A_768 = arith.select %eq3A_766, %iota3A, %broadcast_in_dim3A_767 : vector<16xi1>, vector<16xi32>
      %eq3A_769 = arith.cmpf oeq, %get3A_724, %max3A_765 : vector<16xf32>
      %add3A_770 = arith.constant 16 : i32
      %add3A_771 = vector.broadcast %add3A_770 : i32 to vector<16xi32>
      %add3A_772 = arith.addi %iota3A, %add3A_771 : vector<16xi32>
      %broadcast_in_dim3A_773 = vector.broadcast %scan3A_5 : i32 to vector<16xi32>
      %select_n3A_774 = arith.select %eq3A_769, %add3A_772, %broadcast_in_dim3A_773 : vector<16xi1>, vector<16xi32>
      %eq3A_775 = arith.cmpf oeq, %get3A_729, %max3A_765 : vector<16xf32>
      %add3A_776 = arith.constant 32 : i32
      %add3A_777 = vector.broadcast %add3A_776 : i32 to vector<16xi32>
      %add3A_778 = arith.addi %iota3A, %add3A_777 : vector<16xi32>
      %broadcast_in_dim3A_779 = vector.broadcast %scan3A_5 : i32 to vector<16xi32>
      %select_n3A_780 = arith.select %eq3A_775, %add3A_778, %broadcast_in_dim3A_779 : vector<16xi1>, vector<16xi32>
      %eq3A_781 = arith.cmpf oeq, %get3A_734, %max3A_765 : vector<16xf32>
      %add3A_782 = arith.constant 48 : i32
      %add3A_783 = vector.broadcast %add3A_782 : i32 to vector<16xi32>
      %add3A_784 = arith.addi %iota3A, %add3A_783 : vector<16xi32>
      %broadcast_in_dim3A_785 = vector.broadcast %scan3A_5 : i32 to vector<16xi32>
      %select_n3A_786 = arith.select %eq3A_781, %add3A_784, %broadcast_in_dim3A_785 : vector<16xi1>, vector<16xi32>
      %min3A_787 = arith.minsi %select_n3A_768, %select_n3A_774 : vector<16xi32>
      %min3A_788 = arith.minsi %select_n3A_780, %select_n3A_786 : vector<16xi32>
      %min3A_789 = arith.minsi %min3A_787, %min3A_788 : vector<16xi32>
      %xor3A_790 = arith.constant 8 : i32
      %xor3A_791 = vector.broadcast %xor3A_790 : i32 to vector<16xi32>
      %xor3A_792 = arith.xori %iota3A, %xor3A_791 : vector<16xi32>
      %broadcast_in_dim3A_793 = vector.shape_cast %xor3A_792 : vector<16xi32> to vector<16x1xi32>
      %gather3A_794 = vector.shape_cast %broadcast_in_dim3A_793 : vector<16x1xi32> to vector<16xi32>
      %gather3A_795 = tpu.dynamic_gather %min3A_789[%gather3A_794] in [0] : vector<16xi32>, vector<16xi32> -> vector<16xi32>
      %min3A_796 = arith.minsi %min3A_789, %gather3A_795 : vector<16xi32>
      %xor3A_797 = arith.constant 4 : i32
      %xor3A_798 = vector.broadcast %xor3A_797 : i32 to vector<16xi32>
      %xor3A_799 = arith.xori %iota3A, %xor3A_798 : vector<16xi32>
      %broadcast_in_dim3A_800 = vector.shape_cast %xor3A_799 : vector<16xi32> to vector<16x1xi32>
      %gather3A_801 = vector.shape_cast %broadcast_in_dim3A_800 : vector<16x1xi32> to vector<16xi32>
      %gather3A_802 = tpu.dynamic_gather %min3A_796[%gather3A_801] in [0] : vector<16xi32>, vector<16xi32> -> vector<16xi32>
      %min3A_803 = arith.minsi %min3A_796, %gather3A_802 : vector<16xi32>
      %xor3A_804 = arith.constant 2 : i32
      %xor3A_805 = vector.broadcast %xor3A_804 : i32 to vector<16xi32>
      %xor3A_806 = arith.xori %iota3A, %xor3A_805 : vector<16xi32>
      %broadcast_in_dim3A_807 = vector.shape_cast %xor3A_806 : vector<16xi32> to vector<16x1xi32>
      %gather3A_808 = vector.shape_cast %broadcast_in_dim3A_807 : vector<16x1xi32> to vector<16xi32>
      %gather3A_809 = tpu.dynamic_gather %min3A_803[%gather3A_808] in [0] : vector<16xi32>, vector<16xi32> -> vector<16xi32>
      %min3A_810 = arith.minsi %min3A_803, %gather3A_809 : vector<16xi32>
      %xor3A_811 = arith.constant 1 : i32
      %xor3A_812 = vector.broadcast %xor3A_811 : i32 to vector<16xi32>
      %xor3A_813 = arith.xori %iota3A, %xor3A_812 : vector<16xi32>
      %broadcast_in_dim3A_814 = vector.shape_cast %xor3A_813 : vector<16xi32> to vector<16x1xi32>
      %gather3A_815 = vector.shape_cast %broadcast_in_dim3A_814 : vector<16x1xi32> to vector<16xi32>
      %gather3A_816 = tpu.dynamic_gather %min3A_810[%gather3A_815] in [0] : vector<16xi32>, vector<16xi32> -> vector<16xi32>
      %min3A_817 = arith.minsi %min3A_810, %gather3A_816 : vector<16xi32>
      %sub3A_818 = arith.subf %get3A_719, %max3A_765 : vector<16xf32>
      %exp3A_819 = math.exp %sub3A_818 : vector<16xf32>
      %sub3A_820 = arith.subf %get3A_724, %max3A_765 : vector<16xf32>
      %exp3A_821 = math.exp %sub3A_820 : vector<16xf32>
      %sub3A_822 = arith.subf %get3A_729, %max3A_765 : vector<16xf32>
      %exp3A_823 = math.exp %sub3A_822 : vector<16xf32>
      %sub3A_824 = arith.subf %get3A_734, %max3A_765 : vector<16xf32>
      %exp3A_825 = math.exp %sub3A_824 : vector<16xf32>
      %add3A_826 = arith.addf %exp3A_819, %exp3A_821 : vector<16xf32>
      %add3A_827 = arith.addf %add3A_826, %exp3A_823 : vector<16xf32>
      %add3A_828 = arith.addf %add3A_827, %exp3A_825 : vector<16xf32>
      %xor3A_829 = arith.constant 8 : i32
      %xor3A_830 = vector.broadcast %xor3A_829 : i32 to vector<16xi32>
      %xor3A_831 = arith.xori %iota3A, %xor3A_830 : vector<16xi32>
      %broadcast_in_dim3A_832 = vector.shape_cast %xor3A_831 : vector<16xi32> to vector<16x1xi32>
      %gather3A_833 = vector.shape_cast %broadcast_in_dim3A_832 : vector<16x1xi32> to vector<16xi32>
      %gather3A_834 = tpu.dynamic_gather %add3A_828[%gather3A_833] in [0] : vector<16xf32>, vector<16xi32> -> vector<16xf32>
      %add3A_835 = arith.addf %add3A_828, %gather3A_834 : vector<16xf32>
      %xor3A_836 = arith.constant 4 : i32
      %xor3A_837 = vector.broadcast %xor3A_836 : i32 to vector<16xi32>
      %xor3A_838 = arith.xori %iota3A, %xor3A_837 : vector<16xi32>
      %broadcast_in_dim3A_839 = vector.shape_cast %xor3A_838 : vector<16xi32> to vector<16x1xi32>
      %gather3A_840 = vector.shape_cast %broadcast_in_dim3A_839 : vector<16x1xi32> to vector<16xi32>
      %gather3A_841 = tpu.dynamic_gather %add3A_835[%gather3A_840] in [0] : vector<16xf32>, vector<16xi32> -> vector<16xf32>
      %add3A_842 = arith.addf %add3A_835, %gather3A_841 : vector<16xf32>
      %xor3A_843 = arith.constant 2 : i32
      %xor3A_844 = vector.broadcast %xor3A_843 : i32 to vector<16xi32>
      %xor3A_845 = arith.xori %iota3A, %xor3A_844 : vector<16xi32>
      %broadcast_in_dim3A_846 = vector.shape_cast %xor3A_845 : vector<16xi32> to vector<16x1xi32>
      %gather3A_847 = vector.shape_cast %broadcast_in_dim3A_846 : vector<16x1xi32> to vector<16xi32>
      %gather3A_848 = tpu.dynamic_gather %add3A_842[%gather3A_847] in [0] : vector<16xf32>, vector<16xi32> -> vector<16xf32>
      %add3A_849 = arith.addf %add3A_842, %gather3A_848 : vector<16xf32>
      %xor3A_850 = arith.constant 1 : i32
      %xor3A_851 = vector.broadcast %xor3A_850 : i32 to vector<16xi32>
      %xor3A_852 = arith.xori %iota3A, %xor3A_851 : vector<16xi32>
      %broadcast_in_dim3A_853 = vector.shape_cast %xor3A_852 : vector<16xi32> to vector<16x1xi32>
      %gather3A_854 = vector.shape_cast %broadcast_in_dim3A_853 : vector<16x1xi32> to vector<16xi32>
      %gather3A_855 = tpu.dynamic_gather %add3A_849[%gather3A_854] in [0] : vector<16xf32>, vector<16xi32> -> vector<16xf32>
      %add3A_856 = arith.addf %add3A_849, %gather3A_855 : vector<16xf32>
      %swap3A_857 = arith.index_cast %mul3A_716 : i32 to index
      %swap3A_858 = tpu.vector_load %arg8[%swap3A_857] {strides = array<i32>} : memref<16384xf32, #tpu.memory_space<vmem>>, vector<16xf32>,
      %swap3A_859 = vector.shape_cast %swap3A_858 : vector<16xf32> to vector<16xf32>
      %swap3A_860 = vector.shape_cast %exp3A_819 : vector<16xf32> to vector<16xf32>
      tpu.vector_store %arg8[%swap3A_857], %swap3A_860 {strides = array<i32>} : memref<16384xf32, #tpu.memory_space<vmem>>, vector<16xf32>,
      %add3A_861 = arith.constant 16 : i32
      %add3A_862 = arith.addi %mul3A_716, %add3A_861 : i32
      %swap3A_863 = arith.index_cast %add3A_862 : i32 to index
      %swap3A_864 = tpu.vector_load %arg8[%swap3A_863] {strides = array<i32>} : memref<16384xf32, #tpu.memory_space<vmem>>, vector<16xf32>,
      %swap3A_865 = vector.shape_cast %swap3A_864 : vector<16xf32> to vector<16xf32>
      %swap3A_866 = vector.shape_cast %exp3A_821 : vector<16xf32> to vector<16xf32>
      tpu.vector_store %arg8[%swap3A_863], %swap3A_866 {strides = array<i32>} : memref<16384xf32, #tpu.memory_space<vmem>>, vector<16xf32>,
      %add3A_867 = arith.constant 32 : i32
      %add3A_868 = arith.addi %mul3A_716, %add3A_867 : i32
      %swap3A_869 = arith.index_cast %add3A_868 : i32 to index
      %swap3A_870 = tpu.vector_load %arg8[%swap3A_869] {strides = array<i32>} : memref<16384xf32, #tpu.memory_space<vmem>>, vector<16xf32>,
      %swap3A_871 = vector.shape_cast %swap3A_870 : vector<16xf32> to vector<16xf32>
      %swap3A_872 = vector.shape_cast %exp3A_823 : vector<16xf32> to vector<16xf32>
      tpu.vector_store %arg8[%swap3A_869], %swap3A_872 {strides = array<i32>} : memref<16384xf32, #tpu.memory_space<vmem>>, vector<16xf32>,
      %add3A_873 = arith.constant 48 : i32
      %add3A_874 = arith.addi %mul3A_716, %add3A_873 : i32
      %swap3A_875 = arith.index_cast %add3A_874 : i32 to index
      %swap3A_876 = tpu.vector_load %arg8[%swap3A_875] {strides = array<i32>} : memref<16384xf32, #tpu.memory_space<vmem>>, vector<16xf32>,
      %swap3A_877 = vector.shape_cast %swap3A_876 : vector<16xf32> to vector<16xf32>
      %swap3A_878 = vector.shape_cast %exp3A_825 : vector<16xf32> to vector<16xf32>
      tpu.vector_store %arg8[%swap3A_875], %swap3A_878 {strides = array<i32>} : memref<16384xf32, #tpu.memory_space<vmem>>, vector<16xf32>,
      %eq3A_879 = arith.constant 4 : i32
      %eq3A_880 = vector.broadcast %eq3A_879 : i32 to vector<16xi32>
      %eq3A_881 = arith.cmpi eq, %iota3A, %eq3A_880 : vector<16xi32>
      %select_n3A_882 = arith.select %eq3A_881, %min3A_817, %select_n3A_706 : vector<16xi1>, vector<16xi32>
      %eq3A_883 = arith.constant 4 : i32
      %eq3A_884 = vector.broadcast %eq3A_883 : i32 to vector<16xi32>
      %eq3A_885 = arith.cmpi eq, %iota3A, %eq3A_884 : vector<16xi32>
      %select_n3A_886 = arith.select %eq3A_885, %add3A_856, %select_n3A_710 : vector<16xi1>, vector<16xf32>
      %mul3A_887 = arith.constant 16 : i32
      %mul3A_888 = arith.muli %scan3A_13, %mul3A_887 : i32
      %add3A_889 = arith.constant 5 : i32
      %add3A_890 = arith.addi %mul3A_888, %add3A_889 : i32
      %mul3A_891 = arith.constant 64 : i32
      %mul3A_892 = arith.muli %add3A_890, %mul3A_891 : i32
      %get3A_893 = arith.index_cast %mul3A_892 : i32 to index
      %get3A_894 = tpu.vector_load %arg6[%get3A_893] {strides = array<i32>} : memref<16384xf32, #tpu.memory_space<vmem>>, vector<16xf32>,
      %get3A_895 = vector.shape_cast %get3A_894 : vector<16xf32> to vector<16xf32>
      %add3A_896 = arith.constant 16 : i32
      %add3A_897 = arith.addi %mul3A_892, %add3A_896 : i32
      %get3A_898 = arith.index_cast %add3A_897 : i32 to index
      %get3A_899 = tpu.vector_load %arg6[%get3A_898] {strides = array<i32>} : memref<16384xf32, #tpu.memory_space<vmem>>, vector<16xf32>,
      %get3A_900 = vector.shape_cast %get3A_899 : vector<16xf32> to vector<16xf32>
      %add3A_901 = arith.constant 32 : i32
      %add3A_902 = arith.addi %mul3A_892, %add3A_901 : i32
      %get3A_903 = arith.index_cast %add3A_902 : i32 to index
      %get3A_904 = tpu.vector_load %arg6[%get3A_903] {strides = array<i32>} : memref<16384xf32, #tpu.memory_space<vmem>>, vector<16xf32>,
      %get3A_905 = vector.shape_cast %get3A_904 : vector<16xf32> to vector<16xf32>
      %add3A_906 = arith.constant 48 : i32
      %add3A_907 = arith.addi %mul3A_892, %add3A_906 : i32
      %get3A_908 = arith.index_cast %add3A_907 : i32 to index
      %get3A_909 = tpu.vector_load %arg6[%get3A_908] {strides = array<i32>} : memref<16384xf32, #tpu.memory_space<vmem>>, vector<16xf32>,
      %get3A_910 = vector.shape_cast %get3A_909 : vector<16xf32> to vector<16xf32>
      %max3A_911 = arith.maximumf %get3A_895, %get3A_900 : vector<16xf32>
      %max3A_912 = arith.maximumf %get3A_905, %get3A_910 : vector<16xf32>
      %max3A_913 = arith.maximumf %max3A_911, %max3A_912 : vector<16xf32>
      %xor3A_914 = arith.constant 8 : i32
      %xor3A_915 = vector.broadcast %xor3A_914 : i32 to vector<16xi32>
      %xor3A_916 = arith.xori %iota3A, %xor3A_915 : vector<16xi32>
      %broadcast_in_dim3A_917 = vector.shape_cast %xor3A_916 : vector<16xi32> to vector<16x1xi32>
      %gather3A_918 = vector.shape_cast %broadcast_in_dim3A_917 : vector<16x1xi32> to vector<16xi32>
      %gather3A_919 = tpu.dynamic_gather %max3A_913[%gather3A_918] in [0] : vector<16xf32>, vector<16xi32> -> vector<16xf32>
      %max3A_920 = arith.maximumf %max3A_913, %gather3A_919 : vector<16xf32>
      %xor3A_921 = arith.constant 4 : i32
      %xor3A_922 = vector.broadcast %xor3A_921 : i32 to vector<16xi32>
      %xor3A_923 = arith.xori %iota3A, %xor3A_922 : vector<16xi32>
      %broadcast_in_dim3A_924 = vector.shape_cast %xor3A_923 : vector<16xi32> to vector<16x1xi32>
      %gather3A_925 = vector.shape_cast %broadcast_in_dim3A_924 : vector<16x1xi32> to vector<16xi32>
      %gather3A_926 = tpu.dynamic_gather %max3A_920[%gather3A_925] in [0] : vector<16xf32>, vector<16xi32> -> vector<16xf32>
      %max3A_927 = arith.maximumf %max3A_920, %gather3A_926 : vector<16xf32>
      %xor3A_928 = arith.constant 2 : i32
      %xor3A_929 = vector.broadcast %xor3A_928 : i32 to vector<16xi32>
      %xor3A_930 = arith.xori %iota3A, %xor3A_929 : vector<16xi32>
      %broadcast_in_dim3A_931 = vector.shape_cast %xor3A_930 : vector<16xi32> to vector<16x1xi32>
      %gather3A_932 = vector.shape_cast %broadcast_in_dim3A_931 : vector<16x1xi32> to vector<16xi32>
      %gather3A_933 = tpu.dynamic_gather %max3A_927[%gather3A_932] in [0] : vector<16xf32>, vector<16xi32> -> vector<16xf32>
      %max3A_934 = arith.maximumf %max3A_927, %gather3A_933 : vector<16xf32>
      %xor3A_935 = arith.constant 1 : i32
      %xor3A_936 = vector.broadcast %xor3A_935 : i32 to vector<16xi32>
      %xor3A_937 = arith.xori %iota3A, %xor3A_936 : vector<16xi32>
      %broadcast_in_dim3A_938 = vector.shape_cast %xor3A_937 : vector<16xi32> to vector<16x1xi32>
      %gather3A_939 = vector.shape_cast %broadcast_in_dim3A_938 : vector<16x1xi32> to vector<16xi32>
      %gather3A_940 = tpu.dynamic_gather %max3A_934[%gather3A_939] in [0] : vector<16xf32>, vector<16xi32> -> vector<16xf32>
      %max3A_941 = arith.maximumf %max3A_934, %gather3A_940 : vector<16xf32>
      %eq3A_942 = arith.cmpf oeq, %get3A_895, %max3A_941 : vector<16xf32>
      %broadcast_in_dim3A_943 = vector.broadcast %scan3A_5 : i32 to vector<16xi32>
      %select_n3A_944 = arith.select %eq3A_942, %iota3A, %broadcast_in_dim3A_943 : vector<16xi1>, vector<16xi32>
      %eq3A_945 = arith.cmpf oeq, %get3A_900, %max3A_941 : vector<16xf32>
      %add3A_946 = arith.constant 16 : i32
      %add3A_947 = vector.broadcast %add3A_946 : i32 to vector<16xi32>
      %add3A_948 = arith.addi %iota3A, %add3A_947 : vector<16xi32>
      %broadcast_in_dim3A_949 = vector.broadcast %scan3A_5 : i32 to vector<16xi32>
      %select_n3A_950 = arith.select %eq3A_945, %add3A_948, %broadcast_in_dim3A_949 : vector<16xi1>, vector<16xi32>
      %eq3A_951 = arith.cmpf oeq, %get3A_905, %max3A_941 : vector<16xf32>
      %add3A_952 = arith.constant 32 : i32
      %add3A_953 = vector.broadcast %add3A_952 : i32 to vector<16xi32>
      %add3A_954 = arith.addi %iota3A, %add3A_953 : vector<16xi32>
      %broadcast_in_dim3A_955 = vector.broadcast %scan3A_5 : i32 to vector<16xi32>
      %select_n3A_956 = arith.select %eq3A_951, %add3A_954, %broadcast_in_dim3A_955 : vector<16xi1>, vector<16xi32>
      %eq3A_957 = arith.cmpf oeq, %get3A_910, %max3A_941 : vector<16xf32>
      %add3A_958 = arith.constant 48 : i32
      %add3A_959 = vector.broadcast %add3A_958 : i32 to vector<16xi32>
      %add3A_960 = arith.addi %iota3A, %add3A_959 : vector<16xi32>
      %broadcast_in_dim3A_961 = vector.broadcast %scan3A_5 : i32 to vector<16xi32>
      %select_n3A_962 = arith.select %eq3A_957, %add3A_960, %broadcast_in_dim3A_961 : vector<16xi1>, vector<16xi32>
      %min3A_963 = arith.minsi %select_n3A_944, %select_n3A_950 : vector<16xi32>
      %min3A_964 = arith.minsi %select_n3A_956, %select_n3A_962 : vector<16xi32>
      %min3A_965 = arith.minsi %min3A_963, %min3A_964 : vector<16xi32>
      %xor3A_966 = arith.constant 8 : i32
      %xor3A_967 = vector.broadcast %xor3A_966 : i32 to vector<16xi32>
      %xor3A_968 = arith.xori %iota3A, %xor3A_967 : vector<16xi32>
      %broadcast_in_dim3A_969 = vector.shape_cast %xor3A_968 : vector<16xi32> to vector<16x1xi32>
      %gather3A_970 = vector.shape_cast %broadcast_in_dim3A_969 : vector<16x1xi32> to vector<16xi32>
      %gather3A_971 = tpu.dynamic_gather %min3A_965[%gather3A_970] in [0] : vector<16xi32>, vector<16xi32> -> vector<16xi32>
      %min3A_972 = arith.minsi %min3A_965, %gather3A_971 : vector<16xi32>
      %xor3A_973 = arith.constant 4 : i32
      %xor3A_974 = vector.broadcast %xor3A_973 : i32 to vector<16xi32>
      %xor3A_975 = arith.xori %iota3A, %xor3A_974 : vector<16xi32>
      %broadcast_in_dim3A_976 = vector.shape_cast %xor3A_975 : vector<16xi32> to vector<16x1xi32>
      %gather3A_977 = vector.shape_cast %broadcast_in_dim3A_976 : vector<16x1xi32> to vector<16xi32>
      %gather3A_978 = tpu.dynamic_gather %min3A_972[%gather3A_977] in [0] : vector<16xi32>, vector<16xi32> -> vector<16xi32>
      %min3A_979 = arith.minsi %min3A_972, %gather3A_978 : vector<16xi32>
      %xor3A_980 = arith.constant 2 : i32
      %xor3A_981 = vector.broadcast %xor3A_980 : i32 to vector<16xi32>
      %xor3A_982 = arith.xori %iota3A, %xor3A_981 : vector<16xi32>
      %broadcast_in_dim3A_983 = vector.shape_cast %xor3A_982 : vector<16xi32> to vector<16x1xi32>
      %gather3A_984 = vector.shape_cast %broadcast_in_dim3A_983 : vector<16x1xi32> to vector<16xi32>
      %gather3A_985 = tpu.dynamic_gather %min3A_979[%gather3A_984] in [0] : vector<16xi32>, vector<16xi32> -> vector<16xi32>
      %min3A_986 = arith.minsi %min3A_979, %gather3A_985 : vector<16xi32>
      %xor3A_987 = arith.constant 1 : i32
      %xor3A_988 = vector.broadcast %xor3A_987 : i32 to vector<16xi32>
      %xor3A_989 = arith.xori %iota3A, %xor3A_988 : vector<16xi32>
      %broadcast_in_dim3A_990 = vector.shape_cast %xor3A_989 : vector<16xi32> to vector<16x1xi32>
      %gather3A_991 = vector.shape_cast %broadcast_in_dim3A_990 : vector<16x1xi32> to vector<16xi32>
      %gather3A_992 = tpu.dynamic_gather %min3A_986[%gather3A_991] in [0] : vector<16xi32>, vector<16xi32> -> vector<16xi32>
      %min3A_993 = arith.minsi %min3A_986, %gather3A_992 : vector<16xi32>
      %sub3A_994 = arith.subf %get3A_895, %max3A_941 : vector<16xf32>
      %exp3A_995 = math.exp %sub3A_994 : vector<16xf32>
      %sub3A_996 = arith.subf %get3A_900, %max3A_941 : vector<16xf32>
      %exp3A_997 = math.exp %sub3A_996 : vector<16xf32>
      %sub3A_998 = arith.subf %get3A_905, %max3A_941 : vector<16xf32>
      %exp3A_999 = math.exp %sub3A_998 : vector<16xf32>
      %sub3A_1000 = arith.subf %get3A_910, %max3A_941 : vector<16xf32>
      %exp3A_1001 = math.exp %sub3A_1000 : vector<16xf32>
      %add3A_1002 = arith.addf %exp3A_995, %exp3A_997 : vector<16xf32>
      %add3A_1003 = arith.addf %add3A_1002, %exp3A_999 : vector<16xf32>
      %add3A_1004 = arith.addf %add3A_1003, %exp3A_1001 : vector<16xf32>
      %xor3A_1005 = arith.constant 8 : i32
      %xor3A_1006 = vector.broadcast %xor3A_1005 : i32 to vector<16xi32>
      %xor3A_1007 = arith.xori %iota3A, %xor3A_1006 : vector<16xi32>
      %broadcast_in_dim3A_1008 = vector.shape_cast %xor3A_1007 : vector<16xi32> to vector<16x1xi32>
      %gather3A_1009 = vector.shape_cast %broadcast_in_dim3A_1008 : vector<16x1xi32> to vector<16xi32>
      %gather3A_1010 = tpu.dynamic_gather %add3A_1004[%gather3A_1009] in [0] : vector<16xf32>, vector<16xi32> -> vector<16xf32>
      %add3A_1011 = arith.addf %add3A_1004, %gather3A_1010 : vector<16xf32>
      %xor3A_1012 = arith.constant 4 : i32
      %xor3A_1013 = vector.broadcast %xor3A_1012 : i32 to vector<16xi32>
      %xor3A_1014 = arith.xori %iota3A, %xor3A_1013 : vector<16xi32>
      %broadcast_in_dim3A_1015 = vector.shape_cast %xor3A_1014 : vector<16xi32> to vector<16x1xi32>
      %gather3A_1016 = vector.shape_cast %broadcast_in_dim3A_1015 : vector<16x1xi32> to vector<16xi32>
      %gather3A_1017 = tpu.dynamic_gather %add3A_1011[%gather3A_1016] in [0] : vector<16xf32>, vector<16xi32> -> vector<16xf32>
      %add3A_1018 = arith.addf %add3A_1011, %gather3A_1017 : vector<16xf32>
      %xor3A_1019 = arith.constant 2 : i32
      %xor3A_1020 = vector.broadcast %xor3A_1019 : i32 to vector<16xi32>
      %xor3A_1021 = arith.xori %iota3A, %xor3A_1020 : vector<16xi32>
      %broadcast_in_dim3A_1022 = vector.shape_cast %xor3A_1021 : vector<16xi32> to vector<16x1xi32>
      %gather3A_1023 = vector.shape_cast %broadcast_in_dim3A_1022 : vector<16x1xi32> to vector<16xi32>
      %gather3A_1024 = tpu.dynamic_gather %add3A_1018[%gather3A_1023] in [0] : vector<16xf32>, vector<16xi32> -> vector<16xf32>
      %add3A_1025 = arith.addf %add3A_1018, %gather3A_1024 : vector<16xf32>
      %xor3A_1026 = arith.constant 1 : i32
      %xor3A_1027 = vector.broadcast %xor3A_1026 : i32 to vector<16xi32>
      %xor3A_1028 = arith.xori %iota3A, %xor3A_1027 : vector<16xi32>
      %broadcast_in_dim3A_1029 = vector.shape_cast %xor3A_1028 : vector<16xi32> to vector<16x1xi32>
      %gather3A_1030 = vector.shape_cast %broadcast_in_dim3A_1029 : vector<16x1xi32> to vector<16xi32>
      %gather3A_1031 = tpu.dynamic_gather %add3A_1025[%gather3A_1030] in [0] : vector<16xf32>, vector<16xi32> -> vector<16xf32>
      %add3A_1032 = arith.addf %add3A_1025, %gather3A_1031 : vector<16xf32>
      %swap3A_1033 = arith.index_cast %mul3A_892 : i32 to index
      %swap3A_1034 = tpu.vector_load %arg8[%swap3A_1033] {strides = array<i32>} : memref<16384xf32, #tpu.memory_space<vmem>>, vector<16xf32>,
      %swap3A_1035 = vector.shape_cast %swap3A_1034 : vector<16xf32> to vector<16xf32>
      %swap3A_1036 = vector.shape_cast %exp3A_995 : vector<16xf32> to vector<16xf32>
      tpu.vector_store %arg8[%swap3A_1033], %swap3A_1036 {strides = array<i32>} : memref<16384xf32, #tpu.memory_space<vmem>>, vector<16xf32>,
      %add3A_1037 = arith.constant 16 : i32
      %add3A_1038 = arith.addi %mul3A_892, %add3A_1037 : i32
      %swap3A_1039 = arith.index_cast %add3A_1038 : i32 to index
      %swap3A_1040 = tpu.vector_load %arg8[%swap3A_1039] {strides = array<i32>} : memref<16384xf32, #tpu.memory_space<vmem>>, vector<16xf32>,
      %swap3A_1041 = vector.shape_cast %swap3A_1040 : vector<16xf32> to vector<16xf32>
      %swap3A_1042 = vector.shape_cast %exp3A_997 : vector<16xf32> to vector<16xf32>
      tpu.vector_store %arg8[%swap3A_1039], %swap3A_1042 {strides = array<i32>} : memref<16384xf32, #tpu.memory_space<vmem>>, vector<16xf32>,
      %add3A_1043 = arith.constant 32 : i32
      %add3A_1044 = arith.addi %mul3A_892, %add3A_1043 : i32
      %swap3A_1045 = arith.index_cast %add3A_1044 : i32 to index
      %swap3A_1046 = tpu.vector_load %arg8[%swap3A_1045] {strides = array<i32>} : memref<16384xf32, #tpu.memory_space<vmem>>, vector<16xf32>,
      %swap3A_1047 = vector.shape_cast %swap3A_1046 : vector<16xf32> to vector<16xf32>
      %swap3A_1048 = vector.shape_cast %exp3A_999 : vector<16xf32> to vector<16xf32>
      tpu.vector_store %arg8[%swap3A_1045], %swap3A_1048 {strides = array<i32>} : memref<16384xf32, #tpu.memory_space<vmem>>, vector<16xf32>,
      %add3A_1049 = arith.constant 48 : i32
      %add3A_1050 = arith.addi %mul3A_892, %add3A_1049 : i32
      %swap3A_1051 = arith.index_cast %add3A_1050 : i32 to index
      %swap3A_1052 = tpu.vector_load %arg8[%swap3A_1051] {strides = array<i32>} : memref<16384xf32, #tpu.memory_space<vmem>>, vector<16xf32>,
      %swap3A_1053 = vector.shape_cast %swap3A_1052 : vector<16xf32> to vector<16xf32>
      %swap3A_1054 = vector.shape_cast %exp3A_1001 : vector<16xf32> to vector<16xf32>
      tpu.vector_store %arg8[%swap3A_1051], %swap3A_1054 {strides = array<i32>} : memref<16384xf32, #tpu.memory_space<vmem>>, vector<16xf32>,
      %eq3A_1055 = arith.constant 5 : i32
      %eq3A_1056 = vector.broadcast %eq3A_1055 : i32 to vector<16xi32>
      %eq3A_1057 = arith.cmpi eq, %iota3A, %eq3A_1056 : vector<16xi32>
      %select_n3A_1058 = arith.select %eq3A_1057, %min3A_993, %select_n3A_882 : vector<16xi1>, vector<16xi32>
      %eq3A_1059 = arith.constant 5 : i32
      %eq3A_1060 = vector.broadcast %eq3A_1059 : i32 to vector<16xi32>
      %eq3A_1061 = arith.cmpi eq, %iota3A, %eq3A_1060 : vector<16xi32>
      %select_n3A_1062 = arith.select %eq3A_1061, %add3A_1032, %select_n3A_886 : vector<16xi1>, vector<16xf32>
      %mul3A_1063 = arith.constant 16 : i32
      %mul3A_1064 = arith.muli %scan3A_13, %mul3A_1063 : i32
      %add3A_1065 = arith.constant 6 : i32
      %add3A_1066 = arith.addi %mul3A_1064, %add3A_1065 : i32
      %mul3A_1067 = arith.constant 64 : i32
      %mul3A_1068 = arith.muli %add3A_1066, %mul3A_1067 : i32
      %get3A_1069 = arith.index_cast %mul3A_1068 : i32 to index
      %get3A_1070 = tpu.vector_load %arg6[%get3A_1069] {strides = array<i32>} : memref<16384xf32, #tpu.memory_space<vmem>>, vector<16xf32>,
      %get3A_1071 = vector.shape_cast %get3A_1070 : vector<16xf32> to vector<16xf32>
      %add3A_1072 = arith.constant 16 : i32
      %add3A_1073 = arith.addi %mul3A_1068, %add3A_1072 : i32
      %get3A_1074 = arith.index_cast %add3A_1073 : i32 to index
      %get3A_1075 = tpu.vector_load %arg6[%get3A_1074] {strides = array<i32>} : memref<16384xf32, #tpu.memory_space<vmem>>, vector<16xf32>,
      %get3A_1076 = vector.shape_cast %get3A_1075 : vector<16xf32> to vector<16xf32>
      %add3A_1077 = arith.constant 32 : i32
      %add3A_1078 = arith.addi %mul3A_1068, %add3A_1077 : i32
      %get3A_1079 = arith.index_cast %add3A_1078 : i32 to index
      %get3A_1080 = tpu.vector_load %arg6[%get3A_1079] {strides = array<i32>} : memref<16384xf32, #tpu.memory_space<vmem>>, vector<16xf32>,
      %get3A_1081 = vector.shape_cast %get3A_1080 : vector<16xf32> to vector<16xf32>
      %add3A_1082 = arith.constant 48 : i32
      %add3A_1083 = arith.addi %mul3A_1068, %add3A_1082 : i32
      %get3A_1084 = arith.index_cast %add3A_1083 : i32 to index
      %get3A_1085 = tpu.vector_load %arg6[%get3A_1084] {strides = array<i32>} : memref<16384xf32, #tpu.memory_space<vmem>>, vector<16xf32>,
      %get3A_1086 = vector.shape_cast %get3A_1085 : vector<16xf32> to vector<16xf32>
      %max3A_1087 = arith.maximumf %get3A_1071, %get3A_1076 : vector<16xf32>
      %max3A_1088 = arith.maximumf %get3A_1081, %get3A_1086 : vector<16xf32>
      %max3A_1089 = arith.maximumf %max3A_1087, %max3A_1088 : vector<16xf32>
      %xor3A_1090 = arith.constant 8 : i32
      %xor3A_1091 = vector.broadcast %xor3A_1090 : i32 to vector<16xi32>
      %xor3A_1092 = arith.xori %iota3A, %xor3A_1091 : vector<16xi32>
      %broadcast_in_dim3A_1093 = vector.shape_cast %xor3A_1092 : vector<16xi32> to vector<16x1xi32>
      %gather3A_1094 = vector.shape_cast %broadcast_in_dim3A_1093 : vector<16x1xi32> to vector<16xi32>
      %gather3A_1095 = tpu.dynamic_gather %max3A_1089[%gather3A_1094] in [0] : vector<16xf32>, vector<16xi32> -> vector<16xf32>
      %max3A_1096 = arith.maximumf %max3A_1089, %gather3A_1095 : vector<16xf32>
      %xor3A_1097 = arith.constant 4 : i32
      %xor3A_1098 = vector.broadcast %xor3A_1097 : i32 to vector<16xi32>
      %xor3A_1099 = arith.xori %iota3A, %xor3A_1098 : vector<16xi32>
      %broadcast_in_dim3A_1100 = vector.shape_cast %xor3A_1099 : vector<16xi32> to vector<16x1xi32>
      %gather3A_1101 = vector.shape_cast %broadcast_in_dim3A_1100 : vector<16x1xi32> to vector<16xi32>
      %gather3A_1102 = tpu.dynamic_gather %max3A_1096[%gather3A_1101] in [0] : vector<16xf32>, vector<16xi32> -> vector<16xf32>
      %max3A_1103 = arith.maximumf %max3A_1096, %gather3A_1102 : vector<16xf32>
      %xor3A_1104 = arith.constant 2 : i32
      %xor3A_1105 = vector.broadcast %xor3A_1104 : i32 to vector<16xi32>
      %xor3A_1106 = arith.xori %iota3A, %xor3A_1105 : vector<16xi32>
      %broadcast_in_dim3A_1107 = vector.shape_cast %xor3A_1106 : vector<16xi32> to vector<16x1xi32>
      %gather3A_1108 = vector.shape_cast %broadcast_in_dim3A_1107 : vector<16x1xi32> to vector<16xi32>
      %gather3A_1109 = tpu.dynamic_gather %max3A_1103[%gather3A_1108] in [0] : vector<16xf32>, vector<16xi32> -> vector<16xf32>
      %max3A_1110 = arith.maximumf %max3A_1103, %gather3A_1109 : vector<16xf32>
      %xor3A_1111 = arith.constant 1 : i32
      %xor3A_1112 = vector.broadcast %xor3A_1111 : i32 to vector<16xi32>
      %xor3A_1113 = arith.xori %iota3A, %xor3A_1112 : vector<16xi32>
      %broadcast_in_dim3A_1114 = vector.shape_cast %xor3A_1113 : vector<16xi32> to vector<16x1xi32>
      %gather3A_1115 = vector.shape_cast %broadcast_in_dim3A_1114 : vector<16x1xi32> to vector<16xi32>
      %gather3A_1116 = tpu.dynamic_gather %max3A_1110[%gather3A_1115] in [0] : vector<16xf32>, vector<16xi32> -> vector<16xf32>
      %max3A_1117 = arith.maximumf %max3A_1110, %gather3A_1116 : vector<16xf32>
      %eq3A_1118 = arith.cmpf oeq, %get3A_1071, %max3A_1117 : vector<16xf32>
      %broadcast_in_dim3A_1119 = vector.broadcast %scan3A_5 : i32 to vector<16xi32>
      %select_n3A_1120 = arith.select %eq3A_1118, %iota3A, %broadcast_in_dim3A_1119 : vector<16xi1>, vector<16xi32>
      %eq3A_1121 = arith.cmpf oeq, %get3A_1076, %max3A_1117 : vector<16xf32>
      %add3A_1122 = arith.constant 16 : i32
      %add3A_1123 = vector.broadcast %add3A_1122 : i32 to vector<16xi32>
      %add3A_1124 = arith.addi %iota3A, %add3A_1123 : vector<16xi32>
      %broadcast_in_dim3A_1125 = vector.broadcast %scan3A_5 : i32 to vector<16xi32>
      %select_n3A_1126 = arith.select %eq3A_1121, %add3A_1124, %broadcast_in_dim3A_1125 : vector<16xi1>, vector<16xi32>
      %eq3A_1127 = arith.cmpf oeq, %get3A_1081, %max3A_1117 : vector<16xf32>
      %add3A_1128 = arith.constant 32 : i32
      %add3A_1129 = vector.broadcast %add3A_1128 : i32 to vector<16xi32>
      %add3A_1130 = arith.addi %iota3A, %add3A_1129 : vector<16xi32>
      %broadcast_in_dim3A_1131 = vector.broadcast %scan3A_5 : i32 to vector<16xi32>
      %select_n3A_1132 = arith.select %eq3A_1127, %add3A_1130, %broadcast_in_dim3A_1131 : vector<16xi1>, vector<16xi32>
      %eq3A_1133 = arith.cmpf oeq, %get3A_1086, %max3A_1117 : vector<16xf32>
      %add3A_1134 = arith.constant 48 : i32
      %add3A_1135 = vector.broadcast %add3A_1134 : i32 to vector<16xi32>
      %add3A_1136 = arith.addi %iota3A, %add3A_1135 : vector<16xi32>
      %broadcast_in_dim3A_1137 = vector.broadcast %scan3A_5 : i32 to vector<16xi32>
      %select_n3A_1138 = arith.select %eq3A_1133, %add3A_1136, %broadcast_in_dim3A_1137 : vector<16xi1>, vector<16xi32>
      %min3A_1139 = arith.minsi %select_n3A_1120, %select_n3A_1126 : vector<16xi32>
      %min3A_1140 = arith.minsi %select_n3A_1132, %select_n3A_1138 : vector<16xi32>
      %min3A_1141 = arith.minsi %min3A_1139, %min3A_1140 : vector<16xi32>
      %xor3A_1142 = arith.constant 8 : i32
      %xor3A_1143 = vector.broadcast %xor3A_1142 : i32 to vector<16xi32>
      %xor3A_1144 = arith.xori %iota3A, %xor3A_1143 : vector<16xi32>
      %broadcast_in_dim3A_1145 = vector.shape_cast %xor3A_1144 : vector<16xi32> to vector<16x1xi32>
      %gather3A_1146 = vector.shape_cast %broadcast_in_dim3A_1145 : vector<16x1xi32> to vector<16xi32>
      %gather3A_1147 = tpu.dynamic_gather %min3A_1141[%gather3A_1146] in [0] : vector<16xi32>, vector<16xi32> -> vector<16xi32>
      %min3A_1148 = arith.minsi %min3A_1141, %gather3A_1147 : vector<16xi32>
      %xor3A_1149 = arith.constant 4 : i32
      %xor3A_1150 = vector.broadcast %xor3A_1149 : i32 to vector<16xi32>
      %xor3A_1151 = arith.xori %iota3A, %xor3A_1150 : vector<16xi32>
      %broadcast_in_dim3A_1152 = vector.shape_cast %xor3A_1151 : vector<16xi32> to vector<16x1xi32>
      %gather3A_1153 = vector.shape_cast %broadcast_in_dim3A_1152 : vector<16x1xi32> to vector<16xi32>
      %gather3A_1154 = tpu.dynamic_gather %min3A_1148[%gather3A_1153] in [0] : vector<16xi32>, vector<16xi32> -> vector<16xi32>
      %min3A_1155 = arith.minsi %min3A_1148, %gather3A_1154 : vector<16xi32>
      %xor3A_1156 = arith.constant 2 : i32
      %xor3A_1157 = vector.broadcast %xor3A_1156 : i32 to vector<16xi32>
      %xor3A_1158 = arith.xori %iota3A, %xor3A_1157 : vector<16xi32>
      %broadcast_in_dim3A_1159 = vector.shape_cast %xor3A_1158 : vector<16xi32> to vector<16x1xi32>
      %gather3A_1160 = vector.shape_cast %broadcast_in_dim3A_1159 : vector<16x1xi32> to vector<16xi32>
      %gather3A_1161 = tpu.dynamic_gather %min3A_1155[%gather3A_1160] in [0] : vector<16xi32>, vector<16xi32> -> vector<16xi32>
      %min3A_1162 = arith.minsi %min3A_1155, %gather3A_1161 : vector<16xi32>
      %xor3A_1163 = arith.constant 1 : i32
      %xor3A_1164 = vector.broadcast %xor3A_1163 : i32 to vector<16xi32>
      %xor3A_1165 = arith.xori %iota3A, %xor3A_1164 : vector<16xi32>
      %broadcast_in_dim3A_1166 = vector.shape_cast %xor3A_1165 : vector<16xi32> to vector<16x1xi32>
      %gather3A_1167 = vector.shape_cast %broadcast_in_dim3A_1166 : vector<16x1xi32> to vector<16xi32>
      %gather3A_1168 = tpu.dynamic_gather %min3A_1162[%gather3A_1167] in [0] : vector<16xi32>, vector<16xi32> -> vector<16xi32>
      %min3A_1169 = arith.minsi %min3A_1162, %gather3A_1168 : vector<16xi32>
      %sub3A_1170 = arith.subf %get3A_1071, %max3A_1117 : vector<16xf32>
      %exp3A_1171 = math.exp %sub3A_1170 : vector<16xf32>
      %sub3A_1172 = arith.subf %get3A_1076, %max3A_1117 : vector<16xf32>
      %exp3A_1173 = math.exp %sub3A_1172 : vector<16xf32>
      %sub3A_1174 = arith.subf %get3A_1081, %max3A_1117 : vector<16xf32>
      %exp3A_1175 = math.exp %sub3A_1174 : vector<16xf32>
      %sub3A_1176 = arith.subf %get3A_1086, %max3A_1117 : vector<16xf32>
      %exp3A_1177 = math.exp %sub3A_1176 : vector<16xf32>
      %add3A_1178 = arith.addf %exp3A_1171, %exp3A_1173 : vector<16xf32>
      %add3A_1179 = arith.addf %add3A_1178, %exp3A_1175 : vector<16xf32>
      %add3A_1180 = arith.addf %add3A_1179, %exp3A_1177 : vector<16xf32>
      %xor3A_1181 = arith.constant 8 : i32
      %xor3A_1182 = vector.broadcast %xor3A_1181 : i32 to vector<16xi32>
      %xor3A_1183 = arith.xori %iota3A, %xor3A_1182 : vector<16xi32>
      %broadcast_in_dim3A_1184 = vector.shape_cast %xor3A_1183 : vector<16xi32> to vector<16x1xi32>
      %gather3A_1185 = vector.shape_cast %broadcast_in_dim3A_1184 : vector<16x1xi32> to vector<16xi32>
      %gather3A_1186 = tpu.dynamic_gather %add3A_1180[%gather3A_1185] in [0] : vector<16xf32>, vector<16xi32> -> vector<16xf32>
      %add3A_1187 = arith.addf %add3A_1180, %gather3A_1186 : vector<16xf32>
      %xor3A_1188 = arith.constant 4 : i32
      %xor3A_1189 = vector.broadcast %xor3A_1188 : i32 to vector<16xi32>
      %xor3A_1190 = arith.xori %iota3A, %xor3A_1189 : vector<16xi32>
      %broadcast_in_dim3A_1191 = vector.shape_cast %xor3A_1190 : vector<16xi32> to vector<16x1xi32>
      %gather3A_1192 = vector.shape_cast %broadcast_in_dim3A_1191 : vector<16x1xi32> to vector<16xi32>
      %gather3A_1193 = tpu.dynamic_gather %add3A_1187[%gather3A_1192] in [0] : vector<16xf32>, vector<16xi32> -> vector<16xf32>
      %add3A_1194 = arith.addf %add3A_1187, %gather3A_1193 : vector<16xf32>
      %xor3A_1195 = arith.constant 2 : i32
      %xor3A_1196 = vector.broadcast %xor3A_1195 : i32 to vector<16xi32>
      %xor3A_1197 = arith.xori %iota3A, %xor3A_1196 : vector<16xi32>
      %broadcast_in_dim3A_1198 = vector.shape_cast %xor3A_1197 : vector<16xi32> to vector<16x1xi32>
      %gather3A_1199 = vector.shape_cast %broadcast_in_dim3A_1198 : vector<16x1xi32> to vector<16xi32>
      %gather3A_1200 = tpu.dynamic_gather %add3A_1194[%gather3A_1199] in [0] : vector<16xf32>, vector<16xi32> -> vector<16xf32>
      %add3A_1201 = arith.addf %add3A_1194, %gather3A_1200 : vector<16xf32>
      %xor3A_1202 = arith.constant 1 : i32
      %xor3A_1203 = vector.broadcast %xor3A_1202 : i32 to vector<16xi32>
      %xor3A_1204 = arith.xori %iota3A, %xor3A_1203 : vector<16xi32>
      %broadcast_in_dim3A_1205 = vector.shape_cast %xor3A_1204 : vector<16xi32> to vector<16x1xi32>
      %gather3A_1206 = vector.shape_cast %broadcast_in_dim3A_1205 : vector<16x1xi32> to vector<16xi32>
      %gather3A_1207 = tpu.dynamic_gather %add3A_1201[%gather3A_1206] in [0] : vector<16xf32>, vector<16xi32> -> vector<16xf32>
      %add3A_1208 = arith.addf %add3A_1201, %gather3A_1207 : vector<16xf32>
      %swap3A_1209 = arith.index_cast %mul3A_1068 : i32 to index
      %swap3A_1210 = tpu.vector_load %arg8[%swap3A_1209] {strides = array<i32>} : memref<16384xf32, #tpu.memory_space<vmem>>, vector<16xf32>,
      %swap3A_1211 = vector.shape_cast %swap3A_1210 : vector<16xf32> to vector<16xf32>
      %swap3A_1212 = vector.shape_cast %exp3A_1171 : vector<16xf32> to vector<16xf32>
      tpu.vector_store %arg8[%swap3A_1209], %swap3A_1212 {strides = array<i32>} : memref<16384xf32, #tpu.memory_space<vmem>>, vector<16xf32>,
      %add3A_1213 = arith.constant 16 : i32
      %add3A_1214 = arith.addi %mul3A_1068, %add3A_1213 : i32
      %swap3A_1215 = arith.index_cast %add3A_1214 : i32 to index
      %swap3A_1216 = tpu.vector_load %arg8[%swap3A_1215] {strides = array<i32>} : memref<16384xf32, #tpu.memory_space<vmem>>, vector<16xf32>,
      %swap3A_1217 = vector.shape_cast %swap3A_1216 : vector<16xf32> to vector<16xf32>
      %swap3A_1218 = vector.shape_cast %exp3A_1173 : vector<16xf32> to vector<16xf32>
      tpu.vector_store %arg8[%swap3A_1215], %swap3A_1218 {strides = array<i32>} : memref<16384xf32, #tpu.memory_space<vmem>>, vector<16xf32>,
      %add3A_1219 = arith.constant 32 : i32
      %add3A_1220 = arith.addi %mul3A_1068, %add3A_1219 : i32
      %swap3A_1221 = arith.index_cast %add3A_1220 : i32 to index
      %swap3A_1222 = tpu.vector_load %arg8[%swap3A_1221] {strides = array<i32>} : memref<16384xf32, #tpu.memory_space<vmem>>, vector<16xf32>,
      %swap3A_1223 = vector.shape_cast %swap3A_1222 : vector<16xf32> to vector<16xf32>
      %swap3A_1224 = vector.shape_cast %exp3A_1175 : vector<16xf32> to vector<16xf32>
      tpu.vector_store %arg8[%swap3A_1221], %swap3A_1224 {strides = array<i32>} : memref<16384xf32, #tpu.memory_space<vmem>>, vector<16xf32>,
      %add3A_1225 = arith.constant 48 : i32
      %add3A_1226 = arith.addi %mul3A_1068, %add3A_1225 : i32
      %swap3A_1227 = arith.index_cast %add3A_1226 : i32 to index
      %swap3A_1228 = tpu.vector_load %arg8[%swap3A_1227] {strides = array<i32>} : memref<16384xf32, #tpu.memory_space<vmem>>, vector<16xf32>,
      %swap3A_1229 = vector.shape_cast %swap3A_1228 : vector<16xf32> to vector<16xf32>
      %swap3A_1230 = vector.shape_cast %exp3A_1177 : vector<16xf32> to vector<16xf32>
      tpu.vector_store %arg8[%swap3A_1227], %swap3A_1230 {strides = array<i32>} : memref<16384xf32, #tpu.memory_space<vmem>>, vector<16xf32>,
      %eq3A_1231 = arith.constant 6 : i32
      %eq3A_1232 = vector.broadcast %eq3A_1231 : i32 to vector<16xi32>
      %eq3A_1233 = arith.cmpi eq, %iota3A, %eq3A_1232 : vector<16xi32>
      %select_n3A_1234 = arith.select %eq3A_1233, %min3A_1169, %select_n3A_1058 : vector<16xi1>, vector<16xi32>
      %eq3A_1235 = arith.constant 6 : i32
      %eq3A_1236 = vector.broadcast %eq3A_1235 : i32 to vector<16xi32>
      %eq3A_1237 = arith.cmpi eq, %iota3A, %eq3A_1236 : vector<16xi32>
      %select_n3A_1238 = arith.select %eq3A_1237, %add3A_1208, %select_n3A_1062 : vector<16xi1>, vector<16xf32>
      %mul3A_1239 = arith.constant 16 : i32
      %mul3A_1240 = arith.muli %scan3A_13, %mul3A_1239 : i32
      %add3A_1241 = arith.constant 7 : i32
      %add3A_1242 = arith.addi %mul3A_1240, %add3A_1241 : i32
      %mul3A_1243 = arith.constant 64 : i32
      %mul3A_1244 = arith.muli %add3A_1242, %mul3A_1243 : i32
      %get3A_1245 = arith.index_cast %mul3A_1244 : i32 to index
      %get3A_1246 = tpu.vector_load %arg6[%get3A_1245] {strides = array<i32>} : memref<16384xf32, #tpu.memory_space<vmem>>, vector<16xf32>,
      %get3A_1247 = vector.shape_cast %get3A_1246 : vector<16xf32> to vector<16xf32>
      %add3A_1248 = arith.constant 16 : i32
      %add3A_1249 = arith.addi %mul3A_1244, %add3A_1248 : i32
      %get3A_1250 = arith.index_cast %add3A_1249 : i32 to index
      %get3A_1251 = tpu.vector_load %arg6[%get3A_1250] {strides = array<i32>} : memref<16384xf32, #tpu.memory_space<vmem>>, vector<16xf32>,
      %get3A_1252 = vector.shape_cast %get3A_1251 : vector<16xf32> to vector<16xf32>
      %add3A_1253 = arith.constant 32 : i32
      %add3A_1254 = arith.addi %mul3A_1244, %add3A_1253 : i32
      %get3A_1255 = arith.index_cast %add3A_1254 : i32 to index
      %get3A_1256 = tpu.vector_load %arg6[%get3A_1255] {strides = array<i32>} : memref<16384xf32, #tpu.memory_space<vmem>>, vector<16xf32>,
      %get3A_1257 = vector.shape_cast %get3A_1256 : vector<16xf32> to vector<16xf32>
      %add3A_1258 = arith.constant 48 : i32
      %add3A_1259 = arith.addi %mul3A_1244, %add3A_1258 : i32
      %get3A_1260 = arith.index_cast %add3A_1259 : i32 to index
      %get3A_1261 = tpu.vector_load %arg6[%get3A_1260] {strides = array<i32>} : memref<16384xf32, #tpu.memory_space<vmem>>, vector<16xf32>,
      %get3A_1262 = vector.shape_cast %get3A_1261 : vector<16xf32> to vector<16xf32>
      %max3A_1263 = arith.maximumf %get3A_1247, %get3A_1252 : vector<16xf32>
      %max3A_1264 = arith.maximumf %get3A_1257, %get3A_1262 : vector<16xf32>
      %max3A_1265 = arith.maximumf %max3A_1263, %max3A_1264 : vector<16xf32>
      %xor3A_1266 = arith.constant 8 : i32
      %xor3A_1267 = vector.broadcast %xor3A_1266 : i32 to vector<16xi32>
      %xor3A_1268 = arith.xori %iota3A, %xor3A_1267 : vector<16xi32>
      %broadcast_in_dim3A_1269 = vector.shape_cast %xor3A_1268 : vector<16xi32> to vector<16x1xi32>
      %gather3A_1270 = vector.shape_cast %broadcast_in_dim3A_1269 : vector<16x1xi32> to vector<16xi32>
      %gather3A_1271 = tpu.dynamic_gather %max3A_1265[%gather3A_1270] in [0] : vector<16xf32>, vector<16xi32> -> vector<16xf32>
      %max3A_1272 = arith.maximumf %max3A_1265, %gather3A_1271 : vector<16xf32>
      %xor3A_1273 = arith.constant 4 : i32
      %xor3A_1274 = vector.broadcast %xor3A_1273 : i32 to vector<16xi32>
      %xor3A_1275 = arith.xori %iota3A, %xor3A_1274 : vector<16xi32>
      %broadcast_in_dim3A_1276 = vector.shape_cast %xor3A_1275 : vector<16xi32> to vector<16x1xi32>
      %gather3A_1277 = vector.shape_cast %broadcast_in_dim3A_1276 : vector<16x1xi32> to vector<16xi32>
      %gather3A_1278 = tpu.dynamic_gather %max3A_1272[%gather3A_1277] in [0] : vector<16xf32>, vector<16xi32> -> vector<16xf32>
      %max3A_1279 = arith.maximumf %max3A_1272, %gather3A_1278 : vector<16xf32>
      %xor3A_1280 = arith.constant 2 : i32
      %xor3A_1281 = vector.broadcast %xor3A_1280 : i32 to vector<16xi32>
      %xor3A_1282 = arith.xori %iota3A, %xor3A_1281 : vector<16xi32>
      %broadcast_in_dim3A_1283 = vector.shape_cast %xor3A_1282 : vector<16xi32> to vector<16x1xi32>
      %gather3A_1284 = vector.shape_cast %broadcast_in_dim3A_1283 : vector<16x1xi32> to vector<16xi32>
      %gather3A_1285 = tpu.dynamic_gather %max3A_1279[%gather3A_1284] in [0] : vector<16xf32>, vector<16xi32> -> vector<16xf32>
      %max3A_1286 = arith.maximumf %max3A_1279, %gather3A_1285 : vector<16xf32>
      %xor3A_1287 = arith.constant 1 : i32
      %xor3A_1288 = vector.broadcast %xor3A_1287 : i32 to vector<16xi32>
      %xor3A_1289 = arith.xori %iota3A, %xor3A_1288 : vector<16xi32>
      %broadcast_in_dim3A_1290 = vector.shape_cast %xor3A_1289 : vector<16xi32> to vector<16x1xi32>
      %gather3A_1291 = vector.shape_cast %broadcast_in_dim3A_1290 : vector<16x1xi32> to vector<16xi32>
      %gather3A_1292 = tpu.dynamic_gather %max3A_1286[%gather3A_1291] in [0] : vector<16xf32>, vector<16xi32> -> vector<16xf32>
      %max3A_1293 = arith.maximumf %max3A_1286, %gather3A_1292 : vector<16xf32>
      %eq3A_1294 = arith.cmpf oeq, %get3A_1247, %max3A_1293 : vector<16xf32>
      %broadcast_in_dim3A_1295 = vector.broadcast %scan3A_5 : i32 to vector<16xi32>
      %select_n3A_1296 = arith.select %eq3A_1294, %iota3A, %broadcast_in_dim3A_1295 : vector<16xi1>, vector<16xi32>
      %eq3A_1297 = arith.cmpf oeq, %get3A_1252, %max3A_1293 : vector<16xf32>
      %add3A_1298 = arith.constant 16 : i32
      %add3A_1299 = vector.broadcast %add3A_1298 : i32 to vector<16xi32>
      %add3A_1300 = arith.addi %iota3A, %add3A_1299 : vector<16xi32>
      %broadcast_in_dim3A_1301 = vector.broadcast %scan3A_5 : i32 to vector<16xi32>
      %select_n3A_1302 = arith.select %eq3A_1297, %add3A_1300, %broadcast_in_dim3A_1301 : vector<16xi1>, vector<16xi32>
      %eq3A_1303 = arith.cmpf oeq, %get3A_1257, %max3A_1293 : vector<16xf32>
      %add3A_1304 = arith.constant 32 : i32
      %add3A_1305 = vector.broadcast %add3A_1304 : i32 to vector<16xi32>
      %add3A_1306 = arith.addi %iota3A, %add3A_1305 : vector<16xi32>
      %broadcast_in_dim3A_1307 = vector.broadcast %scan3A_5 : i32 to vector<16xi32>
      %select_n3A_1308 = arith.select %eq3A_1303, %add3A_1306, %broadcast_in_dim3A_1307 : vector<16xi1>, vector<16xi32>
      %eq3A_1309 = arith.cmpf oeq, %get3A_1262, %max3A_1293 : vector<16xf32>
      %add3A_1310 = arith.constant 48 : i32
      %add3A_1311 = vector.broadcast %add3A_1310 : i32 to vector<16xi32>
      %add3A_1312 = arith.addi %iota3A, %add3A_1311 : vector<16xi32>
      %broadcast_in_dim3A_1313 = vector.broadcast %scan3A_5 : i32 to vector<16xi32>
      %select_n3A_1314 = arith.select %eq3A_1309, %add3A_1312, %broadcast_in_dim3A_1313 : vector<16xi1>, vector<16xi32>
      %min3A_1315 = arith.minsi %select_n3A_1296, %select_n3A_1302 : vector<16xi32>
      %min3A_1316 = arith.minsi %select_n3A_1308, %select_n3A_1314 : vector<16xi32>
      %min3A_1317 = arith.minsi %min3A_1315, %min3A_1316 : vector<16xi32>
      %xor3A_1318 = arith.constant 8 : i32
      %xor3A_1319 = vector.broadcast %xor3A_1318 : i32 to vector<16xi32>
      %xor3A_1320 = arith.xori %iota3A, %xor3A_1319 : vector<16xi32>
      %broadcast_in_dim3A_1321 = vector.shape_cast %xor3A_1320 : vector<16xi32> to vector<16x1xi32>
      %gather3A_1322 = vector.shape_cast %broadcast_in_dim3A_1321 : vector<16x1xi32> to vector<16xi32>
      %gather3A_1323 = tpu.dynamic_gather %min3A_1317[%gather3A_1322] in [0] : vector<16xi32>, vector<16xi32> -> vector<16xi32>
      %min3A_1324 = arith.minsi %min3A_1317, %gather3A_1323 : vector<16xi32>
      %xor3A_1325 = arith.constant 4 : i32
      %xor3A_1326 = vector.broadcast %xor3A_1325 : i32 to vector<16xi32>
      %xor3A_1327 = arith.xori %iota3A, %xor3A_1326 : vector<16xi32>
      %broadcast_in_dim3A_1328 = vector.shape_cast %xor3A_1327 : vector<16xi32> to vector<16x1xi32>
      %gather3A_1329 = vector.shape_cast %broadcast_in_dim3A_1328 : vector<16x1xi32> to vector<16xi32>
      %gather3A_1330 = tpu.dynamic_gather %min3A_1324[%gather3A_1329] in [0] : vector<16xi32>, vector<16xi32> -> vector<16xi32>
      %min3A_1331 = arith.minsi %min3A_1324, %gather3A_1330 : vector<16xi32>
      %xor3A_1332 = arith.constant 2 : i32
      %xor3A_1333 = vector.broadcast %xor3A_1332 : i32 to vector<16xi32>
      %xor3A_1334 = arith.xori %iota3A, %xor3A_1333 : vector<16xi32>
      %broadcast_in_dim3A_1335 = vector.shape_cast %xor3A_1334 : vector<16xi32> to vector<16x1xi32>
      %gather3A_1336 = vector.shape_cast %broadcast_in_dim3A_1335 : vector<16x1xi32> to vector<16xi32>
      %gather3A_1337 = tpu.dynamic_gather %min3A_1331[%gather3A_1336] in [0] : vector<16xi32>, vector<16xi32> -> vector<16xi32>
      %min3A_1338 = arith.minsi %min3A_1331, %gather3A_1337 : vector<16xi32>
      %xor3A_1339 = arith.constant 1 : i32
      %xor3A_1340 = vector.broadcast %xor3A_1339 : i32 to vector<16xi32>
      %xor3A_1341 = arith.xori %iota3A, %xor3A_1340 : vector<16xi32>
      %broadcast_in_dim3A_1342 = vector.shape_cast %xor3A_1341 : vector<16xi32> to vector<16x1xi32>
      %gather3A_1343 = vector.shape_cast %broadcast_in_dim3A_1342 : vector<16x1xi32> to vector<16xi32>
      %gather3A_1344 = tpu.dynamic_gather %min3A_1338[%gather3A_1343] in [0] : vector<16xi32>, vector<16xi32> -> vector<16xi32>
      %min3A_1345 = arith.minsi %min3A_1338, %gather3A_1344 : vector<16xi32>
      %sub3A_1346 = arith.subf %get3A_1247, %max3A_1293 : vector<16xf32>
      %exp3A_1347 = math.exp %sub3A_1346 : vector<16xf32>
      %sub3A_1348 = arith.subf %get3A_1252, %max3A_1293 : vector<16xf32>
      %exp3A_1349 = math.exp %sub3A_1348 : vector<16xf32>
      %sub3A_1350 = arith.subf %get3A_1257, %max3A_1293 : vector<16xf32>
      %exp3A_1351 = math.exp %sub3A_1350 : vector<16xf32>
      %sub3A_1352 = arith.subf %get3A_1262, %max3A_1293 : vector<16xf32>
      %exp3A_1353 = math.exp %sub3A_1352 : vector<16xf32>
      %add3A_1354 = arith.addf %exp3A_1347, %exp3A_1349 : vector<16xf32>
      %add3A_1355 = arith.addf %add3A_1354, %exp3A_1351 : vector<16xf32>
      %add3A_1356 = arith.addf %add3A_1355, %exp3A_1353 : vector<16xf32>
      %xor3A_1357 = arith.constant 8 : i32
      %xor3A_1358 = vector.broadcast %xor3A_1357 : i32 to vector<16xi32>
      %xor3A_1359 = arith.xori %iota3A, %xor3A_1358 : vector<16xi32>
      %broadcast_in_dim3A_1360 = vector.shape_cast %xor3A_1359 : vector<16xi32> to vector<16x1xi32>
      %gather3A_1361 = vector.shape_cast %broadcast_in_dim3A_1360 : vector<16x1xi32> to vector<16xi32>
      %gather3A_1362 = tpu.dynamic_gather %add3A_1356[%gather3A_1361] in [0] : vector<16xf32>, vector<16xi32> -> vector<16xf32>
      %add3A_1363 = arith.addf %add3A_1356, %gather3A_1362 : vector<16xf32>
      %xor3A_1364 = arith.constant 4 : i32
      %xor3A_1365 = vector.broadcast %xor3A_1364 : i32 to vector<16xi32>
      %xor3A_1366 = arith.xori %iota3A, %xor3A_1365 : vector<16xi32>
      %broadcast_in_dim3A_1367 = vector.shape_cast %xor3A_1366 : vector<16xi32> to vector<16x1xi32>
      %gather3A_1368 = vector.shape_cast %broadcast_in_dim3A_1367 : vector<16x1xi32> to vector<16xi32>
      %gather3A_1369 = tpu.dynamic_gather %add3A_1363[%gather3A_1368] in [0] : vector<16xf32>, vector<16xi32> -> vector<16xf32>
      %add3A_1370 = arith.addf %add3A_1363, %gather3A_1369 : vector<16xf32>
      %xor3A_1371 = arith.constant 2 : i32
      %xor3A_1372 = vector.broadcast %xor3A_1371 : i32 to vector<16xi32>
      %xor3A_1373 = arith.xori %iota3A, %xor3A_1372 : vector<16xi32>
      %broadcast_in_dim3A_1374 = vector.shape_cast %xor3A_1373 : vector<16xi32> to vector<16x1xi32>
      %gather3A_1375 = vector.shape_cast %broadcast_in_dim3A_1374 : vector<16x1xi32> to vector<16xi32>
      %gather3A_1376 = tpu.dynamic_gather %add3A_1370[%gather3A_1375] in [0] : vector<16xf32>, vector<16xi32> -> vector<16xf32>
      %add3A_1377 = arith.addf %add3A_1370, %gather3A_1376 : vector<16xf32>
      %xor3A_1378 = arith.constant 1 : i32
      %xor3A_1379 = vector.broadcast %xor3A_1378 : i32 to vector<16xi32>
      %xor3A_1380 = arith.xori %iota3A, %xor3A_1379 : vector<16xi32>
      %broadcast_in_dim3A_1381 = vector.shape_cast %xor3A_1380 : vector<16xi32> to vector<16x1xi32>
      %gather3A_1382 = vector.shape_cast %broadcast_in_dim3A_1381 : vector<16x1xi32> to vector<16xi32>
      %gather3A_1383 = tpu.dynamic_gather %add3A_1377[%gather3A_1382] in [0] : vector<16xf32>, vector<16xi32> -> vector<16xf32>
      %add3A_1384 = arith.addf %add3A_1377, %gather3A_1383 : vector<16xf32>
      %swap3A_1385 = arith.index_cast %mul3A_1244 : i32 to index
      %swap3A_1386 = tpu.vector_load %arg8[%swap3A_1385] {strides = array<i32>} : memref<16384xf32, #tpu.memory_space<vmem>>, vector<16xf32>,
      %swap3A_1387 = vector.shape_cast %swap3A_1386 : vector<16xf32> to vector<16xf32>
      %swap3A_1388 = vector.shape_cast %exp3A_1347 : vector<16xf32> to vector<16xf32>
      tpu.vector_store %arg8[%swap3A_1385], %swap3A_1388 {strides = array<i32>} : memref<16384xf32, #tpu.memory_space<vmem>>, vector<16xf32>,
      %add3A_1389 = arith.constant 16 : i32
      %add3A_1390 = arith.addi %mul3A_1244, %add3A_1389 : i32
      %swap3A_1391 = arith.index_cast %add3A_1390 : i32 to index
      %swap3A_1392 = tpu.vector_load %arg8[%swap3A_1391] {strides = array<i32>} : memref<16384xf32, #tpu.memory_space<vmem>>, vector<16xf32>,
      %swap3A_1393 = vector.shape_cast %swap3A_1392 : vector<16xf32> to vector<16xf32>
      %swap3A_1394 = vector.shape_cast %exp3A_1349 : vector<16xf32> to vector<16xf32>
      tpu.vector_store %arg8[%swap3A_1391], %swap3A_1394 {strides = array<i32>} : memref<16384xf32, #tpu.memory_space<vmem>>, vector<16xf32>,
      %add3A_1395 = arith.constant 32 : i32
      %add3A_1396 = arith.addi %mul3A_1244, %add3A_1395 : i32
      %swap3A_1397 = arith.index_cast %add3A_1396 : i32 to index
      %swap3A_1398 = tpu.vector_load %arg8[%swap3A_1397] {strides = array<i32>} : memref<16384xf32, #tpu.memory_space<vmem>>, vector<16xf32>,
      %swap3A_1399 = vector.shape_cast %swap3A_1398 : vector<16xf32> to vector<16xf32>
      %swap3A_1400 = vector.shape_cast %exp3A_1351 : vector<16xf32> to vector<16xf32>
      tpu.vector_store %arg8[%swap3A_1397], %swap3A_1400 {strides = array<i32>} : memref<16384xf32, #tpu.memory_space<vmem>>, vector<16xf32>,
      %add3A_1401 = arith.constant 48 : i32
      %add3A_1402 = arith.addi %mul3A_1244, %add3A_1401 : i32
      %swap3A_1403 = arith.index_cast %add3A_1402 : i32 to index
      %swap3A_1404 = tpu.vector_load %arg8[%swap3A_1403] {strides = array<i32>} : memref<16384xf32, #tpu.memory_space<vmem>>, vector<16xf32>,
      %swap3A_1405 = vector.shape_cast %swap3A_1404 : vector<16xf32> to vector<16xf32>
      %swap3A_1406 = vector.shape_cast %exp3A_1353 : vector<16xf32> to vector<16xf32>
      tpu.vector_store %arg8[%swap3A_1403], %swap3A_1406 {strides = array<i32>} : memref<16384xf32, #tpu.memory_space<vmem>>, vector<16xf32>,
      %eq3A_1407 = arith.constant 7 : i32
      %eq3A_1408 = vector.broadcast %eq3A_1407 : i32 to vector<16xi32>
      %eq3A_1409 = arith.cmpi eq, %iota3A, %eq3A_1408 : vector<16xi32>
      %select_n3A_1410 = arith.select %eq3A_1409, %min3A_1345, %select_n3A_1234 : vector<16xi1>, vector<16xi32>
      %eq3A_1411 = arith.constant 7 : i32
      %eq3A_1412 = vector.broadcast %eq3A_1411 : i32 to vector<16xi32>
      %eq3A_1413 = arith.cmpi eq, %iota3A, %eq3A_1412 : vector<16xi32>
      %select_n3A_1414 = arith.select %eq3A_1413, %add3A_1384, %select_n3A_1238 : vector<16xi1>, vector<16xf32>
      %mul3A_1415 = arith.constant 16 : i32
      %mul3A_1416 = arith.muli %scan3A_13, %mul3A_1415 : i32
      %add3A_1417 = arith.constant 8 : i32
      %add3A_1418 = arith.addi %mul3A_1416, %add3A_1417 : i32
      %mul3A_1419 = arith.constant 64 : i32
      %mul3A_1420 = arith.muli %add3A_1418, %mul3A_1419 : i32
      %get3A_1421 = arith.index_cast %mul3A_1420 : i32 to index
      %get3A_1422 = tpu.vector_load %arg6[%get3A_1421] {strides = array<i32>} : memref<16384xf32, #tpu.memory_space<vmem>>, vector<16xf32>,
      %get3A_1423 = vector.shape_cast %get3A_1422 : vector<16xf32> to vector<16xf32>
      %add3A_1424 = arith.constant 16 : i32
      %add3A_1425 = arith.addi %mul3A_1420, %add3A_1424 : i32
      %get3A_1426 = arith.index_cast %add3A_1425 : i32 to index
      %get3A_1427 = tpu.vector_load %arg6[%get3A_1426] {strides = array<i32>} : memref<16384xf32, #tpu.memory_space<vmem>>, vector<16xf32>,
      %get3A_1428 = vector.shape_cast %get3A_1427 : vector<16xf32> to vector<16xf32>
      %add3A_1429 = arith.constant 32 : i32
      %add3A_1430 = arith.addi %mul3A_1420, %add3A_1429 : i32
      %get3A_1431 = arith.index_cast %add3A_1430 : i32 to index
      %get3A_1432 = tpu.vector_load %arg6[%get3A_1431] {strides = array<i32>} : memref<16384xf32, #tpu.memory_space<vmem>>, vector<16xf32>,
      %get3A_1433 = vector.shape_cast %get3A_1432 : vector<16xf32> to vector<16xf32>
      %add3A_1434 = arith.constant 48 : i32
      %add3A_1435 = arith.addi %mul3A_1420, %add3A_1434 : i32
      %get3A_1436 = arith.index_cast %add3A_1435 : i32 to index
      %get3A_1437 = tpu.vector_load %arg6[%get3A_1436] {strides = array<i32>} : memref<16384xf32, #tpu.memory_space<vmem>>, vector<16xf32>,
      %get3A_1438 = vector.shape_cast %get3A_1437 : vector<16xf32> to vector<16xf32>
      %max3A_1439 = arith.maximumf %get3A_1423, %get3A_1428 : vector<16xf32>
      %max3A_1440 = arith.maximumf %get3A_1433, %get3A_1438 : vector<16xf32>
      %max3A_1441 = arith.maximumf %max3A_1439, %max3A_1440 : vector<16xf32>
      %xor3A_1442 = arith.constant 8 : i32
      %xor3A_1443 = vector.broadcast %xor3A_1442 : i32 to vector<16xi32>
      %xor3A_1444 = arith.xori %iota3A, %xor3A_1443 : vector<16xi32>
      %broadcast_in_dim3A_1445 = vector.shape_cast %xor3A_1444 : vector<16xi32> to vector<16x1xi32>
      %gather3A_1446 = vector.shape_cast %broadcast_in_dim3A_1445 : vector<16x1xi32> to vector<16xi32>
      %gather3A_1447 = tpu.dynamic_gather %max3A_1441[%gather3A_1446] in [0] : vector<16xf32>, vector<16xi32> -> vector<16xf32>
      %max3A_1448 = arith.maximumf %max3A_1441, %gather3A_1447 : vector<16xf32>
      %xor3A_1449 = arith.constant 4 : i32
      %xor3A_1450 = vector.broadcast %xor3A_1449 : i32 to vector<16xi32>
      %xor3A_1451 = arith.xori %iota3A, %xor3A_1450 : vector<16xi32>
      %broadcast_in_dim3A_1452 = vector.shape_cast %xor3A_1451 : vector<16xi32> to vector<16x1xi32>
      %gather3A_1453 = vector.shape_cast %broadcast_in_dim3A_1452 : vector<16x1xi32> to vector<16xi32>
      %gather3A_1454 = tpu.dynamic_gather %max3A_1448[%gather3A_1453] in [0] : vector<16xf32>, vector<16xi32> -> vector<16xf32>
      %max3A_1455 = arith.maximumf %max3A_1448, %gather3A_1454 : vector<16xf32>
      %xor3A_1456 = arith.constant 2 : i32
      %xor3A_1457 = vector.broadcast %xor3A_1456 : i32 to vector<16xi32>
      %xor3A_1458 = arith.xori %iota3A, %xor3A_1457 : vector<16xi32>
      %broadcast_in_dim3A_1459 = vector.shape_cast %xor3A_1458 : vector<16xi32> to vector<16x1xi32>
      %gather3A_1460 = vector.shape_cast %broadcast_in_dim3A_1459 : vector<16x1xi32> to vector<16xi32>
      %gather3A_1461 = tpu.dynamic_gather %max3A_1455[%gather3A_1460] in [0] : vector<16xf32>, vector<16xi32> -> vector<16xf32>
      %max3A_1462 = arith.maximumf %max3A_1455, %gather3A_1461 : vector<16xf32>
      %xor3A_1463 = arith.constant 1 : i32
      %xor3A_1464 = vector.broadcast %xor3A_1463 : i32 to vector<16xi32>
      %xor3A_1465 = arith.xori %iota3A, %xor3A_1464 : vector<16xi32>
      %broadcast_in_dim3A_1466 = vector.shape_cast %xor3A_1465 : vector<16xi32> to vector<16x1xi32>
      %gather3A_1467 = vector.shape_cast %broadcast_in_dim3A_1466 : vector<16x1xi32> to vector<16xi32>
      %gather3A_1468 = tpu.dynamic_gather %max3A_1462[%gather3A_1467] in [0] : vector<16xf32>, vector<16xi32> -> vector<16xf32>
      %max3A_1469 = arith.maximumf %max3A_1462, %gather3A_1468 : vector<16xf32>
      %eq3A_1470 = arith.cmpf oeq, %get3A_1423, %max3A_1469 : vector<16xf32>
      %broadcast_in_dim3A_1471 = vector.broadcast %scan3A_5 : i32 to vector<16xi32>
      %select_n3A_1472 = arith.select %eq3A_1470, %iota3A, %broadcast_in_dim3A_1471 : vector<16xi1>, vector<16xi32>
      %eq3A_1473 = arith.cmpf oeq, %get3A_1428, %max3A_1469 : vector<16xf32>
      %add3A_1474 = arith.constant 16 : i32
      %add3A_1475 = vector.broadcast %add3A_1474 : i32 to vector<16xi32>
      %add3A_1476 = arith.addi %iota3A, %add3A_1475 : vector<16xi32>
      %broadcast_in_dim3A_1477 = vector.broadcast %scan3A_5 : i32 to vector<16xi32>
      %select_n3A_1478 = arith.select %eq3A_1473, %add3A_1476, %broadcast_in_dim3A_1477 : vector<16xi1>, vector<16xi32>
      %eq3A_1479 = arith.cmpf oeq, %get3A_1433, %max3A_1469 : vector<16xf32>
      %add3A_1480 = arith.constant 32 : i32
      %add3A_1481 = vector.broadcast %add3A_1480 : i32 to vector<16xi32>
      %add3A_1482 = arith.addi %iota3A, %add3A_1481 : vector<16xi32>
      %broadcast_in_dim3A_1483 = vector.broadcast %scan3A_5 : i32 to vector<16xi32>
      %select_n3A_1484 = arith.select %eq3A_1479, %add3A_1482, %broadcast_in_dim3A_1483 : vector<16xi1>, vector<16xi32>
      %eq3A_1485 = arith.cmpf oeq, %get3A_1438, %max3A_1469 : vector<16xf32>
      %add3A_1486 = arith.constant 48 : i32
      %add3A_1487 = vector.broadcast %add3A_1486 : i32 to vector<16xi32>
      %add3A_1488 = arith.addi %iota3A, %add3A_1487 : vector<16xi32>
      %broadcast_in_dim3A_1489 = vector.broadcast %scan3A_5 : i32 to vector<16xi32>
      %select_n3A_1490 = arith.select %eq3A_1485, %add3A_1488, %broadcast_in_dim3A_1489 : vector<16xi1>, vector<16xi32>
      %min3A_1491 = arith.minsi %select_n3A_1472, %select_n3A_1478 : vector<16xi32>
      %min3A_1492 = arith.minsi %select_n3A_1484, %select_n3A_1490 : vector<16xi32>
      %min3A_1493 = arith.minsi %min3A_1491, %min3A_1492 : vector<16xi32>
      %xor3A_1494 = arith.constant 8 : i32
      %xor3A_1495 = vector.broadcast %xor3A_1494 : i32 to vector<16xi32>
      %xor3A_1496 = arith.xori %iota3A, %xor3A_1495 : vector<16xi32>
      %broadcast_in_dim3A_1497 = vector.shape_cast %xor3A_1496 : vector<16xi32> to vector<16x1xi32>
      %gather3A_1498 = vector.shape_cast %broadcast_in_dim3A_1497 : vector<16x1xi32> to vector<16xi32>
      %gather3A_1499 = tpu.dynamic_gather %min3A_1493[%gather3A_1498] in [0] : vector<16xi32>, vector<16xi32> -> vector<16xi32>
      %min3A_1500 = arith.minsi %min3A_1493, %gather3A_1499 : vector<16xi32>
      %xor3A_1501 = arith.constant 4 : i32
      %xor3A_1502 = vector.broadcast %xor3A_1501 : i32 to vector<16xi32>
      %xor3A_1503 = arith.xori %iota3A, %xor3A_1502 : vector<16xi32>
      %broadcast_in_dim3A_1504 = vector.shape_cast %xor3A_1503 : vector<16xi32> to vector<16x1xi32>
      %gather3A_1505 = vector.shape_cast %broadcast_in_dim3A_1504 : vector<16x1xi32> to vector<16xi32>
      %gather3A_1506 = tpu.dynamic_gather %min3A_1500[%gather3A_1505] in [0] : vector<16xi32>, vector<16xi32> -> vector<16xi32>
      %min3A_1507 = arith.minsi %min3A_1500, %gather3A_1506 : vector<16xi32>
      %xor3A_1508 = arith.constant 2 : i32
      %xor3A_1509 = vector.broadcast %xor3A_1508 : i32 to vector<16xi32>
      %xor3A_1510 = arith.xori %iota3A, %xor3A_1509 : vector<16xi32>
      %broadcast_in_dim3A_1511 = vector.shape_cast %xor3A_1510 : vector<16xi32> to vector<16x1xi32>
      %gather3A_1512 = vector.shape_cast %broadcast_in_dim3A_1511 : vector<16x1xi32> to vector<16xi32>
      %gather3A_1513 = tpu.dynamic_gather %min3A_1507[%gather3A_1512] in [0] : vector<16xi32>, vector<16xi32> -> vector<16xi32>
      %min3A_1514 = arith.minsi %min3A_1507, %gather3A_1513 : vector<16xi32>
      %xor3A_1515 = arith.constant 1 : i32
      %xor3A_1516 = vector.broadcast %xor3A_1515 : i32 to vector<16xi32>
      %xor3A_1517 = arith.xori %iota3A, %xor3A_1516 : vector<16xi32>
      %broadcast_in_dim3A_1518 = vector.shape_cast %xor3A_1517 : vector<16xi32> to vector<16x1xi32>
      %gather3A_1519 = vector.shape_cast %broadcast_in_dim3A_1518 : vector<16x1xi32> to vector<16xi32>
      %gather3A_1520 = tpu.dynamic_gather %min3A_1514[%gather3A_1519] in [0] : vector<16xi32>, vector<16xi32> -> vector<16xi32>
      %min3A_1521 = arith.minsi %min3A_1514, %gather3A_1520 : vector<16xi32>
      %sub3A_1522 = arith.subf %get3A_1423, %max3A_1469 : vector<16xf32>
      %exp3A_1523 = math.exp %sub3A_1522 : vector<16xf32>
      %sub3A_1524 = arith.subf %get3A_1428, %max3A_1469 : vector<16xf32>
      %exp3A_1525 = math.exp %sub3A_1524 : vector<16xf32>
      %sub3A_1526 = arith.subf %get3A_1433, %max3A_1469 : vector<16xf32>
      %exp3A_1527 = math.exp %sub3A_1526 : vector<16xf32>
      %sub3A_1528 = arith.subf %get3A_1438, %max3A_1469 : vector<16xf32>
      %exp3A_1529 = math.exp %sub3A_1528 : vector<16xf32>
      %add3A_1530 = arith.addf %exp3A_1523, %exp3A_1525 : vector<16xf32>
      %add3A_1531 = arith.addf %add3A_1530, %exp3A_1527 : vector<16xf32>
      %add3A_1532 = arith.addf %add3A_1531, %exp3A_1529 : vector<16xf32>
      %xor3A_1533 = arith.constant 8 : i32
      %xor3A_1534 = vector.broadcast %xor3A_1533 : i32 to vector<16xi32>
      %xor3A_1535 = arith.xori %iota3A, %xor3A_1534 : vector<16xi32>
      %broadcast_in_dim3A_1536 = vector.shape_cast %xor3A_1535 : vector<16xi32> to vector<16x1xi32>
      %gather3A_1537 = vector.shape_cast %broadcast_in_dim3A_1536 : vector<16x1xi32> to vector<16xi32>
      %gather3A_1538 = tpu.dynamic_gather %add3A_1532[%gather3A_1537] in [0] : vector<16xf32>, vector<16xi32> -> vector<16xf32>
      %add3A_1539 = arith.addf %add3A_1532, %gather3A_1538 : vector<16xf32>
      %xor3A_1540 = arith.constant 4 : i32
      %xor3A_1541 = vector.broadcast %xor3A_1540 : i32 to vector<16xi32>
      %xor3A_1542 = arith.xori %iota3A, %xor3A_1541 : vector<16xi32>
      %broadcast_in_dim3A_1543 = vector.shape_cast %xor3A_1542 : vector<16xi32> to vector<16x1xi32>
      %gather3A_1544 = vector.shape_cast %broadcast_in_dim3A_1543 : vector<16x1xi32> to vector<16xi32>
      %gather3A_1545 = tpu.dynamic_gather %add3A_1539[%gather3A_1544] in [0] : vector<16xf32>, vector<16xi32> -> vector<16xf32>
      %add3A_1546 = arith.addf %add3A_1539, %gather3A_1545 : vector<16xf32>
      %xor3A_1547 = arith.constant 2 : i32
      %xor3A_1548 = vector.broadcast %xor3A_1547 : i32 to vector<16xi32>
      %xor3A_1549 = arith.xori %iota3A, %xor3A_1548 : vector<16xi32>
      %broadcast_in_dim3A_1550 = vector.shape_cast %xor3A_1549 : vector<16xi32> to vector<16x1xi32>
      %gather3A_1551 = vector.shape_cast %broadcast_in_dim3A_1550 : vector<16x1xi32> to vector<16xi32>
      %gather3A_1552 = tpu.dynamic_gather %add3A_1546[%gather3A_1551] in [0] : vector<16xf32>, vector<16xi32> -> vector<16xf32>
      %add3A_1553 = arith.addf %add3A_1546, %gather3A_1552 : vector<16xf32>
      %xor3A_1554 = arith.constant 1 : i32
      %xor3A_1555 = vector.broadcast %xor3A_1554 : i32 to vector<16xi32>
      %xor3A_1556 = arith.xori %iota3A, %xor3A_1555 : vector<16xi32>
      %broadcast_in_dim3A_1557 = vector.shape_cast %xor3A_1556 : vector<16xi32> to vector<16x1xi32>
      %gather3A_1558 = vector.shape_cast %broadcast_in_dim3A_1557 : vector<16x1xi32> to vector<16xi32>
      %gather3A_1559 = tpu.dynamic_gather %add3A_1553[%gather3A_1558] in [0] : vector<16xf32>, vector<16xi32> -> vector<16xf32>
      %add3A_1560 = arith.addf %add3A_1553, %gather3A_1559 : vector<16xf32>
      %swap3A_1561 = arith.index_cast %mul3A_1420 : i32 to index
      %swap3A_1562 = tpu.vector_load %arg8[%swap3A_1561] {strides = array<i32>} : memref<16384xf32, #tpu.memory_space<vmem>>, vector<16xf32>,
      %swap3A_1563 = vector.shape_cast %swap3A_1562 : vector<16xf32> to vector<16xf32>
      %swap3A_1564 = vector.shape_cast %exp3A_1523 : vector<16xf32> to vector<16xf32>
      tpu.vector_store %arg8[%swap3A_1561], %swap3A_1564 {strides = array<i32>} : memref<16384xf32, #tpu.memory_space<vmem>>, vector<16xf32>,
      %add3A_1565 = arith.constant 16 : i32
      %add3A_1566 = arith.addi %mul3A_1420, %add3A_1565 : i32
      %swap3A_1567 = arith.index_cast %add3A_1566 : i32 to index
      %swap3A_1568 = tpu.vector_load %arg8[%swap3A_1567] {strides = array<i32>} : memref<16384xf32, #tpu.memory_space<vmem>>, vector<16xf32>,
      %swap3A_1569 = vector.shape_cast %swap3A_1568 : vector<16xf32> to vector<16xf32>
      %swap3A_1570 = vector.shape_cast %exp3A_1525 : vector<16xf32> to vector<16xf32>
      tpu.vector_store %arg8[%swap3A_1567], %swap3A_1570 {strides = array<i32>} : memref<16384xf32, #tpu.memory_space<vmem>>, vector<16xf32>,
      %add3A_1571 = arith.constant 32 : i32
      %add3A_1572 = arith.addi %mul3A_1420, %add3A_1571 : i32
      %swap3A_1573 = arith.index_cast %add3A_1572 : i32 to index
      %swap3A_1574 = tpu.vector_load %arg8[%swap3A_1573] {strides = array<i32>} : memref<16384xf32, #tpu.memory_space<vmem>>, vector<16xf32>,
      %swap3A_1575 = vector.shape_cast %swap3A_1574 : vector<16xf32> to vector<16xf32>
      %swap3A_1576 = vector.shape_cast %exp3A_1527 : vector<16xf32> to vector<16xf32>
      tpu.vector_store %arg8[%swap3A_1573], %swap3A_1576 {strides = array<i32>} : memref<16384xf32, #tpu.memory_space<vmem>>, vector<16xf32>,
      %add3A_1577 = arith.constant 48 : i32
      %add3A_1578 = arith.addi %mul3A_1420, %add3A_1577 : i32
      %swap3A_1579 = arith.index_cast %add3A_1578 : i32 to index
      %swap3A_1580 = tpu.vector_load %arg8[%swap3A_1579] {strides = array<i32>} : memref<16384xf32, #tpu.memory_space<vmem>>, vector<16xf32>,
      %swap3A_1581 = vector.shape_cast %swap3A_1580 : vector<16xf32> to vector<16xf32>
      %swap3A_1582 = vector.shape_cast %exp3A_1529 : vector<16xf32> to vector<16xf32>
      tpu.vector_store %arg8[%swap3A_1579], %swap3A_1582 {strides = array<i32>} : memref<16384xf32, #tpu.memory_space<vmem>>, vector<16xf32>,
      %eq3A_1583 = arith.constant 8 : i32
      %eq3A_1584 = vector.broadcast %eq3A_1583 : i32 to vector<16xi32>
      %eq3A_1585 = arith.cmpi eq, %iota3A, %eq3A_1584 : vector<16xi32>
      %select_n3A_1586 = arith.select %eq3A_1585, %min3A_1521, %select_n3A_1410 : vector<16xi1>, vector<16xi32>
      %eq3A_1587 = arith.constant 8 : i32
      %eq3A_1588 = vector.broadcast %eq3A_1587 : i32 to vector<16xi32>
      %eq3A_1589 = arith.cmpi eq, %iota3A, %eq3A_1588 : vector<16xi32>
      %select_n3A_1590 = arith.select %eq3A_1589, %add3A_1560, %select_n3A_1414 : vector<16xi1>, vector<16xf32>
      %mul3A_1591 = arith.constant 16 : i32
      %mul3A_1592 = arith.muli %scan3A_13, %mul3A_1591 : i32
      %add3A_1593 = arith.constant 9 : i32
      %add3A_1594 = arith.addi %mul3A_1592, %add3A_1593 : i32
      %mul3A_1595 = arith.constant 64 : i32
      %mul3A_1596 = arith.muli %add3A_1594, %mul3A_1595 : i32
      %get3A_1597 = arith.index_cast %mul3A_1596 : i32 to index
      %get3A_1598 = tpu.vector_load %arg6[%get3A_1597] {strides = array<i32>} : memref<16384xf32, #tpu.memory_space<vmem>>, vector<16xf32>,
      %get3A_1599 = vector.shape_cast %get3A_1598 : vector<16xf32> to vector<16xf32>
      %add3A_1600 = arith.constant 16 : i32
      %add3A_1601 = arith.addi %mul3A_1596, %add3A_1600 : i32
      %get3A_1602 = arith.index_cast %add3A_1601 : i32 to index
      %get3A_1603 = tpu.vector_load %arg6[%get3A_1602] {strides = array<i32>} : memref<16384xf32, #tpu.memory_space<vmem>>, vector<16xf32>,
      %get3A_1604 = vector.shape_cast %get3A_1603 : vector<16xf32> to vector<16xf32>
      %add3A_1605 = arith.constant 32 : i32
      %add3A_1606 = arith.addi %mul3A_1596, %add3A_1605 : i32
      %get3A_1607 = arith.index_cast %add3A_1606 : i32 to index
      %get3A_1608 = tpu.vector_load %arg6[%get3A_1607] {strides = array<i32>} : memref<16384xf32, #tpu.memory_space<vmem>>, vector<16xf32>,
      %get3A_1609 = vector.shape_cast %get3A_1608 : vector<16xf32> to vector<16xf32>
      %add3A_1610 = arith.constant 48 : i32
      %add3A_1611 = arith.addi %mul3A_1596, %add3A_1610 : i32
      %get3A_1612 = arith.index_cast %add3A_1611 : i32 to index
      %get3A_1613 = tpu.vector_load %arg6[%get3A_1612] {strides = array<i32>} : memref<16384xf32, #tpu.memory_space<vmem>>, vector<16xf32>,
      %get3A_1614 = vector.shape_cast %get3A_1613 : vector<16xf32> to vector<16xf32>
      %max3A_1615 = arith.maximumf %get3A_1599, %get3A_1604 : vector<16xf32>
      %max3A_1616 = arith.maximumf %get3A_1609, %get3A_1614 : vector<16xf32>
      %max3A_1617 = arith.maximumf %max3A_1615, %max3A_1616 : vector<16xf32>
      %xor3A_1618 = arith.constant 8 : i32
      %xor3A_1619 = vector.broadcast %xor3A_1618 : i32 to vector<16xi32>
      %xor3A_1620 = arith.xori %iota3A, %xor3A_1619 : vector<16xi32>
      %broadcast_in_dim3A_1621 = vector.shape_cast %xor3A_1620 : vector<16xi32> to vector<16x1xi32>
      %gather3A_1622 = vector.shape_cast %broadcast_in_dim3A_1621 : vector<16x1xi32> to vector<16xi32>
      %gather3A_1623 = tpu.dynamic_gather %max3A_1617[%gather3A_1622] in [0] : vector<16xf32>, vector<16xi32> -> vector<16xf32>
      %max3A_1624 = arith.maximumf %max3A_1617, %gather3A_1623 : vector<16xf32>
      %xor3A_1625 = arith.constant 4 : i32
      %xor3A_1626 = vector.broadcast %xor3A_1625 : i32 to vector<16xi32>
      %xor3A_1627 = arith.xori %iota3A, %xor3A_1626 : vector<16xi32>
      %broadcast_in_dim3A_1628 = vector.shape_cast %xor3A_1627 : vector<16xi32> to vector<16x1xi32>
      %gather3A_1629 = vector.shape_cast %broadcast_in_dim3A_1628 : vector<16x1xi32> to vector<16xi32>
      %gather3A_1630 = tpu.dynamic_gather %max3A_1624[%gather3A_1629] in [0] : vector<16xf32>, vector<16xi32> -> vector<16xf32>
      %max3A_1631 = arith.maximumf %max3A_1624, %gather3A_1630 : vector<16xf32>
      %xor3A_1632 = arith.constant 2 : i32
      %xor3A_1633 = vector.broadcast %xor3A_1632 : i32 to vector<16xi32>
      %xor3A_1634 = arith.xori %iota3A, %xor3A_1633 : vector<16xi32>
      %broadcast_in_dim3A_1635 = vector.shape_cast %xor3A_1634 : vector<16xi32> to vector<16x1xi32>
      %gather3A_1636 = vector.shape_cast %broadcast_in_dim3A_1635 : vector<16x1xi32> to vector<16xi32>
      %gather3A_1637 = tpu.dynamic_gather %max3A_1631[%gather3A_1636] in [0] : vector<16xf32>, vector<16xi32> -> vector<16xf32>
      %max3A_1638 = arith.maximumf %max3A_1631, %gather3A_1637 : vector<16xf32>
      %xor3A_1639 = arith.constant 1 : i32
      %xor3A_1640 = vector.broadcast %xor3A_1639 : i32 to vector<16xi32>
      %xor3A_1641 = arith.xori %iota3A, %xor3A_1640 : vector<16xi32>
      %broadcast_in_dim3A_1642 = vector.shape_cast %xor3A_1641 : vector<16xi32> to vector<16x1xi32>
      %gather3A_1643 = vector.shape_cast %broadcast_in_dim3A_1642 : vector<16x1xi32> to vector<16xi32>
      %gather3A_1644 = tpu.dynamic_gather %max3A_1638[%gather3A_1643] in [0] : vector<16xf32>, vector<16xi32> -> vector<16xf32>
      %max3A_1645 = arith.maximumf %max3A_1638, %gather3A_1644 : vector<16xf32>
      %eq3A_1646 = arith.cmpf oeq, %get3A_1599, %max3A_1645 : vector<16xf32>
      %broadcast_in_dim3A_1647 = vector.broadcast %scan3A_5 : i32 to vector<16xi32>
      %select_n3A_1648 = arith.select %eq3A_1646, %iota3A, %broadcast_in_dim3A_1647 : vector<16xi1>, vector<16xi32>
      %eq3A_1649 = arith.cmpf oeq, %get3A_1604, %max3A_1645 : vector<16xf32>
      %add3A_1650 = arith.constant 16 : i32
      %add3A_1651 = vector.broadcast %add3A_1650 : i32 to vector<16xi32>
      %add3A_1652 = arith.addi %iota3A, %add3A_1651 : vector<16xi32>
      %broadcast_in_dim3A_1653 = vector.broadcast %scan3A_5 : i32 to vector<16xi32>
      %select_n3A_1654 = arith.select %eq3A_1649, %add3A_1652, %broadcast_in_dim3A_1653 : vector<16xi1>, vector<16xi32>
      %eq3A_1655 = arith.cmpf oeq, %get3A_1609, %max3A_1645 : vector<16xf32>
      %add3A_1656 = arith.constant 32 : i32
      %add3A_1657 = vector.broadcast %add3A_1656 : i32 to vector<16xi32>
      %add3A_1658 = arith.addi %iota3A, %add3A_1657 : vector<16xi32>
      %broadcast_in_dim3A_1659 = vector.broadcast %scan3A_5 : i32 to vector<16xi32>
      %select_n3A_1660 = arith.select %eq3A_1655, %add3A_1658, %broadcast_in_dim3A_1659 : vector<16xi1>, vector<16xi32>
      %eq3A_1661 = arith.cmpf oeq, %get3A_1614, %max3A_1645 : vector<16xf32>
      %add3A_1662 = arith.constant 48 : i32
      %add3A_1663 = vector.broadcast %add3A_1662 : i32 to vector<16xi32>
      %add3A_1664 = arith.addi %iota3A, %add3A_1663 : vector<16xi32>
      %broadcast_in_dim3A_1665 = vector.broadcast %scan3A_5 : i32 to vector<16xi32>
      %select_n3A_1666 = arith.select %eq3A_1661, %add3A_1664, %broadcast_in_dim3A_1665 : vector<16xi1>, vector<16xi32>
      %min3A_1667 = arith.minsi %select_n3A_1648, %select_n3A_1654 : vector<16xi32>
      %min3A_1668 = arith.minsi %select_n3A_1660, %select_n3A_1666 : vector<16xi32>
      %min3A_1669 = arith.minsi %min3A_1667, %min3A_1668 : vector<16xi32>
      %xor3A_1670 = arith.constant 8 : i32
      %xor3A_1671 = vector.broadcast %xor3A_1670 : i32 to vector<16xi32>
      %xor3A_1672 = arith.xori %iota3A, %xor3A_1671 : vector<16xi32>
      %broadcast_in_dim3A_1673 = vector.shape_cast %xor3A_1672 : vector<16xi32> to vector<16x1xi32>
      %gather3A_1674 = vector.shape_cast %broadcast_in_dim3A_1673 : vector<16x1xi32> to vector<16xi32>
      %gather3A_1675 = tpu.dynamic_gather %min3A_1669[%gather3A_1674] in [0] : vector<16xi32>, vector<16xi32> -> vector<16xi32>
      %min3A_1676 = arith.minsi %min3A_1669, %gather3A_1675 : vector<16xi32>
      %xor3A_1677 = arith.constant 4 : i32
      %xor3A_1678 = vector.broadcast %xor3A_1677 : i32 to vector<16xi32>
      %xor3A_1679 = arith.xori %iota3A, %xor3A_1678 : vector<16xi32>
      %broadcast_in_dim3A_1680 = vector.shape_cast %xor3A_1679 : vector<16xi32> to vector<16x1xi32>
      %gather3A_1681 = vector.shape_cast %broadcast_in_dim3A_1680 : vector<16x1xi32> to vector<16xi32>
      %gather3A_1682 = tpu.dynamic_gather %min3A_1676[%gather3A_1681] in [0] : vector<16xi32>, vector<16xi32> -> vector<16xi32>
      %min3A_1683 = arith.minsi %min3A_1676, %gather3A_1682 : vector<16xi32>
      %xor3A_1684 = arith.constant 2 : i32
      %xor3A_1685 = vector.broadcast %xor3A_1684 : i32 to vector<16xi32>
      %xor3A_1686 = arith.xori %iota3A, %xor3A_1685 : vector<16xi32>
      %broadcast_in_dim3A_1687 = vector.shape_cast %xor3A_1686 : vector<16xi32> to vector<16x1xi32>
      %gather3A_1688 = vector.shape_cast %broadcast_in_dim3A_1687 : vector<16x1xi32> to vector<16xi32>
      %gather3A_1689 = tpu.dynamic_gather %min3A_1683[%gather3A_1688] in [0] : vector<16xi32>, vector<16xi32> -> vector<16xi32>
      %min3A_1690 = arith.minsi %min3A_1683, %gather3A_1689 : vector<16xi32>
      %xor3A_1691 = arith.constant 1 : i32
      %xor3A_1692 = vector.broadcast %xor3A_1691 : i32 to vector<16xi32>
      %xor3A_1693 = arith.xori %iota3A, %xor3A_1692 : vector<16xi32>
      %broadcast_in_dim3A_1694 = vector.shape_cast %xor3A_1693 : vector<16xi32> to vector<16x1xi32>
      %gather3A_1695 = vector.shape_cast %broadcast_in_dim3A_1694 : vector<16x1xi32> to vector<16xi32>
      %gather3A_1696 = tpu.dynamic_gather %min3A_1690[%gather3A_1695] in [0] : vector<16xi32>, vector<16xi32> -> vector<16xi32>
      %min3A_1697 = arith.minsi %min3A_1690, %gather3A_1696 : vector<16xi32>
      %sub3A_1698 = arith.subf %get3A_1599, %max3A_1645 : vector<16xf32>
      %exp3A_1699 = math.exp %sub3A_1698 : vector<16xf32>
      %sub3A_1700 = arith.subf %get3A_1604, %max3A_1645 : vector<16xf32>
      %exp3A_1701 = math.exp %sub3A_1700 : vector<16xf32>
      %sub3A_1702 = arith.subf %get3A_1609, %max3A_1645 : vector<16xf32>
      %exp3A_1703 = math.exp %sub3A_1702 : vector<16xf32>
      %sub3A_1704 = arith.subf %get3A_1614, %max3A_1645 : vector<16xf32>
      %exp3A_1705 = math.exp %sub3A_1704 : vector<16xf32>
      %add3A_1706 = arith.addf %exp3A_1699, %exp3A_1701 : vector<16xf32>
      %add3A_1707 = arith.addf %add3A_1706, %exp3A_1703 : vector<16xf32>
      %add3A_1708 = arith.addf %add3A_1707, %exp3A_1705 : vector<16xf32>
      %xor3A_1709 = arith.constant 8 : i32
      %xor3A_1710 = vector.broadcast %xor3A_1709 : i32 to vector<16xi32>
      %xor3A_1711 = arith.xori %iota3A, %xor3A_1710 : vector<16xi32>
      %broadcast_in_dim3A_1712 = vector.shape_cast %xor3A_1711 : vector<16xi32> to vector<16x1xi32>
      %gather3A_1713 = vector.shape_cast %broadcast_in_dim3A_1712 : vector<16x1xi32> to vector<16xi32>
      %gather3A_1714 = tpu.dynamic_gather %add3A_1708[%gather3A_1713] in [0] : vector<16xf32>, vector<16xi32> -> vector<16xf32>
      %add3A_1715 = arith.addf %add3A_1708, %gather3A_1714 : vector<16xf32>
      %xor3A_1716 = arith.constant 4 : i32
      %xor3A_1717 = vector.broadcast %xor3A_1716 : i32 to vector<16xi32>
      %xor3A_1718 = arith.xori %iota3A, %xor3A_1717 : vector<16xi32>
      %broadcast_in_dim3A_1719 = vector.shape_cast %xor3A_1718 : vector<16xi32> to vector<16x1xi32>
      %gather3A_1720 = vector.shape_cast %broadcast_in_dim3A_1719 : vector<16x1xi32> to vector<16xi32>
      %gather3A_1721 = tpu.dynamic_gather %add3A_1715[%gather3A_1720] in [0] : vector<16xf32>, vector<16xi32> -> vector<16xf32>
      %add3A_1722 = arith.addf %add3A_1715, %gather3A_1721 : vector<16xf32>
      %xor3A_1723 = arith.constant 2 : i32
      %xor3A_1724 = vector.broadcast %xor3A_1723 : i32 to vector<16xi32>
      %xor3A_1725 = arith.xori %iota3A, %xor3A_1724 : vector<16xi32>
      %broadcast_in_dim3A_1726 = vector.shape_cast %xor3A_1725 : vector<16xi32> to vector<16x1xi32>
      %gather3A_1727 = vector.shape_cast %broadcast_in_dim3A_1726 : vector<16x1xi32> to vector<16xi32>
      %gather3A_1728 = tpu.dynamic_gather %add3A_1722[%gather3A_1727] in [0] : vector<16xf32>, vector<16xi32> -> vector<16xf32>
      %add3A_1729 = arith.addf %add3A_1722, %gather3A_1728 : vector<16xf32>
      %xor3A_1730 = arith.constant 1 : i32
      %xor3A_1731 = vector.broadcast %xor3A_1730 : i32 to vector<16xi32>
      %xor3A_1732 = arith.xori %iota3A, %xor3A_1731 : vector<16xi32>
      %broadcast_in_dim3A_1733 = vector.shape_cast %xor3A_1732 : vector<16xi32> to vector<16x1xi32>
      %gather3A_1734 = vector.shape_cast %broadcast_in_dim3A_1733 : vector<16x1xi32> to vector<16xi32>
      %gather3A_1735 = tpu.dynamic_gather %add3A_1729[%gather3A_1734] in [0] : vector<16xf32>, vector<16xi32> -> vector<16xf32>
      %add3A_1736 = arith.addf %add3A_1729, %gather3A_1735 : vector<16xf32>
      %swap3A_1737 = arith.index_cast %mul3A_1596 : i32 to index
      %swap3A_1738 = tpu.vector_load %arg8[%swap3A_1737] {strides = array<i32>} : memref<16384xf32, #tpu.memory_space<vmem>>, vector<16xf32>,
      %swap3A_1739 = vector.shape_cast %swap3A_1738 : vector<16xf32> to vector<16xf32>
      %swap3A_1740 = vector.shape_cast %exp3A_1699 : vector<16xf32> to vector<16xf32>
      tpu.vector_store %arg8[%swap3A_1737], %swap3A_1740 {strides = array<i32>} : memref<16384xf32, #tpu.memory_space<vmem>>, vector<16xf32>,
      %add3A_1741 = arith.constant 16 : i32
      %add3A_1742 = arith.addi %mul3A_1596, %add3A_1741 : i32
      %swap3A_1743 = arith.index_cast %add3A_1742 : i32 to index
      %swap3A_1744 = tpu.vector_load %arg8[%swap3A_1743] {strides = array<i32>} : memref<16384xf32, #tpu.memory_space<vmem>>, vector<16xf32>,
      %swap3A_1745 = vector.shape_cast %swap3A_1744 : vector<16xf32> to vector<16xf32>
      %swap3A_1746 = vector.shape_cast %exp3A_1701 : vector<16xf32> to vector<16xf32>
      tpu.vector_store %arg8[%swap3A_1743], %swap3A_1746 {strides = array<i32>} : memref<16384xf32, #tpu.memory_space<vmem>>, vector<16xf32>,
      %add3A_1747 = arith.constant 32 : i32
      %add3A_1748 = arith.addi %mul3A_1596, %add3A_1747 : i32
      %swap3A_1749 = arith.index_cast %add3A_1748 : i32 to index
      %swap3A_1750 = tpu.vector_load %arg8[%swap3A_1749] {strides = array<i32>} : memref<16384xf32, #tpu.memory_space<vmem>>, vector<16xf32>,
      %swap3A_1751 = vector.shape_cast %swap3A_1750 : vector<16xf32> to vector<16xf32>
      %swap3A_1752 = vector.shape_cast %exp3A_1703 : vector<16xf32> to vector<16xf32>
      tpu.vector_store %arg8[%swap3A_1749], %swap3A_1752 {strides = array<i32>} : memref<16384xf32, #tpu.memory_space<vmem>>, vector<16xf32>,
      %add3A_1753 = arith.constant 48 : i32
      %add3A_1754 = arith.addi %mul3A_1596, %add3A_1753 : i32
      %swap3A_1755 = arith.index_cast %add3A_1754 : i32 to index
      %swap3A_1756 = tpu.vector_load %arg8[%swap3A_1755] {strides = array<i32>} : memref<16384xf32, #tpu.memory_space<vmem>>, vector<16xf32>,
      %swap3A_1757 = vector.shape_cast %swap3A_1756 : vector<16xf32> to vector<16xf32>
      %swap3A_1758 = vector.shape_cast %exp3A_1705 : vector<16xf32> to vector<16xf32>
      tpu.vector_store %arg8[%swap3A_1755], %swap3A_1758 {strides = array<i32>} : memref<16384xf32, #tpu.memory_space<vmem>>, vector<16xf32>,
      %eq3A_1759 = arith.constant 9 : i32
      %eq3A_1760 = vector.broadcast %eq3A_1759 : i32 to vector<16xi32>
      %eq3A_1761 = arith.cmpi eq, %iota3A, %eq3A_1760 : vector<16xi32>
      %select_n3A_1762 = arith.select %eq3A_1761, %min3A_1697, %select_n3A_1586 : vector<16xi1>, vector<16xi32>
      %eq3A_1763 = arith.constant 9 : i32
      %eq3A_1764 = vector.broadcast %eq3A_1763 : i32 to vector<16xi32>
      %eq3A_1765 = arith.cmpi eq, %iota3A, %eq3A_1764 : vector<16xi32>
      %select_n3A_1766 = arith.select %eq3A_1765, %add3A_1736, %select_n3A_1590 : vector<16xi1>, vector<16xf32>
      %mul3A_1767 = arith.constant 16 : i32
      %mul3A_1768 = arith.muli %scan3A_13, %mul3A_1767 : i32
      %add3A_1769 = arith.constant 10 : i32
      %add3A_1770 = arith.addi %mul3A_1768, %add3A_1769 : i32
      %mul3A_1771 = arith.constant 64 : i32
      %mul3A_1772 = arith.muli %add3A_1770, %mul3A_1771 : i32
      %get3A_1773 = arith.index_cast %mul3A_1772 : i32 to index
      %get3A_1774 = tpu.vector_load %arg6[%get3A_1773] {strides = array<i32>} : memref<16384xf32, #tpu.memory_space<vmem>>, vector<16xf32>,
      %get3A_1775 = vector.shape_cast %get3A_1774 : vector<16xf32> to vector<16xf32>
      %add3A_1776 = arith.constant 16 : i32
      %add3A_1777 = arith.addi %mul3A_1772, %add3A_1776 : i32
      %get3A_1778 = arith.index_cast %add3A_1777 : i32 to index
      %get3A_1779 = tpu.vector_load %arg6[%get3A_1778] {strides = array<i32>} : memref<16384xf32, #tpu.memory_space<vmem>>, vector<16xf32>,
      %get3A_1780 = vector.shape_cast %get3A_1779 : vector<16xf32> to vector<16xf32>
      %add3A_1781 = arith.constant 32 : i32
      %add3A_1782 = arith.addi %mul3A_1772, %add3A_1781 : i32
      %get3A_1783 = arith.index_cast %add3A_1782 : i32 to index
      %get3A_1784 = tpu.vector_load %arg6[%get3A_1783] {strides = array<i32>} : memref<16384xf32, #tpu.memory_space<vmem>>, vector<16xf32>,
      %get3A_1785 = vector.shape_cast %get3A_1784 : vector<16xf32> to vector<16xf32>
      %add3A_1786 = arith.constant 48 : i32
      %add3A_1787 = arith.addi %mul3A_1772, %add3A_1786 : i32
      %get3A_1788 = arith.index_cast %add3A_1787 : i32 to index
      %get3A_1789 = tpu.vector_load %arg6[%get3A_1788] {strides = array<i32>} : memref<16384xf32, #tpu.memory_space<vmem>>, vector<16xf32>,
      %get3A_1790 = vector.shape_cast %get3A_1789 : vector<16xf32> to vector<16xf32>
      %max3A_1791 = arith.maximumf %get3A_1775, %get3A_1780 : vector<16xf32>
      %max3A_1792 = arith.maximumf %get3A_1785, %get3A_1790 : vector<16xf32>
      %max3A_1793 = arith.maximumf %max3A_1791, %max3A_1792 : vector<16xf32>
      %xor3A_1794 = arith.constant 8 : i32
      %xor3A_1795 = vector.broadcast %xor3A_1794 : i32 to vector<16xi32>
      %xor3A_1796 = arith.xori %iota3A, %xor3A_1795 : vector<16xi32>
      %broadcast_in_dim3A_1797 = vector.shape_cast %xor3A_1796 : vector<16xi32> to vector<16x1xi32>
      %gather3A_1798 = vector.shape_cast %broadcast_in_dim3A_1797 : vector<16x1xi32> to vector<16xi32>
      %gather3A_1799 = tpu.dynamic_gather %max3A_1793[%gather3A_1798] in [0] : vector<16xf32>, vector<16xi32> -> vector<16xf32>
      %max3A_1800 = arith.maximumf %max3A_1793, %gather3A_1799 : vector<16xf32>
      %xor3A_1801 = arith.constant 4 : i32
      %xor3A_1802 = vector.broadcast %xor3A_1801 : i32 to vector<16xi32>
      %xor3A_1803 = arith.xori %iota3A, %xor3A_1802 : vector<16xi32>
      %broadcast_in_dim3A_1804 = vector.shape_cast %xor3A_1803 : vector<16xi32> to vector<16x1xi32>
      %gather3A_1805 = vector.shape_cast %broadcast_in_dim3A_1804 : vector<16x1xi32> to vector<16xi32>
      %gather3A_1806 = tpu.dynamic_gather %max3A_1800[%gather3A_1805] in [0] : vector<16xf32>, vector<16xi32> -> vector<16xf32>
      %max3A_1807 = arith.maximumf %max3A_1800, %gather3A_1806 : vector<16xf32>
      %xor3A_1808 = arith.constant 2 : i32
      %xor3A_1809 = vector.broadcast %xor3A_1808 : i32 to vector<16xi32>
      %xor3A_1810 = arith.xori %iota3A, %xor3A_1809 : vector<16xi32>
      %broadcast_in_dim3A_1811 = vector.shape_cast %xor3A_1810 : vector<16xi32> to vector<16x1xi32>
      %gather3A_1812 = vector.shape_cast %broadcast_in_dim3A_1811 : vector<16x1xi32> to vector<16xi32>
      %gather3A_1813 = tpu.dynamic_gather %max3A_1807[%gather3A_1812] in [0] : vector<16xf32>, vector<16xi32> -> vector<16xf32>
      %max3A_1814 = arith.maximumf %max3A_1807, %gather3A_1813 : vector<16xf32>
      %xor3A_1815 = arith.constant 1 : i32
      %xor3A_1816 = vector.broadcast %xor3A_1815 : i32 to vector<16xi32>
      %xor3A_1817 = arith.xori %iota3A, %xor3A_1816 : vector<16xi32>
      %broadcast_in_dim3A_1818 = vector.shape_cast %xor3A_1817 : vector<16xi32> to vector<16x1xi32>
      %gather3A_1819 = vector.shape_cast %broadcast_in_dim3A_1818 : vector<16x1xi32> to vector<16xi32>
      %gather3A_1820 = tpu.dynamic_gather %max3A_1814[%gather3A_1819] in [0] : vector<16xf32>, vector<16xi32> -> vector<16xf32>
      %max3A_1821 = arith.maximumf %max3A_1814, %gather3A_1820 : vector<16xf32>
      %eq3A_1822 = arith.cmpf oeq, %get3A_1775, %max3A_1821 : vector<16xf32>
      %broadcast_in_dim3A_1823 = vector.broadcast %scan3A_5 : i32 to vector<16xi32>
      %select_n3A_1824 = arith.select %eq3A_1822, %iota3A, %broadcast_in_dim3A_1823 : vector<16xi1>, vector<16xi32>
      %eq3A_1825 = arith.cmpf oeq, %get3A_1780, %max3A_1821 : vector<16xf32>
      %add3A_1826 = arith.constant 16 : i32
      %add3A_1827 = vector.broadcast %add3A_1826 : i32 to vector<16xi32>
      %add3A_1828 = arith.addi %iota3A, %add3A_1827 : vector<16xi32>
      %broadcast_in_dim3A_1829 = vector.broadcast %scan3A_5 : i32 to vector<16xi32>
      %select_n3A_1830 = arith.select %eq3A_1825, %add3A_1828, %broadcast_in_dim3A_1829 : vector<16xi1>, vector<16xi32>
      %eq3A_1831 = arith.cmpf oeq, %get3A_1785, %max3A_1821 : vector<16xf32>
      %add3A_1832 = arith.constant 32 : i32
      %add3A_1833 = vector.broadcast %add3A_1832 : i32 to vector<16xi32>
      %add3A_1834 = arith.addi %iota3A, %add3A_1833 : vector<16xi32>
      %broadcast_in_dim3A_1835 = vector.broadcast %scan3A_5 : i32 to vector<16xi32>
      %select_n3A_1836 = arith.select %eq3A_1831, %add3A_1834, %broadcast_in_dim3A_1835 : vector<16xi1>, vector<16xi32>
      %eq3A_1837 = arith.cmpf oeq, %get3A_1790, %max3A_1821 : vector<16xf32>
      %add3A_1838 = arith.constant 48 : i32
      %add3A_1839 = vector.broadcast %add3A_1838 : i32 to vector<16xi32>
      %add3A_1840 = arith.addi %iota3A, %add3A_1839 : vector<16xi32>
      %broadcast_in_dim3A_1841 = vector.broadcast %scan3A_5 : i32 to vector<16xi32>
      %select_n3A_1842 = arith.select %eq3A_1837, %add3A_1840, %broadcast_in_dim3A_1841 : vector<16xi1>, vector<16xi32>
      %min3A_1843 = arith.minsi %select_n3A_1824, %select_n3A_1830 : vector<16xi32>
      %min3A_1844 = arith.minsi %select_n3A_1836, %select_n3A_1842 : vector<16xi32>
      %min3A_1845 = arith.minsi %min3A_1843, %min3A_1844 : vector<16xi32>
      %xor3A_1846 = arith.constant 8 : i32
      %xor3A_1847 = vector.broadcast %xor3A_1846 : i32 to vector<16xi32>
      %xor3A_1848 = arith.xori %iota3A, %xor3A_1847 : vector<16xi32>
      %broadcast_in_dim3A_1849 = vector.shape_cast %xor3A_1848 : vector<16xi32> to vector<16x1xi32>
      %gather3A_1850 = vector.shape_cast %broadcast_in_dim3A_1849 : vector<16x1xi32> to vector<16xi32>
      %gather3A_1851 = tpu.dynamic_gather %min3A_1845[%gather3A_1850] in [0] : vector<16xi32>, vector<16xi32> -> vector<16xi32>
      %min3A_1852 = arith.minsi %min3A_1845, %gather3A_1851 : vector<16xi32>
      %xor3A_1853 = arith.constant 4 : i32
      %xor3A_1854 = vector.broadcast %xor3A_1853 : i32 to vector<16xi32>
      %xor3A_1855 = arith.xori %iota3A, %xor3A_1854 : vector<16xi32>
      %broadcast_in_dim3A_1856 = vector.shape_cast %xor3A_1855 : vector<16xi32> to vector<16x1xi32>
      %gather3A_1857 = vector.shape_cast %broadcast_in_dim3A_1856 : vector<16x1xi32> to vector<16xi32>
      %gather3A_1858 = tpu.dynamic_gather %min3A_1852[%gather3A_1857] in [0] : vector<16xi32>, vector<16xi32> -> vector<16xi32>
      %min3A_1859 = arith.minsi %min3A_1852, %gather3A_1858 : vector<16xi32>
      %xor3A_1860 = arith.constant 2 : i32
      %xor3A_1861 = vector.broadcast %xor3A_1860 : i32 to vector<16xi32>
      %xor3A_1862 = arith.xori %iota3A, %xor3A_1861 : vector<16xi32>
      %broadcast_in_dim3A_1863 = vector.shape_cast %xor3A_1862 : vector<16xi32> to vector<16x1xi32>
      %gather3A_1864 = vector.shape_cast %broadcast_in_dim3A_1863 : vector<16x1xi32> to vector<16xi32>
      %gather3A_1865 = tpu.dynamic_gather %min3A_1859[%gather3A_1864] in [0] : vector<16xi32>, vector<16xi32> -> vector<16xi32>
      %min3A_1866 = arith.minsi %min3A_1859, %gather3A_1865 : vector<16xi32>
      %xor3A_1867 = arith.constant 1 : i32
      %xor3A_1868 = vector.broadcast %xor3A_1867 : i32 to vector<16xi32>
      %xor3A_1869 = arith.xori %iota3A, %xor3A_1868 : vector<16xi32>
      %broadcast_in_dim3A_1870 = vector.shape_cast %xor3A_1869 : vector<16xi32> to vector<16x1xi32>
      %gather3A_1871 = vector.shape_cast %broadcast_in_dim3A_1870 : vector<16x1xi32> to vector<16xi32>
      %gather3A_1872 = tpu.dynamic_gather %min3A_1866[%gather3A_1871] in [0] : vector<16xi32>, vector<16xi32> -> vector<16xi32>
      %min3A_1873 = arith.minsi %min3A_1866, %gather3A_1872 : vector<16xi32>
      %sub3A_1874 = arith.subf %get3A_1775, %max3A_1821 : vector<16xf32>
      %exp3A_1875 = math.exp %sub3A_1874 : vector<16xf32>
      %sub3A_1876 = arith.subf %get3A_1780, %max3A_1821 : vector<16xf32>
      %exp3A_1877 = math.exp %sub3A_1876 : vector<16xf32>
      %sub3A_1878 = arith.subf %get3A_1785, %max3A_1821 : vector<16xf32>
      %exp3A_1879 = math.exp %sub3A_1878 : vector<16xf32>
      %sub3A_1880 = arith.subf %get3A_1790, %max3A_1821 : vector<16xf32>
      %exp3A_1881 = math.exp %sub3A_1880 : vector<16xf32>
      %add3A_1882 = arith.addf %exp3A_1875, %exp3A_1877 : vector<16xf32>
      %add3A_1883 = arith.addf %add3A_1882, %exp3A_1879 : vector<16xf32>
      %add3A_1884 = arith.addf %add3A_1883, %exp3A_1881 : vector<16xf32>
      %xor3A_1885 = arith.constant 8 : i32
      %xor3A_1886 = vector.broadcast %xor3A_1885 : i32 to vector<16xi32>
      %xor3A_1887 = arith.xori %iota3A, %xor3A_1886 : vector<16xi32>
      %broadcast_in_dim3A_1888 = vector.shape_cast %xor3A_1887 : vector<16xi32> to vector<16x1xi32>
      %gather3A_1889 = vector.shape_cast %broadcast_in_dim3A_1888 : vector<16x1xi32> to vector<16xi32>
      %gather3A_1890 = tpu.dynamic_gather %add3A_1884[%gather3A_1889] in [0] : vector<16xf32>, vector<16xi32> -> vector<16xf32>
      %add3A_1891 = arith.addf %add3A_1884, %gather3A_1890 : vector<16xf32>
      %xor3A_1892 = arith.constant 4 : i32
      %xor3A_1893 = vector.broadcast %xor3A_1892 : i32 to vector<16xi32>
      %xor3A_1894 = arith.xori %iota3A, %xor3A_1893 : vector<16xi32>
      %broadcast_in_dim3A_1895 = vector.shape_cast %xor3A_1894 : vector<16xi32> to vector<16x1xi32>
      %gather3A_1896 = vector.shape_cast %broadcast_in_dim3A_1895 : vector<16x1xi32> to vector<16xi32>
      %gather3A_1897 = tpu.dynamic_gather %add3A_1891[%gather3A_1896] in [0] : vector<16xf32>, vector<16xi32> -> vector<16xf32>
      %add3A_1898 = arith.addf %add3A_1891, %gather3A_1897 : vector<16xf32>
      %xor3A_1899 = arith.constant 2 : i32
      %xor3A_1900 = vector.broadcast %xor3A_1899 : i32 to vector<16xi32>
      %xor3A_1901 = arith.xori %iota3A, %xor3A_1900 : vector<16xi32>
      %broadcast_in_dim3A_1902 = vector.shape_cast %xor3A_1901 : vector<16xi32> to vector<16x1xi32>
      %gather3A_1903 = vector.shape_cast %broadcast_in_dim3A_1902 : vector<16x1xi32> to vector<16xi32>
      %gather3A_1904 = tpu.dynamic_gather %add3A_1898[%gather3A_1903] in [0] : vector<16xf32>, vector<16xi32> -> vector<16xf32>
      %add3A_1905 = arith.addf %add3A_1898, %gather3A_1904 : vector<16xf32>
      %xor3A_1906 = arith.constant 1 : i32
      %xor3A_1907 = vector.broadcast %xor3A_1906 : i32 to vector<16xi32>
      %xor3A_1908 = arith.xori %iota3A, %xor3A_1907 : vector<16xi32>
      %broadcast_in_dim3A_1909 = vector.shape_cast %xor3A_1908 : vector<16xi32> to vector<16x1xi32>
      %gather3A_1910 = vector.shape_cast %broadcast_in_dim3A_1909 : vector<16x1xi32> to vector<16xi32>
      %gather3A_1911 = tpu.dynamic_gather %add3A_1905[%gather3A_1910] in [0] : vector<16xf32>, vector<16xi32> -> vector<16xf32>
      %add3A_1912 = arith.addf %add3A_1905, %gather3A_1911 : vector<16xf32>
      %swap3A_1913 = arith.index_cast %mul3A_1772 : i32 to index
      %swap3A_1914 = tpu.vector_load %arg8[%swap3A_1913] {strides = array<i32>} : memref<16384xf32, #tpu.memory_space<vmem>>, vector<16xf32>,
      %swap3A_1915 = vector.shape_cast %swap3A_1914 : vector<16xf32> to vector<16xf32>
      %swap3A_1916 = vector.shape_cast %exp3A_1875 : vector<16xf32> to vector<16xf32>
      tpu.vector_store %arg8[%swap3A_1913], %swap3A_1916 {strides = array<i32>} : memref<16384xf32, #tpu.memory_space<vmem>>, vector<16xf32>,
      %add3A_1917 = arith.constant 16 : i32
      %add3A_1918 = arith.addi %mul3A_1772, %add3A_1917 : i32
      %swap3A_1919 = arith.index_cast %add3A_1918 : i32 to index
      %swap3A_1920 = tpu.vector_load %arg8[%swap3A_1919] {strides = array<i32>} : memref<16384xf32, #tpu.memory_space<vmem>>, vector<16xf32>,
      %swap3A_1921 = vector.shape_cast %swap3A_1920 : vector<16xf32> to vector<16xf32>
      %swap3A_1922 = vector.shape_cast %exp3A_1877 : vector<16xf32> to vector<16xf32>
      tpu.vector_store %arg8[%swap3A_1919], %swap3A_1922 {strides = array<i32>} : memref<16384xf32, #tpu.memory_space<vmem>>, vector<16xf32>,
      %add3A_1923 = arith.constant 32 : i32
      %add3A_1924 = arith.addi %mul3A_1772, %add3A_1923 : i32
      %swap3A_1925 = arith.index_cast %add3A_1924 : i32 to index
      %swap3A_1926 = tpu.vector_load %arg8[%swap3A_1925] {strides = array<i32>} : memref<16384xf32, #tpu.memory_space<vmem>>, vector<16xf32>,
      %swap3A_1927 = vector.shape_cast %swap3A_1926 : vector<16xf32> to vector<16xf32>
      %swap3A_1928 = vector.shape_cast %exp3A_1879 : vector<16xf32> to vector<16xf32>
      tpu.vector_store %arg8[%swap3A_1925], %swap3A_1928 {strides = array<i32>} : memref<16384xf32, #tpu.memory_space<vmem>>, vector<16xf32>,
      %add3A_1929 = arith.constant 48 : i32
      %add3A_1930 = arith.addi %mul3A_1772, %add3A_1929 : i32
      %swap3A_1931 = arith.index_cast %add3A_1930 : i32 to index
      %swap3A_1932 = tpu.vector_load %arg8[%swap3A_1931] {strides = array<i32>} : memref<16384xf32, #tpu.memory_space<vmem>>, vector<16xf32>,
      %swap3A_1933 = vector.shape_cast %swap3A_1932 : vector<16xf32> to vector<16xf32>
      %swap3A_1934 = vector.shape_cast %exp3A_1881 : vector<16xf32> to vector<16xf32>
      tpu.vector_store %arg8[%swap3A_1931], %swap3A_1934 {strides = array<i32>} : memref<16384xf32, #tpu.memory_space<vmem>>, vector<16xf32>,
      %eq3A_1935 = arith.constant 10 : i32
      %eq3A_1936 = vector.broadcast %eq3A_1935 : i32 to vector<16xi32>
      %eq3A_1937 = arith.cmpi eq, %iota3A, %eq3A_1936 : vector<16xi32>
      %select_n3A_1938 = arith.select %eq3A_1937, %min3A_1873, %select_n3A_1762 : vector<16xi1>, vector<16xi32>
      %eq3A_1939 = arith.constant 10 : i32
      %eq3A_1940 = vector.broadcast %eq3A_1939 : i32 to vector<16xi32>
      %eq3A_1941 = arith.cmpi eq, %iota3A, %eq3A_1940 : vector<16xi32>
      %select_n3A_1942 = arith.select %eq3A_1941, %add3A_1912, %select_n3A_1766 : vector<16xi1>, vector<16xf32>
      %mul3A_1943 = arith.constant 16 : i32
      %mul3A_1944 = arith.muli %scan3A_13, %mul3A_1943 : i32
      %add3A_1945 = arith.constant 11 : i32
      %add3A_1946 = arith.addi %mul3A_1944, %add3A_1945 : i32
      %mul3A_1947 = arith.constant 64 : i32
      %mul3A_1948 = arith.muli %add3A_1946, %mul3A_1947 : i32
      %get3A_1949 = arith.index_cast %mul3A_1948 : i32 to index
      %get3A_1950 = tpu.vector_load %arg6[%get3A_1949] {strides = array<i32>} : memref<16384xf32, #tpu.memory_space<vmem>>, vector<16xf32>,
      %get3A_1951 = vector.shape_cast %get3A_1950 : vector<16xf32> to vector<16xf32>
      %add3A_1952 = arith.constant 16 : i32
      %add3A_1953 = arith.addi %mul3A_1948, %add3A_1952 : i32
      %get3A_1954 = arith.index_cast %add3A_1953 : i32 to index
      %get3A_1955 = tpu.vector_load %arg6[%get3A_1954] {strides = array<i32>} : memref<16384xf32, #tpu.memory_space<vmem>>, vector<16xf32>,
      %get3A_1956 = vector.shape_cast %get3A_1955 : vector<16xf32> to vector<16xf32>
      %add3A_1957 = arith.constant 32 : i32
      %add3A_1958 = arith.addi %mul3A_1948, %add3A_1957 : i32
      %get3A_1959 = arith.index_cast %add3A_1958 : i32 to index
      %get3A_1960 = tpu.vector_load %arg6[%get3A_1959] {strides = array<i32>} : memref<16384xf32, #tpu.memory_space<vmem>>, vector<16xf32>,
      %get3A_1961 = vector.shape_cast %get3A_1960 : vector<16xf32> to vector<16xf32>
      %add3A_1962 = arith.constant 48 : i32
      %add3A_1963 = arith.addi %mul3A_1948, %add3A_1962 : i32
      %get3A_1964 = arith.index_cast %add3A_1963 : i32 to index
      %get3A_1965 = tpu.vector_load %arg6[%get3A_1964] {strides = array<i32>} : memref<16384xf32, #tpu.memory_space<vmem>>, vector<16xf32>,
      %get3A_1966 = vector.shape_cast %get3A_1965 : vector<16xf32> to vector<16xf32>
      %max3A_1967 = arith.maximumf %get3A_1951, %get3A_1956 : vector<16xf32>
      %max3A_1968 = arith.maximumf %get3A_1961, %get3A_1966 : vector<16xf32>
      %max3A_1969 = arith.maximumf %max3A_1967, %max3A_1968 : vector<16xf32>
      %xor3A_1970 = arith.constant 8 : i32
      %xor3A_1971 = vector.broadcast %xor3A_1970 : i32 to vector<16xi32>
      %xor3A_1972 = arith.xori %iota3A, %xor3A_1971 : vector<16xi32>
      %broadcast_in_dim3A_1973 = vector.shape_cast %xor3A_1972 : vector<16xi32> to vector<16x1xi32>
      %gather3A_1974 = vector.shape_cast %broadcast_in_dim3A_1973 : vector<16x1xi32> to vector<16xi32>
      %gather3A_1975 = tpu.dynamic_gather %max3A_1969[%gather3A_1974] in [0] : vector<16xf32>, vector<16xi32> -> vector<16xf32>
      %max3A_1976 = arith.maximumf %max3A_1969, %gather3A_1975 : vector<16xf32>
      %xor3A_1977 = arith.constant 4 : i32
      %xor3A_1978 = vector.broadcast %xor3A_1977 : i32 to vector<16xi32>
      %xor3A_1979 = arith.xori %iota3A, %xor3A_1978 : vector<16xi32>
      %broadcast_in_dim3A_1980 = vector.shape_cast %xor3A_1979 : vector<16xi32> to vector<16x1xi32>
      %gather3A_1981 = vector.shape_cast %broadcast_in_dim3A_1980 : vector<16x1xi32> to vector<16xi32>
      %gather3A_1982 = tpu.dynamic_gather %max3A_1976[%gather3A_1981] in [0] : vector<16xf32>, vector<16xi32> -> vector<16xf32>
      %max3A_1983 = arith.maximumf %max3A_1976, %gather3A_1982 : vector<16xf32>
      %xor3A_1984 = arith.constant 2 : i32
      %xor3A_1985 = vector.broadcast %xor3A_1984 : i32 to vector<16xi32>
      %xor3A_1986 = arith.xori %iota3A, %xor3A_1985 : vector<16xi32>
      %broadcast_in_dim3A_1987 = vector.shape_cast %xor3A_1986 : vector<16xi32> to vector<16x1xi32>
      %gather3A_1988 = vector.shape_cast %broadcast_in_dim3A_1987 : vector<16x1xi32> to vector<16xi32>
      %gather3A_1989 = tpu.dynamic_gather %max3A_1983[%gather3A_1988] in [0] : vector<16xf32>, vector<16xi32> -> vector<16xf32>
      %max3A_1990 = arith.maximumf %max3A_1983, %gather3A_1989 : vector<16xf32>
      %xor3A_1991 = arith.constant 1 : i32
      %xor3A_1992 = vector.broadcast %xor3A_1991 : i32 to vector<16xi32>
      %xor3A_1993 = arith.xori %iota3A, %xor3A_1992 : vector<16xi32>
      %broadcast_in_dim3A_1994 = vector.shape_cast %xor3A_1993 : vector<16xi32> to vector<16x1xi32>
      %gather3A_1995 = vector.shape_cast %broadcast_in_dim3A_1994 : vector<16x1xi32> to vector<16xi32>
      %gather3A_1996 = tpu.dynamic_gather %max3A_1990[%gather3A_1995] in [0] : vector<16xf32>, vector<16xi32> -> vector<16xf32>
      %max3A_1997 = arith.maximumf %max3A_1990, %gather3A_1996 : vector<16xf32>
      %eq3A_1998 = arith.cmpf oeq, %get3A_1951, %max3A_1997 : vector<16xf32>
      %broadcast_in_dim3A_1999 = vector.broadcast %scan3A_5 : i32 to vector<16xi32>
      %select_n3A_2000 = arith.select %eq3A_1998, %iota3A, %broadcast_in_dim3A_1999 : vector<16xi1>, vector<16xi32>
      %eq3A_2001 = arith.cmpf oeq, %get3A_1956, %max3A_1997 : vector<16xf32>
      %add3A_2002 = arith.constant 16 : i32
      %add3A_2003 = vector.broadcast %add3A_2002 : i32 to vector<16xi32>
      %add3A_2004 = arith.addi %iota3A, %add3A_2003 : vector<16xi32>
      %broadcast_in_dim3A_2005 = vector.broadcast %scan3A_5 : i32 to vector<16xi32>
      %select_n3A_2006 = arith.select %eq3A_2001, %add3A_2004, %broadcast_in_dim3A_2005 : vector<16xi1>, vector<16xi32>
      %eq3A_2007 = arith.cmpf oeq, %get3A_1961, %max3A_1997 : vector<16xf32>
      %add3A_2008 = arith.constant 32 : i32
      %add3A_2009 = vector.broadcast %add3A_2008 : i32 to vector<16xi32>
      %add3A_2010 = arith.addi %iota3A, %add3A_2009 : vector<16xi32>
      %broadcast_in_dim3A_2011 = vector.broadcast %scan3A_5 : i32 to vector<16xi32>
      %select_n3A_2012 = arith.select %eq3A_2007, %add3A_2010, %broadcast_in_dim3A_2011 : vector<16xi1>, vector<16xi32>
      %eq3A_2013 = arith.cmpf oeq, %get3A_1966, %max3A_1997 : vector<16xf32>
      %add3A_2014 = arith.constant 48 : i32
      %add3A_2015 = vector.broadcast %add3A_2014 : i32 to vector<16xi32>
      %add3A_2016 = arith.addi %iota3A, %add3A_2015 : vector<16xi32>
      %broadcast_in_dim3A_2017 = vector.broadcast %scan3A_5 : i32 to vector<16xi32>
      %select_n3A_2018 = arith.select %eq3A_2013, %add3A_2016, %broadcast_in_dim3A_2017 : vector<16xi1>, vector<16xi32>
      %min3A_2019 = arith.minsi %select_n3A_2000, %select_n3A_2006 : vector<16xi32>
      %min3A_2020 = arith.minsi %select_n3A_2012, %select_n3A_2018 : vector<16xi32>
      %min3A_2021 = arith.minsi %min3A_2019, %min3A_2020 : vector<16xi32>
      %xor3A_2022 = arith.constant 8 : i32
      %xor3A_2023 = vector.broadcast %xor3A_2022 : i32 to vector<16xi32>
      %xor3A_2024 = arith.xori %iota3A, %xor3A_2023 : vector<16xi32>
      %broadcast_in_dim3A_2025 = vector.shape_cast %xor3A_2024 : vector<16xi32> to vector<16x1xi32>
      %gather3A_2026 = vector.shape_cast %broadcast_in_dim3A_2025 : vector<16x1xi32> to vector<16xi32>
      %gather3A_2027 = tpu.dynamic_gather %min3A_2021[%gather3A_2026] in [0] : vector<16xi32>, vector<16xi32> -> vector<16xi32>
      %min3A_2028 = arith.minsi %min3A_2021, %gather3A_2027 : vector<16xi32>
      %xor3A_2029 = arith.constant 4 : i32
      %xor3A_2030 = vector.broadcast %xor3A_2029 : i32 to vector<16xi32>
      %xor3A_2031 = arith.xori %iota3A, %xor3A_2030 : vector<16xi32>
      %broadcast_in_dim3A_2032 = vector.shape_cast %xor3A_2031 : vector<16xi32> to vector<16x1xi32>
      %gather3A_2033 = vector.shape_cast %broadcast_in_dim3A_2032 : vector<16x1xi32> to vector<16xi32>
      %gather3A_2034 = tpu.dynamic_gather %min3A_2028[%gather3A_2033] in [0] : vector<16xi32>, vector<16xi32> -> vector<16xi32>
      %min3A_2035 = arith.minsi %min3A_2028, %gather3A_2034 : vector<16xi32>
      %xor3A_2036 = arith.constant 2 : i32
      %xor3A_2037 = vector.broadcast %xor3A_2036 : i32 to vector<16xi32>
      %xor3A_2038 = arith.xori %iota3A, %xor3A_2037 : vector<16xi32>
      %broadcast_in_dim3A_2039 = vector.shape_cast %xor3A_2038 : vector<16xi32> to vector<16x1xi32>
      %gather3A_2040 = vector.shape_cast %broadcast_in_dim3A_2039 : vector<16x1xi32> to vector<16xi32>
      %gather3A_2041 = tpu.dynamic_gather %min3A_2035[%gather3A_2040] in [0] : vector<16xi32>, vector<16xi32> -> vector<16xi32>
      %min3A_2042 = arith.minsi %min3A_2035, %gather3A_2041 : vector<16xi32>
      %xor3A_2043 = arith.constant 1 : i32
      %xor3A_2044 = vector.broadcast %xor3A_2043 : i32 to vector<16xi32>
      %xor3A_2045 = arith.xori %iota3A, %xor3A_2044 : vector<16xi32>
      %broadcast_in_dim3A_2046 = vector.shape_cast %xor3A_2045 : vector<16xi32> to vector<16x1xi32>
      %gather3A_2047 = vector.shape_cast %broadcast_in_dim3A_2046 : vector<16x1xi32> to vector<16xi32>
      %gather3A_2048 = tpu.dynamic_gather %min3A_2042[%gather3A_2047] in [0] : vector<16xi32>, vector<16xi32> -> vector<16xi32>
      %min3A_2049 = arith.minsi %min3A_2042, %gather3A_2048 : vector<16xi32>
      %sub3A_2050 = arith.subf %get3A_1951, %max3A_1997 : vector<16xf32>
      %exp3A_2051 = math.exp %sub3A_2050 : vector<16xf32>
      %sub3A_2052 = arith.subf %get3A_1956, %max3A_1997 : vector<16xf32>
      %exp3A_2053 = math.exp %sub3A_2052 : vector<16xf32>
      %sub3A_2054 = arith.subf %get3A_1961, %max3A_1997 : vector<16xf32>
      %exp3A_2055 = math.exp %sub3A_2054 : vector<16xf32>
      %sub3A_2056 = arith.subf %get3A_1966, %max3A_1997 : vector<16xf32>
      %exp3A_2057 = math.exp %sub3A_2056 : vector<16xf32>
      %add3A_2058 = arith.addf %exp3A_2051, %exp3A_2053 : vector<16xf32>
      %add3A_2059 = arith.addf %add3A_2058, %exp3A_2055 : vector<16xf32>
      %add3A_2060 = arith.addf %add3A_2059, %exp3A_2057 : vector<16xf32>
      %xor3A_2061 = arith.constant 8 : i32
      %xor3A_2062 = vector.broadcast %xor3A_2061 : i32 to vector<16xi32>
      %xor3A_2063 = arith.xori %iota3A, %xor3A_2062 : vector<16xi32>
      %broadcast_in_dim3A_2064 = vector.shape_cast %xor3A_2063 : vector<16xi32> to vector<16x1xi32>
      %gather3A_2065 = vector.shape_cast %broadcast_in_dim3A_2064 : vector<16x1xi32> to vector<16xi32>
      %gather3A_2066 = tpu.dynamic_gather %add3A_2060[%gather3A_2065] in [0] : vector<16xf32>, vector<16xi32> -> vector<16xf32>
      %add3A_2067 = arith.addf %add3A_2060, %gather3A_2066 : vector<16xf32>
      %xor3A_2068 = arith.constant 4 : i32
      %xor3A_2069 = vector.broadcast %xor3A_2068 : i32 to vector<16xi32>
      %xor3A_2070 = arith.xori %iota3A, %xor3A_2069 : vector<16xi32>
      %broadcast_in_dim3A_2071 = vector.shape_cast %xor3A_2070 : vector<16xi32> to vector<16x1xi32>
      %gather3A_2072 = vector.shape_cast %broadcast_in_dim3A_2071 : vector<16x1xi32> to vector<16xi32>
      %gather3A_2073 = tpu.dynamic_gather %add3A_2067[%gather3A_2072] in [0] : vector<16xf32>, vector<16xi32> -> vector<16xf32>
      %add3A_2074 = arith.addf %add3A_2067, %gather3A_2073 : vector<16xf32>
      %xor3A_2075 = arith.constant 2 : i32
      %xor3A_2076 = vector.broadcast %xor3A_2075 : i32 to vector<16xi32>
      %xor3A_2077 = arith.xori %iota3A, %xor3A_2076 : vector<16xi32>
      %broadcast_in_dim3A_2078 = vector.shape_cast %xor3A_2077 : vector<16xi32> to vector<16x1xi32>
      %gather3A_2079 = vector.shape_cast %broadcast_in_dim3A_2078 : vector<16x1xi32> to vector<16xi32>
      %gather3A_2080 = tpu.dynamic_gather %add3A_2074[%gather3A_2079] in [0] : vector<16xf32>, vector<16xi32> -> vector<16xf32>
      %add3A_2081 = arith.addf %add3A_2074, %gather3A_2080 : vector<16xf32>
      %xor3A_2082 = arith.constant 1 : i32
      %xor3A_2083 = vector.broadcast %xor3A_2082 : i32 to vector<16xi32>
      %xor3A_2084 = arith.xori %iota3A, %xor3A_2083 : vector<16xi32>
      %broadcast_in_dim3A_2085 = vector.shape_cast %xor3A_2084 : vector<16xi32> to vector<16x1xi32>
      %gather3A_2086 = vector.shape_cast %broadcast_in_dim3A_2085 : vector<16x1xi32> to vector<16xi32>
      %gather3A_2087 = tpu.dynamic_gather %add3A_2081[%gather3A_2086] in [0] : vector<16xf32>, vector<16xi32> -> vector<16xf32>
      %add3A_2088 = arith.addf %add3A_2081, %gather3A_2087 : vector<16xf32>
      %swap3A_2089 = arith.index_cast %mul3A_1948 : i32 to index
      %swap3A_2090 = tpu.vector_load %arg8[%swap3A_2089] {strides = array<i32>} : memref<16384xf32, #tpu.memory_space<vmem>>, vector<16xf32>,
      %swap3A_2091 = vector.shape_cast %swap3A_2090 : vector<16xf32> to vector<16xf32>
      %swap3A_2092 = vector.shape_cast %exp3A_2051 : vector<16xf32> to vector<16xf32>
      tpu.vector_store %arg8[%swap3A_2089], %swap3A_2092 {strides = array<i32>} : memref<16384xf32, #tpu.memory_space<vmem>>, vector<16xf32>,
      %add3A_2093 = arith.constant 16 : i32
      %add3A_2094 = arith.addi %mul3A_1948, %add3A_2093 : i32
      %swap3A_2095 = arith.index_cast %add3A_2094 : i32 to index
      %swap3A_2096 = tpu.vector_load %arg8[%swap3A_2095] {strides = array<i32>} : memref<16384xf32, #tpu.memory_space<vmem>>, vector<16xf32>,
      %swap3A_2097 = vector.shape_cast %swap3A_2096 : vector<16xf32> to vector<16xf32>
      %swap3A_2098 = vector.shape_cast %exp3A_2053 : vector<16xf32> to vector<16xf32>
      tpu.vector_store %arg8[%swap3A_2095], %swap3A_2098 {strides = array<i32>} : memref<16384xf32, #tpu.memory_space<vmem>>, vector<16xf32>,
      %add3A_2099 = arith.constant 32 : i32
      %add3A_2100 = arith.addi %mul3A_1948, %add3A_2099 : i32
      %swap3A_2101 = arith.index_cast %add3A_2100 : i32 to index
      %swap3A_2102 = tpu.vector_load %arg8[%swap3A_2101] {strides = array<i32>} : memref<16384xf32, #tpu.memory_space<vmem>>, vector<16xf32>,
      %swap3A_2103 = vector.shape_cast %swap3A_2102 : vector<16xf32> to vector<16xf32>
      %swap3A_2104 = vector.shape_cast %exp3A_2055 : vector<16xf32> to vector<16xf32>
      tpu.vector_store %arg8[%swap3A_2101], %swap3A_2104 {strides = array<i32>} : memref<16384xf32, #tpu.memory_space<vmem>>, vector<16xf32>,
      %add3A_2105 = arith.constant 48 : i32
      %add3A_2106 = arith.addi %mul3A_1948, %add3A_2105 : i32
      %swap3A_2107 = arith.index_cast %add3A_2106 : i32 to index
      %swap3A_2108 = tpu.vector_load %arg8[%swap3A_2107] {strides = array<i32>} : memref<16384xf32, #tpu.memory_space<vmem>>, vector<16xf32>,
      %swap3A_2109 = vector.shape_cast %swap3A_2108 : vector<16xf32> to vector<16xf32>
      %swap3A_2110 = vector.shape_cast %exp3A_2057 : vector<16xf32> to vector<16xf32>
      tpu.vector_store %arg8[%swap3A_2107], %swap3A_2110 {strides = array<i32>} : memref<16384xf32, #tpu.memory_space<vmem>>, vector<16xf32>,
      %eq3A_2111 = arith.constant 11 : i32
      %eq3A_2112 = vector.broadcast %eq3A_2111 : i32 to vector<16xi32>
      %eq3A_2113 = arith.cmpi eq, %iota3A, %eq3A_2112 : vector<16xi32>
      %select_n3A_2114 = arith.select %eq3A_2113, %min3A_2049, %select_n3A_1938 : vector<16xi1>, vector<16xi32>
      %eq3A_2115 = arith.constant 11 : i32
      %eq3A_2116 = vector.broadcast %eq3A_2115 : i32 to vector<16xi32>
      %eq3A_2117 = arith.cmpi eq, %iota3A, %eq3A_2116 : vector<16xi32>
      %select_n3A_2118 = arith.select %eq3A_2117, %add3A_2088, %select_n3A_1942 : vector<16xi1>, vector<16xf32>
      %mul3A_2119 = arith.constant 16 : i32
      %mul3A_2120 = arith.muli %scan3A_13, %mul3A_2119 : i32
      %add3A_2121 = arith.constant 12 : i32
      %add3A_2122 = arith.addi %mul3A_2120, %add3A_2121 : i32
      %mul3A_2123 = arith.constant 64 : i32
      %mul3A_2124 = arith.muli %add3A_2122, %mul3A_2123 : i32
      %get3A_2125 = arith.index_cast %mul3A_2124 : i32 to index
      %get3A_2126 = tpu.vector_load %arg6[%get3A_2125] {strides = array<i32>} : memref<16384xf32, #tpu.memory_space<vmem>>, vector<16xf32>,
      %get3A_2127 = vector.shape_cast %get3A_2126 : vector<16xf32> to vector<16xf32>
      %add3A_2128 = arith.constant 16 : i32
      %add3A_2129 = arith.addi %mul3A_2124, %add3A_2128 : i32
      %get3A_2130 = arith.index_cast %add3A_2129 : i32 to index
      %get3A_2131 = tpu.vector_load %arg6[%get3A_2130] {strides = array<i32>} : memref<16384xf32, #tpu.memory_space<vmem>>, vector<16xf32>,
      %get3A_2132 = vector.shape_cast %get3A_2131 : vector<16xf32> to vector<16xf32>
      %add3A_2133 = arith.constant 32 : i32
      %add3A_2134 = arith.addi %mul3A_2124, %add3A_2133 : i32
      %get3A_2135 = arith.index_cast %add3A_2134 : i32 to index
      %get3A_2136 = tpu.vector_load %arg6[%get3A_2135] {strides = array<i32>} : memref<16384xf32, #tpu.memory_space<vmem>>, vector<16xf32>,
      %get3A_2137 = vector.shape_cast %get3A_2136 : vector<16xf32> to vector<16xf32>
      %add3A_2138 = arith.constant 48 : i32
      %add3A_2139 = arith.addi %mul3A_2124, %add3A_2138 : i32
      %get3A_2140 = arith.index_cast %add3A_2139 : i32 to index
      %get3A_2141 = tpu.vector_load %arg6[%get3A_2140] {strides = array<i32>} : memref<16384xf32, #tpu.memory_space<vmem>>, vector<16xf32>,
      %get3A_2142 = vector.shape_cast %get3A_2141 : vector<16xf32> to vector<16xf32>
      %max3A_2143 = arith.maximumf %get3A_2127, %get3A_2132 : vector<16xf32>
      %max3A_2144 = arith.maximumf %get3A_2137, %get3A_2142 : vector<16xf32>
      %max3A_2145 = arith.maximumf %max3A_2143, %max3A_2144 : vector<16xf32>
      %xor3A_2146 = arith.constant 8 : i32
      %xor3A_2147 = vector.broadcast %xor3A_2146 : i32 to vector<16xi32>
      %xor3A_2148 = arith.xori %iota3A, %xor3A_2147 : vector<16xi32>
      %broadcast_in_dim3A_2149 = vector.shape_cast %xor3A_2148 : vector<16xi32> to vector<16x1xi32>
      %gather3A_2150 = vector.shape_cast %broadcast_in_dim3A_2149 : vector<16x1xi32> to vector<16xi32>
      %gather3A_2151 = tpu.dynamic_gather %max3A_2145[%gather3A_2150] in [0] : vector<16xf32>, vector<16xi32> -> vector<16xf32>
      %max3A_2152 = arith.maximumf %max3A_2145, %gather3A_2151 : vector<16xf32>
      %xor3A_2153 = arith.constant 4 : i32
      %xor3A_2154 = vector.broadcast %xor3A_2153 : i32 to vector<16xi32>
      %xor3A_2155 = arith.xori %iota3A, %xor3A_2154 : vector<16xi32>
      %broadcast_in_dim3A_2156 = vector.shape_cast %xor3A_2155 : vector<16xi32> to vector<16x1xi32>
      %gather3A_2157 = vector.shape_cast %broadcast_in_dim3A_2156 : vector<16x1xi32> to vector<16xi32>
      %gather3A_2158 = tpu.dynamic_gather %max3A_2152[%gather3A_2157] in [0] : vector<16xf32>, vector<16xi32> -> vector<16xf32>
      %max3A_2159 = arith.maximumf %max3A_2152, %gather3A_2158 : vector<16xf32>
      %xor3A_2160 = arith.constant 2 : i32
      %xor3A_2161 = vector.broadcast %xor3A_2160 : i32 to vector<16xi32>
      %xor3A_2162 = arith.xori %iota3A, %xor3A_2161 : vector<16xi32>
      %broadcast_in_dim3A_2163 = vector.shape_cast %xor3A_2162 : vector<16xi32> to vector<16x1xi32>
      %gather3A_2164 = vector.shape_cast %broadcast_in_dim3A_2163 : vector<16x1xi32> to vector<16xi32>
      %gather3A_2165 = tpu.dynamic_gather %max3A_2159[%gather3A_2164] in [0] : vector<16xf32>, vector<16xi32> -> vector<16xf32>
      %max3A_2166 = arith.maximumf %max3A_2159, %gather3A_2165 : vector<16xf32>
      %xor3A_2167 = arith.constant 1 : i32
      %xor3A_2168 = vector.broadcast %xor3A_2167 : i32 to vector<16xi32>
      %xor3A_2169 = arith.xori %iota3A, %xor3A_2168 : vector<16xi32>
      %broadcast_in_dim3A_2170 = vector.shape_cast %xor3A_2169 : vector<16xi32> to vector<16x1xi32>
      %gather3A_2171 = vector.shape_cast %broadcast_in_dim3A_2170 : vector<16x1xi32> to vector<16xi32>
      %gather3A_2172 = tpu.dynamic_gather %max3A_2166[%gather3A_2171] in [0] : vector<16xf32>, vector<16xi32> -> vector<16xf32>
      %max3A_2173 = arith.maximumf %max3A_2166, %gather3A_2172 : vector<16xf32>
      %eq3A_2174 = arith.cmpf oeq, %get3A_2127, %max3A_2173 : vector<16xf32>
      %broadcast_in_dim3A_2175 = vector.broadcast %scan3A_5 : i32 to vector<16xi32>
      %select_n3A_2176 = arith.select %eq3A_2174, %iota3A, %broadcast_in_dim3A_2175 : vector<16xi1>, vector<16xi32>
      %eq3A_2177 = arith.cmpf oeq, %get3A_2132, %max3A_2173 : vector<16xf32>
      %add3A_2178 = arith.constant 16 : i32
      %add3A_2179 = vector.broadcast %add3A_2178 : i32 to vector<16xi32>
      %add3A_2180 = arith.addi %iota3A, %add3A_2179 : vector<16xi32>
      %broadcast_in_dim3A_2181 = vector.broadcast %scan3A_5 : i32 to vector<16xi32>
      %select_n3A_2182 = arith.select %eq3A_2177, %add3A_2180, %broadcast_in_dim3A_2181 : vector<16xi1>, vector<16xi32>
      %eq3A_2183 = arith.cmpf oeq, %get3A_2137, %max3A_2173 : vector<16xf32>
      %add3A_2184 = arith.constant 32 : i32
      %add3A_2185 = vector.broadcast %add3A_2184 : i32 to vector<16xi32>
      %add3A_2186 = arith.addi %iota3A, %add3A_2185 : vector<16xi32>
      %broadcast_in_dim3A_2187 = vector.broadcast %scan3A_5 : i32 to vector<16xi32>
      %select_n3A_2188 = arith.select %eq3A_2183, %add3A_2186, %broadcast_in_dim3A_2187 : vector<16xi1>, vector<16xi32>
      %eq3A_2189 = arith.cmpf oeq, %get3A_2142, %max3A_2173 : vector<16xf32>
      %add3A_2190 = arith.constant 48 : i32
      %add3A_2191 = vector.broadcast %add3A_2190 : i32 to vector<16xi32>
      %add3A_2192 = arith.addi %iota3A, %add3A_2191 : vector<16xi32>
      %broadcast_in_dim3A_2193 = vector.broadcast %scan3A_5 : i32 to vector<16xi32>
      %select_n3A_2194 = arith.select %eq3A_2189, %add3A_2192, %broadcast_in_dim3A_2193 : vector<16xi1>, vector<16xi32>
      %min3A_2195 = arith.minsi %select_n3A_2176, %select_n3A_2182 : vector<16xi32>
      %min3A_2196 = arith.minsi %select_n3A_2188, %select_n3A_2194 : vector<16xi32>
      %min3A_2197 = arith.minsi %min3A_2195, %min3A_2196 : vector<16xi32>
      %xor3A_2198 = arith.constant 8 : i32
      %xor3A_2199 = vector.broadcast %xor3A_2198 : i32 to vector<16xi32>
      %xor3A_2200 = arith.xori %iota3A, %xor3A_2199 : vector<16xi32>
      %broadcast_in_dim3A_2201 = vector.shape_cast %xor3A_2200 : vector<16xi32> to vector<16x1xi32>
      %gather3A_2202 = vector.shape_cast %broadcast_in_dim3A_2201 : vector<16x1xi32> to vector<16xi32>
      %gather3A_2203 = tpu.dynamic_gather %min3A_2197[%gather3A_2202] in [0] : vector<16xi32>, vector<16xi32> -> vector<16xi32>
      %min3A_2204 = arith.minsi %min3A_2197, %gather3A_2203 : vector<16xi32>
      %xor3A_2205 = arith.constant 4 : i32
      %xor3A_2206 = vector.broadcast %xor3A_2205 : i32 to vector<16xi32>
      %xor3A_2207 = arith.xori %iota3A, %xor3A_2206 : vector<16xi32>
      %broadcast_in_dim3A_2208 = vector.shape_cast %xor3A_2207 : vector<16xi32> to vector<16x1xi32>
      %gather3A_2209 = vector.shape_cast %broadcast_in_dim3A_2208 : vector<16x1xi32> to vector<16xi32>
      %gather3A_2210 = tpu.dynamic_gather %min3A_2204[%gather3A_2209] in [0] : vector<16xi32>, vector<16xi32> -> vector<16xi32>
      %min3A_2211 = arith.minsi %min3A_2204, %gather3A_2210 : vector<16xi32>
      %xor3A_2212 = arith.constant 2 : i32
      %xor3A_2213 = vector.broadcast %xor3A_2212 : i32 to vector<16xi32>
      %xor3A_2214 = arith.xori %iota3A, %xor3A_2213 : vector<16xi32>
      %broadcast_in_dim3A_2215 = vector.shape_cast %xor3A_2214 : vector<16xi32> to vector<16x1xi32>
      %gather3A_2216 = vector.shape_cast %broadcast_in_dim3A_2215 : vector<16x1xi32> to vector<16xi32>
      %gather3A_2217 = tpu.dynamic_gather %min3A_2211[%gather3A_2216] in [0] : vector<16xi32>, vector<16xi32> -> vector<16xi32>
      %min3A_2218 = arith.minsi %min3A_2211, %gather3A_2217 : vector<16xi32>
      %xor3A_2219 = arith.constant 1 : i32
      %xor3A_2220 = vector.broadcast %xor3A_2219 : i32 to vector<16xi32>
      %xor3A_2221 = arith.xori %iota3A, %xor3A_2220 : vector<16xi32>
      %broadcast_in_dim3A_2222 = vector.shape_cast %xor3A_2221 : vector<16xi32> to vector<16x1xi32>
      %gather3A_2223 = vector.shape_cast %broadcast_in_dim3A_2222 : vector<16x1xi32> to vector<16xi32>
      %gather3A_2224 = tpu.dynamic_gather %min3A_2218[%gather3A_2223] in [0] : vector<16xi32>, vector<16xi32> -> vector<16xi32>
      %min3A_2225 = arith.minsi %min3A_2218, %gather3A_2224 : vector<16xi32>
      %sub3A_2226 = arith.subf %get3A_2127, %max3A_2173 : vector<16xf32>
      %exp3A_2227 = math.exp %sub3A_2226 : vector<16xf32>
      %sub3A_2228 = arith.subf %get3A_2132, %max3A_2173 : vector<16xf32>
      %exp3A_2229 = math.exp %sub3A_2228 : vector<16xf32>
      %sub3A_2230 = arith.subf %get3A_2137, %max3A_2173 : vector<16xf32>
      %exp3A_2231 = math.exp %sub3A_2230 : vector<16xf32>
      %sub3A_2232 = arith.subf %get3A_2142, %max3A_2173 : vector<16xf32>
      %exp3A_2233 = math.exp %sub3A_2232 : vector<16xf32>
      %add3A_2234 = arith.addf %exp3A_2227, %exp3A_2229 : vector<16xf32>
      %add3A_2235 = arith.addf %add3A_2234, %exp3A_2231 : vector<16xf32>
      %add3A_2236 = arith.addf %add3A_2235, %exp3A_2233 : vector<16xf32>
      %xor3A_2237 = arith.constant 8 : i32
      %xor3A_2238 = vector.broadcast %xor3A_2237 : i32 to vector<16xi32>
      %xor3A_2239 = arith.xori %iota3A, %xor3A_2238 : vector<16xi32>
      %broadcast_in_dim3A_2240 = vector.shape_cast %xor3A_2239 : vector<16xi32> to vector<16x1xi32>
      %gather3A_2241 = vector.shape_cast %broadcast_in_dim3A_2240 : vector<16x1xi32> to vector<16xi32>
      %gather3A_2242 = tpu.dynamic_gather %add3A_2236[%gather3A_2241] in [0] : vector<16xf32>, vector<16xi32> -> vector<16xf32>
      %add3A_2243 = arith.addf %add3A_2236, %gather3A_2242 : vector<16xf32>
      %xor3A_2244 = arith.constant 4 : i32
      %xor3A_2245 = vector.broadcast %xor3A_2244 : i32 to vector<16xi32>
      %xor3A_2246 = arith.xori %iota3A, %xor3A_2245 : vector<16xi32>
      %broadcast_in_dim3A_2247 = vector.shape_cast %xor3A_2246 : vector<16xi32> to vector<16x1xi32>
      %gather3A_2248 = vector.shape_cast %broadcast_in_dim3A_2247 : vector<16x1xi32> to vector<16xi32>
      %gather3A_2249 = tpu.dynamic_gather %add3A_2243[%gather3A_2248] in [0] : vector<16xf32>, vector<16xi32> -> vector<16xf32>
      %add3A_2250 = arith.addf %add3A_2243, %gather3A_2249 : vector<16xf32>
      %xor3A_2251 = arith.constant 2 : i32
      %xor3A_2252 = vector.broadcast %xor3A_2251 : i32 to vector<16xi32>
      %xor3A_2253 = arith.xori %iota3A, %xor3A_2252 : vector<16xi32>
      %broadcast_in_dim3A_2254 = vector.shape_cast %xor3A_2253 : vector<16xi32> to vector<16x1xi32>
      %gather3A_2255 = vector.shape_cast %broadcast_in_dim3A_2254 : vector<16x1xi32> to vector<16xi32>
      %gather3A_2256 = tpu.dynamic_gather %add3A_2250[%gather3A_2255] in [0] : vector<16xf32>, vector<16xi32> -> vector<16xf32>
      %add3A_2257 = arith.addf %add3A_2250, %gather3A_2256 : vector<16xf32>
      %xor3A_2258 = arith.constant 1 : i32
      %xor3A_2259 = vector.broadcast %xor3A_2258 : i32 to vector<16xi32>
      %xor3A_2260 = arith.xori %iota3A, %xor3A_2259 : vector<16xi32>
      %broadcast_in_dim3A_2261 = vector.shape_cast %xor3A_2260 : vector<16xi32> to vector<16x1xi32>
      %gather3A_2262 = vector.shape_cast %broadcast_in_dim3A_2261 : vector<16x1xi32> to vector<16xi32>
      %gather3A_2263 = tpu.dynamic_gather %add3A_2257[%gather3A_2262] in [0] : vector<16xf32>, vector<16xi32> -> vector<16xf32>
      %add3A_2264 = arith.addf %add3A_2257, %gather3A_2263 : vector<16xf32>
      %swap3A_2265 = arith.index_cast %mul3A_2124 : i32 to index
      %swap3A_2266 = tpu.vector_load %arg8[%swap3A_2265] {strides = array<i32>} : memref<16384xf32, #tpu.memory_space<vmem>>, vector<16xf32>,
      %swap3A_2267 = vector.shape_cast %swap3A_2266 : vector<16xf32> to vector<16xf32>
      %swap3A_2268 = vector.shape_cast %exp3A_2227 : vector<16xf32> to vector<16xf32>
      tpu.vector_store %arg8[%swap3A_2265], %swap3A_2268 {strides = array<i32>} : memref<16384xf32, #tpu.memory_space<vmem>>, vector<16xf32>,
      %add3A_2269 = arith.constant 16 : i32
      %add3A_2270 = arith.addi %mul3A_2124, %add3A_2269 : i32
      %swap3A_2271 = arith.index_cast %add3A_2270 : i32 to index
      %swap3A_2272 = tpu.vector_load %arg8[%swap3A_2271] {strides = array<i32>} : memref<16384xf32, #tpu.memory_space<vmem>>, vector<16xf32>,
      %swap3A_2273 = vector.shape_cast %swap3A_2272 : vector<16xf32> to vector<16xf32>
      %swap3A_2274 = vector.shape_cast %exp3A_2229 : vector<16xf32> to vector<16xf32>
      tpu.vector_store %arg8[%swap3A_2271], %swap3A_2274 {strides = array<i32>} : memref<16384xf32, #tpu.memory_space<vmem>>, vector<16xf32>,
      %add3A_2275 = arith.constant 32 : i32
      %add3A_2276 = arith.addi %mul3A_2124, %add3A_2275 : i32
      %swap3A_2277 = arith.index_cast %add3A_2276 : i32 to index
      %swap3A_2278 = tpu.vector_load %arg8[%swap3A_2277] {strides = array<i32>} : memref<16384xf32, #tpu.memory_space<vmem>>, vector<16xf32>,
      %swap3A_2279 = vector.shape_cast %swap3A_2278 : vector<16xf32> to vector<16xf32>
      %swap3A_2280 = vector.shape_cast %exp3A_2231 : vector<16xf32> to vector<16xf32>
      tpu.vector_store %arg8[%swap3A_2277], %swap3A_2280 {strides = array<i32>} : memref<16384xf32, #tpu.memory_space<vmem>>, vector<16xf32>,
      %add3A_2281 = arith.constant 48 : i32
      %add3A_2282 = arith.addi %mul3A_2124, %add3A_2281 : i32
      %swap3A_2283 = arith.index_cast %add3A_2282 : i32 to index
      %swap3A_2284 = tpu.vector_load %arg8[%swap3A_2283] {strides = array<i32>} : memref<16384xf32, #tpu.memory_space<vmem>>, vector<16xf32>,
      %swap3A_2285 = vector.shape_cast %swap3A_2284 : vector<16xf32> to vector<16xf32>
      %swap3A_2286 = vector.shape_cast %exp3A_2233 : vector<16xf32> to vector<16xf32>
      tpu.vector_store %arg8[%swap3A_2283], %swap3A_2286 {strides = array<i32>} : memref<16384xf32, #tpu.memory_space<vmem>>, vector<16xf32>,
      %eq3A_2287 = arith.constant 12 : i32
      %eq3A_2288 = vector.broadcast %eq3A_2287 : i32 to vector<16xi32>
      %eq3A_2289 = arith.cmpi eq, %iota3A, %eq3A_2288 : vector<16xi32>
      %select_n3A_2290 = arith.select %eq3A_2289, %min3A_2225, %select_n3A_2114 : vector<16xi1>, vector<16xi32>
      %eq3A_2291 = arith.constant 12 : i32
      %eq3A_2292 = vector.broadcast %eq3A_2291 : i32 to vector<16xi32>
      %eq3A_2293 = arith.cmpi eq, %iota3A, %eq3A_2292 : vector<16xi32>
      %select_n3A_2294 = arith.select %eq3A_2293, %add3A_2264, %select_n3A_2118 : vector<16xi1>, vector<16xf32>
      %mul3A_2295 = arith.constant 16 : i32
      %mul3A_2296 = arith.muli %scan3A_13, %mul3A_2295 : i32
      %add3A_2297 = arith.constant 13 : i32
      %add3A_2298 = arith.addi %mul3A_2296, %add3A_2297 : i32
      %mul3A_2299 = arith.constant 64 : i32
      %mul3A_2300 = arith.muli %add3A_2298, %mul3A_2299 : i32
      %get3A_2301 = arith.index_cast %mul3A_2300 : i32 to index
      %get3A_2302 = tpu.vector_load %arg6[%get3A_2301] {strides = array<i32>} : memref<16384xf32, #tpu.memory_space<vmem>>, vector<16xf32>,
      %get3A_2303 = vector.shape_cast %get3A_2302 : vector<16xf32> to vector<16xf32>
      %add3A_2304 = arith.constant 16 : i32
      %add3A_2305 = arith.addi %mul3A_2300, %add3A_2304 : i32
      %get3A_2306 = arith.index_cast %add3A_2305 : i32 to index
      %get3A_2307 = tpu.vector_load %arg6[%get3A_2306] {strides = array<i32>} : memref<16384xf32, #tpu.memory_space<vmem>>, vector<16xf32>,
      %get3A_2308 = vector.shape_cast %get3A_2307 : vector<16xf32> to vector<16xf32>
      %add3A_2309 = arith.constant 32 : i32
      %add3A_2310 = arith.addi %mul3A_2300, %add3A_2309 : i32
      %get3A_2311 = arith.index_cast %add3A_2310 : i32 to index
      %get3A_2312 = tpu.vector_load %arg6[%get3A_2311] {strides = array<i32>} : memref<16384xf32, #tpu.memory_space<vmem>>, vector<16xf32>,
      %get3A_2313 = vector.shape_cast %get3A_2312 : vector<16xf32> to vector<16xf32>
      %add3A_2314 = arith.constant 48 : i32
      %add3A_2315 = arith.addi %mul3A_2300, %add3A_2314 : i32
      %get3A_2316 = arith.index_cast %add3A_2315 : i32 to index
      %get3A_2317 = tpu.vector_load %arg6[%get3A_2316] {strides = array<i32>} : memref<16384xf32, #tpu.memory_space<vmem>>, vector<16xf32>,
      %get3A_2318 = vector.shape_cast %get3A_2317 : vector<16xf32> to vector<16xf32>
      %max3A_2319 = arith.maximumf %get3A_2303, %get3A_2308 : vector<16xf32>
      %max3A_2320 = arith.maximumf %get3A_2313, %get3A_2318 : vector<16xf32>
      %max3A_2321 = arith.maximumf %max3A_2319, %max3A_2320 : vector<16xf32>
      %xor3A_2322 = arith.constant 8 : i32
      %xor3A_2323 = vector.broadcast %xor3A_2322 : i32 to vector<16xi32>
      %xor3A_2324 = arith.xori %iota3A, %xor3A_2323 : vector<16xi32>
      %broadcast_in_dim3A_2325 = vector.shape_cast %xor3A_2324 : vector<16xi32> to vector<16x1xi32>
      %gather3A_2326 = vector.shape_cast %broadcast_in_dim3A_2325 : vector<16x1xi32> to vector<16xi32>
      %gather3A_2327 = tpu.dynamic_gather %max3A_2321[%gather3A_2326] in [0] : vector<16xf32>, vector<16xi32> -> vector<16xf32>
      %max3A_2328 = arith.maximumf %max3A_2321, %gather3A_2327 : vector<16xf32>
      %xor3A_2329 = arith.constant 4 : i32
      %xor3A_2330 = vector.broadcast %xor3A_2329 : i32 to vector<16xi32>
      %xor3A_2331 = arith.xori %iota3A, %xor3A_2330 : vector<16xi32>
      %broadcast_in_dim3A_2332 = vector.shape_cast %xor3A_2331 : vector<16xi32> to vector<16x1xi32>
      %gather3A_2333 = vector.shape_cast %broadcast_in_dim3A_2332 : vector<16x1xi32> to vector<16xi32>
      %gather3A_2334 = tpu.dynamic_gather %max3A_2328[%gather3A_2333] in [0] : vector<16xf32>, vector<16xi32> -> vector<16xf32>
      %max3A_2335 = arith.maximumf %max3A_2328, %gather3A_2334 : vector<16xf32>
      %xor3A_2336 = arith.constant 2 : i32
      %xor3A_2337 = vector.broadcast %xor3A_2336 : i32 to vector<16xi32>
      %xor3A_2338 = arith.xori %iota3A, %xor3A_2337 : vector<16xi32>
      %broadcast_in_dim3A_2339 = vector.shape_cast %xor3A_2338 : vector<16xi32> to vector<16x1xi32>
      %gather3A_2340 = vector.shape_cast %broadcast_in_dim3A_2339 : vector<16x1xi32> to vector<16xi32>
      %gather3A_2341 = tpu.dynamic_gather %max3A_2335[%gather3A_2340] in [0] : vector<16xf32>, vector<16xi32> -> vector<16xf32>
      %max3A_2342 = arith.maximumf %max3A_2335, %gather3A_2341 : vector<16xf32>
      %xor3A_2343 = arith.constant 1 : i32
      %xor3A_2344 = vector.broadcast %xor3A_2343 : i32 to vector<16xi32>
      %xor3A_2345 = arith.xori %iota3A, %xor3A_2344 : vector<16xi32>
      %broadcast_in_dim3A_2346 = vector.shape_cast %xor3A_2345 : vector<16xi32> to vector<16x1xi32>
      %gather3A_2347 = vector.shape_cast %broadcast_in_dim3A_2346 : vector<16x1xi32> to vector<16xi32>
      %gather3A_2348 = tpu.dynamic_gather %max3A_2342[%gather3A_2347] in [0] : vector<16xf32>, vector<16xi32> -> vector<16xf32>
      %max3A_2349 = arith.maximumf %max3A_2342, %gather3A_2348 : vector<16xf32>
      %eq3A_2350 = arith.cmpf oeq, %get3A_2303, %max3A_2349 : vector<16xf32>
      %broadcast_in_dim3A_2351 = vector.broadcast %scan3A_5 : i32 to vector<16xi32>
      %select_n3A_2352 = arith.select %eq3A_2350, %iota3A, %broadcast_in_dim3A_2351 : vector<16xi1>, vector<16xi32>
      %eq3A_2353 = arith.cmpf oeq, %get3A_2308, %max3A_2349 : vector<16xf32>
      %add3A_2354 = arith.constant 16 : i32
      %add3A_2355 = vector.broadcast %add3A_2354 : i32 to vector<16xi32>
      %add3A_2356 = arith.addi %iota3A, %add3A_2355 : vector<16xi32>
      %broadcast_in_dim3A_2357 = vector.broadcast %scan3A_5 : i32 to vector<16xi32>
      %select_n3A_2358 = arith.select %eq3A_2353, %add3A_2356, %broadcast_in_dim3A_2357 : vector<16xi1>, vector<16xi32>
      %eq3A_2359 = arith.cmpf oeq, %get3A_2313, %max3A_2349 : vector<16xf32>
      %add3A_2360 = arith.constant 32 : i32
      %add3A_2361 = vector.broadcast %add3A_2360 : i32 to vector<16xi32>
      %add3A_2362 = arith.addi %iota3A, %add3A_2361 : vector<16xi32>
      %broadcast_in_dim3A_2363 = vector.broadcast %scan3A_5 : i32 to vector<16xi32>
      %select_n3A_2364 = arith.select %eq3A_2359, %add3A_2362, %broadcast_in_dim3A_2363 : vector<16xi1>, vector<16xi32>
      %eq3A_2365 = arith.cmpf oeq, %get3A_2318, %max3A_2349 : vector<16xf32>
      %add3A_2366 = arith.constant 48 : i32
      %add3A_2367 = vector.broadcast %add3A_2366 : i32 to vector<16xi32>
      %add3A_2368 = arith.addi %iota3A, %add3A_2367 : vector<16xi32>
      %broadcast_in_dim3A_2369 = vector.broadcast %scan3A_5 : i32 to vector<16xi32>
      %select_n3A_2370 = arith.select %eq3A_2365, %add3A_2368, %broadcast_in_dim3A_2369 : vector<16xi1>, vector<16xi32>
      %min3A_2371 = arith.minsi %select_n3A_2352, %select_n3A_2358 : vector<16xi32>
      %min3A_2372 = arith.minsi %select_n3A_2364, %select_n3A_2370 : vector<16xi32>
      %min3A_2373 = arith.minsi %min3A_2371, %min3A_2372 : vector<16xi32>
      %xor3A_2374 = arith.constant 8 : i32
      %xor3A_2375 = vector.broadcast %xor3A_2374 : i32 to vector<16xi32>
      %xor3A_2376 = arith.xori %iota3A, %xor3A_2375 : vector<16xi32>
      %broadcast_in_dim3A_2377 = vector.shape_cast %xor3A_2376 : vector<16xi32> to vector<16x1xi32>
      %gather3A_2378 = vector.shape_cast %broadcast_in_dim3A_2377 : vector<16x1xi32> to vector<16xi32>
      %gather3A_2379 = tpu.dynamic_gather %min3A_2373[%gather3A_2378] in [0] : vector<16xi32>, vector<16xi32> -> vector<16xi32>
      %min3A_2380 = arith.minsi %min3A_2373, %gather3A_2379 : vector<16xi32>
      %xor3A_2381 = arith.constant 4 : i32
      %xor3A_2382 = vector.broadcast %xor3A_2381 : i32 to vector<16xi32>
      %xor3A_2383 = arith.xori %iota3A, %xor3A_2382 : vector<16xi32>
      %broadcast_in_dim3A_2384 = vector.shape_cast %xor3A_2383 : vector<16xi32> to vector<16x1xi32>
      %gather3A_2385 = vector.shape_cast %broadcast_in_dim3A_2384 : vector<16x1xi32> to vector<16xi32>
      %gather3A_2386 = tpu.dynamic_gather %min3A_2380[%gather3A_2385] in [0] : vector<16xi32>, vector<16xi32> -> vector<16xi32>
      %min3A_2387 = arith.minsi %min3A_2380, %gather3A_2386 : vector<16xi32>
      %xor3A_2388 = arith.constant 2 : i32
      %xor3A_2389 = vector.broadcast %xor3A_2388 : i32 to vector<16xi32>
      %xor3A_2390 = arith.xori %iota3A, %xor3A_2389 : vector<16xi32>
      %broadcast_in_dim3A_2391 = vector.shape_cast %xor3A_2390 : vector<16xi32> to vector<16x1xi32>
      %gather3A_2392 = vector.shape_cast %broadcast_in_dim3A_2391 : vector<16x1xi32> to vector<16xi32>
      %gather3A_2393 = tpu.dynamic_gather %min3A_2387[%gather3A_2392] in [0] : vector<16xi32>, vector<16xi32> -> vector<16xi32>
      %min3A_2394 = arith.minsi %min3A_2387, %gather3A_2393 : vector<16xi32>
      %xor3A_2395 = arith.constant 1 : i32
      %xor3A_2396 = vector.broadcast %xor3A_2395 : i32 to vector<16xi32>
      %xor3A_2397 = arith.xori %iota3A, %xor3A_2396 : vector<16xi32>
      %broadcast_in_dim3A_2398 = vector.shape_cast %xor3A_2397 : vector<16xi32> to vector<16x1xi32>
      %gather3A_2399 = vector.shape_cast %broadcast_in_dim3A_2398 : vector<16x1xi32> to vector<16xi32>
      %gather3A_2400 = tpu.dynamic_gather %min3A_2394[%gather3A_2399] in [0] : vector<16xi32>, vector<16xi32> -> vector<16xi32>
      %min3A_2401 = arith.minsi %min3A_2394, %gather3A_2400 : vector<16xi32>
      %sub3A_2402 = arith.subf %get3A_2303, %max3A_2349 : vector<16xf32>
      %exp3A_2403 = math.exp %sub3A_2402 : vector<16xf32>
      %sub3A_2404 = arith.subf %get3A_2308, %max3A_2349 : vector<16xf32>
      %exp3A_2405 = math.exp %sub3A_2404 : vector<16xf32>
      %sub3A_2406 = arith.subf %get3A_2313, %max3A_2349 : vector<16xf32>
      %exp3A_2407 = math.exp %sub3A_2406 : vector<16xf32>
      %sub3A_2408 = arith.subf %get3A_2318, %max3A_2349 : vector<16xf32>
      %exp3A_2409 = math.exp %sub3A_2408 : vector<16xf32>
      %add3A_2410 = arith.addf %exp3A_2403, %exp3A_2405 : vector<16xf32>
      %add3A_2411 = arith.addf %add3A_2410, %exp3A_2407 : vector<16xf32>
      %add3A_2412 = arith.addf %add3A_2411, %exp3A_2409 : vector<16xf32>
      %xor3A_2413 = arith.constant 8 : i32
      %xor3A_2414 = vector.broadcast %xor3A_2413 : i32 to vector<16xi32>
      %xor3A_2415 = arith.xori %iota3A, %xor3A_2414 : vector<16xi32>
      %broadcast_in_dim3A_2416 = vector.shape_cast %xor3A_2415 : vector<16xi32> to vector<16x1xi32>
      %gather3A_2417 = vector.shape_cast %broadcast_in_dim3A_2416 : vector<16x1xi32> to vector<16xi32>
      %gather3A_2418 = tpu.dynamic_gather %add3A_2412[%gather3A_2417] in [0] : vector<16xf32>, vector<16xi32> -> vector<16xf32>
      %add3A_2419 = arith.addf %add3A_2412, %gather3A_2418 : vector<16xf32>
      %xor3A_2420 = arith.constant 4 : i32
      %xor3A_2421 = vector.broadcast %xor3A_2420 : i32 to vector<16xi32>
      %xor3A_2422 = arith.xori %iota3A, %xor3A_2421 : vector<16xi32>
      %broadcast_in_dim3A_2423 = vector.shape_cast %xor3A_2422 : vector<16xi32> to vector<16x1xi32>
      %gather3A_2424 = vector.shape_cast %broadcast_in_dim3A_2423 : vector<16x1xi32> to vector<16xi32>
      %gather3A_2425 = tpu.dynamic_gather %add3A_2419[%gather3A_2424] in [0] : vector<16xf32>, vector<16xi32> -> vector<16xf32>
      %add3A_2426 = arith.addf %add3A_2419, %gather3A_2425 : vector<16xf32>
      %xor3A_2427 = arith.constant 2 : i32
      %xor3A_2428 = vector.broadcast %xor3A_2427 : i32 to vector<16xi32>
      %xor3A_2429 = arith.xori %iota3A, %xor3A_2428 : vector<16xi32>
      %broadcast_in_dim3A_2430 = vector.shape_cast %xor3A_2429 : vector<16xi32> to vector<16x1xi32>
      %gather3A_2431 = vector.shape_cast %broadcast_in_dim3A_2430 : vector<16x1xi32> to vector<16xi32>
      %gather3A_2432 = tpu.dynamic_gather %add3A_2426[%gather3A_2431] in [0] : vector<16xf32>, vector<16xi32> -> vector<16xf32>
      %add3A_2433 = arith.addf %add3A_2426, %gather3A_2432 : vector<16xf32>
      %xor3A_2434 = arith.constant 1 : i32
      %xor3A_2435 = vector.broadcast %xor3A_2434 : i32 to vector<16xi32>
      %xor3A_2436 = arith.xori %iota3A, %xor3A_2435 : vector<16xi32>
      %broadcast_in_dim3A_2437 = vector.shape_cast %xor3A_2436 : vector<16xi32> to vector<16x1xi32>
      %gather3A_2438 = vector.shape_cast %broadcast_in_dim3A_2437 : vector<16x1xi32> to vector<16xi32>
      %gather3A_2439 = tpu.dynamic_gather %add3A_2433[%gather3A_2438] in [0] : vector<16xf32>, vector<16xi32> -> vector<16xf32>
      %add3A_2440 = arith.addf %add3A_2433, %gather3A_2439 : vector<16xf32>
      %swap3A_2441 = arith.index_cast %mul3A_2300 : i32 to index
      %swap3A_2442 = tpu.vector_load %arg8[%swap3A_2441] {strides = array<i32>} : memref<16384xf32, #tpu.memory_space<vmem>>, vector<16xf32>,
      %swap3A_2443 = vector.shape_cast %swap3A_2442 : vector<16xf32> to vector<16xf32>
      %swap3A_2444 = vector.shape_cast %exp3A_2403 : vector<16xf32> to vector<16xf32>
      tpu.vector_store %arg8[%swap3A_2441], %swap3A_2444 {strides = array<i32>} : memref<16384xf32, #tpu.memory_space<vmem>>, vector<16xf32>,
      %add3A_2445 = arith.constant 16 : i32
      %add3A_2446 = arith.addi %mul3A_2300, %add3A_2445 : i32
      %swap3A_2447 = arith.index_cast %add3A_2446 : i32 to index
      %swap3A_2448 = tpu.vector_load %arg8[%swap3A_2447] {strides = array<i32>} : memref<16384xf32, #tpu.memory_space<vmem>>, vector<16xf32>,
      %swap3A_2449 = vector.shape_cast %swap3A_2448 : vector<16xf32> to vector<16xf32>
      %swap3A_2450 = vector.shape_cast %exp3A_2405 : vector<16xf32> to vector<16xf32>
      tpu.vector_store %arg8[%swap3A_2447], %swap3A_2450 {strides = array<i32>} : memref<16384xf32, #tpu.memory_space<vmem>>, vector<16xf32>,
      %add3A_2451 = arith.constant 32 : i32
      %add3A_2452 = arith.addi %mul3A_2300, %add3A_2451 : i32
      %swap3A_2453 = arith.index_cast %add3A_2452 : i32 to index
      %swap3A_2454 = tpu.vector_load %arg8[%swap3A_2453] {strides = array<i32>} : memref<16384xf32, #tpu.memory_space<vmem>>, vector<16xf32>,
      %swap3A_2455 = vector.shape_cast %swap3A_2454 : vector<16xf32> to vector<16xf32>
      %swap3A_2456 = vector.shape_cast %exp3A_2407 : vector<16xf32> to vector<16xf32>
      tpu.vector_store %arg8[%swap3A_2453], %swap3A_2456 {strides = array<i32>} : memref<16384xf32, #tpu.memory_space<vmem>>, vector<16xf32>,
      %add3A_2457 = arith.constant 48 : i32
      %add3A_2458 = arith.addi %mul3A_2300, %add3A_2457 : i32
      %swap3A_2459 = arith.index_cast %add3A_2458 : i32 to index
      %swap3A_2460 = tpu.vector_load %arg8[%swap3A_2459] {strides = array<i32>} : memref<16384xf32, #tpu.memory_space<vmem>>, vector<16xf32>,
      %swap3A_2461 = vector.shape_cast %swap3A_2460 : vector<16xf32> to vector<16xf32>
      %swap3A_2462 = vector.shape_cast %exp3A_2409 : vector<16xf32> to vector<16xf32>
      tpu.vector_store %arg8[%swap3A_2459], %swap3A_2462 {strides = array<i32>} : memref<16384xf32, #tpu.memory_space<vmem>>, vector<16xf32>,
      %eq3A_2463 = arith.constant 13 : i32
      %eq3A_2464 = vector.broadcast %eq3A_2463 : i32 to vector<16xi32>
      %eq3A_2465 = arith.cmpi eq, %iota3A, %eq3A_2464 : vector<16xi32>
      %select_n3A_2466 = arith.select %eq3A_2465, %min3A_2401, %select_n3A_2290 : vector<16xi1>, vector<16xi32>
      %eq3A_2467 = arith.constant 13 : i32
      %eq3A_2468 = vector.broadcast %eq3A_2467 : i32 to vector<16xi32>
      %eq3A_2469 = arith.cmpi eq, %iota3A, %eq3A_2468 : vector<16xi32>
      %select_n3A_2470 = arith.select %eq3A_2469, %add3A_2440, %select_n3A_2294 : vector<16xi1>, vector<16xf32>
      %mul3A_2471 = arith.constant 16 : i32
      %mul3A_2472 = arith.muli %scan3A_13, %mul3A_2471 : i32
      %add3A_2473 = arith.constant 14 : i32
      %add3A_2474 = arith.addi %mul3A_2472, %add3A_2473 : i32
      %mul3A_2475 = arith.constant 64 : i32
      %mul3A_2476 = arith.muli %add3A_2474, %mul3A_2475 : i32
      %get3A_2477 = arith.index_cast %mul3A_2476 : i32 to index
      %get3A_2478 = tpu.vector_load %arg6[%get3A_2477] {strides = array<i32>} : memref<16384xf32, #tpu.memory_space<vmem>>, vector<16xf32>,
      %get3A_2479 = vector.shape_cast %get3A_2478 : vector<16xf32> to vector<16xf32>
      %add3A_2480 = arith.constant 16 : i32
      %add3A_2481 = arith.addi %mul3A_2476, %add3A_2480 : i32
      %get3A_2482 = arith.index_cast %add3A_2481 : i32 to index
      %get3A_2483 = tpu.vector_load %arg6[%get3A_2482] {strides = array<i32>} : memref<16384xf32, #tpu.memory_space<vmem>>, vector<16xf32>,
      %get3A_2484 = vector.shape_cast %get3A_2483 : vector<16xf32> to vector<16xf32>
      %add3A_2485 = arith.constant 32 : i32
      %add3A_2486 = arith.addi %mul3A_2476, %add3A_2485 : i32
      %get3A_2487 = arith.index_cast %add3A_2486 : i32 to index
      %get3A_2488 = tpu.vector_load %arg6[%get3A_2487] {strides = array<i32>} : memref<16384xf32, #tpu.memory_space<vmem>>, vector<16xf32>,
      %get3A_2489 = vector.shape_cast %get3A_2488 : vector<16xf32> to vector<16xf32>
      %add3A_2490 = arith.constant 48 : i32
      %add3A_2491 = arith.addi %mul3A_2476, %add3A_2490 : i32
      %get3A_2492 = arith.index_cast %add3A_2491 : i32 to index
      %get3A_2493 = tpu.vector_load %arg6[%get3A_2492] {strides = array<i32>} : memref<16384xf32, #tpu.memory_space<vmem>>, vector<16xf32>,
      %get3A_2494 = vector.shape_cast %get3A_2493 : vector<16xf32> to vector<16xf32>
      %max3A_2495 = arith.maximumf %get3A_2479, %get3A_2484 : vector<16xf32>
      %max3A_2496 = arith.maximumf %get3A_2489, %get3A_2494 : vector<16xf32>
      %max3A_2497 = arith.maximumf %max3A_2495, %max3A_2496 : vector<16xf32>
      %xor3A_2498 = arith.constant 8 : i32
      %xor3A_2499 = vector.broadcast %xor3A_2498 : i32 to vector<16xi32>
      %xor3A_2500 = arith.xori %iota3A, %xor3A_2499 : vector<16xi32>
      %broadcast_in_dim3A_2501 = vector.shape_cast %xor3A_2500 : vector<16xi32> to vector<16x1xi32>
      %gather3A_2502 = vector.shape_cast %broadcast_in_dim3A_2501 : vector<16x1xi32> to vector<16xi32>
      %gather3A_2503 = tpu.dynamic_gather %max3A_2497[%gather3A_2502] in [0] : vector<16xf32>, vector<16xi32> -> vector<16xf32>
      %max3A_2504 = arith.maximumf %max3A_2497, %gather3A_2503 : vector<16xf32>
      %xor3A_2505 = arith.constant 4 : i32
      %xor3A_2506 = vector.broadcast %xor3A_2505 : i32 to vector<16xi32>
      %xor3A_2507 = arith.xori %iota3A, %xor3A_2506 : vector<16xi32>
      %broadcast_in_dim3A_2508 = vector.shape_cast %xor3A_2507 : vector<16xi32> to vector<16x1xi32>
      %gather3A_2509 = vector.shape_cast %broadcast_in_dim3A_2508 : vector<16x1xi32> to vector<16xi32>
      %gather3A_2510 = tpu.dynamic_gather %max3A_2504[%gather3A_2509] in [0] : vector<16xf32>, vector<16xi32> -> vector<16xf32>
      %max3A_2511 = arith.maximumf %max3A_2504, %gather3A_2510 : vector<16xf32>
      %xor3A_2512 = arith.constant 2 : i32
      %xor3A_2513 = vector.broadcast %xor3A_2512 : i32 to vector<16xi32>
      %xor3A_2514 = arith.xori %iota3A, %xor3A_2513 : vector<16xi32>
      %broadcast_in_dim3A_2515 = vector.shape_cast %xor3A_2514 : vector<16xi32> to vector<16x1xi32>
      %gather3A_2516 = vector.shape_cast %broadcast_in_dim3A_2515 : vector<16x1xi32> to vector<16xi32>
      %gather3A_2517 = tpu.dynamic_gather %max3A_2511[%gather3A_2516] in [0] : vector<16xf32>, vector<16xi32> -> vector<16xf32>
      %max3A_2518 = arith.maximumf %max3A_2511, %gather3A_2517 : vector<16xf32>
      %xor3A_2519 = arith.constant 1 : i32
      %xor3A_2520 = vector.broadcast %xor3A_2519 : i32 to vector<16xi32>
      %xor3A_2521 = arith.xori %iota3A, %xor3A_2520 : vector<16xi32>
      %broadcast_in_dim3A_2522 = vector.shape_cast %xor3A_2521 : vector<16xi32> to vector<16x1xi32>
      %gather3A_2523 = vector.shape_cast %broadcast_in_dim3A_2522 : vector<16x1xi32> to vector<16xi32>
      %gather3A_2524 = tpu.dynamic_gather %max3A_2518[%gather3A_2523] in [0] : vector<16xf32>, vector<16xi32> -> vector<16xf32>
      %max3A_2525 = arith.maximumf %max3A_2518, %gather3A_2524 : vector<16xf32>
      %eq3A_2526 = arith.cmpf oeq, %get3A_2479, %max3A_2525 : vector<16xf32>
      %broadcast_in_dim3A_2527 = vector.broadcast %scan3A_5 : i32 to vector<16xi32>
      %select_n3A_2528 = arith.select %eq3A_2526, %iota3A, %broadcast_in_dim3A_2527 : vector<16xi1>, vector<16xi32>
      %eq3A_2529 = arith.cmpf oeq, %get3A_2484, %max3A_2525 : vector<16xf32>
      %add3A_2530 = arith.constant 16 : i32
      %add3A_2531 = vector.broadcast %add3A_2530 : i32 to vector<16xi32>
      %add3A_2532 = arith.addi %iota3A, %add3A_2531 : vector<16xi32>
      %broadcast_in_dim3A_2533 = vector.broadcast %scan3A_5 : i32 to vector<16xi32>
      %select_n3A_2534 = arith.select %eq3A_2529, %add3A_2532, %broadcast_in_dim3A_2533 : vector<16xi1>, vector<16xi32>
      %eq3A_2535 = arith.cmpf oeq, %get3A_2489, %max3A_2525 : vector<16xf32>
      %add3A_2536 = arith.constant 32 : i32
      %add3A_2537 = vector.broadcast %add3A_2536 : i32 to vector<16xi32>
      %add3A_2538 = arith.addi %iota3A, %add3A_2537 : vector<16xi32>
      %broadcast_in_dim3A_2539 = vector.broadcast %scan3A_5 : i32 to vector<16xi32>
      %select_n3A_2540 = arith.select %eq3A_2535, %add3A_2538, %broadcast_in_dim3A_2539 : vector<16xi1>, vector<16xi32>
      %eq3A_2541 = arith.cmpf oeq, %get3A_2494, %max3A_2525 : vector<16xf32>
      %add3A_2542 = arith.constant 48 : i32
      %add3A_2543 = vector.broadcast %add3A_2542 : i32 to vector<16xi32>
      %add3A_2544 = arith.addi %iota3A, %add3A_2543 : vector<16xi32>
      %broadcast_in_dim3A_2545 = vector.broadcast %scan3A_5 : i32 to vector<16xi32>
      %select_n3A_2546 = arith.select %eq3A_2541, %add3A_2544, %broadcast_in_dim3A_2545 : vector<16xi1>, vector<16xi32>
      %min3A_2547 = arith.minsi %select_n3A_2528, %select_n3A_2534 : vector<16xi32>
      %min3A_2548 = arith.minsi %select_n3A_2540, %select_n3A_2546 : vector<16xi32>
      %min3A_2549 = arith.minsi %min3A_2547, %min3A_2548 : vector<16xi32>
      %xor3A_2550 = arith.constant 8 : i32
      %xor3A_2551 = vector.broadcast %xor3A_2550 : i32 to vector<16xi32>
      %xor3A_2552 = arith.xori %iota3A, %xor3A_2551 : vector<16xi32>
      %broadcast_in_dim3A_2553 = vector.shape_cast %xor3A_2552 : vector<16xi32> to vector<16x1xi32>
      %gather3A_2554 = vector.shape_cast %broadcast_in_dim3A_2553 : vector<16x1xi32> to vector<16xi32>
      %gather3A_2555 = tpu.dynamic_gather %min3A_2549[%gather3A_2554] in [0] : vector<16xi32>, vector<16xi32> -> vector<16xi32>
      %min3A_2556 = arith.minsi %min3A_2549, %gather3A_2555 : vector<16xi32>
      %xor3A_2557 = arith.constant 4 : i32
      %xor3A_2558 = vector.broadcast %xor3A_2557 : i32 to vector<16xi32>
      %xor3A_2559 = arith.xori %iota3A, %xor3A_2558 : vector<16xi32>
      %broadcast_in_dim3A_2560 = vector.shape_cast %xor3A_2559 : vector<16xi32> to vector<16x1xi32>
      %gather3A_2561 = vector.shape_cast %broadcast_in_dim3A_2560 : vector<16x1xi32> to vector<16xi32>
      %gather3A_2562 = tpu.dynamic_gather %min3A_2556[%gather3A_2561] in [0] : vector<16xi32>, vector<16xi32> -> vector<16xi32>
      %min3A_2563 = arith.minsi %min3A_2556, %gather3A_2562 : vector<16xi32>
      %xor3A_2564 = arith.constant 2 : i32
      %xor3A_2565 = vector.broadcast %xor3A_2564 : i32 to vector<16xi32>
      %xor3A_2566 = arith.xori %iota3A, %xor3A_2565 : vector<16xi32>
      %broadcast_in_dim3A_2567 = vector.shape_cast %xor3A_2566 : vector<16xi32> to vector<16x1xi32>
      %gather3A_2568 = vector.shape_cast %broadcast_in_dim3A_2567 : vector<16x1xi32> to vector<16xi32>
      %gather3A_2569 = tpu.dynamic_gather %min3A_2563[%gather3A_2568] in [0] : vector<16xi32>, vector<16xi32> -> vector<16xi32>
      %min3A_2570 = arith.minsi %min3A_2563, %gather3A_2569 : vector<16xi32>
      %xor3A_2571 = arith.constant 1 : i32
      %xor3A_2572 = vector.broadcast %xor3A_2571 : i32 to vector<16xi32>
      %xor3A_2573 = arith.xori %iota3A, %xor3A_2572 : vector<16xi32>
      %broadcast_in_dim3A_2574 = vector.shape_cast %xor3A_2573 : vector<16xi32> to vector<16x1xi32>
      %gather3A_2575 = vector.shape_cast %broadcast_in_dim3A_2574 : vector<16x1xi32> to vector<16xi32>
      %gather3A_2576 = tpu.dynamic_gather %min3A_2570[%gather3A_2575] in [0] : vector<16xi32>, vector<16xi32> -> vector<16xi32>
      %min3A_2577 = arith.minsi %min3A_2570, %gather3A_2576 : vector<16xi32>
      %sub3A_2578 = arith.subf %get3A_2479, %max3A_2525 : vector<16xf32>
      %exp3A_2579 = math.exp %sub3A_2578 : vector<16xf32>
      %sub3A_2580 = arith.subf %get3A_2484, %max3A_2525 : vector<16xf32>
      %exp3A_2581 = math.exp %sub3A_2580 : vector<16xf32>
      %sub3A_2582 = arith.subf %get3A_2489, %max3A_2525 : vector<16xf32>
      %exp3A_2583 = math.exp %sub3A_2582 : vector<16xf32>
      %sub3A_2584 = arith.subf %get3A_2494, %max3A_2525 : vector<16xf32>
      %exp3A_2585 = math.exp %sub3A_2584 : vector<16xf32>
      %add3A_2586 = arith.addf %exp3A_2579, %exp3A_2581 : vector<16xf32>
      %add3A_2587 = arith.addf %add3A_2586, %exp3A_2583 : vector<16xf32>
      %add3A_2588 = arith.addf %add3A_2587, %exp3A_2585 : vector<16xf32>
      %xor3A_2589 = arith.constant 8 : i32
      %xor3A_2590 = vector.broadcast %xor3A_2589 : i32 to vector<16xi32>
      %xor3A_2591 = arith.xori %iota3A, %xor3A_2590 : vector<16xi32>
      %broadcast_in_dim3A_2592 = vector.shape_cast %xor3A_2591 : vector<16xi32> to vector<16x1xi32>
      %gather3A_2593 = vector.shape_cast %broadcast_in_dim3A_2592 : vector<16x1xi32> to vector<16xi32>
      %gather3A_2594 = tpu.dynamic_gather %add3A_2588[%gather3A_2593] in [0] : vector<16xf32>, vector<16xi32> -> vector<16xf32>
      %add3A_2595 = arith.addf %add3A_2588, %gather3A_2594 : vector<16xf32>
      %xor3A_2596 = arith.constant 4 : i32
      %xor3A_2597 = vector.broadcast %xor3A_2596 : i32 to vector<16xi32>
      %xor3A_2598 = arith.xori %iota3A, %xor3A_2597 : vector<16xi32>
      %broadcast_in_dim3A_2599 = vector.shape_cast %xor3A_2598 : vector<16xi32> to vector<16x1xi32>
      %gather3A_2600 = vector.shape_cast %broadcast_in_dim3A_2599 : vector<16x1xi32> to vector<16xi32>
      %gather3A_2601 = tpu.dynamic_gather %add3A_2595[%gather3A_2600] in [0] : vector<16xf32>, vector<16xi32> -> vector<16xf32>
      %add3A_2602 = arith.addf %add3A_2595, %gather3A_2601 : vector<16xf32>
      %xor3A_2603 = arith.constant 2 : i32
      %xor3A_2604 = vector.broadcast %xor3A_2603 : i32 to vector<16xi32>
      %xor3A_2605 = arith.xori %iota3A, %xor3A_2604 : vector<16xi32>
      %broadcast_in_dim3A_2606 = vector.shape_cast %xor3A_2605 : vector<16xi32> to vector<16x1xi32>
      %gather3A_2607 = vector.shape_cast %broadcast_in_dim3A_2606 : vector<16x1xi32> to vector<16xi32>
      %gather3A_2608 = tpu.dynamic_gather %add3A_2602[%gather3A_2607] in [0] : vector<16xf32>, vector<16xi32> -> vector<16xf32>
      %add3A_2609 = arith.addf %add3A_2602, %gather3A_2608 : vector<16xf32>
      %xor3A_2610 = arith.constant 1 : i32
      %xor3A_2611 = vector.broadcast %xor3A_2610 : i32 to vector<16xi32>
      %xor3A_2612 = arith.xori %iota3A, %xor3A_2611 : vector<16xi32>
      %broadcast_in_dim3A_2613 = vector.shape_cast %xor3A_2612 : vector<16xi32> to vector<16x1xi32>
      %gather3A_2614 = vector.shape_cast %broadcast_in_dim3A_2613 : vector<16x1xi32> to vector<16xi32>
      %gather3A_2615 = tpu.dynamic_gather %add3A_2609[%gather3A_2614] in [0] : vector<16xf32>, vector<16xi32> -> vector<16xf32>
      %add3A_2616 = arith.addf %add3A_2609, %gather3A_2615 : vector<16xf32>
      %swap3A_2617 = arith.index_cast %mul3A_2476 : i32 to index
      %swap3A_2618 = tpu.vector_load %arg8[%swap3A_2617] {strides = array<i32>} : memref<16384xf32, #tpu.memory_space<vmem>>, vector<16xf32>,
      %swap3A_2619 = vector.shape_cast %swap3A_2618 : vector<16xf32> to vector<16xf32>
      %swap3A_2620 = vector.shape_cast %exp3A_2579 : vector<16xf32> to vector<16xf32>
      tpu.vector_store %arg8[%swap3A_2617], %swap3A_2620 {strides = array<i32>} : memref<16384xf32, #tpu.memory_space<vmem>>, vector<16xf32>,
      %add3A_2621 = arith.constant 16 : i32
      %add3A_2622 = arith.addi %mul3A_2476, %add3A_2621 : i32
      %swap3A_2623 = arith.index_cast %add3A_2622 : i32 to index
      %swap3A_2624 = tpu.vector_load %arg8[%swap3A_2623] {strides = array<i32>} : memref<16384xf32, #tpu.memory_space<vmem>>, vector<16xf32>,
      %swap3A_2625 = vector.shape_cast %swap3A_2624 : vector<16xf32> to vector<16xf32>
      %swap3A_2626 = vector.shape_cast %exp3A_2581 : vector<16xf32> to vector<16xf32>
      tpu.vector_store %arg8[%swap3A_2623], %swap3A_2626 {strides = array<i32>} : memref<16384xf32, #tpu.memory_space<vmem>>, vector<16xf32>,
      %add3A_2627 = arith.constant 32 : i32
      %add3A_2628 = arith.addi %mul3A_2476, %add3A_2627 : i32
      %swap3A_2629 = arith.index_cast %add3A_2628 : i32 to index
      %swap3A_2630 = tpu.vector_load %arg8[%swap3A_2629] {strides = array<i32>} : memref<16384xf32, #tpu.memory_space<vmem>>, vector<16xf32>,
      %swap3A_2631 = vector.shape_cast %swap3A_2630 : vector<16xf32> to vector<16xf32>
      %swap3A_2632 = vector.shape_cast %exp3A_2583 : vector<16xf32> to vector<16xf32>
      tpu.vector_store %arg8[%swap3A_2629], %swap3A_2632 {strides = array<i32>} : memref<16384xf32, #tpu.memory_space<vmem>>, vector<16xf32>,
      %add3A_2633 = arith.constant 48 : i32
      %add3A_2634 = arith.addi %mul3A_2476, %add3A_2633 : i32
      %swap3A_2635 = arith.index_cast %add3A_2634 : i32 to index
      %swap3A_2636 = tpu.vector_load %arg8[%swap3A_2635] {strides = array<i32>} : memref<16384xf32, #tpu.memory_space<vmem>>, vector<16xf32>,
      %swap3A_2637 = vector.shape_cast %swap3A_2636 : vector<16xf32> to vector<16xf32>
      %swap3A_2638 = vector.shape_cast %exp3A_2585 : vector<16xf32> to vector<16xf32>
      tpu.vector_store %arg8[%swap3A_2635], %swap3A_2638 {strides = array<i32>} : memref<16384xf32, #tpu.memory_space<vmem>>, vector<16xf32>,
      %eq3A_2639 = arith.constant 14 : i32
      %eq3A_2640 = vector.broadcast %eq3A_2639 : i32 to vector<16xi32>
      %eq3A_2641 = arith.cmpi eq, %iota3A, %eq3A_2640 : vector<16xi32>
      %select_n3A_2642 = arith.select %eq3A_2641, %min3A_2577, %select_n3A_2466 : vector<16xi1>, vector<16xi32>
      %eq3A_2643 = arith.constant 14 : i32
      %eq3A_2644 = vector.broadcast %eq3A_2643 : i32 to vector<16xi32>
      %eq3A_2645 = arith.cmpi eq, %iota3A, %eq3A_2644 : vector<16xi32>
      %select_n3A_2646 = arith.select %eq3A_2645, %add3A_2616, %select_n3A_2470 : vector<16xi1>, vector<16xf32>
      %mul3A_2647 = arith.constant 16 : i32
      %mul3A_2648 = arith.muli %scan3A_13, %mul3A_2647 : i32
      %add3A_2649 = arith.constant 15 : i32
      %add3A_2650 = arith.addi %mul3A_2648, %add3A_2649 : i32
      %mul3A_2651 = arith.constant 64 : i32
      %mul3A_2652 = arith.muli %add3A_2650, %mul3A_2651 : i32
      %get3A_2653 = arith.index_cast %mul3A_2652 : i32 to index
      %get3A_2654 = tpu.vector_load %arg6[%get3A_2653] {strides = array<i32>} : memref<16384xf32, #tpu.memory_space<vmem>>, vector<16xf32>,
      %get3A_2655 = vector.shape_cast %get3A_2654 : vector<16xf32> to vector<16xf32>
      %add3A_2656 = arith.constant 16 : i32
      %add3A_2657 = arith.addi %mul3A_2652, %add3A_2656 : i32
      %get3A_2658 = arith.index_cast %add3A_2657 : i32 to index
      %get3A_2659 = tpu.vector_load %arg6[%get3A_2658] {strides = array<i32>} : memref<16384xf32, #tpu.memory_space<vmem>>, vector<16xf32>,
      %get3A_2660 = vector.shape_cast %get3A_2659 : vector<16xf32> to vector<16xf32>
      %add3A_2661 = arith.constant 32 : i32
      %add3A_2662 = arith.addi %mul3A_2652, %add3A_2661 : i32
      %get3A_2663 = arith.index_cast %add3A_2662 : i32 to index
      %get3A_2664 = tpu.vector_load %arg6[%get3A_2663] {strides = array<i32>} : memref<16384xf32, #tpu.memory_space<vmem>>, vector<16xf32>,
      %get3A_2665 = vector.shape_cast %get3A_2664 : vector<16xf32> to vector<16xf32>
      %add3A_2666 = arith.constant 48 : i32
      %add3A_2667 = arith.addi %mul3A_2652, %add3A_2666 : i32
      %get3A_2668 = arith.index_cast %add3A_2667 : i32 to index
      %get3A_2669 = tpu.vector_load %arg6[%get3A_2668] {strides = array<i32>} : memref<16384xf32, #tpu.memory_space<vmem>>, vector<16xf32>,
      %get3A_2670 = vector.shape_cast %get3A_2669 : vector<16xf32> to vector<16xf32>
      %max3A_2671 = arith.maximumf %get3A_2655, %get3A_2660 : vector<16xf32>
      %max3A_2672 = arith.maximumf %get3A_2665, %get3A_2670 : vector<16xf32>
      %max3A_2673 = arith.maximumf %max3A_2671, %max3A_2672 : vector<16xf32>
      %xor3A_2674 = arith.constant 8 : i32
      %xor3A_2675 = vector.broadcast %xor3A_2674 : i32 to vector<16xi32>
      %xor3A_2676 = arith.xori %iota3A, %xor3A_2675 : vector<16xi32>
      %broadcast_in_dim3A_2677 = vector.shape_cast %xor3A_2676 : vector<16xi32> to vector<16x1xi32>
      %gather3A_2678 = vector.shape_cast %broadcast_in_dim3A_2677 : vector<16x1xi32> to vector<16xi32>
      %gather3A_2679 = tpu.dynamic_gather %max3A_2673[%gather3A_2678] in [0] : vector<16xf32>, vector<16xi32> -> vector<16xf32>
      %max3A_2680 = arith.maximumf %max3A_2673, %gather3A_2679 : vector<16xf32>
      %xor3A_2681 = arith.constant 4 : i32
      %xor3A_2682 = vector.broadcast %xor3A_2681 : i32 to vector<16xi32>
      %xor3A_2683 = arith.xori %iota3A, %xor3A_2682 : vector<16xi32>
      %broadcast_in_dim3A_2684 = vector.shape_cast %xor3A_2683 : vector<16xi32> to vector<16x1xi32>
      %gather3A_2685 = vector.shape_cast %broadcast_in_dim3A_2684 : vector<16x1xi32> to vector<16xi32>
      %gather3A_2686 = tpu.dynamic_gather %max3A_2680[%gather3A_2685] in [0] : vector<16xf32>, vector<16xi32> -> vector<16xf32>
      %max3A_2687 = arith.maximumf %max3A_2680, %gather3A_2686 : vector<16xf32>
      %xor3A_2688 = arith.constant 2 : i32
      %xor3A_2689 = vector.broadcast %xor3A_2688 : i32 to vector<16xi32>
      %xor3A_2690 = arith.xori %iota3A, %xor3A_2689 : vector<16xi32>
      %broadcast_in_dim3A_2691 = vector.shape_cast %xor3A_2690 : vector<16xi32> to vector<16x1xi32>
      %gather3A_2692 = vector.shape_cast %broadcast_in_dim3A_2691 : vector<16x1xi32> to vector<16xi32>
      %gather3A_2693 = tpu.dynamic_gather %max3A_2687[%gather3A_2692] in [0] : vector<16xf32>, vector<16xi32> -> vector<16xf32>
      %max3A_2694 = arith.maximumf %max3A_2687, %gather3A_2693 : vector<16xf32>
      %xor3A_2695 = arith.constant 1 : i32
      %xor3A_2696 = vector.broadcast %xor3A_2695 : i32 to vector<16xi32>
      %xor3A_2697 = arith.xori %iota3A, %xor3A_2696 : vector<16xi32>
      %broadcast_in_dim3A_2698 = vector.shape_cast %xor3A_2697 : vector<16xi32> to vector<16x1xi32>
      %gather3A_2699 = vector.shape_cast %broadcast_in_dim3A_2698 : vector<16x1xi32> to vector<16xi32>
      %gather3A_2700 = tpu.dynamic_gather %max3A_2694[%gather3A_2699] in [0] : vector<16xf32>, vector<16xi32> -> vector<16xf32>
      %max3A_2701 = arith.maximumf %max3A_2694, %gather3A_2700 : vector<16xf32>
      %eq3A_2702 = arith.cmpf oeq, %get3A_2655, %max3A_2701 : vector<16xf32>
      %broadcast_in_dim3A_2703 = vector.broadcast %scan3A_5 : i32 to vector<16xi32>
      %select_n3A_2704 = arith.select %eq3A_2702, %iota3A, %broadcast_in_dim3A_2703 : vector<16xi1>, vector<16xi32>
      %eq3A_2705 = arith.cmpf oeq, %get3A_2660, %max3A_2701 : vector<16xf32>
      %add3A_2706 = arith.constant 16 : i32
      %add3A_2707 = vector.broadcast %add3A_2706 : i32 to vector<16xi32>
      %add3A_2708 = arith.addi %iota3A, %add3A_2707 : vector<16xi32>
      %broadcast_in_dim3A_2709 = vector.broadcast %scan3A_5 : i32 to vector<16xi32>
      %select_n3A_2710 = arith.select %eq3A_2705, %add3A_2708, %broadcast_in_dim3A_2709 : vector<16xi1>, vector<16xi32>
      %eq3A_2711 = arith.cmpf oeq, %get3A_2665, %max3A_2701 : vector<16xf32>
      %add3A_2712 = arith.constant 32 : i32
      %add3A_2713 = vector.broadcast %add3A_2712 : i32 to vector<16xi32>
      %add3A_2714 = arith.addi %iota3A, %add3A_2713 : vector<16xi32>
      %broadcast_in_dim3A_2715 = vector.broadcast %scan3A_5 : i32 to vector<16xi32>
      %select_n3A_2716 = arith.select %eq3A_2711, %add3A_2714, %broadcast_in_dim3A_2715 : vector<16xi1>, vector<16xi32>
      %eq3A_2717 = arith.cmpf oeq, %get3A_2670, %max3A_2701 : vector<16xf32>
      %add3A_2718 = arith.constant 48 : i32
      %add3A_2719 = vector.broadcast %add3A_2718 : i32 to vector<16xi32>
      %add3A_2720 = arith.addi %iota3A, %add3A_2719 : vector<16xi32>
      %broadcast_in_dim3A_2721 = vector.broadcast %scan3A_5 : i32 to vector<16xi32>
      %select_n3A_2722 = arith.select %eq3A_2717, %add3A_2720, %broadcast_in_dim3A_2721 : vector<16xi1>, vector<16xi32>
      %min3A_2723 = arith.minsi %select_n3A_2704, %select_n3A_2710 : vector<16xi32>
      %min3A_2724 = arith.minsi %select_n3A_2716, %select_n3A_2722 : vector<16xi32>
      %min3A_2725 = arith.minsi %min3A_2723, %min3A_2724 : vector<16xi32>
      %xor3A_2726 = arith.constant 8 : i32
      %xor3A_2727 = vector.broadcast %xor3A_2726 : i32 to vector<16xi32>
      %xor3A_2728 = arith.xori %iota3A, %xor3A_2727 : vector<16xi32>
      %broadcast_in_dim3A_2729 = vector.shape_cast %xor3A_2728 : vector<16xi32> to vector<16x1xi32>
      %gather3A_2730 = vector.shape_cast %broadcast_in_dim3A_2729 : vector<16x1xi32> to vector<16xi32>
      %gather3A_2731 = tpu.dynamic_gather %min3A_2725[%gather3A_2730] in [0] : vector<16xi32>, vector<16xi32> -> vector<16xi32>
      %min3A_2732 = arith.minsi %min3A_2725, %gather3A_2731 : vector<16xi32>
      %xor3A_2733 = arith.constant 4 : i32
      %xor3A_2734 = vector.broadcast %xor3A_2733 : i32 to vector<16xi32>
      %xor3A_2735 = arith.xori %iota3A, %xor3A_2734 : vector<16xi32>
      %broadcast_in_dim3A_2736 = vector.shape_cast %xor3A_2735 : vector<16xi32> to vector<16x1xi32>
      %gather3A_2737 = vector.shape_cast %broadcast_in_dim3A_2736 : vector<16x1xi32> to vector<16xi32>
      %gather3A_2738 = tpu.dynamic_gather %min3A_2732[%gather3A_2737] in [0] : vector<16xi32>, vector<16xi32> -> vector<16xi32>
      %min3A_2739 = arith.minsi %min3A_2732, %gather3A_2738 : vector<16xi32>
      %xor3A_2740 = arith.constant 2 : i32
      %xor3A_2741 = vector.broadcast %xor3A_2740 : i32 to vector<16xi32>
      %xor3A_2742 = arith.xori %iota3A, %xor3A_2741 : vector<16xi32>
      %broadcast_in_dim3A_2743 = vector.shape_cast %xor3A_2742 : vector<16xi32> to vector<16x1xi32>
      %gather3A_2744 = vector.shape_cast %broadcast_in_dim3A_2743 : vector<16x1xi32> to vector<16xi32>
      %gather3A_2745 = tpu.dynamic_gather %min3A_2739[%gather3A_2744] in [0] : vector<16xi32>, vector<16xi32> -> vector<16xi32>
      %min3A_2746 = arith.minsi %min3A_2739, %gather3A_2745 : vector<16xi32>
      %xor3A_2747 = arith.constant 1 : i32
      %xor3A_2748 = vector.broadcast %xor3A_2747 : i32 to vector<16xi32>
      %xor3A_2749 = arith.xori %iota3A, %xor3A_2748 : vector<16xi32>
      %broadcast_in_dim3A_2750 = vector.shape_cast %xor3A_2749 : vector<16xi32> to vector<16x1xi32>
      %gather3A_2751 = vector.shape_cast %broadcast_in_dim3A_2750 : vector<16x1xi32> to vector<16xi32>
      %gather3A_2752 = tpu.dynamic_gather %min3A_2746[%gather3A_2751] in [0] : vector<16xi32>, vector<16xi32> -> vector<16xi32>
      %min3A_2753 = arith.minsi %min3A_2746, %gather3A_2752 : vector<16xi32>
      %sub3A_2754 = arith.subf %get3A_2655, %max3A_2701 : vector<16xf32>
      %exp3A_2755 = math.exp %sub3A_2754 : vector<16xf32>
      %sub3A_2756 = arith.subf %get3A_2660, %max3A_2701 : vector<16xf32>
      %exp3A_2757 = math.exp %sub3A_2756 : vector<16xf32>
      %sub3A_2758 = arith.subf %get3A_2665, %max3A_2701 : vector<16xf32>
      %exp3A_2759 = math.exp %sub3A_2758 : vector<16xf32>
      %sub3A_2760 = arith.subf %get3A_2670, %max3A_2701 : vector<16xf32>
      %exp3A_2761 = math.exp %sub3A_2760 : vector<16xf32>
      %add3A_2762 = arith.addf %exp3A_2755, %exp3A_2757 : vector<16xf32>
      %add3A_2763 = arith.addf %add3A_2762, %exp3A_2759 : vector<16xf32>
      %add3A_2764 = arith.addf %add3A_2763, %exp3A_2761 : vector<16xf32>
      %xor3A_2765 = arith.constant 8 : i32
      %xor3A_2766 = vector.broadcast %xor3A_2765 : i32 to vector<16xi32>
      %xor3A_2767 = arith.xori %iota3A, %xor3A_2766 : vector<16xi32>
      %broadcast_in_dim3A_2768 = vector.shape_cast %xor3A_2767 : vector<16xi32> to vector<16x1xi32>
      %gather3A_2769 = vector.shape_cast %broadcast_in_dim3A_2768 : vector<16x1xi32> to vector<16xi32>
      %gather3A_2770 = tpu.dynamic_gather %add3A_2764[%gather3A_2769] in [0] : vector<16xf32>, vector<16xi32> -> vector<16xf32>
      %add3A_2771 = arith.addf %add3A_2764, %gather3A_2770 : vector<16xf32>
      %xor3A_2772 = arith.constant 4 : i32
      %xor3A_2773 = vector.broadcast %xor3A_2772 : i32 to vector<16xi32>
      %xor3A_2774 = arith.xori %iota3A, %xor3A_2773 : vector<16xi32>
      %broadcast_in_dim3A_2775 = vector.shape_cast %xor3A_2774 : vector<16xi32> to vector<16x1xi32>
      %gather3A_2776 = vector.shape_cast %broadcast_in_dim3A_2775 : vector<16x1xi32> to vector<16xi32>
      %gather3A_2777 = tpu.dynamic_gather %add3A_2771[%gather3A_2776] in [0] : vector<16xf32>, vector<16xi32> -> vector<16xf32>
      %add3A_2778 = arith.addf %add3A_2771, %gather3A_2777 : vector<16xf32>
      %xor3A_2779 = arith.constant 2 : i32
      %xor3A_2780 = vector.broadcast %xor3A_2779 : i32 to vector<16xi32>
      %xor3A_2781 = arith.xori %iota3A, %xor3A_2780 : vector<16xi32>
      %broadcast_in_dim3A_2782 = vector.shape_cast %xor3A_2781 : vector<16xi32> to vector<16x1xi32>
      %gather3A_2783 = vector.shape_cast %broadcast_in_dim3A_2782 : vector<16x1xi32> to vector<16xi32>
      %gather3A_2784 = tpu.dynamic_gather %add3A_2778[%gather3A_2783] in [0] : vector<16xf32>, vector<16xi32> -> vector<16xf32>
      %add3A_2785 = arith.addf %add3A_2778, %gather3A_2784 : vector<16xf32>
      %xor3A_2786 = arith.constant 1 : i32
      %xor3A_2787 = vector.broadcast %xor3A_2786 : i32 to vector<16xi32>
      %xor3A_2788 = arith.xori %iota3A, %xor3A_2787 : vector<16xi32>
      %broadcast_in_dim3A_2789 = vector.shape_cast %xor3A_2788 : vector<16xi32> to vector<16x1xi32>
      %gather3A_2790 = vector.shape_cast %broadcast_in_dim3A_2789 : vector<16x1xi32> to vector<16xi32>
      %gather3A_2791 = tpu.dynamic_gather %add3A_2785[%gather3A_2790] in [0] : vector<16xf32>, vector<16xi32> -> vector<16xf32>
      %add3A_2792 = arith.addf %add3A_2785, %gather3A_2791 : vector<16xf32>
      %swap3A_2793 = arith.index_cast %mul3A_2652 : i32 to index
      %swap3A_2794 = tpu.vector_load %arg8[%swap3A_2793] {strides = array<i32>} : memref<16384xf32, #tpu.memory_space<vmem>>, vector<16xf32>,
      %swap3A_2795 = vector.shape_cast %swap3A_2794 : vector<16xf32> to vector<16xf32>
      %swap3A_2796 = vector.shape_cast %exp3A_2755 : vector<16xf32> to vector<16xf32>
      tpu.vector_store %arg8[%swap3A_2793], %swap3A_2796 {strides = array<i32>} : memref<16384xf32, #tpu.memory_space<vmem>>, vector<16xf32>,
      %add3A_2797 = arith.constant 16 : i32
      %add3A_2798 = arith.addi %mul3A_2652, %add3A_2797 : i32
      %swap3A_2799 = arith.index_cast %add3A_2798 : i32 to index
      %swap3A_2800 = tpu.vector_load %arg8[%swap3A_2799] {strides = array<i32>} : memref<16384xf32, #tpu.memory_space<vmem>>, vector<16xf32>,
      %swap3A_2801 = vector.shape_cast %swap3A_2800 : vector<16xf32> to vector<16xf32>
      %swap3A_2802 = vector.shape_cast %exp3A_2757 : vector<16xf32> to vector<16xf32>
      tpu.vector_store %arg8[%swap3A_2799], %swap3A_2802 {strides = array<i32>} : memref<16384xf32, #tpu.memory_space<vmem>>, vector<16xf32>,
      %add3A_2803 = arith.constant 32 : i32
      %add3A_2804 = arith.addi %mul3A_2652, %add3A_2803 : i32
      %swap3A_2805 = arith.index_cast %add3A_2804 : i32 to index
      %swap3A_2806 = tpu.vector_load %arg8[%swap3A_2805] {strides = array<i32>} : memref<16384xf32, #tpu.memory_space<vmem>>, vector<16xf32>,
      %swap3A_2807 = vector.shape_cast %swap3A_2806 : vector<16xf32> to vector<16xf32>
      %swap3A_2808 = vector.shape_cast %exp3A_2759 : vector<16xf32> to vector<16xf32>
      tpu.vector_store %arg8[%swap3A_2805], %swap3A_2808 {strides = array<i32>} : memref<16384xf32, #tpu.memory_space<vmem>>, vector<16xf32>,
      %add3A_2809 = arith.constant 48 : i32
      %add3A_2810 = arith.addi %mul3A_2652, %add3A_2809 : i32
      %swap3A_2811 = arith.index_cast %add3A_2810 : i32 to index
      %swap3A_2812 = tpu.vector_load %arg8[%swap3A_2811] {strides = array<i32>} : memref<16384xf32, #tpu.memory_space<vmem>>, vector<16xf32>,
      %swap3A_2813 = vector.shape_cast %swap3A_2812 : vector<16xf32> to vector<16xf32>
      %swap3A_2814 = vector.shape_cast %exp3A_2761 : vector<16xf32> to vector<16xf32>
      tpu.vector_store %arg8[%swap3A_2811], %swap3A_2814 {strides = array<i32>} : memref<16384xf32, #tpu.memory_space<vmem>>, vector<16xf32>,
      %eq3A_2815 = arith.constant 15 : i32
      %eq3A_2816 = vector.broadcast %eq3A_2815 : i32 to vector<16xi32>
      %eq3A_2817 = arith.cmpi eq, %iota3A, %eq3A_2816 : vector<16xi32>
      %select_n3A_2818 = arith.select %eq3A_2817, %min3A_2753, %select_n3A_2642 : vector<16xi1>, vector<16xi32>
      %eq3A_2819 = arith.constant 15 : i32
      %eq3A_2820 = vector.broadcast %eq3A_2819 : i32 to vector<16xi32>
      %eq3A_2821 = arith.cmpi eq, %iota3A, %eq3A_2820 : vector<16xi32>
      %select_n3A_2822 = arith.select %eq3A_2821, %add3A_2792, %select_n3A_2646 : vector<16xi1>, vector<16xf32>
      %div3A = arith.constant 1.000000e+00 : f32
      %div3A_2823 = vector.broadcast %div3A : f32 to vector<16xf32>
      %div3A_2824 = arith.divf %div3A_2823, %select_n3A_2822 : vector<16xf32>
      %mul3A_2825 = arith.constant 16 : i32
      %mul3A_2826 = arith.muli %scan3A_13, %mul3A_2825 : i32
      %add3A_2827 = arith.constant 0 : i32
      %add3A_2828 = arith.addi %mul3A_2826, %add3A_2827 : i32
      %mul3A_2829 = arith.constant 64 : i32
      %mul3A_2830 = arith.muli %add3A_2828, %mul3A_2829 : i32
      %broadcast_in_dim3A_2831 = arith.constant 0 : i32
      %broadcast_in_dim3A_2832 = vector.broadcast %broadcast_in_dim3A_2831 : i32 to vector<16x1xi32>
      %gather3A_2833 = vector.shape_cast %broadcast_in_dim3A_2832 : vector<16x1xi32> to vector<16xi32>
      %gather3A_2834 = tpu.dynamic_gather %div3A_2824[%gather3A_2833] in [0] : vector<16xf32>, vector<16xi32> -> vector<16xf32>
      %get3A_2835 = arith.index_cast %mul3A_2830 : i32 to index
      %get3A_2836 = tpu.vector_load %arg8[%get3A_2835] {strides = array<i32>} : memref<16384xf32, #tpu.memory_space<vmem>>, vector<16xf32>,
      %get3A_2837 = vector.shape_cast %get3A_2836 : vector<16xf32> to vector<16xf32>
      %mul3A_2838 = arith.mulf %get3A_2837, %gather3A_2834 : vector<16xf32>
      %swap3A_2839 = arith.index_cast %mul3A_2830 : i32 to index
      %swap3A_2840 = tpu.vector_load %arg8[%swap3A_2839] {strides = array<i32>} : memref<16384xf32, #tpu.memory_space<vmem>>, vector<16xf32>,
      %swap3A_2841 = vector.shape_cast %swap3A_2840 : vector<16xf32> to vector<16xf32>
      %swap3A_2842 = vector.shape_cast %mul3A_2838 : vector<16xf32> to vector<16xf32>
      tpu.vector_store %arg8[%swap3A_2839], %swap3A_2842 {strides = array<i32>} : memref<16384xf32, #tpu.memory_space<vmem>>, vector<16xf32>,
      %add3A_2843 = arith.constant 16 : i32
      %add3A_2844 = arith.addi %mul3A_2830, %add3A_2843 : i32
      %get3A_2845 = arith.index_cast %add3A_2844 : i32 to index
      %get3A_2846 = tpu.vector_load %arg8[%get3A_2845] {strides = array<i32>} : memref<16384xf32, #tpu.memory_space<vmem>>, vector<16xf32>,
      %get3A_2847 = vector.shape_cast %get3A_2846 : vector<16xf32> to vector<16xf32>
      %mul3A_2848 = arith.mulf %get3A_2847, %gather3A_2834 : vector<16xf32>
      %add3A_2849 = arith.constant 16 : i32
      %add3A_2850 = arith.addi %mul3A_2830, %add3A_2849 : i32
      %swap3A_2851 = arith.index_cast %add3A_2850 : i32 to index
      %swap3A_2852 = tpu.vector_load %arg8[%swap3A_2851] {strides = array<i32>} : memref<16384xf32, #tpu.memory_space<vmem>>, vector<16xf32>,
      %swap3A_2853 = vector.shape_cast %swap3A_2852 : vector<16xf32> to vector<16xf32>
      %swap3A_2854 = vector.shape_cast %mul3A_2848 : vector<16xf32> to vector<16xf32>
      tpu.vector_store %arg8[%swap3A_2851], %swap3A_2854 {strides = array<i32>} : memref<16384xf32, #tpu.memory_space<vmem>>, vector<16xf32>,
      %add3A_2855 = arith.constant 32 : i32
      %add3A_2856 = arith.addi %mul3A_2830, %add3A_2855 : i32
      %get3A_2857 = arith.index_cast %add3A_2856 : i32 to index
      %get3A_2858 = tpu.vector_load %arg8[%get3A_2857] {strides = array<i32>} : memref<16384xf32, #tpu.memory_space<vmem>>, vector<16xf32>,
      %get3A_2859 = vector.shape_cast %get3A_2858 : vector<16xf32> to vector<16xf32>
      %mul3A_2860 = arith.mulf %get3A_2859, %gather3A_2834 : vector<16xf32>
      %add3A_2861 = arith.constant 32 : i32
      %add3A_2862 = arith.addi %mul3A_2830, %add3A_2861 : i32
      %swap3A_2863 = arith.index_cast %add3A_2862 : i32 to index
      %swap3A_2864 = tpu.vector_load %arg8[%swap3A_2863] {strides = array<i32>} : memref<16384xf32, #tpu.memory_space<vmem>>, vector<16xf32>,
      %swap3A_2865 = vector.shape_cast %swap3A_2864 : vector<16xf32> to vector<16xf32>
      %swap3A_2866 = vector.shape_cast %mul3A_2860 : vector<16xf32> to vector<16xf32>
      tpu.vector_store %arg8[%swap3A_2863], %swap3A_2866 {strides = array<i32>} : memref<16384xf32, #tpu.memory_space<vmem>>, vector<16xf32>,
      %add3A_2867 = arith.constant 48 : i32
      %add3A_2868 = arith.addi %mul3A_2830, %add3A_2867 : i32
      %get3A_2869 = arith.index_cast %add3A_2868 : i32 to index
      %get3A_2870 = tpu.vector_load %arg8[%get3A_2869] {strides = array<i32>} : memref<16384xf32, #tpu.memory_space<vmem>>, vector<16xf32>,
      %get3A_2871 = vector.shape_cast %get3A_2870 : vector<16xf32> to vector<16xf32>
      %mul3A_2872 = arith.mulf %get3A_2871, %gather3A_2834 : vector<16xf32>
      %add3A_2873 = arith.constant 48 : i32
      %add3A_2874 = arith.addi %mul3A_2830, %add3A_2873 : i32
      %swap3A_2875 = arith.index_cast %add3A_2874 : i32 to index
      %swap3A_2876 = tpu.vector_load %arg8[%swap3A_2875] {strides = array<i32>} : memref<16384xf32, #tpu.memory_space<vmem>>, vector<16xf32>,
      %swap3A_2877 = vector.shape_cast %swap3A_2876 : vector<16xf32> to vector<16xf32>
      %swap3A_2878 = vector.shape_cast %mul3A_2872 : vector<16xf32> to vector<16xf32>
      tpu.vector_store %arg8[%swap3A_2875], %swap3A_2878 {strides = array<i32>} : memref<16384xf32, #tpu.memory_space<vmem>>, vector<16xf32>,
      %mul3A_2879 = arith.constant 16 : i32
      %mul3A_2880 = arith.muli %scan3A_13, %mul3A_2879 : i32
      %add3A_2881 = arith.constant 1 : i32
      %add3A_2882 = arith.addi %mul3A_2880, %add3A_2881 : i32
      %mul3A_2883 = arith.constant 64 : i32
      %mul3A_2884 = arith.muli %add3A_2882, %mul3A_2883 : i32
      %broadcast_in_dim3A_2885 = arith.constant 1 : i32
      %broadcast_in_dim3A_2886 = vector.broadcast %broadcast_in_dim3A_2885 : i32 to vector<16x1xi32>
      %gather3A_2887 = vector.shape_cast %broadcast_in_dim3A_2886 : vector<16x1xi32> to vector<16xi32>
      %gather3A_2888 = tpu.dynamic_gather %div3A_2824[%gather3A_2887] in [0] : vector<16xf32>, vector<16xi32> -> vector<16xf32>
      %get3A_2889 = arith.index_cast %mul3A_2884 : i32 to index
      %get3A_2890 = tpu.vector_load %arg8[%get3A_2889] {strides = array<i32>} : memref<16384xf32, #tpu.memory_space<vmem>>, vector<16xf32>,
      %get3A_2891 = vector.shape_cast %get3A_2890 : vector<16xf32> to vector<16xf32>
      %mul3A_2892 = arith.mulf %get3A_2891, %gather3A_2888 : vector<16xf32>
      %swap3A_2893 = arith.index_cast %mul3A_2884 : i32 to index
      %swap3A_2894 = tpu.vector_load %arg8[%swap3A_2893] {strides = array<i32>} : memref<16384xf32, #tpu.memory_space<vmem>>, vector<16xf32>,
      %swap3A_2895 = vector.shape_cast %swap3A_2894 : vector<16xf32> to vector<16xf32>
      %swap3A_2896 = vector.shape_cast %mul3A_2892 : vector<16xf32> to vector<16xf32>
      tpu.vector_store %arg8[%swap3A_2893], %swap3A_2896 {strides = array<i32>} : memref<16384xf32, #tpu.memory_space<vmem>>, vector<16xf32>,
      %add3A_2897 = arith.constant 16 : i32
      %add3A_2898 = arith.addi %mul3A_2884, %add3A_2897 : i32
      %get3A_2899 = arith.index_cast %add3A_2898 : i32 to index
      %get3A_2900 = tpu.vector_load %arg8[%get3A_2899] {strides = array<i32>} : memref<16384xf32, #tpu.memory_space<vmem>>, vector<16xf32>,
      %get3A_2901 = vector.shape_cast %get3A_2900 : vector<16xf32> to vector<16xf32>
      %mul3A_2902 = arith.mulf %get3A_2901, %gather3A_2888 : vector<16xf32>
      %add3A_2903 = arith.constant 16 : i32
      %add3A_2904 = arith.addi %mul3A_2884, %add3A_2903 : i32
      %swap3A_2905 = arith.index_cast %add3A_2904 : i32 to index
      %swap3A_2906 = tpu.vector_load %arg8[%swap3A_2905] {strides = array<i32>} : memref<16384xf32, #tpu.memory_space<vmem>>, vector<16xf32>,
      %swap3A_2907 = vector.shape_cast %swap3A_2906 : vector<16xf32> to vector<16xf32>
      %swap3A_2908 = vector.shape_cast %mul3A_2902 : vector<16xf32> to vector<16xf32>
      tpu.vector_store %arg8[%swap3A_2905], %swap3A_2908 {strides = array<i32>} : memref<16384xf32, #tpu.memory_space<vmem>>, vector<16xf32>,
      %add3A_2909 = arith.constant 32 : i32
      %add3A_2910 = arith.addi %mul3A_2884, %add3A_2909 : i32
      %get3A_2911 = arith.index_cast %add3A_2910 : i32 to index
      %get3A_2912 = tpu.vector_load %arg8[%get3A_2911] {strides = array<i32>} : memref<16384xf32, #tpu.memory_space<vmem>>, vector<16xf32>,
      %get3A_2913 = vector.shape_cast %get3A_2912 : vector<16xf32> to vector<16xf32>
      %mul3A_2914 = arith.mulf %get3A_2913, %gather3A_2888 : vector<16xf32>
      %add3A_2915 = arith.constant 32 : i32
      %add3A_2916 = arith.addi %mul3A_2884, %add3A_2915 : i32
      %swap3A_2917 = arith.index_cast %add3A_2916 : i32 to index
      %swap3A_2918 = tpu.vector_load %arg8[%swap3A_2917] {strides = array<i32>} : memref<16384xf32, #tpu.memory_space<vmem>>, vector<16xf32>,
      %swap3A_2919 = vector.shape_cast %swap3A_2918 : vector<16xf32> to vector<16xf32>
      %swap3A_2920 = vector.shape_cast %mul3A_2914 : vector<16xf32> to vector<16xf32>
      tpu.vector_store %arg8[%swap3A_2917], %swap3A_2920 {strides = array<i32>} : memref<16384xf32, #tpu.memory_space<vmem>>, vector<16xf32>,
      %add3A_2921 = arith.constant 48 : i32
      %add3A_2922 = arith.addi %mul3A_2884, %add3A_2921 : i32
      %get3A_2923 = arith.index_cast %add3A_2922 : i32 to index
      %get3A_2924 = tpu.vector_load %arg8[%get3A_2923] {strides = array<i32>} : memref<16384xf32, #tpu.memory_space<vmem>>, vector<16xf32>,
      %get3A_2925 = vector.shape_cast %get3A_2924 : vector<16xf32> to vector<16xf32>
      %mul3A_2926 = arith.mulf %get3A_2925, %gather3A_2888 : vector<16xf32>
      %add3A_2927 = arith.constant 48 : i32
      %add3A_2928 = arith.addi %mul3A_2884, %add3A_2927 : i32
      %swap3A_2929 = arith.index_cast %add3A_2928 : i32 to index
      %swap3A_2930 = tpu.vector_load %arg8[%swap3A_2929] {strides = array<i32>} : memref<16384xf32, #tpu.memory_space<vmem>>, vector<16xf32>,
      %swap3A_2931 = vector.shape_cast %swap3A_2930 : vector<16xf32> to vector<16xf32>
      %swap3A_2932 = vector.shape_cast %mul3A_2926 : vector<16xf32> to vector<16xf32>
      tpu.vector_store %arg8[%swap3A_2929], %swap3A_2932 {strides = array<i32>} : memref<16384xf32, #tpu.memory_space<vmem>>, vector<16xf32>,
      %mul3A_2933 = arith.constant 16 : i32
      %mul3A_2934 = arith.muli %scan3A_13, %mul3A_2933 : i32
      %add3A_2935 = arith.constant 2 : i32
      %add3A_2936 = arith.addi %mul3A_2934, %add3A_2935 : i32
      %mul3A_2937 = arith.constant 64 : i32
      %mul3A_2938 = arith.muli %add3A_2936, %mul3A_2937 : i32
      %broadcast_in_dim3A_2939 = arith.constant 2 : i32
      %broadcast_in_dim3A_2940 = vector.broadcast %broadcast_in_dim3A_2939 : i32 to vector<16x1xi32>
      %gather3A_2941 = vector.shape_cast %broadcast_in_dim3A_2940 : vector<16x1xi32> to vector<16xi32>
      %gather3A_2942 = tpu.dynamic_gather %div3A_2824[%gather3A_2941] in [0] : vector<16xf32>, vector<16xi32> -> vector<16xf32>
      %get3A_2943 = arith.index_cast %mul3A_2938 : i32 to index
      %get3A_2944 = tpu.vector_load %arg8[%get3A_2943] {strides = array<i32>} : memref<16384xf32, #tpu.memory_space<vmem>>, vector<16xf32>,
      %get3A_2945 = vector.shape_cast %get3A_2944 : vector<16xf32> to vector<16xf32>
      %mul3A_2946 = arith.mulf %get3A_2945, %gather3A_2942 : vector<16xf32>
      %swap3A_2947 = arith.index_cast %mul3A_2938 : i32 to index
      %swap3A_2948 = tpu.vector_load %arg8[%swap3A_2947] {strides = array<i32>} : memref<16384xf32, #tpu.memory_space<vmem>>, vector<16xf32>,
      %swap3A_2949 = vector.shape_cast %swap3A_2948 : vector<16xf32> to vector<16xf32>
      %swap3A_2950 = vector.shape_cast %mul3A_2946 : vector<16xf32> to vector<16xf32>
      tpu.vector_store %arg8[%swap3A_2947], %swap3A_2950 {strides = array<i32>} : memref<16384xf32, #tpu.memory_space<vmem>>, vector<16xf32>,
      %add3A_2951 = arith.constant 16 : i32
      %add3A_2952 = arith.addi %mul3A_2938, %add3A_2951 : i32
      %get3A_2953 = arith.index_cast %add3A_2952 : i32 to index
      %get3A_2954 = tpu.vector_load %arg8[%get3A_2953] {strides = array<i32>} : memref<16384xf32, #tpu.memory_space<vmem>>, vector<16xf32>,
      %get3A_2955 = vector.shape_cast %get3A_2954 : vector<16xf32> to vector<16xf32>
      %mul3A_2956 = arith.mulf %get3A_2955, %gather3A_2942 : vector<16xf32>
      %add3A_2957 = arith.constant 16 : i32
      %add3A_2958 = arith.addi %mul3A_2938, %add3A_2957 : i32
      %swap3A_2959 = arith.index_cast %add3A_2958 : i32 to index
      %swap3A_2960 = tpu.vector_load %arg8[%swap3A_2959] {strides = array<i32>} : memref<16384xf32, #tpu.memory_space<vmem>>, vector<16xf32>,
      %swap3A_2961 = vector.shape_cast %swap3A_2960 : vector<16xf32> to vector<16xf32>
      %swap3A_2962 = vector.shape_cast %mul3A_2956 : vector<16xf32> to vector<16xf32>
      tpu.vector_store %arg8[%swap3A_2959], %swap3A_2962 {strides = array<i32>} : memref<16384xf32, #tpu.memory_space<vmem>>, vector<16xf32>,
      %add3A_2963 = arith.constant 32 : i32
      %add3A_2964 = arith.addi %mul3A_2938, %add3A_2963 : i32
      %get3A_2965 = arith.index_cast %add3A_2964 : i32 to index
      %get3A_2966 = tpu.vector_load %arg8[%get3A_2965] {strides = array<i32>} : memref<16384xf32, #tpu.memory_space<vmem>>, vector<16xf32>,
      %get3A_2967 = vector.shape_cast %get3A_2966 : vector<16xf32> to vector<16xf32>
      %mul3A_2968 = arith.mulf %get3A_2967, %gather3A_2942 : vector<16xf32>
      %add3A_2969 = arith.constant 32 : i32
      %add3A_2970 = arith.addi %mul3A_2938, %add3A_2969 : i32
      %swap3A_2971 = arith.index_cast %add3A_2970 : i32 to index
      %swap3A_2972 = tpu.vector_load %arg8[%swap3A_2971] {strides = array<i32>} : memref<16384xf32, #tpu.memory_space<vmem>>, vector<16xf32>,
      %swap3A_2973 = vector.shape_cast %swap3A_2972 : vector<16xf32> to vector<16xf32>
      %swap3A_2974 = vector.shape_cast %mul3A_2968 : vector<16xf32> to vector<16xf32>
      tpu.vector_store %arg8[%swap3A_2971], %swap3A_2974 {strides = array<i32>} : memref<16384xf32, #tpu.memory_space<vmem>>, vector<16xf32>,
      %add3A_2975 = arith.constant 48 : i32
      %add3A_2976 = arith.addi %mul3A_2938, %add3A_2975 : i32
      %get3A_2977 = arith.index_cast %add3A_2976 : i32 to index
      %get3A_2978 = tpu.vector_load %arg8[%get3A_2977] {strides = array<i32>} : memref<16384xf32, #tpu.memory_space<vmem>>, vector<16xf32>,
      %get3A_2979 = vector.shape_cast %get3A_2978 : vector<16xf32> to vector<16xf32>
      %mul3A_2980 = arith.mulf %get3A_2979, %gather3A_2942 : vector<16xf32>
      %add3A_2981 = arith.constant 48 : i32
      %add3A_2982 = arith.addi %mul3A_2938, %add3A_2981 : i32
      %swap3A_2983 = arith.index_cast %add3A_2982 : i32 to index
      %swap3A_2984 = tpu.vector_load %arg8[%swap3A_2983] {strides = array<i32>} : memref<16384xf32, #tpu.memory_space<vmem>>, vector<16xf32>,
      %swap3A_2985 = vector.shape_cast %swap3A_2984 : vector<16xf32> to vector<16xf32>
      %swap3A_2986 = vector.shape_cast %mul3A_2980 : vector<16xf32> to vector<16xf32>
      tpu.vector_store %arg8[%swap3A_2983], %swap3A_2986 {strides = array<i32>} : memref<16384xf32, #tpu.memory_space<vmem>>, vector<16xf32>,
      %mul3A_2987 = arith.constant 16 : i32
      %mul3A_2988 = arith.muli %scan3A_13, %mul3A_2987 : i32
      %add3A_2989 = arith.constant 3 : i32
      %add3A_2990 = arith.addi %mul3A_2988, %add3A_2989 : i32
      %mul3A_2991 = arith.constant 64 : i32
      %mul3A_2992 = arith.muli %add3A_2990, %mul3A_2991 : i32
      %broadcast_in_dim3A_2993 = arith.constant 3 : i32
      %broadcast_in_dim3A_2994 = vector.broadcast %broadcast_in_dim3A_2993 : i32 to vector<16x1xi32>
      %gather3A_2995 = vector.shape_cast %broadcast_in_dim3A_2994 : vector<16x1xi32> to vector<16xi32>
      %gather3A_2996 = tpu.dynamic_gather %div3A_2824[%gather3A_2995] in [0] : vector<16xf32>, vector<16xi32> -> vector<16xf32>
      %get3A_2997 = arith.index_cast %mul3A_2992 : i32 to index
      %get3A_2998 = tpu.vector_load %arg8[%get3A_2997] {strides = array<i32>} : memref<16384xf32, #tpu.memory_space<vmem>>, vector<16xf32>,
      %get3A_2999 = vector.shape_cast %get3A_2998 : vector<16xf32> to vector<16xf32>
      %mul3A_3000 = arith.mulf %get3A_2999, %gather3A_2996 : vector<16xf32>
      %swap3A_3001 = arith.index_cast %mul3A_2992 : i32 to index
      %swap3A_3002 = tpu.vector_load %arg8[%swap3A_3001] {strides = array<i32>} : memref<16384xf32, #tpu.memory_space<vmem>>, vector<16xf32>,
      %swap3A_3003 = vector.shape_cast %swap3A_3002 : vector<16xf32> to vector<16xf32>
      %swap3A_3004 = vector.shape_cast %mul3A_3000 : vector<16xf32> to vector<16xf32>
      tpu.vector_store %arg8[%swap3A_3001], %swap3A_3004 {strides = array<i32>} : memref<16384xf32, #tpu.memory_space<vmem>>, vector<16xf32>,
      %add3A_3005 = arith.constant 16 : i32
      %add3A_3006 = arith.addi %mul3A_2992, %add3A_3005 : i32
      %get3A_3007 = arith.index_cast %add3A_3006 : i32 to index
      %get3A_3008 = tpu.vector_load %arg8[%get3A_3007] {strides = array<i32>} : memref<16384xf32, #tpu.memory_space<vmem>>, vector<16xf32>,
      %get3A_3009 = vector.shape_cast %get3A_3008 : vector<16xf32> to vector<16xf32>
      %mul3A_3010 = arith.mulf %get3A_3009, %gather3A_2996 : vector<16xf32>
      %add3A_3011 = arith.constant 16 : i32
      %add3A_3012 = arith.addi %mul3A_2992, %add3A_3011 : i32
      %swap3A_3013 = arith.index_cast %add3A_3012 : i32 to index
      %swap3A_3014 = tpu.vector_load %arg8[%swap3A_3013] {strides = array<i32>} : memref<16384xf32, #tpu.memory_space<vmem>>, vector<16xf32>,
      %swap3A_3015 = vector.shape_cast %swap3A_3014 : vector<16xf32> to vector<16xf32>
      %swap3A_3016 = vector.shape_cast %mul3A_3010 : vector<16xf32> to vector<16xf32>
      tpu.vector_store %arg8[%swap3A_3013], %swap3A_3016 {strides = array<i32>} : memref<16384xf32, #tpu.memory_space<vmem>>, vector<16xf32>,
      %add3A_3017 = arith.constant 32 : i32
      %add3A_3018 = arith.addi %mul3A_2992, %add3A_3017 : i32
      %get3A_3019 = arith.index_cast %add3A_3018 : i32 to index
      %get3A_3020 = tpu.vector_load %arg8[%get3A_3019] {strides = array<i32>} : memref<16384xf32, #tpu.memory_space<vmem>>, vector<16xf32>,
      %get3A_3021 = vector.shape_cast %get3A_3020 : vector<16xf32> to vector<16xf32>
      %mul3A_3022 = arith.mulf %get3A_3021, %gather3A_2996 : vector<16xf32>
      %add3A_3023 = arith.constant 32 : i32
      %add3A_3024 = arith.addi %mul3A_2992, %add3A_3023 : i32
      %swap3A_3025 = arith.index_cast %add3A_3024 : i32 to index
      %swap3A_3026 = tpu.vector_load %arg8[%swap3A_3025] {strides = array<i32>} : memref<16384xf32, #tpu.memory_space<vmem>>, vector<16xf32>,
      %swap3A_3027 = vector.shape_cast %swap3A_3026 : vector<16xf32> to vector<16xf32>
      %swap3A_3028 = vector.shape_cast %mul3A_3022 : vector<16xf32> to vector<16xf32>
      tpu.vector_store %arg8[%swap3A_3025], %swap3A_3028 {strides = array<i32>} : memref<16384xf32, #tpu.memory_space<vmem>>, vector<16xf32>,
      %add3A_3029 = arith.constant 48 : i32
      %add3A_3030 = arith.addi %mul3A_2992, %add3A_3029 : i32
      %get3A_3031 = arith.index_cast %add3A_3030 : i32 to index
      %get3A_3032 = tpu.vector_load %arg8[%get3A_3031] {strides = array<i32>} : memref<16384xf32, #tpu.memory_space<vmem>>, vector<16xf32>,
      %get3A_3033 = vector.shape_cast %get3A_3032 : vector<16xf32> to vector<16xf32>
      %mul3A_3034 = arith.mulf %get3A_3033, %gather3A_2996 : vector<16xf32>
      %add3A_3035 = arith.constant 48 : i32
      %add3A_3036 = arith.addi %mul3A_2992, %add3A_3035 : i32
      %swap3A_3037 = arith.index_cast %add3A_3036 : i32 to index
      %swap3A_3038 = tpu.vector_load %arg8[%swap3A_3037] {strides = array<i32>} : memref<16384xf32, #tpu.memory_space<vmem>>, vector<16xf32>,
      %swap3A_3039 = vector.shape_cast %swap3A_3038 : vector<16xf32> to vector<16xf32>
      %swap3A_3040 = vector.shape_cast %mul3A_3034 : vector<16xf32> to vector<16xf32>
      tpu.vector_store %arg8[%swap3A_3037], %swap3A_3040 {strides = array<i32>} : memref<16384xf32, #tpu.memory_space<vmem>>, vector<16xf32>,
      %mul3A_3041 = arith.constant 16 : i32
      %mul3A_3042 = arith.muli %scan3A_13, %mul3A_3041 : i32
      %add3A_3043 = arith.constant 4 : i32
      %add3A_3044 = arith.addi %mul3A_3042, %add3A_3043 : i32
      %mul3A_3045 = arith.constant 64 : i32
      %mul3A_3046 = arith.muli %add3A_3044, %mul3A_3045 : i32
      %broadcast_in_dim3A_3047 = arith.constant 4 : i32
      %broadcast_in_dim3A_3048 = vector.broadcast %broadcast_in_dim3A_3047 : i32 to vector<16x1xi32>
      %gather3A_3049 = vector.shape_cast %broadcast_in_dim3A_3048 : vector<16x1xi32> to vector<16xi32>
      %gather3A_3050 = tpu.dynamic_gather %div3A_2824[%gather3A_3049] in [0] : vector<16xf32>, vector<16xi32> -> vector<16xf32>
      %get3A_3051 = arith.index_cast %mul3A_3046 : i32 to index
      %get3A_3052 = tpu.vector_load %arg8[%get3A_3051] {strides = array<i32>} : memref<16384xf32, #tpu.memory_space<vmem>>, vector<16xf32>,
      %get3A_3053 = vector.shape_cast %get3A_3052 : vector<16xf32> to vector<16xf32>
      %mul3A_3054 = arith.mulf %get3A_3053, %gather3A_3050 : vector<16xf32>
      %swap3A_3055 = arith.index_cast %mul3A_3046 : i32 to index
      %swap3A_3056 = tpu.vector_load %arg8[%swap3A_3055] {strides = array<i32>} : memref<16384xf32, #tpu.memory_space<vmem>>, vector<16xf32>,
      %swap3A_3057 = vector.shape_cast %swap3A_3056 : vector<16xf32> to vector<16xf32>
      %swap3A_3058 = vector.shape_cast %mul3A_3054 : vector<16xf32> to vector<16xf32>
      tpu.vector_store %arg8[%swap3A_3055], %swap3A_3058 {strides = array<i32>} : memref<16384xf32, #tpu.memory_space<vmem>>, vector<16xf32>,
      %add3A_3059 = arith.constant 16 : i32
      %add3A_3060 = arith.addi %mul3A_3046, %add3A_3059 : i32
      %get3A_3061 = arith.index_cast %add3A_3060 : i32 to index
      %get3A_3062 = tpu.vector_load %arg8[%get3A_3061] {strides = array<i32>} : memref<16384xf32, #tpu.memory_space<vmem>>, vector<16xf32>,
      %get3A_3063 = vector.shape_cast %get3A_3062 : vector<16xf32> to vector<16xf32>
      %mul3A_3064 = arith.mulf %get3A_3063, %gather3A_3050 : vector<16xf32>
      %add3A_3065 = arith.constant 16 : i32
      %add3A_3066 = arith.addi %mul3A_3046, %add3A_3065 : i32
      %swap3A_3067 = arith.index_cast %add3A_3066 : i32 to index
      %swap3A_3068 = tpu.vector_load %arg8[%swap3A_3067] {strides = array<i32>} : memref<16384xf32, #tpu.memory_space<vmem>>, vector<16xf32>,
      %swap3A_3069 = vector.shape_cast %swap3A_3068 : vector<16xf32> to vector<16xf32>
      %swap3A_3070 = vector.shape_cast %mul3A_3064 : vector<16xf32> to vector<16xf32>
      tpu.vector_store %arg8[%swap3A_3067], %swap3A_3070 {strides = array<i32>} : memref<16384xf32, #tpu.memory_space<vmem>>, vector<16xf32>,
      %add3A_3071 = arith.constant 32 : i32
      %add3A_3072 = arith.addi %mul3A_3046, %add3A_3071 : i32
      %get3A_3073 = arith.index_cast %add3A_3072 : i32 to index
      %get3A_3074 = tpu.vector_load %arg8[%get3A_3073] {strides = array<i32>} : memref<16384xf32, #tpu.memory_space<vmem>>, vector<16xf32>,
      %get3A_3075 = vector.shape_cast %get3A_3074 : vector<16xf32> to vector<16xf32>
      %mul3A_3076 = arith.mulf %get3A_3075, %gather3A_3050 : vector<16xf32>
      %add3A_3077 = arith.constant 32 : i32
      %add3A_3078 = arith.addi %mul3A_3046, %add3A_3077 : i32
      %swap3A_3079 = arith.index_cast %add3A_3078 : i32 to index
      %swap3A_3080 = tpu.vector_load %arg8[%swap3A_3079] {strides = array<i32>} : memref<16384xf32, #tpu.memory_space<vmem>>, vector<16xf32>,
      %swap3A_3081 = vector.shape_cast %swap3A_3080 : vector<16xf32> to vector<16xf32>
      %swap3A_3082 = vector.shape_cast %mul3A_3076 : vector<16xf32> to vector<16xf32>
      tpu.vector_store %arg8[%swap3A_3079], %swap3A_3082 {strides = array<i32>} : memref<16384xf32, #tpu.memory_space<vmem>>, vector<16xf32>,
      %add3A_3083 = arith.constant 48 : i32
      %add3A_3084 = arith.addi %mul3A_3046, %add3A_3083 : i32
      %get3A_3085 = arith.index_cast %add3A_3084 : i32 to index
      %get3A_3086 = tpu.vector_load %arg8[%get3A_3085] {strides = array<i32>} : memref<16384xf32, #tpu.memory_space<vmem>>, vector<16xf32>,
      %get3A_3087 = vector.shape_cast %get3A_3086 : vector<16xf32> to vector<16xf32>
      %mul3A_3088 = arith.mulf %get3A_3087, %gather3A_3050 : vector<16xf32>
      %add3A_3089 = arith.constant 48 : i32
      %add3A_3090 = arith.addi %mul3A_3046, %add3A_3089 : i32
      %swap3A_3091 = arith.index_cast %add3A_3090 : i32 to index
      %swap3A_3092 = tpu.vector_load %arg8[%swap3A_3091] {strides = array<i32>} : memref<16384xf32, #tpu.memory_space<vmem>>, vector<16xf32>,
      %swap3A_3093 = vector.shape_cast %swap3A_3092 : vector<16xf32> to vector<16xf32>
      %swap3A_3094 = vector.shape_cast %mul3A_3088 : vector<16xf32> to vector<16xf32>
      tpu.vector_store %arg8[%swap3A_3091], %swap3A_3094 {strides = array<i32>} : memref<16384xf32, #tpu.memory_space<vmem>>, vector<16xf32>,
      %mul3A_3095 = arith.constant 16 : i32
      %mul3A_3096 = arith.muli %scan3A_13, %mul3A_3095 : i32
      %add3A_3097 = arith.constant 5 : i32
      %add3A_3098 = arith.addi %mul3A_3096, %add3A_3097 : i32
      %mul3A_3099 = arith.constant 64 : i32
      %mul3A_3100 = arith.muli %add3A_3098, %mul3A_3099 : i32
      %broadcast_in_dim3A_3101 = arith.constant 5 : i32
      %broadcast_in_dim3A_3102 = vector.broadcast %broadcast_in_dim3A_3101 : i32 to vector<16x1xi32>
      %gather3A_3103 = vector.shape_cast %broadcast_in_dim3A_3102 : vector<16x1xi32> to vector<16xi32>
      %gather3A_3104 = tpu.dynamic_gather %div3A_2824[%gather3A_3103] in [0] : vector<16xf32>, vector<16xi32> -> vector<16xf32>
      %get3A_3105 = arith.index_cast %mul3A_3100 : i32 to index
      %get3A_3106 = tpu.vector_load %arg8[%get3A_3105] {strides = array<i32>} : memref<16384xf32, #tpu.memory_space<vmem>>, vector<16xf32>,
      %get3A_3107 = vector.shape_cast %get3A_3106 : vector<16xf32> to vector<16xf32>
      %mul3A_3108 = arith.mulf %get3A_3107, %gather3A_3104 : vector<16xf32>
      %swap3A_3109 = arith.index_cast %mul3A_3100 : i32 to index
      %swap3A_3110 = tpu.vector_load %arg8[%swap3A_3109] {strides = array<i32>} : memref<16384xf32, #tpu.memory_space<vmem>>, vector<16xf32>,
      %swap3A_3111 = vector.shape_cast %swap3A_3110 : vector<16xf32> to vector<16xf32>
      %swap3A_3112 = vector.shape_cast %mul3A_3108 : vector<16xf32> to vector<16xf32>
      tpu.vector_store %arg8[%swap3A_3109], %swap3A_3112 {strides = array<i32>} : memref<16384xf32, #tpu.memory_space<vmem>>, vector<16xf32>,
      %add3A_3113 = arith.constant 16 : i32
      %add3A_3114 = arith.addi %mul3A_3100, %add3A_3113 : i32
      %get3A_3115 = arith.index_cast %add3A_3114 : i32 to index
      %get3A_3116 = tpu.vector_load %arg8[%get3A_3115] {strides = array<i32>} : memref<16384xf32, #tpu.memory_space<vmem>>, vector<16xf32>,
      %get3A_3117 = vector.shape_cast %get3A_3116 : vector<16xf32> to vector<16xf32>
      %mul3A_3118 = arith.mulf %get3A_3117, %gather3A_3104 : vector<16xf32>
      %add3A_3119 = arith.constant 16 : i32
      %add3A_3120 = arith.addi %mul3A_3100, %add3A_3119 : i32
      %swap3A_3121 = arith.index_cast %add3A_3120 : i32 to index
      %swap3A_3122 = tpu.vector_load %arg8[%swap3A_3121] {strides = array<i32>} : memref<16384xf32, #tpu.memory_space<vmem>>, vector<16xf32>,
      %swap3A_3123 = vector.shape_cast %swap3A_3122 : vector<16xf32> to vector<16xf32>
      %swap3A_3124 = vector.shape_cast %mul3A_3118 : vector<16xf32> to vector<16xf32>
      tpu.vector_store %arg8[%swap3A_3121], %swap3A_3124 {strides = array<i32>} : memref<16384xf32, #tpu.memory_space<vmem>>, vector<16xf32>,
      %add3A_3125 = arith.constant 32 : i32
      %add3A_3126 = arith.addi %mul3A_3100, %add3A_3125 : i32
      %get3A_3127 = arith.index_cast %add3A_3126 : i32 to index
      %get3A_3128 = tpu.vector_load %arg8[%get3A_3127] {strides = array<i32>} : memref<16384xf32, #tpu.memory_space<vmem>>, vector<16xf32>,
      %get3A_3129 = vector.shape_cast %get3A_3128 : vector<16xf32> to vector<16xf32>
      %mul3A_3130 = arith.mulf %get3A_3129, %gather3A_3104 : vector<16xf32>
      %add3A_3131 = arith.constant 32 : i32
      %add3A_3132 = arith.addi %mul3A_3100, %add3A_3131 : i32
      %swap3A_3133 = arith.index_cast %add3A_3132 : i32 to index
      %swap3A_3134 = tpu.vector_load %arg8[%swap3A_3133] {strides = array<i32>} : memref<16384xf32, #tpu.memory_space<vmem>>, vector<16xf32>,
      %swap3A_3135 = vector.shape_cast %swap3A_3134 : vector<16xf32> to vector<16xf32>
      %swap3A_3136 = vector.shape_cast %mul3A_3130 : vector<16xf32> to vector<16xf32>
      tpu.vector_store %arg8[%swap3A_3133], %swap3A_3136 {strides = array<i32>} : memref<16384xf32, #tpu.memory_space<vmem>>, vector<16xf32>,
      %add3A_3137 = arith.constant 48 : i32
      %add3A_3138 = arith.addi %mul3A_3100, %add3A_3137 : i32
      %get3A_3139 = arith.index_cast %add3A_3138 : i32 to index
      %get3A_3140 = tpu.vector_load %arg8[%get3A_3139] {strides = array<i32>} : memref<16384xf32, #tpu.memory_space<vmem>>, vector<16xf32>,
      %get3A_3141 = vector.shape_cast %get3A_3140 : vector<16xf32> to vector<16xf32>
      %mul3A_3142 = arith.mulf %get3A_3141, %gather3A_3104 : vector<16xf32>
      %add3A_3143 = arith.constant 48 : i32
      %add3A_3144 = arith.addi %mul3A_3100, %add3A_3143 : i32
      %swap3A_3145 = arith.index_cast %add3A_3144 : i32 to index
      %swap3A_3146 = tpu.vector_load %arg8[%swap3A_3145] {strides = array<i32>} : memref<16384xf32, #tpu.memory_space<vmem>>, vector<16xf32>,
      %swap3A_3147 = vector.shape_cast %swap3A_3146 : vector<16xf32> to vector<16xf32>
      %swap3A_3148 = vector.shape_cast %mul3A_3142 : vector<16xf32> to vector<16xf32>
      tpu.vector_store %arg8[%swap3A_3145], %swap3A_3148 {strides = array<i32>} : memref<16384xf32, #tpu.memory_space<vmem>>, vector<16xf32>,
      %mul3A_3149 = arith.constant 16 : i32
      %mul3A_3150 = arith.muli %scan3A_13, %mul3A_3149 : i32
      %add3A_3151 = arith.constant 6 : i32
      %add3A_3152 = arith.addi %mul3A_3150, %add3A_3151 : i32
      %mul3A_3153 = arith.constant 64 : i32
      %mul3A_3154 = arith.muli %add3A_3152, %mul3A_3153 : i32
      %broadcast_in_dim3A_3155 = arith.constant 6 : i32
      %broadcast_in_dim3A_3156 = vector.broadcast %broadcast_in_dim3A_3155 : i32 to vector<16x1xi32>
      %gather3A_3157 = vector.shape_cast %broadcast_in_dim3A_3156 : vector<16x1xi32> to vector<16xi32>
      %gather3A_3158 = tpu.dynamic_gather %div3A_2824[%gather3A_3157] in [0] : vector<16xf32>, vector<16xi32> -> vector<16xf32>
      %get3A_3159 = arith.index_cast %mul3A_3154 : i32 to index
      %get3A_3160 = tpu.vector_load %arg8[%get3A_3159] {strides = array<i32>} : memref<16384xf32, #tpu.memory_space<vmem>>, vector<16xf32>,
      %get3A_3161 = vector.shape_cast %get3A_3160 : vector<16xf32> to vector<16xf32>
      %mul3A_3162 = arith.mulf %get3A_3161, %gather3A_3158 : vector<16xf32>
      %swap3A_3163 = arith.index_cast %mul3A_3154 : i32 to index
      %swap3A_3164 = tpu.vector_load %arg8[%swap3A_3163] {strides = array<i32>} : memref<16384xf32, #tpu.memory_space<vmem>>, vector<16xf32>,
      %swap3A_3165 = vector.shape_cast %swap3A_3164 : vector<16xf32> to vector<16xf32>
      %swap3A_3166 = vector.shape_cast %mul3A_3162 : vector<16xf32> to vector<16xf32>
      tpu.vector_store %arg8[%swap3A_3163], %swap3A_3166 {strides = array<i32>} : memref<16384xf32, #tpu.memory_space<vmem>>, vector<16xf32>,
      %add3A_3167 = arith.constant 16 : i32
      %add3A_3168 = arith.addi %mul3A_3154, %add3A_3167 : i32
      %get3A_3169 = arith.index_cast %add3A_3168 : i32 to index
      %get3A_3170 = tpu.vector_load %arg8[%get3A_3169] {strides = array<i32>} : memref<16384xf32, #tpu.memory_space<vmem>>, vector<16xf32>,
      %get3A_3171 = vector.shape_cast %get3A_3170 : vector<16xf32> to vector<16xf32>
      %mul3A_3172 = arith.mulf %get3A_3171, %gather3A_3158 : vector<16xf32>
      %add3A_3173 = arith.constant 16 : i32
      %add3A_3174 = arith.addi %mul3A_3154, %add3A_3173 : i32
      %swap3A_3175 = arith.index_cast %add3A_3174 : i32 to index
      %swap3A_3176 = tpu.vector_load %arg8[%swap3A_3175] {strides = array<i32>} : memref<16384xf32, #tpu.memory_space<vmem>>, vector<16xf32>,
      %swap3A_3177 = vector.shape_cast %swap3A_3176 : vector<16xf32> to vector<16xf32>
      %swap3A_3178 = vector.shape_cast %mul3A_3172 : vector<16xf32> to vector<16xf32>
      tpu.vector_store %arg8[%swap3A_3175], %swap3A_3178 {strides = array<i32>} : memref<16384xf32, #tpu.memory_space<vmem>>, vector<16xf32>,
      %add3A_3179 = arith.constant 32 : i32
      %add3A_3180 = arith.addi %mul3A_3154, %add3A_3179 : i32
      %get3A_3181 = arith.index_cast %add3A_3180 : i32 to index
      %get3A_3182 = tpu.vector_load %arg8[%get3A_3181] {strides = array<i32>} : memref<16384xf32, #tpu.memory_space<vmem>>, vector<16xf32>,
      %get3A_3183 = vector.shape_cast %get3A_3182 : vector<16xf32> to vector<16xf32>
      %mul3A_3184 = arith.mulf %get3A_3183, %gather3A_3158 : vector<16xf32>
      %add3A_3185 = arith.constant 32 : i32
      %add3A_3186 = arith.addi %mul3A_3154, %add3A_3185 : i32
      %swap3A_3187 = arith.index_cast %add3A_3186 : i32 to index
      %swap3A_3188 = tpu.vector_load %arg8[%swap3A_3187] {strides = array<i32>} : memref<16384xf32, #tpu.memory_space<vmem>>, vector<16xf32>,
      %swap3A_3189 = vector.shape_cast %swap3A_3188 : vector<16xf32> to vector<16xf32>
      %swap3A_3190 = vector.shape_cast %mul3A_3184 : vector<16xf32> to vector<16xf32>
      tpu.vector_store %arg8[%swap3A_3187], %swap3A_3190 {strides = array<i32>} : memref<16384xf32, #tpu.memory_space<vmem>>, vector<16xf32>,
      %add3A_3191 = arith.constant 48 : i32
      %add3A_3192 = arith.addi %mul3A_3154, %add3A_3191 : i32
      %get3A_3193 = arith.index_cast %add3A_3192 : i32 to index
      %get3A_3194 = tpu.vector_load %arg8[%get3A_3193] {strides = array<i32>} : memref<16384xf32, #tpu.memory_space<vmem>>, vector<16xf32>,
      %get3A_3195 = vector.shape_cast %get3A_3194 : vector<16xf32> to vector<16xf32>
      %mul3A_3196 = arith.mulf %get3A_3195, %gather3A_3158 : vector<16xf32>
      %add3A_3197 = arith.constant 48 : i32
      %add3A_3198 = arith.addi %mul3A_3154, %add3A_3197 : i32
      %swap3A_3199 = arith.index_cast %add3A_3198 : i32 to index
      %swap3A_3200 = tpu.vector_load %arg8[%swap3A_3199] {strides = array<i32>} : memref<16384xf32, #tpu.memory_space<vmem>>, vector<16xf32>,
      %swap3A_3201 = vector.shape_cast %swap3A_3200 : vector<16xf32> to vector<16xf32>
      %swap3A_3202 = vector.shape_cast %mul3A_3196 : vector<16xf32> to vector<16xf32>
      tpu.vector_store %arg8[%swap3A_3199], %swap3A_3202 {strides = array<i32>} : memref<16384xf32, #tpu.memory_space<vmem>>, vector<16xf32>,
      %mul3A_3203 = arith.constant 16 : i32
      %mul3A_3204 = arith.muli %scan3A_13, %mul3A_3203 : i32
      %add3A_3205 = arith.constant 7 : i32
      %add3A_3206 = arith.addi %mul3A_3204, %add3A_3205 : i32
      %mul3A_3207 = arith.constant 64 : i32
      %mul3A_3208 = arith.muli %add3A_3206, %mul3A_3207 : i32
      %broadcast_in_dim3A_3209 = arith.constant 7 : i32
      %broadcast_in_dim3A_3210 = vector.broadcast %broadcast_in_dim3A_3209 : i32 to vector<16x1xi32>
      %gather3A_3211 = vector.shape_cast %broadcast_in_dim3A_3210 : vector<16x1xi32> to vector<16xi32>
      %gather3A_3212 = tpu.dynamic_gather %div3A_2824[%gather3A_3211] in [0] : vector<16xf32>, vector<16xi32> -> vector<16xf32>
      %get3A_3213 = arith.index_cast %mul3A_3208 : i32 to index
      %get3A_3214 = tpu.vector_load %arg8[%get3A_3213] {strides = array<i32>} : memref<16384xf32, #tpu.memory_space<vmem>>, vector<16xf32>,
      %get3A_3215 = vector.shape_cast %get3A_3214 : vector<16xf32> to vector<16xf32>
      %mul3A_3216 = arith.mulf %get3A_3215, %gather3A_3212 : vector<16xf32>
      %swap3A_3217 = arith.index_cast %mul3A_3208 : i32 to index
      %swap3A_3218 = tpu.vector_load %arg8[%swap3A_3217] {strides = array<i32>} : memref<16384xf32, #tpu.memory_space<vmem>>, vector<16xf32>,
      %swap3A_3219 = vector.shape_cast %swap3A_3218 : vector<16xf32> to vector<16xf32>
      %swap3A_3220 = vector.shape_cast %mul3A_3216 : vector<16xf32> to vector<16xf32>
      tpu.vector_store %arg8[%swap3A_3217], %swap3A_3220 {strides = array<i32>} : memref<16384xf32, #tpu.memory_space<vmem>>, vector<16xf32>,
      %add3A_3221 = arith.constant 16 : i32
      %add3A_3222 = arith.addi %mul3A_3208, %add3A_3221 : i32
      %get3A_3223 = arith.index_cast %add3A_3222 : i32 to index
      %get3A_3224 = tpu.vector_load %arg8[%get3A_3223] {strides = array<i32>} : memref<16384xf32, #tpu.memory_space<vmem>>, vector<16xf32>,
      %get3A_3225 = vector.shape_cast %get3A_3224 : vector<16xf32> to vector<16xf32>
      %mul3A_3226 = arith.mulf %get3A_3225, %gather3A_3212 : vector<16xf32>
      %add3A_3227 = arith.constant 16 : i32
      %add3A_3228 = arith.addi %mul3A_3208, %add3A_3227 : i32
      %swap3A_3229 = arith.index_cast %add3A_3228 : i32 to index
      %swap3A_3230 = tpu.vector_load %arg8[%swap3A_3229] {strides = array<i32>} : memref<16384xf32, #tpu.memory_space<vmem>>, vector<16xf32>,
      %swap3A_3231 = vector.shape_cast %swap3A_3230 : vector<16xf32> to vector<16xf32>
      %swap3A_3232 = vector.shape_cast %mul3A_3226 : vector<16xf32> to vector<16xf32>
      tpu.vector_store %arg8[%swap3A_3229], %swap3A_3232 {strides = array<i32>} : memref<16384xf32, #tpu.memory_space<vmem>>, vector<16xf32>,
      %add3A_3233 = arith.constant 32 : i32
      %add3A_3234 = arith.addi %mul3A_3208, %add3A_3233 : i32
      %get3A_3235 = arith.index_cast %add3A_3234 : i32 to index
      %get3A_3236 = tpu.vector_load %arg8[%get3A_3235] {strides = array<i32>} : memref<16384xf32, #tpu.memory_space<vmem>>, vector<16xf32>,
      %get3A_3237 = vector.shape_cast %get3A_3236 : vector<16xf32> to vector<16xf32>
      %mul3A_3238 = arith.mulf %get3A_3237, %gather3A_3212 : vector<16xf32>
      %add3A_3239 = arith.constant 32 : i32
      %add3A_3240 = arith.addi %mul3A_3208, %add3A_3239 : i32
      %swap3A_3241 = arith.index_cast %add3A_3240 : i32 to index
      %swap3A_3242 = tpu.vector_load %arg8[%swap3A_3241] {strides = array<i32>} : memref<16384xf32, #tpu.memory_space<vmem>>, vector<16xf32>,
      %swap3A_3243 = vector.shape_cast %swap3A_3242 : vector<16xf32> to vector<16xf32>
      %swap3A_3244 = vector.shape_cast %mul3A_3238 : vector<16xf32> to vector<16xf32>
      tpu.vector_store %arg8[%swap3A_3241], %swap3A_3244 {strides = array<i32>} : memref<16384xf32, #tpu.memory_space<vmem>>, vector<16xf32>,
      %add3A_3245 = arith.constant 48 : i32
      %add3A_3246 = arith.addi %mul3A_3208, %add3A_3245 : i32
      %get3A_3247 = arith.index_cast %add3A_3246 : i32 to index
      %get3A_3248 = tpu.vector_load %arg8[%get3A_3247] {strides = array<i32>} : memref<16384xf32, #tpu.memory_space<vmem>>, vector<16xf32>,
      %get3A_3249 = vector.shape_cast %get3A_3248 : vector<16xf32> to vector<16xf32>
      %mul3A_3250 = arith.mulf %get3A_3249, %gather3A_3212 : vector<16xf32>
      %add3A_3251 = arith.constant 48 : i32
      %add3A_3252 = arith.addi %mul3A_3208, %add3A_3251 : i32
      %swap3A_3253 = arith.index_cast %add3A_3252 : i32 to index
      %swap3A_3254 = tpu.vector_load %arg8[%swap3A_3253] {strides = array<i32>} : memref<16384xf32, #tpu.memory_space<vmem>>, vector<16xf32>,
      %swap3A_3255 = vector.shape_cast %swap3A_3254 : vector<16xf32> to vector<16xf32>
      %swap3A_3256 = vector.shape_cast %mul3A_3250 : vector<16xf32> to vector<16xf32>
      tpu.vector_store %arg8[%swap3A_3253], %swap3A_3256 {strides = array<i32>} : memref<16384xf32, #tpu.memory_space<vmem>>, vector<16xf32>,
      %mul3A_3257 = arith.constant 16 : i32
      %mul3A_3258 = arith.muli %scan3A_13, %mul3A_3257 : i32
      %add3A_3259 = arith.constant 8 : i32
      %add3A_3260 = arith.addi %mul3A_3258, %add3A_3259 : i32
      %mul3A_3261 = arith.constant 64 : i32
      %mul3A_3262 = arith.muli %add3A_3260, %mul3A_3261 : i32
      %broadcast_in_dim3A_3263 = arith.constant 8 : i32
      %broadcast_in_dim3A_3264 = vector.broadcast %broadcast_in_dim3A_3263 : i32 to vector<16x1xi32>
      %gather3A_3265 = vector.shape_cast %broadcast_in_dim3A_3264 : vector<16x1xi32> to vector<16xi32>
      %gather3A_3266 = tpu.dynamic_gather %div3A_2824[%gather3A_3265] in [0] : vector<16xf32>, vector<16xi32> -> vector<16xf32>
      %get3A_3267 = arith.index_cast %mul3A_3262 : i32 to index
      %get3A_3268 = tpu.vector_load %arg8[%get3A_3267] {strides = array<i32>} : memref<16384xf32, #tpu.memory_space<vmem>>, vector<16xf32>,
      %get3A_3269 = vector.shape_cast %get3A_3268 : vector<16xf32> to vector<16xf32>
      %mul3A_3270 = arith.mulf %get3A_3269, %gather3A_3266 : vector<16xf32>
      %swap3A_3271 = arith.index_cast %mul3A_3262 : i32 to index
      %swap3A_3272 = tpu.vector_load %arg8[%swap3A_3271] {strides = array<i32>} : memref<16384xf32, #tpu.memory_space<vmem>>, vector<16xf32>,
      %swap3A_3273 = vector.shape_cast %swap3A_3272 : vector<16xf32> to vector<16xf32>
      %swap3A_3274 = vector.shape_cast %mul3A_3270 : vector<16xf32> to vector<16xf32>
      tpu.vector_store %arg8[%swap3A_3271], %swap3A_3274 {strides = array<i32>} : memref<16384xf32, #tpu.memory_space<vmem>>, vector<16xf32>,
      %add3A_3275 = arith.constant 16 : i32
      %add3A_3276 = arith.addi %mul3A_3262, %add3A_3275 : i32
      %get3A_3277 = arith.index_cast %add3A_3276 : i32 to index
      %get3A_3278 = tpu.vector_load %arg8[%get3A_3277] {strides = array<i32>} : memref<16384xf32, #tpu.memory_space<vmem>>, vector<16xf32>,
      %get3A_3279 = vector.shape_cast %get3A_3278 : vector<16xf32> to vector<16xf32>
      %mul3A_3280 = arith.mulf %get3A_3279, %gather3A_3266 : vector<16xf32>
      %add3A_3281 = arith.constant 16 : i32
      %add3A_3282 = arith.addi %mul3A_3262, %add3A_3281 : i32
      %swap3A_3283 = arith.index_cast %add3A_3282 : i32 to index
      %swap3A_3284 = tpu.vector_load %arg8[%swap3A_3283] {strides = array<i32>} : memref<16384xf32, #tpu.memory_space<vmem>>, vector<16xf32>,
      %swap3A_3285 = vector.shape_cast %swap3A_3284 : vector<16xf32> to vector<16xf32>
      %swap3A_3286 = vector.shape_cast %mul3A_3280 : vector<16xf32> to vector<16xf32>
      tpu.vector_store %arg8[%swap3A_3283], %swap3A_3286 {strides = array<i32>} : memref<16384xf32, #tpu.memory_space<vmem>>, vector<16xf32>,
      %add3A_3287 = arith.constant 32 : i32
      %add3A_3288 = arith.addi %mul3A_3262, %add3A_3287 : i32
      %get3A_3289 = arith.index_cast %add3A_3288 : i32 to index
      %get3A_3290 = tpu.vector_load %arg8[%get3A_3289] {strides = array<i32>} : memref<16384xf32, #tpu.memory_space<vmem>>, vector<16xf32>,
      %get3A_3291 = vector.shape_cast %get3A_3290 : vector<16xf32> to vector<16xf32>
      %mul3A_3292 = arith.mulf %get3A_3291, %gather3A_3266 : vector<16xf32>
      %add3A_3293 = arith.constant 32 : i32
      %add3A_3294 = arith.addi %mul3A_3262, %add3A_3293 : i32
      %swap3A_3295 = arith.index_cast %add3A_3294 : i32 to index
      %swap3A_3296 = tpu.vector_load %arg8[%swap3A_3295] {strides = array<i32>} : memref<16384xf32, #tpu.memory_space<vmem>>, vector<16xf32>,
      %swap3A_3297 = vector.shape_cast %swap3A_3296 : vector<16xf32> to vector<16xf32>
      %swap3A_3298 = vector.shape_cast %mul3A_3292 : vector<16xf32> to vector<16xf32>
      tpu.vector_store %arg8[%swap3A_3295], %swap3A_3298 {strides = array<i32>} : memref<16384xf32, #tpu.memory_space<vmem>>, vector<16xf32>,
      %add3A_3299 = arith.constant 48 : i32
      %add3A_3300 = arith.addi %mul3A_3262, %add3A_3299 : i32
      %get3A_3301 = arith.index_cast %add3A_3300 : i32 to index
      %get3A_3302 = tpu.vector_load %arg8[%get3A_3301] {strides = array<i32>} : memref<16384xf32, #tpu.memory_space<vmem>>, vector<16xf32>,
      %get3A_3303 = vector.shape_cast %get3A_3302 : vector<16xf32> to vector<16xf32>
      %mul3A_3304 = arith.mulf %get3A_3303, %gather3A_3266 : vector<16xf32>
      %add3A_3305 = arith.constant 48 : i32
      %add3A_3306 = arith.addi %mul3A_3262, %add3A_3305 : i32
      %swap3A_3307 = arith.index_cast %add3A_3306 : i32 to index
      %swap3A_3308 = tpu.vector_load %arg8[%swap3A_3307] {strides = array<i32>} : memref<16384xf32, #tpu.memory_space<vmem>>, vector<16xf32>,
      %swap3A_3309 = vector.shape_cast %swap3A_3308 : vector<16xf32> to vector<16xf32>
      %swap3A_3310 = vector.shape_cast %mul3A_3304 : vector<16xf32> to vector<16xf32>
      tpu.vector_store %arg8[%swap3A_3307], %swap3A_3310 {strides = array<i32>} : memref<16384xf32, #tpu.memory_space<vmem>>, vector<16xf32>,
      %mul3A_3311 = arith.constant 16 : i32
      %mul3A_3312 = arith.muli %scan3A_13, %mul3A_3311 : i32
      %add3A_3313 = arith.constant 9 : i32
      %add3A_3314 = arith.addi %mul3A_3312, %add3A_3313 : i32
      %mul3A_3315 = arith.constant 64 : i32
      %mul3A_3316 = arith.muli %add3A_3314, %mul3A_3315 : i32
      %broadcast_in_dim3A_3317 = arith.constant 9 : i32
      %broadcast_in_dim3A_3318 = vector.broadcast %broadcast_in_dim3A_3317 : i32 to vector<16x1xi32>
      %gather3A_3319 = vector.shape_cast %broadcast_in_dim3A_3318 : vector<16x1xi32> to vector<16xi32>
      %gather3A_3320 = tpu.dynamic_gather %div3A_2824[%gather3A_3319] in [0] : vector<16xf32>, vector<16xi32> -> vector<16xf32>
      %get3A_3321 = arith.index_cast %mul3A_3316 : i32 to index
      %get3A_3322 = tpu.vector_load %arg8[%get3A_3321] {strides = array<i32>} : memref<16384xf32, #tpu.memory_space<vmem>>, vector<16xf32>,
      %get3A_3323 = vector.shape_cast %get3A_3322 : vector<16xf32> to vector<16xf32>
      %mul3A_3324 = arith.mulf %get3A_3323, %gather3A_3320 : vector<16xf32>
      %swap3A_3325 = arith.index_cast %mul3A_3316 : i32 to index
      %swap3A_3326 = tpu.vector_load %arg8[%swap3A_3325] {strides = array<i32>} : memref<16384xf32, #tpu.memory_space<vmem>>, vector<16xf32>,
      %swap3A_3327 = vector.shape_cast %swap3A_3326 : vector<16xf32> to vector<16xf32>
      %swap3A_3328 = vector.shape_cast %mul3A_3324 : vector<16xf32> to vector<16xf32>
      tpu.vector_store %arg8[%swap3A_3325], %swap3A_3328 {strides = array<i32>} : memref<16384xf32, #tpu.memory_space<vmem>>, vector<16xf32>,
      %add3A_3329 = arith.constant 16 : i32
      %add3A_3330 = arith.addi %mul3A_3316, %add3A_3329 : i32
      %get3A_3331 = arith.index_cast %add3A_3330 : i32 to index
      %get3A_3332 = tpu.vector_load %arg8[%get3A_3331] {strides = array<i32>} : memref<16384xf32, #tpu.memory_space<vmem>>, vector<16xf32>,
      %get3A_3333 = vector.shape_cast %get3A_3332 : vector<16xf32> to vector<16xf32>
      %mul3A_3334 = arith.mulf %get3A_3333, %gather3A_3320 : vector<16xf32>
      %add3A_3335 = arith.constant 16 : i32
      %add3A_3336 = arith.addi %mul3A_3316, %add3A_3335 : i32
      %swap3A_3337 = arith.index_cast %add3A_3336 : i32 to index
      %swap3A_3338 = tpu.vector_load %arg8[%swap3A_3337] {strides = array<i32>} : memref<16384xf32, #tpu.memory_space<vmem>>, vector<16xf32>,
      %swap3A_3339 = vector.shape_cast %swap3A_3338 : vector<16xf32> to vector<16xf32>
      %swap3A_3340 = vector.shape_cast %mul3A_3334 : vector<16xf32> to vector<16xf32>
      tpu.vector_store %arg8[%swap3A_3337], %swap3A_3340 {strides = array<i32>} : memref<16384xf32, #tpu.memory_space<vmem>>, vector<16xf32>,
      %add3A_3341 = arith.constant 32 : i32
      %add3A_3342 = arith.addi %mul3A_3316, %add3A_3341 : i32
      %get3A_3343 = arith.index_cast %add3A_3342 : i32 to index
      %get3A_3344 = tpu.vector_load %arg8[%get3A_3343] {strides = array<i32>} : memref<16384xf32, #tpu.memory_space<vmem>>, vector<16xf32>,
      %get3A_3345 = vector.shape_cast %get3A_3344 : vector<16xf32> to vector<16xf32>
      %mul3A_3346 = arith.mulf %get3A_3345, %gather3A_3320 : vector<16xf32>
      %add3A_3347 = arith.constant 32 : i32
      %add3A_3348 = arith.addi %mul3A_3316, %add3A_3347 : i32
      %swap3A_3349 = arith.index_cast %add3A_3348 : i32 to index
      %swap3A_3350 = tpu.vector_load %arg8[%swap3A_3349] {strides = array<i32>} : memref<16384xf32, #tpu.memory_space<vmem>>, vector<16xf32>,
      %swap3A_3351 = vector.shape_cast %swap3A_3350 : vector<16xf32> to vector<16xf32>
      %swap3A_3352 = vector.shape_cast %mul3A_3346 : vector<16xf32> to vector<16xf32>
      tpu.vector_store %arg8[%swap3A_3349], %swap3A_3352 {strides = array<i32>} : memref<16384xf32, #tpu.memory_space<vmem>>, vector<16xf32>,
      %add3A_3353 = arith.constant 48 : i32
      %add3A_3354 = arith.addi %mul3A_3316, %add3A_3353 : i32
      %get3A_3355 = arith.index_cast %add3A_3354 : i32 to index
      %get3A_3356 = tpu.vector_load %arg8[%get3A_3355] {strides = array<i32>} : memref<16384xf32, #tpu.memory_space<vmem>>, vector<16xf32>,
      %get3A_3357 = vector.shape_cast %get3A_3356 : vector<16xf32> to vector<16xf32>
      %mul3A_3358 = arith.mulf %get3A_3357, %gather3A_3320 : vector<16xf32>
      %add3A_3359 = arith.constant 48 : i32
      %add3A_3360 = arith.addi %mul3A_3316, %add3A_3359 : i32
      %swap3A_3361 = arith.index_cast %add3A_3360 : i32 to index
      %swap3A_3362 = tpu.vector_load %arg8[%swap3A_3361] {strides = array<i32>} : memref<16384xf32, #tpu.memory_space<vmem>>, vector<16xf32>,
      %swap3A_3363 = vector.shape_cast %swap3A_3362 : vector<16xf32> to vector<16xf32>
      %swap3A_3364 = vector.shape_cast %mul3A_3358 : vector<16xf32> to vector<16xf32>
      tpu.vector_store %arg8[%swap3A_3361], %swap3A_3364 {strides = array<i32>} : memref<16384xf32, #tpu.memory_space<vmem>>, vector<16xf32>,
      %mul3A_3365 = arith.constant 16 : i32
      %mul3A_3366 = arith.muli %scan3A_13, %mul3A_3365 : i32
      %add3A_3367 = arith.constant 10 : i32
      %add3A_3368 = arith.addi %mul3A_3366, %add3A_3367 : i32
      %mul3A_3369 = arith.constant 64 : i32
      %mul3A_3370 = arith.muli %add3A_3368, %mul3A_3369 : i32
      %broadcast_in_dim3A_3371 = arith.constant 10 : i32
      %broadcast_in_dim3A_3372 = vector.broadcast %broadcast_in_dim3A_3371 : i32 to vector<16x1xi32>
      %gather3A_3373 = vector.shape_cast %broadcast_in_dim3A_3372 : vector<16x1xi32> to vector<16xi32>
      %gather3A_3374 = tpu.dynamic_gather %div3A_2824[%gather3A_3373] in [0] : vector<16xf32>, vector<16xi32> -> vector<16xf32>
      %get3A_3375 = arith.index_cast %mul3A_3370 : i32 to index
      %get3A_3376 = tpu.vector_load %arg8[%get3A_3375] {strides = array<i32>} : memref<16384xf32, #tpu.memory_space<vmem>>, vector<16xf32>,
      %get3A_3377 = vector.shape_cast %get3A_3376 : vector<16xf32> to vector<16xf32>
      %mul3A_3378 = arith.mulf %get3A_3377, %gather3A_3374 : vector<16xf32>
      %swap3A_3379 = arith.index_cast %mul3A_3370 : i32 to index
      %swap3A_3380 = tpu.vector_load %arg8[%swap3A_3379] {strides = array<i32>} : memref<16384xf32, #tpu.memory_space<vmem>>, vector<16xf32>,
      %swap3A_3381 = vector.shape_cast %swap3A_3380 : vector<16xf32> to vector<16xf32>
      %swap3A_3382 = vector.shape_cast %mul3A_3378 : vector<16xf32> to vector<16xf32>
      tpu.vector_store %arg8[%swap3A_3379], %swap3A_3382 {strides = array<i32>} : memref<16384xf32, #tpu.memory_space<vmem>>, vector<16xf32>,
      %add3A_3383 = arith.constant 16 : i32
      %add3A_3384 = arith.addi %mul3A_3370, %add3A_3383 : i32
      %get3A_3385 = arith.index_cast %add3A_3384 : i32 to index
      %get3A_3386 = tpu.vector_load %arg8[%get3A_3385] {strides = array<i32>} : memref<16384xf32, #tpu.memory_space<vmem>>, vector<16xf32>,
      %get3A_3387 = vector.shape_cast %get3A_3386 : vector<16xf32> to vector<16xf32>
      %mul3A_3388 = arith.mulf %get3A_3387, %gather3A_3374 : vector<16xf32>
      %add3A_3389 = arith.constant 16 : i32
      %add3A_3390 = arith.addi %mul3A_3370, %add3A_3389 : i32
      %swap3A_3391 = arith.index_cast %add3A_3390 : i32 to index
      %swap3A_3392 = tpu.vector_load %arg8[%swap3A_3391] {strides = array<i32>} : memref<16384xf32, #tpu.memory_space<vmem>>, vector<16xf32>,
      %swap3A_3393 = vector.shape_cast %swap3A_3392 : vector<16xf32> to vector<16xf32>
      %swap3A_3394 = vector.shape_cast %mul3A_3388 : vector<16xf32> to vector<16xf32>
      tpu.vector_store %arg8[%swap3A_3391], %swap3A_3394 {strides = array<i32>} : memref<16384xf32, #tpu.memory_space<vmem>>, vector<16xf32>,
      %add3A_3395 = arith.constant 32 : i32
      %add3A_3396 = arith.addi %mul3A_3370, %add3A_3395 : i32
      %get3A_3397 = arith.index_cast %add3A_3396 : i32 to index
      %get3A_3398 = tpu.vector_load %arg8[%get3A_3397] {strides = array<i32>} : memref<16384xf32, #tpu.memory_space<vmem>>, vector<16xf32>,
      %get3A_3399 = vector.shape_cast %get3A_3398 : vector<16xf32> to vector<16xf32>
      %mul3A_3400 = arith.mulf %get3A_3399, %gather3A_3374 : vector<16xf32>
      %add3A_3401 = arith.constant 32 : i32
      %add3A_3402 = arith.addi %mul3A_3370, %add3A_3401 : i32
      %swap3A_3403 = arith.index_cast %add3A_3402 : i32 to index
      %swap3A_3404 = tpu.vector_load %arg8[%swap3A_3403] {strides = array<i32>} : memref<16384xf32, #tpu.memory_space<vmem>>, vector<16xf32>,
      %swap3A_3405 = vector.shape_cast %swap3A_3404 : vector<16xf32> to vector<16xf32>
      %swap3A_3406 = vector.shape_cast %mul3A_3400 : vector<16xf32> to vector<16xf32>
      tpu.vector_store %arg8[%swap3A_3403], %swap3A_3406 {strides = array<i32>} : memref<16384xf32, #tpu.memory_space<vmem>>, vector<16xf32>,
      %add3A_3407 = arith.constant 48 : i32
      %add3A_3408 = arith.addi %mul3A_3370, %add3A_3407 : i32
      %get3A_3409 = arith.index_cast %add3A_3408 : i32 to index
      %get3A_3410 = tpu.vector_load %arg8[%get3A_3409] {strides = array<i32>} : memref<16384xf32, #tpu.memory_space<vmem>>, vector<16xf32>,
      %get3A_3411 = vector.shape_cast %get3A_3410 : vector<16xf32> to vector<16xf32>
      %mul3A_3412 = arith.mulf %get3A_3411, %gather3A_3374 : vector<16xf32>
      %add3A_3413 = arith.constant 48 : i32
      %add3A_3414 = arith.addi %mul3A_3370, %add3A_3413 : i32
      %swap3A_3415 = arith.index_cast %add3A_3414 : i32 to index
      %swap3A_3416 = tpu.vector_load %arg8[%swap3A_3415] {strides = array<i32>} : memref<16384xf32, #tpu.memory_space<vmem>>, vector<16xf32>,
      %swap3A_3417 = vector.shape_cast %swap3A_3416 : vector<16xf32> to vector<16xf32>
      %swap3A_3418 = vector.shape_cast %mul3A_3412 : vector<16xf32> to vector<16xf32>
      tpu.vector_store %arg8[%swap3A_3415], %swap3A_3418 {strides = array<i32>} : memref<16384xf32, #tpu.memory_space<vmem>>, vector<16xf32>,
      %mul3A_3419 = arith.constant 16 : i32
      %mul3A_3420 = arith.muli %scan3A_13, %mul3A_3419 : i32
      %add3A_3421 = arith.constant 11 : i32
      %add3A_3422 = arith.addi %mul3A_3420, %add3A_3421 : i32
      %mul3A_3423 = arith.constant 64 : i32
      %mul3A_3424 = arith.muli %add3A_3422, %mul3A_3423 : i32
      %broadcast_in_dim3A_3425 = arith.constant 11 : i32
      %broadcast_in_dim3A_3426 = vector.broadcast %broadcast_in_dim3A_3425 : i32 to vector<16x1xi32>
      %gather3A_3427 = vector.shape_cast %broadcast_in_dim3A_3426 : vector<16x1xi32> to vector<16xi32>
      %gather3A_3428 = tpu.dynamic_gather %div3A_2824[%gather3A_3427] in [0] : vector<16xf32>, vector<16xi32> -> vector<16xf32>
      %get3A_3429 = arith.index_cast %mul3A_3424 : i32 to index
      %get3A_3430 = tpu.vector_load %arg8[%get3A_3429] {strides = array<i32>} : memref<16384xf32, #tpu.memory_space<vmem>>, vector<16xf32>,
      %get3A_3431 = vector.shape_cast %get3A_3430 : vector<16xf32> to vector<16xf32>
      %mul3A_3432 = arith.mulf %get3A_3431, %gather3A_3428 : vector<16xf32>
      %swap3A_3433 = arith.index_cast %mul3A_3424 : i32 to index
      %swap3A_3434 = tpu.vector_load %arg8[%swap3A_3433] {strides = array<i32>} : memref<16384xf32, #tpu.memory_space<vmem>>, vector<16xf32>,
      %swap3A_3435 = vector.shape_cast %swap3A_3434 : vector<16xf32> to vector<16xf32>
      %swap3A_3436 = vector.shape_cast %mul3A_3432 : vector<16xf32> to vector<16xf32>
      tpu.vector_store %arg8[%swap3A_3433], %swap3A_3436 {strides = array<i32>} : memref<16384xf32, #tpu.memory_space<vmem>>, vector<16xf32>,
      %add3A_3437 = arith.constant 16 : i32
      %add3A_3438 = arith.addi %mul3A_3424, %add3A_3437 : i32
      %get3A_3439 = arith.index_cast %add3A_3438 : i32 to index
      %get3A_3440 = tpu.vector_load %arg8[%get3A_3439] {strides = array<i32>} : memref<16384xf32, #tpu.memory_space<vmem>>, vector<16xf32>,
      %get3A_3441 = vector.shape_cast %get3A_3440 : vector<16xf32> to vector<16xf32>
      %mul3A_3442 = arith.mulf %get3A_3441, %gather3A_3428 : vector<16xf32>
      %add3A_3443 = arith.constant 16 : i32
      %add3A_3444 = arith.addi %mul3A_3424, %add3A_3443 : i32
      %swap3A_3445 = arith.index_cast %add3A_3444 : i32 to index
      %swap3A_3446 = tpu.vector_load %arg8[%swap3A_3445] {strides = array<i32>} : memref<16384xf32, #tpu.memory_space<vmem>>, vector<16xf32>,
      %swap3A_3447 = vector.shape_cast %swap3A_3446 : vector<16xf32> to vector<16xf32>
      %swap3A_3448 = vector.shape_cast %mul3A_3442 : vector<16xf32> to vector<16xf32>
      tpu.vector_store %arg8[%swap3A_3445], %swap3A_3448 {strides = array<i32>} : memref<16384xf32, #tpu.memory_space<vmem>>, vector<16xf32>,
      %add3A_3449 = arith.constant 32 : i32
      %add3A_3450 = arith.addi %mul3A_3424, %add3A_3449 : i32
      %get3A_3451 = arith.index_cast %add3A_3450 : i32 to index
      %get3A_3452 = tpu.vector_load %arg8[%get3A_3451] {strides = array<i32>} : memref<16384xf32, #tpu.memory_space<vmem>>, vector<16xf32>,
      %get3A_3453 = vector.shape_cast %get3A_3452 : vector<16xf32> to vector<16xf32>
      %mul3A_3454 = arith.mulf %get3A_3453, %gather3A_3428 : vector<16xf32>
      %add3A_3455 = arith.constant 32 : i32
      %add3A_3456 = arith.addi %mul3A_3424, %add3A_3455 : i32
      %swap3A_3457 = arith.index_cast %add3A_3456 : i32 to index
      %swap3A_3458 = tpu.vector_load %arg8[%swap3A_3457] {strides = array<i32>} : memref<16384xf32, #tpu.memory_space<vmem>>, vector<16xf32>,
      %swap3A_3459 = vector.shape_cast %swap3A_3458 : vector<16xf32> to vector<16xf32>
      %swap3A_3460 = vector.shape_cast %mul3A_3454 : vector<16xf32> to vector<16xf32>
      tpu.vector_store %arg8[%swap3A_3457], %swap3A_3460 {strides = array<i32>} : memref<16384xf32, #tpu.memory_space<vmem>>, vector<16xf32>,
      %add3A_3461 = arith.constant 48 : i32
      %add3A_3462 = arith.addi %mul3A_3424, %add3A_3461 : i32
      %get3A_3463 = arith.index_cast %add3A_3462 : i32 to index
      %get3A_3464 = tpu.vector_load %arg8[%get3A_3463] {strides = array<i32>} : memref<16384xf32, #tpu.memory_space<vmem>>, vector<16xf32>,
      %get3A_3465 = vector.shape_cast %get3A_3464 : vector<16xf32> to vector<16xf32>
      %mul3A_3466 = arith.mulf %get3A_3465, %gather3A_3428 : vector<16xf32>
      %add3A_3467 = arith.constant 48 : i32
      %add3A_3468 = arith.addi %mul3A_3424, %add3A_3467 : i32
      %swap3A_3469 = arith.index_cast %add3A_3468 : i32 to index
      %swap3A_3470 = tpu.vector_load %arg8[%swap3A_3469] {strides = array<i32>} : memref<16384xf32, #tpu.memory_space<vmem>>, vector<16xf32>,
      %swap3A_3471 = vector.shape_cast %swap3A_3470 : vector<16xf32> to vector<16xf32>
      %swap3A_3472 = vector.shape_cast %mul3A_3466 : vector<16xf32> to vector<16xf32>
      tpu.vector_store %arg8[%swap3A_3469], %swap3A_3472 {strides = array<i32>} : memref<16384xf32, #tpu.memory_space<vmem>>, vector<16xf32>,
      %mul3A_3473 = arith.constant 16 : i32
      %mul3A_3474 = arith.muli %scan3A_13, %mul3A_3473 : i32
      %add3A_3475 = arith.constant 12 : i32
      %add3A_3476 = arith.addi %mul3A_3474, %add3A_3475 : i32
      %mul3A_3477 = arith.constant 64 : i32
      %mul3A_3478 = arith.muli %add3A_3476, %mul3A_3477 : i32
      %broadcast_in_dim3A_3479 = arith.constant 12 : i32
      %broadcast_in_dim3A_3480 = vector.broadcast %broadcast_in_dim3A_3479 : i32 to vector<16x1xi32>
      %gather3A_3481 = vector.shape_cast %broadcast_in_dim3A_3480 : vector<16x1xi32> to vector<16xi32>
      %gather3A_3482 = tpu.dynamic_gather %div3A_2824[%gather3A_3481] in [0] : vector<16xf32>, vector<16xi32> -> vector<16xf32>
      %get3A_3483 = arith.index_cast %mul3A_3478 : i32 to index
      %get3A_3484 = tpu.vector_load %arg8[%get3A_3483] {strides = array<i32>} : memref<16384xf32, #tpu.memory_space<vmem>>, vector<16xf32>,
      %get3A_3485 = vector.shape_cast %get3A_3484 : vector<16xf32> to vector<16xf32>
      %mul3A_3486 = arith.mulf %get3A_3485, %gather3A_3482 : vector<16xf32>
      %swap3A_3487 = arith.index_cast %mul3A_3478 : i32 to index
      %swap3A_3488 = tpu.vector_load %arg8[%swap3A_3487] {strides = array<i32>} : memref<16384xf32, #tpu.memory_space<vmem>>, vector<16xf32>,
      %swap3A_3489 = vector.shape_cast %swap3A_3488 : vector<16xf32> to vector<16xf32>
      %swap3A_3490 = vector.shape_cast %mul3A_3486 : vector<16xf32> to vector<16xf32>
      tpu.vector_store %arg8[%swap3A_3487], %swap3A_3490 {strides = array<i32>} : memref<16384xf32, #tpu.memory_space<vmem>>, vector<16xf32>,
      %add3A_3491 = arith.constant 16 : i32
      %add3A_3492 = arith.addi %mul3A_3478, %add3A_3491 : i32
      %get3A_3493 = arith.index_cast %add3A_3492 : i32 to index
      %get3A_3494 = tpu.vector_load %arg8[%get3A_3493] {strides = array<i32>} : memref<16384xf32, #tpu.memory_space<vmem>>, vector<16xf32>,
      %get3A_3495 = vector.shape_cast %get3A_3494 : vector<16xf32> to vector<16xf32>
      %mul3A_3496 = arith.mulf %get3A_3495, %gather3A_3482 : vector<16xf32>
      %add3A_3497 = arith.constant 16 : i32
      %add3A_3498 = arith.addi %mul3A_3478, %add3A_3497 : i32
      %swap3A_3499 = arith.index_cast %add3A_3498 : i32 to index
      %swap3A_3500 = tpu.vector_load %arg8[%swap3A_3499] {strides = array<i32>} : memref<16384xf32, #tpu.memory_space<vmem>>, vector<16xf32>,
      %swap3A_3501 = vector.shape_cast %swap3A_3500 : vector<16xf32> to vector<16xf32>
      %swap3A_3502 = vector.shape_cast %mul3A_3496 : vector<16xf32> to vector<16xf32>
      tpu.vector_store %arg8[%swap3A_3499], %swap3A_3502 {strides = array<i32>} : memref<16384xf32, #tpu.memory_space<vmem>>, vector<16xf32>,
      %add3A_3503 = arith.constant 32 : i32
      %add3A_3504 = arith.addi %mul3A_3478, %add3A_3503 : i32
      %get3A_3505 = arith.index_cast %add3A_3504 : i32 to index
      %get3A_3506 = tpu.vector_load %arg8[%get3A_3505] {strides = array<i32>} : memref<16384xf32, #tpu.memory_space<vmem>>, vector<16xf32>,
      %get3A_3507 = vector.shape_cast %get3A_3506 : vector<16xf32> to vector<16xf32>
      %mul3A_3508 = arith.mulf %get3A_3507, %gather3A_3482 : vector<16xf32>
      %add3A_3509 = arith.constant 32 : i32
      %add3A_3510 = arith.addi %mul3A_3478, %add3A_3509 : i32
      %swap3A_3511 = arith.index_cast %add3A_3510 : i32 to index
      %swap3A_3512 = tpu.vector_load %arg8[%swap3A_3511] {strides = array<i32>} : memref<16384xf32, #tpu.memory_space<vmem>>, vector<16xf32>,
      %swap3A_3513 = vector.shape_cast %swap3A_3512 : vector<16xf32> to vector<16xf32>
      %swap3A_3514 = vector.shape_cast %mul3A_3508 : vector<16xf32> to vector<16xf32>
      tpu.vector_store %arg8[%swap3A_3511], %swap3A_3514 {strides = array<i32>} : memref<16384xf32, #tpu.memory_space<vmem>>, vector<16xf32>,
      %add3A_3515 = arith.constant 48 : i32
      %add3A_3516 = arith.addi %mul3A_3478, %add3A_3515 : i32
      %get3A_3517 = arith.index_cast %add3A_3516 : i32 to index
      %get3A_3518 = tpu.vector_load %arg8[%get3A_3517] {strides = array<i32>} : memref<16384xf32, #tpu.memory_space<vmem>>, vector<16xf32>,
      %get3A_3519 = vector.shape_cast %get3A_3518 : vector<16xf32> to vector<16xf32>
      %mul3A_3520 = arith.mulf %get3A_3519, %gather3A_3482 : vector<16xf32>
      %add3A_3521 = arith.constant 48 : i32
      %add3A_3522 = arith.addi %mul3A_3478, %add3A_3521 : i32
      %swap3A_3523 = arith.index_cast %add3A_3522 : i32 to index
      %swap3A_3524 = tpu.vector_load %arg8[%swap3A_3523] {strides = array<i32>} : memref<16384xf32, #tpu.memory_space<vmem>>, vector<16xf32>,
      %swap3A_3525 = vector.shape_cast %swap3A_3524 : vector<16xf32> to vector<16xf32>
      %swap3A_3526 = vector.shape_cast %mul3A_3520 : vector<16xf32> to vector<16xf32>
      tpu.vector_store %arg8[%swap3A_3523], %swap3A_3526 {strides = array<i32>} : memref<16384xf32, #tpu.memory_space<vmem>>, vector<16xf32>,
      %mul3A_3527 = arith.constant 16 : i32
      %mul3A_3528 = arith.muli %scan3A_13, %mul3A_3527 : i32
      %add3A_3529 = arith.constant 13 : i32
      %add3A_3530 = arith.addi %mul3A_3528, %add3A_3529 : i32
      %mul3A_3531 = arith.constant 64 : i32
      %mul3A_3532 = arith.muli %add3A_3530, %mul3A_3531 : i32
      %broadcast_in_dim3A_3533 = arith.constant 13 : i32
      %broadcast_in_dim3A_3534 = vector.broadcast %broadcast_in_dim3A_3533 : i32 to vector<16x1xi32>
      %gather3A_3535 = vector.shape_cast %broadcast_in_dim3A_3534 : vector<16x1xi32> to vector<16xi32>
      %gather3A_3536 = tpu.dynamic_gather %div3A_2824[%gather3A_3535] in [0] : vector<16xf32>, vector<16xi32> -> vector<16xf32>
      %get3A_3537 = arith.index_cast %mul3A_3532 : i32 to index
      %get3A_3538 = tpu.vector_load %arg8[%get3A_3537] {strides = array<i32>} : memref<16384xf32, #tpu.memory_space<vmem>>, vector<16xf32>,
      %get3A_3539 = vector.shape_cast %get3A_3538 : vector<16xf32> to vector<16xf32>
      %mul3A_3540 = arith.mulf %get3A_3539, %gather3A_3536 : vector<16xf32>
      %swap3A_3541 = arith.index_cast %mul3A_3532 : i32 to index
      %swap3A_3542 = tpu.vector_load %arg8[%swap3A_3541] {strides = array<i32>} : memref<16384xf32, #tpu.memory_space<vmem>>, vector<16xf32>,
      %swap3A_3543 = vector.shape_cast %swap3A_3542 : vector<16xf32> to vector<16xf32>
      %swap3A_3544 = vector.shape_cast %mul3A_3540 : vector<16xf32> to vector<16xf32>
      tpu.vector_store %arg8[%swap3A_3541], %swap3A_3544 {strides = array<i32>} : memref<16384xf32, #tpu.memory_space<vmem>>, vector<16xf32>,
      %add3A_3545 = arith.constant 16 : i32
      %add3A_3546 = arith.addi %mul3A_3532, %add3A_3545 : i32
      %get3A_3547 = arith.index_cast %add3A_3546 : i32 to index
      %get3A_3548 = tpu.vector_load %arg8[%get3A_3547] {strides = array<i32>} : memref<16384xf32, #tpu.memory_space<vmem>>, vector<16xf32>,
      %get3A_3549 = vector.shape_cast %get3A_3548 : vector<16xf32> to vector<16xf32>
      %mul3A_3550 = arith.mulf %get3A_3549, %gather3A_3536 : vector<16xf32>
      %add3A_3551 = arith.constant 16 : i32
      %add3A_3552 = arith.addi %mul3A_3532, %add3A_3551 : i32
      %swap3A_3553 = arith.index_cast %add3A_3552 : i32 to index
      %swap3A_3554 = tpu.vector_load %arg8[%swap3A_3553] {strides = array<i32>} : memref<16384xf32, #tpu.memory_space<vmem>>, vector<16xf32>,
      %swap3A_3555 = vector.shape_cast %swap3A_3554 : vector<16xf32> to vector<16xf32>
      %swap3A_3556 = vector.shape_cast %mul3A_3550 : vector<16xf32> to vector<16xf32>
      tpu.vector_store %arg8[%swap3A_3553], %swap3A_3556 {strides = array<i32>} : memref<16384xf32, #tpu.memory_space<vmem>>, vector<16xf32>,
      %add3A_3557 = arith.constant 32 : i32
      %add3A_3558 = arith.addi %mul3A_3532, %add3A_3557 : i32
      %get3A_3559 = arith.index_cast %add3A_3558 : i32 to index
      %get3A_3560 = tpu.vector_load %arg8[%get3A_3559] {strides = array<i32>} : memref<16384xf32, #tpu.memory_space<vmem>>, vector<16xf32>,
      %get3A_3561 = vector.shape_cast %get3A_3560 : vector<16xf32> to vector<16xf32>
      %mul3A_3562 = arith.mulf %get3A_3561, %gather3A_3536 : vector<16xf32>
      %add3A_3563 = arith.constant 32 : i32
      %add3A_3564 = arith.addi %mul3A_3532, %add3A_3563 : i32
      %swap3A_3565 = arith.index_cast %add3A_3564 : i32 to index
      %swap3A_3566 = tpu.vector_load %arg8[%swap3A_3565] {strides = array<i32>} : memref<16384xf32, #tpu.memory_space<vmem>>, vector<16xf32>,
      %swap3A_3567 = vector.shape_cast %swap3A_3566 : vector<16xf32> to vector<16xf32>
      %swap3A_3568 = vector.shape_cast %mul3A_3562 : vector<16xf32> to vector<16xf32>
      tpu.vector_store %arg8[%swap3A_3565], %swap3A_3568 {strides = array<i32>} : memref<16384xf32, #tpu.memory_space<vmem>>, vector<16xf32>,
      %add3A_3569 = arith.constant 48 : i32
      %add3A_3570 = arith.addi %mul3A_3532, %add3A_3569 : i32
      %get3A_3571 = arith.index_cast %add3A_3570 : i32 to index
      %get3A_3572 = tpu.vector_load %arg8[%get3A_3571] {strides = array<i32>} : memref<16384xf32, #tpu.memory_space<vmem>>, vector<16xf32>,
      %get3A_3573 = vector.shape_cast %get3A_3572 : vector<16xf32> to vector<16xf32>
      %mul3A_3574 = arith.mulf %get3A_3573, %gather3A_3536 : vector<16xf32>
      %add3A_3575 = arith.constant 48 : i32
      %add3A_3576 = arith.addi %mul3A_3532, %add3A_3575 : i32
      %swap3A_3577 = arith.index_cast %add3A_3576 : i32 to index
      %swap3A_3578 = tpu.vector_load %arg8[%swap3A_3577] {strides = array<i32>} : memref<16384xf32, #tpu.memory_space<vmem>>, vector<16xf32>,
      %swap3A_3579 = vector.shape_cast %swap3A_3578 : vector<16xf32> to vector<16xf32>
      %swap3A_3580 = vector.shape_cast %mul3A_3574 : vector<16xf32> to vector<16xf32>
      tpu.vector_store %arg8[%swap3A_3577], %swap3A_3580 {strides = array<i32>} : memref<16384xf32, #tpu.memory_space<vmem>>, vector<16xf32>,
      %mul3A_3581 = arith.constant 16 : i32
      %mul3A_3582 = arith.muli %scan3A_13, %mul3A_3581 : i32
      %add3A_3583 = arith.constant 14 : i32
      %add3A_3584 = arith.addi %mul3A_3582, %add3A_3583 : i32
      %mul3A_3585 = arith.constant 64 : i32
      %mul3A_3586 = arith.muli %add3A_3584, %mul3A_3585 : i32
      %broadcast_in_dim3A_3587 = arith.constant 14 : i32
      %broadcast_in_dim3A_3588 = vector.broadcast %broadcast_in_dim3A_3587 : i32 to vector<16x1xi32>
      %gather3A_3589 = vector.shape_cast %broadcast_in_dim3A_3588 : vector<16x1xi32> to vector<16xi32>
      %gather3A_3590 = tpu.dynamic_gather %div3A_2824[%gather3A_3589] in [0] : vector<16xf32>, vector<16xi32> -> vector<16xf32>
      %get3A_3591 = arith.index_cast %mul3A_3586 : i32 to index
      %get3A_3592 = tpu.vector_load %arg8[%get3A_3591] {strides = array<i32>} : memref<16384xf32, #tpu.memory_space<vmem>>, vector<16xf32>,
      %get3A_3593 = vector.shape_cast %get3A_3592 : vector<16xf32> to vector<16xf32>
      %mul3A_3594 = arith.mulf %get3A_3593, %gather3A_3590 : vector<16xf32>
      %swap3A_3595 = arith.index_cast %mul3A_3586 : i32 to index
      %swap3A_3596 = tpu.vector_load %arg8[%swap3A_3595] {strides = array<i32>} : memref<16384xf32, #tpu.memory_space<vmem>>, vector<16xf32>,
      %swap3A_3597 = vector.shape_cast %swap3A_3596 : vector<16xf32> to vector<16xf32>
      %swap3A_3598 = vector.shape_cast %mul3A_3594 : vector<16xf32> to vector<16xf32>
      tpu.vector_store %arg8[%swap3A_3595], %swap3A_3598 {strides = array<i32>} : memref<16384xf32, #tpu.memory_space<vmem>>, vector<16xf32>,
      %add3A_3599 = arith.constant 16 : i32
      %add3A_3600 = arith.addi %mul3A_3586, %add3A_3599 : i32
      %get3A_3601 = arith.index_cast %add3A_3600 : i32 to index
      %get3A_3602 = tpu.vector_load %arg8[%get3A_3601] {strides = array<i32>} : memref<16384xf32, #tpu.memory_space<vmem>>, vector<16xf32>,
      %get3A_3603 = vector.shape_cast %get3A_3602 : vector<16xf32> to vector<16xf32>
      %mul3A_3604 = arith.mulf %get3A_3603, %gather3A_3590 : vector<16xf32>
      %add3A_3605 = arith.constant 16 : i32
      %add3A_3606 = arith.addi %mul3A_3586, %add3A_3605 : i32
      %swap3A_3607 = arith.index_cast %add3A_3606 : i32 to index
      %swap3A_3608 = tpu.vector_load %arg8[%swap3A_3607] {strides = array<i32>} : memref<16384xf32, #tpu.memory_space<vmem>>, vector<16xf32>,
      %swap3A_3609 = vector.shape_cast %swap3A_3608 : vector<16xf32> to vector<16xf32>
      %swap3A_3610 = vector.shape_cast %mul3A_3604 : vector<16xf32> to vector<16xf32>
      tpu.vector_store %arg8[%swap3A_3607], %swap3A_3610 {strides = array<i32>} : memref<16384xf32, #tpu.memory_space<vmem>>, vector<16xf32>,
      %add3A_3611 = arith.constant 32 : i32
      %add3A_3612 = arith.addi %mul3A_3586, %add3A_3611 : i32
      %get3A_3613 = arith.index_cast %add3A_3612 : i32 to index
      %get3A_3614 = tpu.vector_load %arg8[%get3A_3613] {strides = array<i32>} : memref<16384xf32, #tpu.memory_space<vmem>>, vector<16xf32>,
      %get3A_3615 = vector.shape_cast %get3A_3614 : vector<16xf32> to vector<16xf32>
      %mul3A_3616 = arith.mulf %get3A_3615, %gather3A_3590 : vector<16xf32>
      %add3A_3617 = arith.constant 32 : i32
      %add3A_3618 = arith.addi %mul3A_3586, %add3A_3617 : i32
      %swap3A_3619 = arith.index_cast %add3A_3618 : i32 to index
      %swap3A_3620 = tpu.vector_load %arg8[%swap3A_3619] {strides = array<i32>} : memref<16384xf32, #tpu.memory_space<vmem>>, vector<16xf32>,
      %swap3A_3621 = vector.shape_cast %swap3A_3620 : vector<16xf32> to vector<16xf32>
      %swap3A_3622 = vector.shape_cast %mul3A_3616 : vector<16xf32> to vector<16xf32>
      tpu.vector_store %arg8[%swap3A_3619], %swap3A_3622 {strides = array<i32>} : memref<16384xf32, #tpu.memory_space<vmem>>, vector<16xf32>,
      %add3A_3623 = arith.constant 48 : i32
      %add3A_3624 = arith.addi %mul3A_3586, %add3A_3623 : i32
      %get3A_3625 = arith.index_cast %add3A_3624 : i32 to index
      %get3A_3626 = tpu.vector_load %arg8[%get3A_3625] {strides = array<i32>} : memref<16384xf32, #tpu.memory_space<vmem>>, vector<16xf32>,
      %get3A_3627 = vector.shape_cast %get3A_3626 : vector<16xf32> to vector<16xf32>
      %mul3A_3628 = arith.mulf %get3A_3627, %gather3A_3590 : vector<16xf32>
      %add3A_3629 = arith.constant 48 : i32
      %add3A_3630 = arith.addi %mul3A_3586, %add3A_3629 : i32
      %swap3A_3631 = arith.index_cast %add3A_3630 : i32 to index
      %swap3A_3632 = tpu.vector_load %arg8[%swap3A_3631] {strides = array<i32>} : memref<16384xf32, #tpu.memory_space<vmem>>, vector<16xf32>,
      %swap3A_3633 = vector.shape_cast %swap3A_3632 : vector<16xf32> to vector<16xf32>
      %swap3A_3634 = vector.shape_cast %mul3A_3628 : vector<16xf32> to vector<16xf32>
      tpu.vector_store %arg8[%swap3A_3631], %swap3A_3634 {strides = array<i32>} : memref<16384xf32, #tpu.memory_space<vmem>>, vector<16xf32>,
      %mul3A_3635 = arith.constant 16 : i32
      %mul3A_3636 = arith.muli %scan3A_13, %mul3A_3635 : i32
      %add3A_3637 = arith.constant 15 : i32
      %add3A_3638 = arith.addi %mul3A_3636, %add3A_3637 : i32
      %mul3A_3639 = arith.constant 64 : i32
      %mul3A_3640 = arith.muli %add3A_3638, %mul3A_3639 : i32
      %broadcast_in_dim3A_3641 = arith.constant 15 : i32
      %broadcast_in_dim3A_3642 = vector.broadcast %broadcast_in_dim3A_3641 : i32 to vector<16x1xi32>
      %gather3A_3643 = vector.shape_cast %broadcast_in_dim3A_3642 : vector<16x1xi32> to vector<16xi32>
      %gather3A_3644 = tpu.dynamic_gather %div3A_2824[%gather3A_3643] in [0] : vector<16xf32>, vector<16xi32> -> vector<16xf32>
      %get3A_3645 = arith.index_cast %mul3A_3640 : i32 to index
      %get3A_3646 = tpu.vector_load %arg8[%get3A_3645] {strides = array<i32>} : memref<16384xf32, #tpu.memory_space<vmem>>, vector<16xf32>,
      %get3A_3647 = vector.shape_cast %get3A_3646 : vector<16xf32> to vector<16xf32>
      %mul3A_3648 = arith.mulf %get3A_3647, %gather3A_3644 : vector<16xf32>
      %swap3A_3649 = arith.index_cast %mul3A_3640 : i32 to index
      %swap3A_3650 = tpu.vector_load %arg8[%swap3A_3649] {strides = array<i32>} : memref<16384xf32, #tpu.memory_space<vmem>>, vector<16xf32>,
      %swap3A_3651 = vector.shape_cast %swap3A_3650 : vector<16xf32> to vector<16xf32>
      %swap3A_3652 = vector.shape_cast %mul3A_3648 : vector<16xf32> to vector<16xf32>
      tpu.vector_store %arg8[%swap3A_3649], %swap3A_3652 {strides = array<i32>} : memref<16384xf32, #tpu.memory_space<vmem>>, vector<16xf32>,
      %add3A_3653 = arith.constant 16 : i32
      %add3A_3654 = arith.addi %mul3A_3640, %add3A_3653 : i32
      %get3A_3655 = arith.index_cast %add3A_3654 : i32 to index
      %get3A_3656 = tpu.vector_load %arg8[%get3A_3655] {strides = array<i32>} : memref<16384xf32, #tpu.memory_space<vmem>>, vector<16xf32>,
      %get3A_3657 = vector.shape_cast %get3A_3656 : vector<16xf32> to vector<16xf32>
      %mul3A_3658 = arith.mulf %get3A_3657, %gather3A_3644 : vector<16xf32>
      %add3A_3659 = arith.constant 16 : i32
      %add3A_3660 = arith.addi %mul3A_3640, %add3A_3659 : i32
      %swap3A_3661 = arith.index_cast %add3A_3660 : i32 to index
      %swap3A_3662 = tpu.vector_load %arg8[%swap3A_3661] {strides = array<i32>} : memref<16384xf32, #tpu.memory_space<vmem>>, vector<16xf32>,
      %swap3A_3663 = vector.shape_cast %swap3A_3662 : vector<16xf32> to vector<16xf32>
      %swap3A_3664 = vector.shape_cast %mul3A_3658 : vector<16xf32> to vector<16xf32>
      tpu.vector_store %arg8[%swap3A_3661], %swap3A_3664 {strides = array<i32>} : memref<16384xf32, #tpu.memory_space<vmem>>, vector<16xf32>,
      %add3A_3665 = arith.constant 32 : i32
      %add3A_3666 = arith.addi %mul3A_3640, %add3A_3665 : i32
      %get3A_3667 = arith.index_cast %add3A_3666 : i32 to index
      %get3A_3668 = tpu.vector_load %arg8[%get3A_3667] {strides = array<i32>} : memref<16384xf32, #tpu.memory_space<vmem>>, vector<16xf32>,
      %get3A_3669 = vector.shape_cast %get3A_3668 : vector<16xf32> to vector<16xf32>
      %mul3A_3670 = arith.mulf %get3A_3669, %gather3A_3644 : vector<16xf32>
      %add3A_3671 = arith.constant 32 : i32
      %add3A_3672 = arith.addi %mul3A_3640, %add3A_3671 : i32
      %swap3A_3673 = arith.index_cast %add3A_3672 : i32 to index
      %swap3A_3674 = tpu.vector_load %arg8[%swap3A_3673] {strides = array<i32>} : memref<16384xf32, #tpu.memory_space<vmem>>, vector<16xf32>,
      %swap3A_3675 = vector.shape_cast %swap3A_3674 : vector<16xf32> to vector<16xf32>
      %swap3A_3676 = vector.shape_cast %mul3A_3670 : vector<16xf32> to vector<16xf32>
      tpu.vector_store %arg8[%swap3A_3673], %swap3A_3676 {strides = array<i32>} : memref<16384xf32, #tpu.memory_space<vmem>>, vector<16xf32>,
      %add3A_3677 = arith.constant 48 : i32
      %add3A_3678 = arith.addi %mul3A_3640, %add3A_3677 : i32
      %get3A_3679 = arith.index_cast %add3A_3678 : i32 to index
      %get3A_3680 = tpu.vector_load %arg8[%get3A_3679] {strides = array<i32>} : memref<16384xf32, #tpu.memory_space<vmem>>, vector<16xf32>,
      %get3A_3681 = vector.shape_cast %get3A_3680 : vector<16xf32> to vector<16xf32>
      %mul3A_3682 = arith.mulf %get3A_3681, %gather3A_3644 : vector<16xf32>
      %add3A_3683 = arith.constant 48 : i32
      %add3A_3684 = arith.addi %mul3A_3640, %add3A_3683 : i32
      %swap3A_3685 = arith.index_cast %add3A_3684 : i32 to index
      %swap3A_3686 = tpu.vector_load %arg8[%swap3A_3685] {strides = array<i32>} : memref<16384xf32, #tpu.memory_space<vmem>>, vector<16xf32>,
      %swap3A_3687 = vector.shape_cast %swap3A_3686 : vector<16xf32> to vector<16xf32>
      %swap3A_3688 = vector.shape_cast %mul3A_3682 : vector<16xf32> to vector<16xf32>
      tpu.vector_store %arg8[%swap3A_3685], %swap3A_3688 {strides = array<i32>} : memref<16384xf32, #tpu.memory_space<vmem>>, vector<16xf32>,
      %mul3A_3689 = arith.constant 16 : i32
      %mul3A_3690 = arith.muli %scan3A_13, %mul3A_3689 : i32
      %get3A_3691 = arith.index_cast %mul3A_3690 : i32 to index
      %get3A_3692 = tpu.vector_load %arg7[%get3A_3691] {strides = array<i32>} : memref<256xi32, #tpu.memory_space<vmem>>, vector<16xi32>,
      %get3A_3693 = vector.shape_cast %get3A_3692 : vector<16xi32> to vector<16xi32>
      %mul3A_3694 = arith.constant 64 : i32
      %mul3A_3695 = vector.broadcast %mul3A_3694 : i32 to vector<16xi32>
      %mul3A_3696 = arith.muli %get3A_3693, %mul3A_3695 : vector<16xi32>
      %add3A_3697 = arith.addi %select_n3A_2818, %mul3A_3696 : vector<16xi32>
      %convert_element_type3A = arith.sitofp %add3A_3697 : vector<16xi32> to vector<16xf32>
      %mul3A_3698 = arith.constant 16 : i32
      %mul3A_3699 = arith.muli %scan3A_13, %mul3A_3698 : i32
      %swap3A_3700 = arith.index_cast %mul3A_3699 : i32 to index
      %swap3A_3701 = tpu.vector_load %arg9[%swap3A_3700] {strides = array<i32>} : memref<256xf32, #tpu.memory_space<vmem>>, vector<16xf32>,
      %swap3A_3702 = vector.shape_cast %swap3A_3701 : vector<16xf32> to vector<16xf32>
      %swap3A_3703 = vector.shape_cast %convert_element_type3A : vector<16xf32> to vector<16xf32>
      tpu.vector_store %arg9[%swap3A_3700], %swap3A_3703 {strides = array<i32>} : memref<256xf32, #tpu.memory_space<vmem>>, vector<16xf32>,
    }
    %scan3A_10 = arith.constant 16 : i32
    %mul3A_11 = arith.constant 64 : i32
    %mul3A_12 = arith.muli %mul3A_2, %mul3A_11 : i32
    "tpu.region"() ({
      %run_scoped3A = tpu.sem_alloc : memref<!tpu.dma_semaphore, #tpu.memory_space<semaphore_mem>>
      %dma_start3A = tpu.memref_slice %arg4[%mul3A_12] : memref<524288xf32, #tpu.memory_space<hbm>> -> memref<16384xf32, #tpu.memory_space<hbm>>
      %dma_start3A_13 = tpu.memref_slice %arg4[%mul3A_12] : memref<524288xf32, #tpu.memory_space<hbm>> -> memref<16384xf32, #tpu.memory_space<hbm>>
      tpu.enqueue_dma source(%arg8 : memref<16384xf32, #tpu.memory_space<vmem>>) target(%dma_start3A_13 : memref<16384xf32, #tpu.memory_space<hbm>>) target_semaphore(%run_scoped3A : memref<!tpu.dma_semaphore, #tpu.memory_space<semaphore_mem>>)
      %dma_wait3A = tpu.memref_slice %arg4[%mul3A_12] : memref<524288xf32, #tpu.memory_space<hbm>> -> memref<16384xf32, #tpu.memory_space<hbm>>
      %dma_wait3A_14 = tpu.memref_slice %arg4[%mul3A_12] : memref<524288xf32, #tpu.memory_space<hbm>> -> memref<16384xf32, #tpu.memory_space<hbm>>
      tpu.wait_dma2 semaphore(%run_scoped3A : memref<!tpu.dma_semaphore, #tpu.memory_space<semaphore_mem>>) src(%arg8 : memref<16384xf32, #tpu.memory_space<vmem>>) dst(%dma_wait3A_14 : memref<16384xf32, #tpu.memory_space<hbm>>)
      tpu.yield
    }) : () -> ()
    "tpu.region"() ({
      %run_scoped3A = tpu.sem_alloc : memref<!tpu.dma_semaphore, #tpu.memory_space<semaphore_mem>>
      %dma_start3A = tpu.memref_slice %arg5[%mul3A_2] : memref<8192xf32, #tpu.memory_space<hbm>> -> memref<256xf32, #tpu.memory_space<hbm>>
      %dma_start3A_13 = tpu.memref_slice %arg5[%mul3A_2] : memref<8192xf32, #tpu.memory_space<hbm>> -> memref<256xf32, #tpu.memory_space<hbm>>
      tpu.enqueue_dma source(%arg9 : memref<256xf32, #tpu.memory_space<vmem>>) target(%dma_start3A_13 : memref<256xf32, #tpu.memory_space<hbm>>) target_semaphore(%run_scoped3A : memref<!tpu.dma_semaphore, #tpu.memory_space<semaphore_mem>>)
      %dma_wait3A = tpu.memref_slice %arg5[%mul3A_2] : memref<8192xf32, #tpu.memory_space<hbm>> -> memref<256xf32, #tpu.memory_space<hbm>>
      %dma_wait3A_14 = tpu.memref_slice %arg5[%mul3A_2] : memref<8192xf32, #tpu.memory_space<hbm>> -> memref<256xf32, #tpu.memory_space<hbm>>
      tpu.wait_dma2 semaphore(%run_scoped3A : memref<!tpu.dma_semaphore, #tpu.memory_space<semaphore_mem>>) src(%arg9 : memref<256xf32, #tpu.memory_space<vmem>>) dst(%dma_wait3A_14 : memref<256xf32, #tpu.memory_space<hbm>>)
      tpu.yield
    }) : () -> ()
    return
  }
}

module attributes {stable_mosaic.version = 14 : i64} {
  func.func @_moe_block(%arg0: i32, %arg1: memref<1024x1x1x1024xf32, #tpu.memory_space<vmem>>, %arg2: memref<1024x512xf32, #tpu.memory_space<vmem>>, %arg3: memref<1x512xf32, #tpu.memory_space<vmem>>, %arg4: memref<512x16xf32, #tpu.memory_space<vmem>>, %arg5: memref<1x16xf32, #tpu.memory_space<vmem>>, %arg6: memref<16x512x64xf32, #tpu.memory_space<vmem>>, %arg7: memref<1x1024xf32, #tpu.memory_space<vmem>>, %arg8: memref<1024x16xf32, #tpu.memory_space<vmem>>, %arg9: memref<1024x1xi32, #tpu.memory_space<vmem>>, %arg10: memref<1024x64xf32, #tpu.memory_space<vmem>>, %arg11: memref<512x1024xf32, #tpu.memory_space<vmem>>) attributes {dimension_semantics = [#tpu.dimension_semantics<arbitrary>], iteration_bounds = array<i64: 8>, scalar_prefetch = 0 : i64, scratch_operands = 1 : i64, tpu.core_type = #tpu.core_type<tc>, window_params = [{transform_indices = @transform_0, window_bounds = array<i64: 1024, 1, 1, 1024>}, {pipeline_mode = #tpu.pipeline_mode<synchronous>, transform_indices = @transform_1, window_bounds = array<i64: 1024, 512>}, {pipeline_mode = #tpu.pipeline_mode<synchronous>, transform_indices = @transform_2, window_bounds = array<i64: 1, 512>}, {pipeline_mode = #tpu.pipeline_mode<synchronous>, transform_indices = @transform_3, window_bounds = array<i64: 512, 16>}, {pipeline_mode = #tpu.pipeline_mode<synchronous>, transform_indices = @transform_4, window_bounds = array<i64: 1, 16>}, {pipeline_mode = #tpu.pipeline_mode<synchronous>, transform_indices = @transform_5, window_bounds = array<i64: 16, 512, 64>}, {pipeline_mode = #tpu.pipeline_mode<synchronous>, transform_indices = @transform_6, window_bounds = array<i64: 1, 1024>}, {transform_indices = @transform_7, window_bounds = array<i64: 1024, 16>}, {transform_indices = @transform_8, window_bounds = array<i64: 1024, 1>}, {transform_indices = @transform_9, window_bounds = array<i64: 1024, 64>}]} {
    %eq3A = arith.constant 0 : i32
    %eq3A_0 = arith.cmpi eq, %arg0, %eq3A : i32
    %convert_element_type3A = arith.extui %eq3A_0 : i1 to i32
    %cond3A = arith.constant 0 : i32
    %cond3A_1 = arith.cmpi ne, %convert_element_type3A, %cond3A : i32
    scf.if %cond3A_1 {
      %get3A_451 = arith.constant 0 : index
      %get3A_452 = arith.constant 0 : index
      %get3A_453 = arith.constant 0 : index
      %get3A_454 = vector.load %arg6[%get3A_451, %get3A_452, %get3A_453] : memref<16x512x64xf32, #tpu.memory_space<vmem>>, vector<1x512x64xf32>
      %get3A_455 = vector.shape_cast %get3A_454 : vector<1x512x64xf32> to vector<512x64xf32>
      %swap3A_456 = arith.constant 0 : index
      %swap3A_457 = arith.constant 0 : index
      %swap3A_458 = vector.load %arg11[%swap3A_456, %swap3A_457] : memref<512x1024xf32, #tpu.memory_space<vmem>>, vector<512x64xf32>
      tpu.vector_store %arg11[%swap3A_456, %swap3A_457], %get3A_455 {strides = array<i32>} : memref<512x1024xf32, #tpu.memory_space<vmem>>, vector<512x64xf32>,
      %get3A_459 = arith.constant 1 : index
      %get3A_460 = arith.constant 0 : index
      %get3A_461 = arith.constant 0 : index
      %get3A_462 = vector.load %arg6[%get3A_459, %get3A_460, %get3A_461] : memref<16x512x64xf32, #tpu.memory_space<vmem>>, vector<1x512x64xf32>
      %get3A_463 = vector.shape_cast %get3A_462 : vector<1x512x64xf32> to vector<512x64xf32>
      %swap3A_464 = arith.constant 0 : index
      %swap3A_465 = arith.constant 64 : index
      %swap3A_466 = vector.load %arg11[%swap3A_464, %swap3A_465] : memref<512x1024xf32, #tpu.memory_space<vmem>>, vector<512x64xf32>
      tpu.vector_store %arg11[%swap3A_464, %swap3A_465], %get3A_463 {strides = array<i32>} : memref<512x1024xf32, #tpu.memory_space<vmem>>, vector<512x64xf32>,
      %get3A_467 = arith.constant 2 : index
      %get3A_468 = arith.constant 0 : index
      %get3A_469 = arith.constant 0 : index
      %get3A_470 = vector.load %arg6[%get3A_467, %get3A_468, %get3A_469] : memref<16x512x64xf32, #tpu.memory_space<vmem>>, vector<1x512x64xf32>
      %get3A_471 = vector.shape_cast %get3A_470 : vector<1x512x64xf32> to vector<512x64xf32>
      %swap3A_472 = arith.constant 0 : index
      %swap3A_473 = arith.constant 128 : index
      %swap3A_474 = vector.load %arg11[%swap3A_472, %swap3A_473] : memref<512x1024xf32, #tpu.memory_space<vmem>>, vector<512x64xf32>
      tpu.vector_store %arg11[%swap3A_472, %swap3A_473], %get3A_471 {strides = array<i32>} : memref<512x1024xf32, #tpu.memory_space<vmem>>, vector<512x64xf32>,
      %get3A_475 = arith.constant 3 : index
      %get3A_476 = arith.constant 0 : index
      %get3A_477 = arith.constant 0 : index
      %get3A_478 = vector.load %arg6[%get3A_475, %get3A_476, %get3A_477] : memref<16x512x64xf32, #tpu.memory_space<vmem>>, vector<1x512x64xf32>
      %get3A_479 = vector.shape_cast %get3A_478 : vector<1x512x64xf32> to vector<512x64xf32>
      %swap3A_480 = arith.constant 0 : index
      %swap3A_481 = arith.constant 192 : index
      %swap3A_482 = vector.load %arg11[%swap3A_480, %swap3A_481] : memref<512x1024xf32, #tpu.memory_space<vmem>>, vector<512x64xf32>
      tpu.vector_store %arg11[%swap3A_480, %swap3A_481], %get3A_479 {strides = array<i32>} : memref<512x1024xf32, #tpu.memory_space<vmem>>, vector<512x64xf32>,
      %get3A_483 = arith.constant 4 : index
      %get3A_484 = arith.constant 0 : index
      %get3A_485 = arith.constant 0 : index
      %get3A_486 = vector.load %arg6[%get3A_483, %get3A_484, %get3A_485] : memref<16x512x64xf32, #tpu.memory_space<vmem>>, vector<1x512x64xf32>
      %get3A_487 = vector.shape_cast %get3A_486 : vector<1x512x64xf32> to vector<512x64xf32>
      %swap3A_488 = arith.constant 0 : index
      %swap3A_489 = arith.constant 256 : index
      %swap3A_490 = vector.load %arg11[%swap3A_488, %swap3A_489] : memref<512x1024xf32, #tpu.memory_space<vmem>>, vector<512x64xf32>
      tpu.vector_store %arg11[%swap3A_488, %swap3A_489], %get3A_487 {strides = array<i32>} : memref<512x1024xf32, #tpu.memory_space<vmem>>, vector<512x64xf32>,
      %get3A_491 = arith.constant 5 : index
      %get3A_492 = arith.constant 0 : index
      %get3A_493 = arith.constant 0 : index
      %get3A_494 = vector.load %arg6[%get3A_491, %get3A_492, %get3A_493] : memref<16x512x64xf32, #tpu.memory_space<vmem>>, vector<1x512x64xf32>
      %get3A_495 = vector.shape_cast %get3A_494 : vector<1x512x64xf32> to vector<512x64xf32>
      %swap3A_496 = arith.constant 0 : index
      %swap3A_497 = arith.constant 320 : index
      %swap3A_498 = vector.load %arg11[%swap3A_496, %swap3A_497] : memref<512x1024xf32, #tpu.memory_space<vmem>>, vector<512x64xf32>
      tpu.vector_store %arg11[%swap3A_496, %swap3A_497], %get3A_495 {strides = array<i32>} : memref<512x1024xf32, #tpu.memory_space<vmem>>, vector<512x64xf32>,
      %get3A_499 = arith.constant 6 : index
      %get3A_500 = arith.constant 0 : index
      %get3A_501 = arith.constant 0 : index
      %get3A_502 = vector.load %arg6[%get3A_499, %get3A_500, %get3A_501] : memref<16x512x64xf32, #tpu.memory_space<vmem>>, vector<1x512x64xf32>
      %get3A_503 = vector.shape_cast %get3A_502 : vector<1x512x64xf32> to vector<512x64xf32>
      %swap3A_504 = arith.constant 0 : index
      %swap3A_505 = arith.constant 384 : index
      %swap3A_506 = vector.load %arg11[%swap3A_504, %swap3A_505] : memref<512x1024xf32, #tpu.memory_space<vmem>>, vector<512x64xf32>
      tpu.vector_store %arg11[%swap3A_504, %swap3A_505], %get3A_503 {strides = array<i32>} : memref<512x1024xf32, #tpu.memory_space<vmem>>, vector<512x64xf32>,
      %get3A_507 = arith.constant 7 : index
      %get3A_508 = arith.constant 0 : index
      %get3A_509 = arith.constant 0 : index
      %get3A_510 = vector.load %arg6[%get3A_507, %get3A_508, %get3A_509] : memref<16x512x64xf32, #tpu.memory_space<vmem>>, vector<1x512x64xf32>
      %get3A_511 = vector.shape_cast %get3A_510 : vector<1x512x64xf32> to vector<512x64xf32>
      %swap3A_512 = arith.constant 0 : index
      %swap3A_513 = arith.constant 448 : index
      %swap3A_514 = vector.load %arg11[%swap3A_512, %swap3A_513] : memref<512x1024xf32, #tpu.memory_space<vmem>>, vector<512x64xf32>
      tpu.vector_store %arg11[%swap3A_512, %swap3A_513], %get3A_511 {strides = array<i32>} : memref<512x1024xf32, #tpu.memory_space<vmem>>, vector<512x64xf32>,
      %get3A_515 = arith.constant 8 : index
      %get3A_516 = arith.constant 0 : index
      %get3A_517 = arith.constant 0 : index
      %get3A_518 = vector.load %arg6[%get3A_515, %get3A_516, %get3A_517] : memref<16x512x64xf32, #tpu.memory_space<vmem>>, vector<1x512x64xf32>
      %get3A_519 = vector.shape_cast %get3A_518 : vector<1x512x64xf32> to vector<512x64xf32>
      %swap3A_520 = arith.constant 0 : index
      %swap3A_521 = arith.constant 512 : index
      %swap3A_522 = vector.load %arg11[%swap3A_520, %swap3A_521] : memref<512x1024xf32, #tpu.memory_space<vmem>>, vector<512x64xf32>
      tpu.vector_store %arg11[%swap3A_520, %swap3A_521], %get3A_519 {strides = array<i32>} : memref<512x1024xf32, #tpu.memory_space<vmem>>, vector<512x64xf32>,
      %get3A_523 = arith.constant 9 : index
      %get3A_524 = arith.constant 0 : index
      %get3A_525 = arith.constant 0 : index
      %get3A_526 = vector.load %arg6[%get3A_523, %get3A_524, %get3A_525] : memref<16x512x64xf32, #tpu.memory_space<vmem>>, vector<1x512x64xf32>
      %get3A_527 = vector.shape_cast %get3A_526 : vector<1x512x64xf32> to vector<512x64xf32>
      %swap3A_528 = arith.constant 0 : index
      %swap3A_529 = arith.constant 576 : index
      %swap3A_530 = vector.load %arg11[%swap3A_528, %swap3A_529] : memref<512x1024xf32, #tpu.memory_space<vmem>>, vector<512x64xf32>
      tpu.vector_store %arg11[%swap3A_528, %swap3A_529], %get3A_527 {strides = array<i32>} : memref<512x1024xf32, #tpu.memory_space<vmem>>, vector<512x64xf32>,
      %get3A_531 = arith.constant 10 : index
      %get3A_532 = arith.constant 0 : index
      %get3A_533 = arith.constant 0 : index
      %get3A_534 = vector.load %arg6[%get3A_531, %get3A_532, %get3A_533] : memref<16x512x64xf32, #tpu.memory_space<vmem>>, vector<1x512x64xf32>
      %get3A_535 = vector.shape_cast %get3A_534 : vector<1x512x64xf32> to vector<512x64xf32>
      %swap3A_536 = arith.constant 0 : index
      %swap3A_537 = arith.constant 640 : index
      %swap3A_538 = vector.load %arg11[%swap3A_536, %swap3A_537] : memref<512x1024xf32, #tpu.memory_space<vmem>>, vector<512x64xf32>
      tpu.vector_store %arg11[%swap3A_536, %swap3A_537], %get3A_535 {strides = array<i32>} : memref<512x1024xf32, #tpu.memory_space<vmem>>, vector<512x64xf32>,
      %get3A_539 = arith.constant 11 : index
      %get3A_540 = arith.constant 0 : index
      %get3A_541 = arith.constant 0 : index
      %get3A_542 = vector.load %arg6[%get3A_539, %get3A_540, %get3A_541] : memref<16x512x64xf32, #tpu.memory_space<vmem>>, vector<1x512x64xf32>
      %get3A_543 = vector.shape_cast %get3A_542 : vector<1x512x64xf32> to vector<512x64xf32>
      %swap3A_544 = arith.constant 0 : index
      %swap3A_545 = arith.constant 704 : index
      %swap3A_546 = vector.load %arg11[%swap3A_544, %swap3A_545] : memref<512x1024xf32, #tpu.memory_space<vmem>>, vector<512x64xf32>
      tpu.vector_store %arg11[%swap3A_544, %swap3A_545], %get3A_543 {strides = array<i32>} : memref<512x1024xf32, #tpu.memory_space<vmem>>, vector<512x64xf32>,
      %get3A_547 = arith.constant 12 : index
      %get3A_548 = arith.constant 0 : index
      %get3A_549 = arith.constant 0 : index
      %get3A_550 = vector.load %arg6[%get3A_547, %get3A_548, %get3A_549] : memref<16x512x64xf32, #tpu.memory_space<vmem>>, vector<1x512x64xf32>
      %get3A_551 = vector.shape_cast %get3A_550 : vector<1x512x64xf32> to vector<512x64xf32>
      %swap3A_552 = arith.constant 0 : index
      %swap3A_553 = arith.constant 768 : index
      %swap3A_554 = vector.load %arg11[%swap3A_552, %swap3A_553] : memref<512x1024xf32, #tpu.memory_space<vmem>>, vector<512x64xf32>
      tpu.vector_store %arg11[%swap3A_552, %swap3A_553], %get3A_551 {strides = array<i32>} : memref<512x1024xf32, #tpu.memory_space<vmem>>, vector<512x64xf32>,
      %get3A_555 = arith.constant 13 : index
      %get3A_556 = arith.constant 0 : index
      %get3A_557 = arith.constant 0 : index
      %get3A_558 = vector.load %arg6[%get3A_555, %get3A_556, %get3A_557] : memref<16x512x64xf32, #tpu.memory_space<vmem>>, vector<1x512x64xf32>
      %get3A_559 = vector.shape_cast %get3A_558 : vector<1x512x64xf32> to vector<512x64xf32>
      %swap3A_560 = arith.constant 0 : index
      %swap3A_561 = arith.constant 832 : index
      %swap3A_562 = vector.load %arg11[%swap3A_560, %swap3A_561] : memref<512x1024xf32, #tpu.memory_space<vmem>>, vector<512x64xf32>
      tpu.vector_store %arg11[%swap3A_560, %swap3A_561], %get3A_559 {strides = array<i32>} : memref<512x1024xf32, #tpu.memory_space<vmem>>, vector<512x64xf32>,
      %get3A_563 = arith.constant 14 : index
      %get3A_564 = arith.constant 0 : index
      %get3A_565 = arith.constant 0 : index
      %get3A_566 = vector.load %arg6[%get3A_563, %get3A_564, %get3A_565] : memref<16x512x64xf32, #tpu.memory_space<vmem>>, vector<1x512x64xf32>
      %get3A_567 = vector.shape_cast %get3A_566 : vector<1x512x64xf32> to vector<512x64xf32>
      %swap3A_568 = arith.constant 0 : index
      %swap3A_569 = arith.constant 896 : index
      %swap3A_570 = vector.load %arg11[%swap3A_568, %swap3A_569] : memref<512x1024xf32, #tpu.memory_space<vmem>>, vector<512x64xf32>
      tpu.vector_store %arg11[%swap3A_568, %swap3A_569], %get3A_567 {strides = array<i32>} : memref<512x1024xf32, #tpu.memory_space<vmem>>, vector<512x64xf32>,
      %get3A_571 = arith.constant 15 : index
      %get3A_572 = arith.constant 0 : index
      %get3A_573 = arith.constant 0 : index
      %get3A_574 = vector.load %arg6[%get3A_571, %get3A_572, %get3A_573] : memref<16x512x64xf32, #tpu.memory_space<vmem>>, vector<1x512x64xf32>
      %get3A_575 = vector.shape_cast %get3A_574 : vector<1x512x64xf32> to vector<512x64xf32>
      %swap3A_576 = arith.constant 0 : index
      %swap3A_577 = arith.constant 960 : index
      %swap3A_578 = vector.load %arg11[%swap3A_576, %swap3A_577] : memref<512x1024xf32, #tpu.memory_space<vmem>>, vector<512x64xf32>
      tpu.vector_store %arg11[%swap3A_576, %swap3A_577], %get3A_575 {strides = array<i32>} : memref<512x1024xf32, #tpu.memory_space<vmem>>, vector<512x64xf32>,
    } else {
    }
    %get3A = arith.constant 0 : index
    %get3A_2 = arith.constant 0 : index
    %get3A_3 = vector.load %arg2[%get3A, %get3A_2] : memref<1024x512xf32, #tpu.memory_space<vmem>>, vector<1024x512xf32>
    %get3A_4 = arith.constant 0 : index
    %get3A_5 = arith.constant 0 : index
    %get3A_6 = vector.load %arg4[%get3A_4, %get3A_5] : memref<512x16xf32, #tpu.memory_space<vmem>>, vector<512x16xf32>
    %get3A_7 = arith.constant 0 : index
    %get3A_8 = arith.constant 0 : index
    %get3A_9 = vector.load %arg11[%get3A_7, %get3A_8] : memref<512x1024xf32, #tpu.memory_space<vmem>>, vector<512x1024xf32>
    %get3A_10 = arith.constant 0 : index
    %get3A_11 = arith.constant 0 : index
    %get3A_12 = arith.constant 0 : index
    %get3A_13 = arith.constant 0 : index
    %get3A_14 = vector.load %arg1[%get3A_10, %get3A_11, %get3A_12, %get3A_13] : memref<1024x1x1x1024xf32, #tpu.memory_space<vmem>>, vector<256x1x1x1024xf32>
    %reshape3A = vector.shape_cast %get3A_14 : vector<256x1x1x1024xf32> to vector<256x1024xf32>
    %dot_general3A = arith.constant dense<0.000000e+00> : vector<256x512xf32>
    %dot_general3A_15 = tpu.matmul %reshape3A, %get3A_3, %dot_general3A {dimension_numbers = #tpu.dot_dimension_numbers<[1], [0], [0], [1], [0, 0, 1, 1], [], []>, transpose_lhs_hint = false} : vector<256x1024xf32>, vector<1024x512xf32>, vector<256x512xf32> -> vector<256x512xf32>
    %get3A_16 = arith.constant 0 : index
    %get3A_17 = arith.constant 0 : index
    %get3A_18 = vector.load %arg3[%get3A_16, %get3A_17] : memref<1x512xf32, #tpu.memory_space<vmem>>, vector<1x512xf32>
    %add3A = vector.broadcast %get3A_18 : vector<1x512xf32> to vector<256x512xf32>
    %add3A_19 = arith.addf %dot_general3A_15, %add3A : vector<256x512xf32>
    %max3A = arith.constant 0.000000e+00 : f32
    %max3A_20 = vector.broadcast %max3A : f32 to vector<256x512xf32>
    %max3A_21 = arith.maximumf %add3A_19, %max3A_20 : vector<256x512xf32>
    %dot_general3A_22 = arith.constant dense<0.000000e+00> : vector<256x16xf32>
    %dot_general3A_23 = tpu.matmul %max3A_21, %get3A_6, %dot_general3A_22 {dimension_numbers = #tpu.dot_dimension_numbers<[1], [0], [0], [1], [0, 0, 1, 1], [], []>, transpose_lhs_hint = false} : vector<256x512xf32>, vector<512x16xf32>, vector<256x16xf32> -> vector<256x16xf32>
    %get3A_24 = arith.constant 0 : index
    %get3A_25 = arith.constant 0 : index
    %get3A_26 = vector.load %arg5[%get3A_24, %get3A_25] : memref<1x16xf32, #tpu.memory_space<vmem>>, vector<1x16xf32>
    %add3A_27 = vector.broadcast %get3A_26 : vector<1x16xf32> to vector<256x16xf32>
    %add3A_28 = arith.addf %dot_general3A_23, %add3A_27 : vector<256x16xf32>
    %swap3A = arith.constant 0 : index
    %swap3A_29 = arith.constant 0 : index
    %swap3A_30 = vector.load %arg8[%swap3A, %swap3A_29] : memref<1024x16xf32, #tpu.memory_space<vmem>>, vector<256x16xf32>
    tpu.vector_store %arg8[%swap3A, %swap3A_29], %add3A_28 {strides = array<i32>} : memref<1024x16xf32, #tpu.memory_space<vmem>>, vector<256x16xf32>,
    %argmax3A = tpu.reduce_index %add3A_28 {axis = 1 : i32, kind = #tpu.reduction_kind<arg_max>} : vector<256x16xf32> -> vector<256xi32>
    %broadcast_in_dim3A = vector.shape_cast %argmax3A : vector<256xi32> to vector<256x1xi32>
    %swap3A_31 = arith.constant 0 : index
    %swap3A_32 = arith.constant 0 : index
    %swap3A_33 = vector.load %arg9[%swap3A_31, %swap3A_32] : memref<1024x1xi32, #tpu.memory_space<vmem>>, vector<256x1xi32>
    tpu.vector_store %arg9[%swap3A_31, %swap3A_32], %broadcast_in_dim3A {strides = array<i32>} : memref<1024x1xi32, #tpu.memory_space<vmem>>, vector<256x1xi32>,
    %dot_general3A_34 = arith.constant dense<0.000000e+00> : vector<256x1024xf32>
    %dot_general3A_35 = tpu.matmul %max3A_21, %get3A_9, %dot_general3A_34 {dimension_numbers = #tpu.dot_dimension_numbers<[1], [0], [0], [1], [0, 0, 1, 1], [], []>, transpose_lhs_hint = false} : vector<256x512xf32>, vector<512x1024xf32>, vector<256x1024xf32> -> vector<256x1024xf32>
    %get3A_36 = arith.constant 0 : index
    %get3A_37 = arith.constant 0 : index
    %get3A_38 = vector.load %arg7[%get3A_36, %get3A_37] : memref<1x1024xf32, #tpu.memory_space<vmem>>, vector<1x1024xf32>
    %add3A_39 = vector.broadcast %get3A_38 : vector<1x1024xf32> to vector<256x1024xf32>
    %add3A_40 = arith.addf %dot_general3A_35, %add3A_39 : vector<256x1024xf32>
    %shift_right_arithmetic3A = arith.constant 1 : i32
    %shift_right_arithmetic3A_41 = vector.broadcast %shift_right_arithmetic3A : i32 to vector<256xi32>
    %shift_right_arithmetic3A_42 = arith.shrsi %argmax3A, %shift_right_arithmetic3A_41 : vector<256xi32>
    %slice3A = vector.extract_strided_slice %add3A_40 {offsets = [0, 0], sizes = [256, 128], strides = [1, 1]} : vector<256x1024xf32> to vector<256x128xf32>
    %eq3A_43 = arith.constant 1 : i32
    %eq3A_44 = vector.broadcast %eq3A_43 : i32 to vector<256xi32>
    %eq3A_45 = arith.cmpi eq, %shift_right_arithmetic3A_42, %eq3A_44 : vector<256xi32>
    %broadcast_in_dim3A_46 = vector.shape_cast %eq3A_45 : vector<256xi1> to vector<256x1xi1>
    %slice3A_47 = vector.extract_strided_slice %add3A_40 {offsets = [0, 128], sizes = [256, 128], strides = [1, 1]} : vector<256x1024xf32> to vector<256x128xf32>
    %broadcast_in_dim3A_48 = vector.shape_cast %broadcast_in_dim3A_46 : vector<256x1xi1> to vector<256x1xi1>
    %broadcast_in_dim3A_49 = vector.broadcast %broadcast_in_dim3A_48 : vector<256x1xi1> to vector<256x128xi1>
    %select_n3A = arith.select %broadcast_in_dim3A_49, %slice3A_47, %slice3A : vector<256x128xi1>, vector<256x128xf32>
    %eq3A_50 = arith.constant 2 : i32
    %eq3A_51 = vector.broadcast %eq3A_50 : i32 to vector<256xi32>
    %eq3A_52 = arith.cmpi eq, %shift_right_arithmetic3A_42, %eq3A_51 : vector<256xi32>
    %broadcast_in_dim3A_53 = vector.shape_cast %eq3A_52 : vector<256xi1> to vector<256x1xi1>
    %slice3A_54 = vector.extract_strided_slice %add3A_40 {offsets = [0, 256], sizes = [256, 128], strides = [1, 1]} : vector<256x1024xf32> to vector<256x128xf32>
    %broadcast_in_dim3A_55 = vector.shape_cast %broadcast_in_dim3A_53 : vector<256x1xi1> to vector<256x1xi1>
    %broadcast_in_dim3A_56 = vector.broadcast %broadcast_in_dim3A_55 : vector<256x1xi1> to vector<256x128xi1>
    %select_n3A_57 = arith.select %broadcast_in_dim3A_56, %slice3A_54, %select_n3A : vector<256x128xi1>, vector<256x128xf32>
    %eq3A_58 = arith.constant 3 : i32
    %eq3A_59 = vector.broadcast %eq3A_58 : i32 to vector<256xi32>
    %eq3A_60 = arith.cmpi eq, %shift_right_arithmetic3A_42, %eq3A_59 : vector<256xi32>
    %broadcast_in_dim3A_61 = vector.shape_cast %eq3A_60 : vector<256xi1> to vector<256x1xi1>
    %slice3A_62 = vector.extract_strided_slice %add3A_40 {offsets = [0, 384], sizes = [256, 128], strides = [1, 1]} : vector<256x1024xf32> to vector<256x128xf32>
    %broadcast_in_dim3A_63 = vector.shape_cast %broadcast_in_dim3A_61 : vector<256x1xi1> to vector<256x1xi1>
    %broadcast_in_dim3A_64 = vector.broadcast %broadcast_in_dim3A_63 : vector<256x1xi1> to vector<256x128xi1>
    %select_n3A_65 = arith.select %broadcast_in_dim3A_64, %slice3A_62, %select_n3A_57 : vector<256x128xi1>, vector<256x128xf32>
    %eq3A_66 = arith.constant 4 : i32
    %eq3A_67 = vector.broadcast %eq3A_66 : i32 to vector<256xi32>
    %eq3A_68 = arith.cmpi eq, %shift_right_arithmetic3A_42, %eq3A_67 : vector<256xi32>
    %broadcast_in_dim3A_69 = vector.shape_cast %eq3A_68 : vector<256xi1> to vector<256x1xi1>
    %slice3A_70 = vector.extract_strided_slice %add3A_40 {offsets = [0, 512], sizes = [256, 128], strides = [1, 1]} : vector<256x1024xf32> to vector<256x128xf32>
    %broadcast_in_dim3A_71 = vector.shape_cast %broadcast_in_dim3A_69 : vector<256x1xi1> to vector<256x1xi1>
    %broadcast_in_dim3A_72 = vector.broadcast %broadcast_in_dim3A_71 : vector<256x1xi1> to vector<256x128xi1>
    %select_n3A_73 = arith.select %broadcast_in_dim3A_72, %slice3A_70, %select_n3A_65 : vector<256x128xi1>, vector<256x128xf32>
    %eq3A_74 = arith.constant 5 : i32
    %eq3A_75 = vector.broadcast %eq3A_74 : i32 to vector<256xi32>
    %eq3A_76 = arith.cmpi eq, %shift_right_arithmetic3A_42, %eq3A_75 : vector<256xi32>
    %broadcast_in_dim3A_77 = vector.shape_cast %eq3A_76 : vector<256xi1> to vector<256x1xi1>
    %slice3A_78 = vector.extract_strided_slice %add3A_40 {offsets = [0, 640], sizes = [256, 128], strides = [1, 1]} : vector<256x1024xf32> to vector<256x128xf32>
    %broadcast_in_dim3A_79 = vector.shape_cast %broadcast_in_dim3A_77 : vector<256x1xi1> to vector<256x1xi1>
    %broadcast_in_dim3A_80 = vector.broadcast %broadcast_in_dim3A_79 : vector<256x1xi1> to vector<256x128xi1>
    %select_n3A_81 = arith.select %broadcast_in_dim3A_80, %slice3A_78, %select_n3A_73 : vector<256x128xi1>, vector<256x128xf32>
    %eq3A_82 = arith.constant 6 : i32
    %eq3A_83 = vector.broadcast %eq3A_82 : i32 to vector<256xi32>
    %eq3A_84 = arith.cmpi eq, %shift_right_arithmetic3A_42, %eq3A_83 : vector<256xi32>
    %broadcast_in_dim3A_85 = vector.shape_cast %eq3A_84 : vector<256xi1> to vector<256x1xi1>
    %slice3A_86 = vector.extract_strided_slice %add3A_40 {offsets = [0, 768], sizes = [256, 128], strides = [1, 1]} : vector<256x1024xf32> to vector<256x128xf32>
    %broadcast_in_dim3A_87 = vector.shape_cast %broadcast_in_dim3A_85 : vector<256x1xi1> to vector<256x1xi1>
    %broadcast_in_dim3A_88 = vector.broadcast %broadcast_in_dim3A_87 : vector<256x1xi1> to vector<256x128xi1>
    %select_n3A_89 = arith.select %broadcast_in_dim3A_88, %slice3A_86, %select_n3A_81 : vector<256x128xi1>, vector<256x128xf32>
    %eq3A_90 = arith.constant 7 : i32
    %eq3A_91 = vector.broadcast %eq3A_90 : i32 to vector<256xi32>
    %eq3A_92 = arith.cmpi eq, %shift_right_arithmetic3A_42, %eq3A_91 : vector<256xi32>
    %broadcast_in_dim3A_93 = vector.shape_cast %eq3A_92 : vector<256xi1> to vector<256x1xi1>
    %slice3A_94 = vector.extract_strided_slice %add3A_40 {offsets = [0, 896], sizes = [256, 128], strides = [1, 1]} : vector<256x1024xf32> to vector<256x128xf32>
    %broadcast_in_dim3A_95 = vector.shape_cast %broadcast_in_dim3A_93 : vector<256x1xi1> to vector<256x1xi1>
    %broadcast_in_dim3A_96 = vector.broadcast %broadcast_in_dim3A_95 : vector<256x1xi1> to vector<256x128xi1>
    %select_n3A_97 = arith.select %broadcast_in_dim3A_96, %slice3A_94, %select_n3A_89 : vector<256x128xi1>, vector<256x128xf32>
    %and3A = arith.constant 1 : i32
    %and3A_98 = vector.broadcast %and3A : i32 to vector<256xi32>
    %and3A_99 = arith.andi %argmax3A, %and3A_98 : vector<256xi32>
    %eq3A_100 = arith.constant 1 : i32
    %eq3A_101 = vector.broadcast %eq3A_100 : i32 to vector<256xi32>
    %eq3A_102 = arith.cmpi eq, %and3A_99, %eq3A_101 : vector<256xi32>
    %broadcast_in_dim3A_103 = vector.shape_cast %eq3A_102 : vector<256xi1> to vector<256x1xi1>
    %slice3A_104 = vector.extract_strided_slice %select_n3A_97 {offsets = [0, 64], sizes = [256, 64], strides = [1, 1]} : vector<256x128xf32> to vector<256x64xf32>
    %slice3A_105 = vector.extract_strided_slice %select_n3A_97 {offsets = [0, 0], sizes = [256, 64], strides = [1, 1]} : vector<256x128xf32> to vector<256x64xf32>
    %broadcast_in_dim3A_106 = vector.shape_cast %broadcast_in_dim3A_103 : vector<256x1xi1> to vector<256x1xi1>
    %broadcast_in_dim3A_107 = vector.broadcast %broadcast_in_dim3A_106 : vector<256x1xi1> to vector<256x64xi1>
    %select_n3A_108 = arith.select %broadcast_in_dim3A_107, %slice3A_104, %slice3A_105 : vector<256x64xi1>, vector<256x64xf32>
    %swap3A_109 = arith.constant 0 : index
    %swap3A_110 = arith.constant 0 : index
    %swap3A_111 = vector.load %arg10[%swap3A_109, %swap3A_110] : memref<1024x64xf32, #tpu.memory_space<vmem>>, vector<256x64xf32>
    tpu.vector_store %arg10[%swap3A_109, %swap3A_110], %select_n3A_108 {strides = array<i32>} : memref<1024x64xf32, #tpu.memory_space<vmem>>, vector<256x64xf32>,
    %get3A_112 = arith.constant 256 : index
    %get3A_113 = arith.constant 0 : index
    %get3A_114 = arith.constant 0 : index
    %get3A_115 = arith.constant 0 : index
    %get3A_116 = vector.load %arg1[%get3A_112, %get3A_113, %get3A_114, %get3A_115] : memref<1024x1x1x1024xf32, #tpu.memory_space<vmem>>, vector<256x1x1x1024xf32>
    %reshape3A_117 = vector.shape_cast %get3A_116 : vector<256x1x1x1024xf32> to vector<256x1024xf32>
    %dot_general3A_118 = arith.constant dense<0.000000e+00> : vector<256x512xf32>
    %dot_general3A_119 = tpu.matmul %reshape3A_117, %get3A_3, %dot_general3A_118 {dimension_numbers = #tpu.dot_dimension_numbers<[1], [0], [0], [1], [0, 0, 1, 1], [], []>, transpose_lhs_hint = false} : vector<256x1024xf32>, vector<1024x512xf32>, vector<256x512xf32> -> vector<256x512xf32>
    %get3A_120 = arith.constant 0 : index
    %get3A_121 = arith.constant 0 : index
    %get3A_122 = vector.load %arg3[%get3A_120, %get3A_121] : memref<1x512xf32, #tpu.memory_space<vmem>>, vector<1x512xf32>
    %add3A_123 = vector.broadcast %get3A_122 : vector<1x512xf32> to vector<256x512xf32>
    %add3A_124 = arith.addf %dot_general3A_119, %add3A_123 : vector<256x512xf32>
    %max3A_125 = arith.constant 0.000000e+00 : f32
    %max3A_126 = vector.broadcast %max3A_125 : f32 to vector<256x512xf32>
    %max3A_127 = arith.maximumf %add3A_124, %max3A_126 : vector<256x512xf32>
    %dot_general3A_128 = arith.constant dense<0.000000e+00> : vector<256x16xf32>
    %dot_general3A_129 = tpu.matmul %max3A_127, %get3A_6, %dot_general3A_128 {dimension_numbers = #tpu.dot_dimension_numbers<[1], [0], [0], [1], [0, 0, 1, 1], [], []>, transpose_lhs_hint = false} : vector<256x512xf32>, vector<512x16xf32>, vector<256x16xf32> -> vector<256x16xf32>
    %get3A_130 = arith.constant 0 : index
    %get3A_131 = arith.constant 0 : index
    %get3A_132 = vector.load %arg5[%get3A_130, %get3A_131] : memref<1x16xf32, #tpu.memory_space<vmem>>, vector<1x16xf32>
    %add3A_133 = vector.broadcast %get3A_132 : vector<1x16xf32> to vector<256x16xf32>
    %add3A_134 = arith.addf %dot_general3A_129, %add3A_133 : vector<256x16xf32>
    %swap3A_135 = arith.constant 256 : index
    %swap3A_136 = arith.constant 0 : index
    %swap3A_137 = vector.load %arg8[%swap3A_135, %swap3A_136] : memref<1024x16xf32, #tpu.memory_space<vmem>>, vector<256x16xf32>
    tpu.vector_store %arg8[%swap3A_135, %swap3A_136], %add3A_134 {strides = array<i32>} : memref<1024x16xf32, #tpu.memory_space<vmem>>, vector<256x16xf32>,
    %argmax3A_138 = tpu.reduce_index %add3A_134 {axis = 1 : i32, kind = #tpu.reduction_kind<arg_max>} : vector<256x16xf32> -> vector<256xi32>
    %broadcast_in_dim3A_139 = vector.shape_cast %argmax3A_138 : vector<256xi32> to vector<256x1xi32>
    %swap3A_140 = arith.constant 256 : index
    %swap3A_141 = arith.constant 0 : index
    %swap3A_142 = vector.load %arg9[%swap3A_140, %swap3A_141] : memref<1024x1xi32, #tpu.memory_space<vmem>>, vector<256x1xi32>
    tpu.vector_store %arg9[%swap3A_140, %swap3A_141], %broadcast_in_dim3A_139 {strides = array<i32>} : memref<1024x1xi32, #tpu.memory_space<vmem>>, vector<256x1xi32>,
    %dot_general3A_143 = arith.constant dense<0.000000e+00> : vector<256x1024xf32>
    %dot_general3A_144 = tpu.matmul %max3A_127, %get3A_9, %dot_general3A_143 {dimension_numbers = #tpu.dot_dimension_numbers<[1], [0], [0], [1], [0, 0, 1, 1], [], []>, transpose_lhs_hint = false} : vector<256x512xf32>, vector<512x1024xf32>, vector<256x1024xf32> -> vector<256x1024xf32>
    %get3A_145 = arith.constant 0 : index
    %get3A_146 = arith.constant 0 : index
    %get3A_147 = vector.load %arg7[%get3A_145, %get3A_146] : memref<1x1024xf32, #tpu.memory_space<vmem>>, vector<1x1024xf32>
    %add3A_148 = vector.broadcast %get3A_147 : vector<1x1024xf32> to vector<256x1024xf32>
    %add3A_149 = arith.addf %dot_general3A_144, %add3A_148 : vector<256x1024xf32>
    %shift_right_arithmetic3A_150 = arith.constant 1 : i32
    %shift_right_arithmetic3A_151 = vector.broadcast %shift_right_arithmetic3A_150 : i32 to vector<256xi32>
    %shift_right_arithmetic3A_152 = arith.shrsi %argmax3A_138, %shift_right_arithmetic3A_151 : vector<256xi32>
    %slice3A_153 = vector.extract_strided_slice %add3A_149 {offsets = [0, 0], sizes = [256, 128], strides = [1, 1]} : vector<256x1024xf32> to vector<256x128xf32>
    %eq3A_154 = arith.constant 1 : i32
    %eq3A_155 = vector.broadcast %eq3A_154 : i32 to vector<256xi32>
    %eq3A_156 = arith.cmpi eq, %shift_right_arithmetic3A_152, %eq3A_155 : vector<256xi32>
    %broadcast_in_dim3A_157 = vector.shape_cast %eq3A_156 : vector<256xi1> to vector<256x1xi1>
    %slice3A_158 = vector.extract_strided_slice %add3A_149 {offsets = [0, 128], sizes = [256, 128], strides = [1, 1]} : vector<256x1024xf32> to vector<256x128xf32>
    %broadcast_in_dim3A_159 = vector.shape_cast %broadcast_in_dim3A_157 : vector<256x1xi1> to vector<256x1xi1>
    %broadcast_in_dim3A_160 = vector.broadcast %broadcast_in_dim3A_159 : vector<256x1xi1> to vector<256x128xi1>
    %select_n3A_161 = arith.select %broadcast_in_dim3A_160, %slice3A_158, %slice3A_153 : vector<256x128xi1>, vector<256x128xf32>
    %eq3A_162 = arith.constant 2 : i32
    %eq3A_163 = vector.broadcast %eq3A_162 : i32 to vector<256xi32>
    %eq3A_164 = arith.cmpi eq, %shift_right_arithmetic3A_152, %eq3A_163 : vector<256xi32>
    %broadcast_in_dim3A_165 = vector.shape_cast %eq3A_164 : vector<256xi1> to vector<256x1xi1>
    %slice3A_166 = vector.extract_strided_slice %add3A_149 {offsets = [0, 256], sizes = [256, 128], strides = [1, 1]} : vector<256x1024xf32> to vector<256x128xf32>
    %broadcast_in_dim3A_167 = vector.shape_cast %broadcast_in_dim3A_165 : vector<256x1xi1> to vector<256x1xi1>
    %broadcast_in_dim3A_168 = vector.broadcast %broadcast_in_dim3A_167 : vector<256x1xi1> to vector<256x128xi1>
    %select_n3A_169 = arith.select %broadcast_in_dim3A_168, %slice3A_166, %select_n3A_161 : vector<256x128xi1>, vector<256x128xf32>
    %eq3A_170 = arith.constant 3 : i32
    %eq3A_171 = vector.broadcast %eq3A_170 : i32 to vector<256xi32>
    %eq3A_172 = arith.cmpi eq, %shift_right_arithmetic3A_152, %eq3A_171 : vector<256xi32>
    %broadcast_in_dim3A_173 = vector.shape_cast %eq3A_172 : vector<256xi1> to vector<256x1xi1>
    %slice3A_174 = vector.extract_strided_slice %add3A_149 {offsets = [0, 384], sizes = [256, 128], strides = [1, 1]} : vector<256x1024xf32> to vector<256x128xf32>
    %broadcast_in_dim3A_175 = vector.shape_cast %broadcast_in_dim3A_173 : vector<256x1xi1> to vector<256x1xi1>
    %broadcast_in_dim3A_176 = vector.broadcast %broadcast_in_dim3A_175 : vector<256x1xi1> to vector<256x128xi1>
    %select_n3A_177 = arith.select %broadcast_in_dim3A_176, %slice3A_174, %select_n3A_169 : vector<256x128xi1>, vector<256x128xf32>
    %eq3A_178 = arith.constant 4 : i32
    %eq3A_179 = vector.broadcast %eq3A_178 : i32 to vector<256xi32>
    %eq3A_180 = arith.cmpi eq, %shift_right_arithmetic3A_152, %eq3A_179 : vector<256xi32>
    %broadcast_in_dim3A_181 = vector.shape_cast %eq3A_180 : vector<256xi1> to vector<256x1xi1>
    %slice3A_182 = vector.extract_strided_slice %add3A_149 {offsets = [0, 512], sizes = [256, 128], strides = [1, 1]} : vector<256x1024xf32> to vector<256x128xf32>
    %broadcast_in_dim3A_183 = vector.shape_cast %broadcast_in_dim3A_181 : vector<256x1xi1> to vector<256x1xi1>
    %broadcast_in_dim3A_184 = vector.broadcast %broadcast_in_dim3A_183 : vector<256x1xi1> to vector<256x128xi1>
    %select_n3A_185 = arith.select %broadcast_in_dim3A_184, %slice3A_182, %select_n3A_177 : vector<256x128xi1>, vector<256x128xf32>
    %eq3A_186 = arith.constant 5 : i32
    %eq3A_187 = vector.broadcast %eq3A_186 : i32 to vector<256xi32>
    %eq3A_188 = arith.cmpi eq, %shift_right_arithmetic3A_152, %eq3A_187 : vector<256xi32>
    %broadcast_in_dim3A_189 = vector.shape_cast %eq3A_188 : vector<256xi1> to vector<256x1xi1>
    %slice3A_190 = vector.extract_strided_slice %add3A_149 {offsets = [0, 640], sizes = [256, 128], strides = [1, 1]} : vector<256x1024xf32> to vector<256x128xf32>
    %broadcast_in_dim3A_191 = vector.shape_cast %broadcast_in_dim3A_189 : vector<256x1xi1> to vector<256x1xi1>
    %broadcast_in_dim3A_192 = vector.broadcast %broadcast_in_dim3A_191 : vector<256x1xi1> to vector<256x128xi1>
    %select_n3A_193 = arith.select %broadcast_in_dim3A_192, %slice3A_190, %select_n3A_185 : vector<256x128xi1>, vector<256x128xf32>
    %eq3A_194 = arith.constant 6 : i32
    %eq3A_195 = vector.broadcast %eq3A_194 : i32 to vector<256xi32>
    %eq3A_196 = arith.cmpi eq, %shift_right_arithmetic3A_152, %eq3A_195 : vector<256xi32>
    %broadcast_in_dim3A_197 = vector.shape_cast %eq3A_196 : vector<256xi1> to vector<256x1xi1>
    %slice3A_198 = vector.extract_strided_slice %add3A_149 {offsets = [0, 768], sizes = [256, 128], strides = [1, 1]} : vector<256x1024xf32> to vector<256x128xf32>
    %broadcast_in_dim3A_199 = vector.shape_cast %broadcast_in_dim3A_197 : vector<256x1xi1> to vector<256x1xi1>
    %broadcast_in_dim3A_200 = vector.broadcast %broadcast_in_dim3A_199 : vector<256x1xi1> to vector<256x128xi1>
    %select_n3A_201 = arith.select %broadcast_in_dim3A_200, %slice3A_198, %select_n3A_193 : vector<256x128xi1>, vector<256x128xf32>
    %eq3A_202 = arith.constant 7 : i32
    %eq3A_203 = vector.broadcast %eq3A_202 : i32 to vector<256xi32>
    %eq3A_204 = arith.cmpi eq, %shift_right_arithmetic3A_152, %eq3A_203 : vector<256xi32>
    %broadcast_in_dim3A_205 = vector.shape_cast %eq3A_204 : vector<256xi1> to vector<256x1xi1>
    %slice3A_206 = vector.extract_strided_slice %add3A_149 {offsets = [0, 896], sizes = [256, 128], strides = [1, 1]} : vector<256x1024xf32> to vector<256x128xf32>
    %broadcast_in_dim3A_207 = vector.shape_cast %broadcast_in_dim3A_205 : vector<256x1xi1> to vector<256x1xi1>
    %broadcast_in_dim3A_208 = vector.broadcast %broadcast_in_dim3A_207 : vector<256x1xi1> to vector<256x128xi1>
    %select_n3A_209 = arith.select %broadcast_in_dim3A_208, %slice3A_206, %select_n3A_201 : vector<256x128xi1>, vector<256x128xf32>
    %and3A_210 = arith.constant 1 : i32
    %and3A_211 = vector.broadcast %and3A_210 : i32 to vector<256xi32>
    %and3A_212 = arith.andi %argmax3A_138, %and3A_211 : vector<256xi32>
    %eq3A_213 = arith.constant 1 : i32
    %eq3A_214 = vector.broadcast %eq3A_213 : i32 to vector<256xi32>
    %eq3A_215 = arith.cmpi eq, %and3A_212, %eq3A_214 : vector<256xi32>
    %broadcast_in_dim3A_216 = vector.shape_cast %eq3A_215 : vector<256xi1> to vector<256x1xi1>
    %slice3A_217 = vector.extract_strided_slice %select_n3A_209 {offsets = [0, 64], sizes = [256, 64], strides = [1, 1]} : vector<256x128xf32> to vector<256x64xf32>
    %slice3A_218 = vector.extract_strided_slice %select_n3A_209 {offsets = [0, 0], sizes = [256, 64], strides = [1, 1]} : vector<256x128xf32> to vector<256x64xf32>
    %broadcast_in_dim3A_219 = vector.shape_cast %broadcast_in_dim3A_216 : vector<256x1xi1> to vector<256x1xi1>
    %broadcast_in_dim3A_220 = vector.broadcast %broadcast_in_dim3A_219 : vector<256x1xi1> to vector<256x64xi1>
    %select_n3A_221 = arith.select %broadcast_in_dim3A_220, %slice3A_217, %slice3A_218 : vector<256x64xi1>, vector<256x64xf32>
    %swap3A_222 = arith.constant 256 : index
    %swap3A_223 = arith.constant 0 : index
    %swap3A_224 = vector.load %arg10[%swap3A_222, %swap3A_223] : memref<1024x64xf32, #tpu.memory_space<vmem>>, vector<256x64xf32>
    tpu.vector_store %arg10[%swap3A_222, %swap3A_223], %select_n3A_221 {strides = array<i32>} : memref<1024x64xf32, #tpu.memory_space<vmem>>, vector<256x64xf32>,
    %get3A_225 = arith.constant 512 : index
    %get3A_226 = arith.constant 0 : index
    %get3A_227 = arith.constant 0 : index
    %get3A_228 = arith.constant 0 : index
    %get3A_229 = vector.load %arg1[%get3A_225, %get3A_226, %get3A_227, %get3A_228] : memref<1024x1x1x1024xf32, #tpu.memory_space<vmem>>, vector<256x1x1x1024xf32>
    %reshape3A_230 = vector.shape_cast %get3A_229 : vector<256x1x1x1024xf32> to vector<256x1024xf32>
    %dot_general3A_231 = arith.constant dense<0.000000e+00> : vector<256x512xf32>
    %dot_general3A_232 = tpu.matmul %reshape3A_230, %get3A_3, %dot_general3A_231 {dimension_numbers = #tpu.dot_dimension_numbers<[1], [0], [0], [1], [0, 0, 1, 1], [], []>, transpose_lhs_hint = false} : vector<256x1024xf32>, vector<1024x512xf32>, vector<256x512xf32> -> vector<256x512xf32>
    %get3A_233 = arith.constant 0 : index
    %get3A_234 = arith.constant 0 : index
    %get3A_235 = vector.load %arg3[%get3A_233, %get3A_234] : memref<1x512xf32, #tpu.memory_space<vmem>>, vector<1x512xf32>
    %add3A_236 = vector.broadcast %get3A_235 : vector<1x512xf32> to vector<256x512xf32>
    %add3A_237 = arith.addf %dot_general3A_232, %add3A_236 : vector<256x512xf32>
    %max3A_238 = arith.constant 0.000000e+00 : f32
    %max3A_239 = vector.broadcast %max3A_238 : f32 to vector<256x512xf32>
    %max3A_240 = arith.maximumf %add3A_237, %max3A_239 : vector<256x512xf32>
    %dot_general3A_241 = arith.constant dense<0.000000e+00> : vector<256x16xf32>
    %dot_general3A_242 = tpu.matmul %max3A_240, %get3A_6, %dot_general3A_241 {dimension_numbers = #tpu.dot_dimension_numbers<[1], [0], [0], [1], [0, 0, 1, 1], [], []>, transpose_lhs_hint = false} : vector<256x512xf32>, vector<512x16xf32>, vector<256x16xf32> -> vector<256x16xf32>
    %get3A_243 = arith.constant 0 : index
    %get3A_244 = arith.constant 0 : index
    %get3A_245 = vector.load %arg5[%get3A_243, %get3A_244] : memref<1x16xf32, #tpu.memory_space<vmem>>, vector<1x16xf32>
    %add3A_246 = vector.broadcast %get3A_245 : vector<1x16xf32> to vector<256x16xf32>
    %add3A_247 = arith.addf %dot_general3A_242, %add3A_246 : vector<256x16xf32>
    %swap3A_248 = arith.constant 512 : index
    %swap3A_249 = arith.constant 0 : index
    %swap3A_250 = vector.load %arg8[%swap3A_248, %swap3A_249] : memref<1024x16xf32, #tpu.memory_space<vmem>>, vector<256x16xf32>
    tpu.vector_store %arg8[%swap3A_248, %swap3A_249], %add3A_247 {strides = array<i32>} : memref<1024x16xf32, #tpu.memory_space<vmem>>, vector<256x16xf32>,
    %argmax3A_251 = tpu.reduce_index %add3A_247 {axis = 1 : i32, kind = #tpu.reduction_kind<arg_max>} : vector<256x16xf32> -> vector<256xi32>
    %broadcast_in_dim3A_252 = vector.shape_cast %argmax3A_251 : vector<256xi32> to vector<256x1xi32>
    %swap3A_253 = arith.constant 512 : index
    %swap3A_254 = arith.constant 0 : index
    %swap3A_255 = vector.load %arg9[%swap3A_253, %swap3A_254] : memref<1024x1xi32, #tpu.memory_space<vmem>>, vector<256x1xi32>
    tpu.vector_store %arg9[%swap3A_253, %swap3A_254], %broadcast_in_dim3A_252 {strides = array<i32>} : memref<1024x1xi32, #tpu.memory_space<vmem>>, vector<256x1xi32>,
    %dot_general3A_256 = arith.constant dense<0.000000e+00> : vector<256x1024xf32>
    %dot_general3A_257 = tpu.matmul %max3A_240, %get3A_9, %dot_general3A_256 {dimension_numbers = #tpu.dot_dimension_numbers<[1], [0], [0], [1], [0, 0, 1, 1], [], []>, transpose_lhs_hint = false} : vector<256x512xf32>, vector<512x1024xf32>, vector<256x1024xf32> -> vector<256x1024xf32>
    %get3A_258 = arith.constant 0 : index
    %get3A_259 = arith.constant 0 : index
    %get3A_260 = vector.load %arg7[%get3A_258, %get3A_259] : memref<1x1024xf32, #tpu.memory_space<vmem>>, vector<1x1024xf32>
    %add3A_261 = vector.broadcast %get3A_260 : vector<1x1024xf32> to vector<256x1024xf32>
    %add3A_262 = arith.addf %dot_general3A_257, %add3A_261 : vector<256x1024xf32>
    %shift_right_arithmetic3A_263 = arith.constant 1 : i32
    %shift_right_arithmetic3A_264 = vector.broadcast %shift_right_arithmetic3A_263 : i32 to vector<256xi32>
    %shift_right_arithmetic3A_265 = arith.shrsi %argmax3A_251, %shift_right_arithmetic3A_264 : vector<256xi32>
    %slice3A_266 = vector.extract_strided_slice %add3A_262 {offsets = [0, 0], sizes = [256, 128], strides = [1, 1]} : vector<256x1024xf32> to vector<256x128xf32>
    %eq3A_267 = arith.constant 1 : i32
    %eq3A_268 = vector.broadcast %eq3A_267 : i32 to vector<256xi32>
    %eq3A_269 = arith.cmpi eq, %shift_right_arithmetic3A_265, %eq3A_268 : vector<256xi32>
    %broadcast_in_dim3A_270 = vector.shape_cast %eq3A_269 : vector<256xi1> to vector<256x1xi1>
    %slice3A_271 = vector.extract_strided_slice %add3A_262 {offsets = [0, 128], sizes = [256, 128], strides = [1, 1]} : vector<256x1024xf32> to vector<256x128xf32>
    %broadcast_in_dim3A_272 = vector.shape_cast %broadcast_in_dim3A_270 : vector<256x1xi1> to vector<256x1xi1>
    %broadcast_in_dim3A_273 = vector.broadcast %broadcast_in_dim3A_272 : vector<256x1xi1> to vector<256x128xi1>
    %select_n3A_274 = arith.select %broadcast_in_dim3A_273, %slice3A_271, %slice3A_266 : vector<256x128xi1>, vector<256x128xf32>
    %eq3A_275 = arith.constant 2 : i32
    %eq3A_276 = vector.broadcast %eq3A_275 : i32 to vector<256xi32>
    %eq3A_277 = arith.cmpi eq, %shift_right_arithmetic3A_265, %eq3A_276 : vector<256xi32>
    %broadcast_in_dim3A_278 = vector.shape_cast %eq3A_277 : vector<256xi1> to vector<256x1xi1>
    %slice3A_279 = vector.extract_strided_slice %add3A_262 {offsets = [0, 256], sizes = [256, 128], strides = [1, 1]} : vector<256x1024xf32> to vector<256x128xf32>
    %broadcast_in_dim3A_280 = vector.shape_cast %broadcast_in_dim3A_278 : vector<256x1xi1> to vector<256x1xi1>
    %broadcast_in_dim3A_281 = vector.broadcast %broadcast_in_dim3A_280 : vector<256x1xi1> to vector<256x128xi1>
    %select_n3A_282 = arith.select %broadcast_in_dim3A_281, %slice3A_279, %select_n3A_274 : vector<256x128xi1>, vector<256x128xf32>
    %eq3A_283 = arith.constant 3 : i32
    %eq3A_284 = vector.broadcast %eq3A_283 : i32 to vector<256xi32>
    %eq3A_285 = arith.cmpi eq, %shift_right_arithmetic3A_265, %eq3A_284 : vector<256xi32>
    %broadcast_in_dim3A_286 = vector.shape_cast %eq3A_285 : vector<256xi1> to vector<256x1xi1>
    %slice3A_287 = vector.extract_strided_slice %add3A_262 {offsets = [0, 384], sizes = [256, 128], strides = [1, 1]} : vector<256x1024xf32> to vector<256x128xf32>
    %broadcast_in_dim3A_288 = vector.shape_cast %broadcast_in_dim3A_286 : vector<256x1xi1> to vector<256x1xi1>
    %broadcast_in_dim3A_289 = vector.broadcast %broadcast_in_dim3A_288 : vector<256x1xi1> to vector<256x128xi1>
    %select_n3A_290 = arith.select %broadcast_in_dim3A_289, %slice3A_287, %select_n3A_282 : vector<256x128xi1>, vector<256x128xf32>
    %eq3A_291 = arith.constant 4 : i32
    %eq3A_292 = vector.broadcast %eq3A_291 : i32 to vector<256xi32>
    %eq3A_293 = arith.cmpi eq, %shift_right_arithmetic3A_265, %eq3A_292 : vector<256xi32>
    %broadcast_in_dim3A_294 = vector.shape_cast %eq3A_293 : vector<256xi1> to vector<256x1xi1>
    %slice3A_295 = vector.extract_strided_slice %add3A_262 {offsets = [0, 512], sizes = [256, 128], strides = [1, 1]} : vector<256x1024xf32> to vector<256x128xf32>
    %broadcast_in_dim3A_296 = vector.shape_cast %broadcast_in_dim3A_294 : vector<256x1xi1> to vector<256x1xi1>
    %broadcast_in_dim3A_297 = vector.broadcast %broadcast_in_dim3A_296 : vector<256x1xi1> to vector<256x128xi1>
    %select_n3A_298 = arith.select %broadcast_in_dim3A_297, %slice3A_295, %select_n3A_290 : vector<256x128xi1>, vector<256x128xf32>
    %eq3A_299 = arith.constant 5 : i32
    %eq3A_300 = vector.broadcast %eq3A_299 : i32 to vector<256xi32>
    %eq3A_301 = arith.cmpi eq, %shift_right_arithmetic3A_265, %eq3A_300 : vector<256xi32>
    %broadcast_in_dim3A_302 = vector.shape_cast %eq3A_301 : vector<256xi1> to vector<256x1xi1>
    %slice3A_303 = vector.extract_strided_slice %add3A_262 {offsets = [0, 640], sizes = [256, 128], strides = [1, 1]} : vector<256x1024xf32> to vector<256x128xf32>
    %broadcast_in_dim3A_304 = vector.shape_cast %broadcast_in_dim3A_302 : vector<256x1xi1> to vector<256x1xi1>
    %broadcast_in_dim3A_305 = vector.broadcast %broadcast_in_dim3A_304 : vector<256x1xi1> to vector<256x128xi1>
    %select_n3A_306 = arith.select %broadcast_in_dim3A_305, %slice3A_303, %select_n3A_298 : vector<256x128xi1>, vector<256x128xf32>
    %eq3A_307 = arith.constant 6 : i32
    %eq3A_308 = vector.broadcast %eq3A_307 : i32 to vector<256xi32>
    %eq3A_309 = arith.cmpi eq, %shift_right_arithmetic3A_265, %eq3A_308 : vector<256xi32>
    %broadcast_in_dim3A_310 = vector.shape_cast %eq3A_309 : vector<256xi1> to vector<256x1xi1>
    %slice3A_311 = vector.extract_strided_slice %add3A_262 {offsets = [0, 768], sizes = [256, 128], strides = [1, 1]} : vector<256x1024xf32> to vector<256x128xf32>
    %broadcast_in_dim3A_312 = vector.shape_cast %broadcast_in_dim3A_310 : vector<256x1xi1> to vector<256x1xi1>
    %broadcast_in_dim3A_313 = vector.broadcast %broadcast_in_dim3A_312 : vector<256x1xi1> to vector<256x128xi1>
    %select_n3A_314 = arith.select %broadcast_in_dim3A_313, %slice3A_311, %select_n3A_306 : vector<256x128xi1>, vector<256x128xf32>
    %eq3A_315 = arith.constant 7 : i32
    %eq3A_316 = vector.broadcast %eq3A_315 : i32 to vector<256xi32>
    %eq3A_317 = arith.cmpi eq, %shift_right_arithmetic3A_265, %eq3A_316 : vector<256xi32>
    %broadcast_in_dim3A_318 = vector.shape_cast %eq3A_317 : vector<256xi1> to vector<256x1xi1>
    %slice3A_319 = vector.extract_strided_slice %add3A_262 {offsets = [0, 896], sizes = [256, 128], strides = [1, 1]} : vector<256x1024xf32> to vector<256x128xf32>
    %broadcast_in_dim3A_320 = vector.shape_cast %broadcast_in_dim3A_318 : vector<256x1xi1> to vector<256x1xi1>
    %broadcast_in_dim3A_321 = vector.broadcast %broadcast_in_dim3A_320 : vector<256x1xi1> to vector<256x128xi1>
    %select_n3A_322 = arith.select %broadcast_in_dim3A_321, %slice3A_319, %select_n3A_314 : vector<256x128xi1>, vector<256x128xf32>
    %and3A_323 = arith.constant 1 : i32
    %and3A_324 = vector.broadcast %and3A_323 : i32 to vector<256xi32>
    %and3A_325 = arith.andi %argmax3A_251, %and3A_324 : vector<256xi32>
    %eq3A_326 = arith.constant 1 : i32
    %eq3A_327 = vector.broadcast %eq3A_326 : i32 to vector<256xi32>
    %eq3A_328 = arith.cmpi eq, %and3A_325, %eq3A_327 : vector<256xi32>
    %broadcast_in_dim3A_329 = vector.shape_cast %eq3A_328 : vector<256xi1> to vector<256x1xi1>
    %slice3A_330 = vector.extract_strided_slice %select_n3A_322 {offsets = [0, 64], sizes = [256, 64], strides = [1, 1]} : vector<256x128xf32> to vector<256x64xf32>
    %slice3A_331 = vector.extract_strided_slice %select_n3A_322 {offsets = [0, 0], sizes = [256, 64], strides = [1, 1]} : vector<256x128xf32> to vector<256x64xf32>
    %broadcast_in_dim3A_332 = vector.shape_cast %broadcast_in_dim3A_329 : vector<256x1xi1> to vector<256x1xi1>
    %broadcast_in_dim3A_333 = vector.broadcast %broadcast_in_dim3A_332 : vector<256x1xi1> to vector<256x64xi1>
    %select_n3A_334 = arith.select %broadcast_in_dim3A_333, %slice3A_330, %slice3A_331 : vector<256x64xi1>, vector<256x64xf32>
    %swap3A_335 = arith.constant 512 : index
    %swap3A_336 = arith.constant 0 : index
    %swap3A_337 = vector.load %arg10[%swap3A_335, %swap3A_336] : memref<1024x64xf32, #tpu.memory_space<vmem>>, vector<256x64xf32>
    tpu.vector_store %arg10[%swap3A_335, %swap3A_336], %select_n3A_334 {strides = array<i32>} : memref<1024x64xf32, #tpu.memory_space<vmem>>, vector<256x64xf32>,
    %get3A_338 = arith.constant 768 : index
    %get3A_339 = arith.constant 0 : index
    %get3A_340 = arith.constant 0 : index
    %get3A_341 = arith.constant 0 : index
    %get3A_342 = vector.load %arg1[%get3A_338, %get3A_339, %get3A_340, %get3A_341] : memref<1024x1x1x1024xf32, #tpu.memory_space<vmem>>, vector<256x1x1x1024xf32>
    %reshape3A_343 = vector.shape_cast %get3A_342 : vector<256x1x1x1024xf32> to vector<256x1024xf32>
    %dot_general3A_344 = arith.constant dense<0.000000e+00> : vector<256x512xf32>
    %dot_general3A_345 = tpu.matmul %reshape3A_343, %get3A_3, %dot_general3A_344 {dimension_numbers = #tpu.dot_dimension_numbers<[1], [0], [0], [1], [0, 0, 1, 1], [], []>, transpose_lhs_hint = false} : vector<256x1024xf32>, vector<1024x512xf32>, vector<256x512xf32> -> vector<256x512xf32>
    %get3A_346 = arith.constant 0 : index
    %get3A_347 = arith.constant 0 : index
    %get3A_348 = vector.load %arg3[%get3A_346, %get3A_347] : memref<1x512xf32, #tpu.memory_space<vmem>>, vector<1x512xf32>
    %add3A_349 = vector.broadcast %get3A_348 : vector<1x512xf32> to vector<256x512xf32>
    %add3A_350 = arith.addf %dot_general3A_345, %add3A_349 : vector<256x512xf32>
    %max3A_351 = arith.constant 0.000000e+00 : f32
    %max3A_352 = vector.broadcast %max3A_351 : f32 to vector<256x512xf32>
    %max3A_353 = arith.maximumf %add3A_350, %max3A_352 : vector<256x512xf32>
    %dot_general3A_354 = arith.constant dense<0.000000e+00> : vector<256x16xf32>
    %dot_general3A_355 = tpu.matmul %max3A_353, %get3A_6, %dot_general3A_354 {dimension_numbers = #tpu.dot_dimension_numbers<[1], [0], [0], [1], [0, 0, 1, 1], [], []>, transpose_lhs_hint = false} : vector<256x512xf32>, vector<512x16xf32>, vector<256x16xf32> -> vector<256x16xf32>
    %get3A_356 = arith.constant 0 : index
    %get3A_357 = arith.constant 0 : index
    %get3A_358 = vector.load %arg5[%get3A_356, %get3A_357] : memref<1x16xf32, #tpu.memory_space<vmem>>, vector<1x16xf32>
    %add3A_359 = vector.broadcast %get3A_358 : vector<1x16xf32> to vector<256x16xf32>
    %add3A_360 = arith.addf %dot_general3A_355, %add3A_359 : vector<256x16xf32>
    %swap3A_361 = arith.constant 768 : index
    %swap3A_362 = arith.constant 0 : index
    %swap3A_363 = vector.load %arg8[%swap3A_361, %swap3A_362] : memref<1024x16xf32, #tpu.memory_space<vmem>>, vector<256x16xf32>
    tpu.vector_store %arg8[%swap3A_361, %swap3A_362], %add3A_360 {strides = array<i32>} : memref<1024x16xf32, #tpu.memory_space<vmem>>, vector<256x16xf32>,
    %argmax3A_364 = tpu.reduce_index %add3A_360 {axis = 1 : i32, kind = #tpu.reduction_kind<arg_max>} : vector<256x16xf32> -> vector<256xi32>
    %broadcast_in_dim3A_365 = vector.shape_cast %argmax3A_364 : vector<256xi32> to vector<256x1xi32>
    %swap3A_366 = arith.constant 768 : index
    %swap3A_367 = arith.constant 0 : index
    %swap3A_368 = vector.load %arg9[%swap3A_366, %swap3A_367] : memref<1024x1xi32, #tpu.memory_space<vmem>>, vector<256x1xi32>
    tpu.vector_store %arg9[%swap3A_366, %swap3A_367], %broadcast_in_dim3A_365 {strides = array<i32>} : memref<1024x1xi32, #tpu.memory_space<vmem>>, vector<256x1xi32>,
    %dot_general3A_369 = arith.constant dense<0.000000e+00> : vector<256x1024xf32>
    %dot_general3A_370 = tpu.matmul %max3A_353, %get3A_9, %dot_general3A_369 {dimension_numbers = #tpu.dot_dimension_numbers<[1], [0], [0], [1], [0, 0, 1, 1], [], []>, transpose_lhs_hint = false} : vector<256x512xf32>, vector<512x1024xf32>, vector<256x1024xf32> -> vector<256x1024xf32>
    %get3A_371 = arith.constant 0 : index
    %get3A_372 = arith.constant 0 : index
    %get3A_373 = vector.load %arg7[%get3A_371, %get3A_372] : memref<1x1024xf32, #tpu.memory_space<vmem>>, vector<1x1024xf32>
    %add3A_374 = vector.broadcast %get3A_373 : vector<1x1024xf32> to vector<256x1024xf32>
    %add3A_375 = arith.addf %dot_general3A_370, %add3A_374 : vector<256x1024xf32>
    %shift_right_arithmetic3A_376 = arith.constant 1 : i32
    %shift_right_arithmetic3A_377 = vector.broadcast %shift_right_arithmetic3A_376 : i32 to vector<256xi32>
    %shift_right_arithmetic3A_378 = arith.shrsi %argmax3A_364, %shift_right_arithmetic3A_377 : vector<256xi32>
    %slice3A_379 = vector.extract_strided_slice %add3A_375 {offsets = [0, 0], sizes = [256, 128], strides = [1, 1]} : vector<256x1024xf32> to vector<256x128xf32>
    %eq3A_380 = arith.constant 1 : i32
    %eq3A_381 = vector.broadcast %eq3A_380 : i32 to vector<256xi32>
    %eq3A_382 = arith.cmpi eq, %shift_right_arithmetic3A_378, %eq3A_381 : vector<256xi32>
    %broadcast_in_dim3A_383 = vector.shape_cast %eq3A_382 : vector<256xi1> to vector<256x1xi1>
    %slice3A_384 = vector.extract_strided_slice %add3A_375 {offsets = [0, 128], sizes = [256, 128], strides = [1, 1]} : vector<256x1024xf32> to vector<256x128xf32>
    %broadcast_in_dim3A_385 = vector.shape_cast %broadcast_in_dim3A_383 : vector<256x1xi1> to vector<256x1xi1>
    %broadcast_in_dim3A_386 = vector.broadcast %broadcast_in_dim3A_385 : vector<256x1xi1> to vector<256x128xi1>
    %select_n3A_387 = arith.select %broadcast_in_dim3A_386, %slice3A_384, %slice3A_379 : vector<256x128xi1>, vector<256x128xf32>
    %eq3A_388 = arith.constant 2 : i32
    %eq3A_389 = vector.broadcast %eq3A_388 : i32 to vector<256xi32>
    %eq3A_390 = arith.cmpi eq, %shift_right_arithmetic3A_378, %eq3A_389 : vector<256xi32>
    %broadcast_in_dim3A_391 = vector.shape_cast %eq3A_390 : vector<256xi1> to vector<256x1xi1>
    %slice3A_392 = vector.extract_strided_slice %add3A_375 {offsets = [0, 256], sizes = [256, 128], strides = [1, 1]} : vector<256x1024xf32> to vector<256x128xf32>
    %broadcast_in_dim3A_393 = vector.shape_cast %broadcast_in_dim3A_391 : vector<256x1xi1> to vector<256x1xi1>
    %broadcast_in_dim3A_394 = vector.broadcast %broadcast_in_dim3A_393 : vector<256x1xi1> to vector<256x128xi1>
    %select_n3A_395 = arith.select %broadcast_in_dim3A_394, %slice3A_392, %select_n3A_387 : vector<256x128xi1>, vector<256x128xf32>
    %eq3A_396 = arith.constant 3 : i32
    %eq3A_397 = vector.broadcast %eq3A_396 : i32 to vector<256xi32>
    %eq3A_398 = arith.cmpi eq, %shift_right_arithmetic3A_378, %eq3A_397 : vector<256xi32>
    %broadcast_in_dim3A_399 = vector.shape_cast %eq3A_398 : vector<256xi1> to vector<256x1xi1>
    %slice3A_400 = vector.extract_strided_slice %add3A_375 {offsets = [0, 384], sizes = [256, 128], strides = [1, 1]} : vector<256x1024xf32> to vector<256x128xf32>
    %broadcast_in_dim3A_401 = vector.shape_cast %broadcast_in_dim3A_399 : vector<256x1xi1> to vector<256x1xi1>
    %broadcast_in_dim3A_402 = vector.broadcast %broadcast_in_dim3A_401 : vector<256x1xi1> to vector<256x128xi1>
    %select_n3A_403 = arith.select %broadcast_in_dim3A_402, %slice3A_400, %select_n3A_395 : vector<256x128xi1>, vector<256x128xf32>
    %eq3A_404 = arith.constant 4 : i32
    %eq3A_405 = vector.broadcast %eq3A_404 : i32 to vector<256xi32>
    %eq3A_406 = arith.cmpi eq, %shift_right_arithmetic3A_378, %eq3A_405 : vector<256xi32>
    %broadcast_in_dim3A_407 = vector.shape_cast %eq3A_406 : vector<256xi1> to vector<256x1xi1>
    %slice3A_408 = vector.extract_strided_slice %add3A_375 {offsets = [0, 512], sizes = [256, 128], strides = [1, 1]} : vector<256x1024xf32> to vector<256x128xf32>
    %broadcast_in_dim3A_409 = vector.shape_cast %broadcast_in_dim3A_407 : vector<256x1xi1> to vector<256x1xi1>
    %broadcast_in_dim3A_410 = vector.broadcast %broadcast_in_dim3A_409 : vector<256x1xi1> to vector<256x128xi1>
    %select_n3A_411 = arith.select %broadcast_in_dim3A_410, %slice3A_408, %select_n3A_403 : vector<256x128xi1>, vector<256x128xf32>
    %eq3A_412 = arith.constant 5 : i32
    %eq3A_413 = vector.broadcast %eq3A_412 : i32 to vector<256xi32>
    %eq3A_414 = arith.cmpi eq, %shift_right_arithmetic3A_378, %eq3A_413 : vector<256xi32>
    %broadcast_in_dim3A_415 = vector.shape_cast %eq3A_414 : vector<256xi1> to vector<256x1xi1>
    %slice3A_416 = vector.extract_strided_slice %add3A_375 {offsets = [0, 640], sizes = [256, 128], strides = [1, 1]} : vector<256x1024xf32> to vector<256x128xf32>
    %broadcast_in_dim3A_417 = vector.shape_cast %broadcast_in_dim3A_415 : vector<256x1xi1> to vector<256x1xi1>
    %broadcast_in_dim3A_418 = vector.broadcast %broadcast_in_dim3A_417 : vector<256x1xi1> to vector<256x128xi1>
    %select_n3A_419 = arith.select %broadcast_in_dim3A_418, %slice3A_416, %select_n3A_411 : vector<256x128xi1>, vector<256x128xf32>
    %eq3A_420 = arith.constant 6 : i32
    %eq3A_421 = vector.broadcast %eq3A_420 : i32 to vector<256xi32>
    %eq3A_422 = arith.cmpi eq, %shift_right_arithmetic3A_378, %eq3A_421 : vector<256xi32>
    %broadcast_in_dim3A_423 = vector.shape_cast %eq3A_422 : vector<256xi1> to vector<256x1xi1>
    %slice3A_424 = vector.extract_strided_slice %add3A_375 {offsets = [0, 768], sizes = [256, 128], strides = [1, 1]} : vector<256x1024xf32> to vector<256x128xf32>
    %broadcast_in_dim3A_425 = vector.shape_cast %broadcast_in_dim3A_423 : vector<256x1xi1> to vector<256x1xi1>
    %broadcast_in_dim3A_426 = vector.broadcast %broadcast_in_dim3A_425 : vector<256x1xi1> to vector<256x128xi1>
    %select_n3A_427 = arith.select %broadcast_in_dim3A_426, %slice3A_424, %select_n3A_419 : vector<256x128xi1>, vector<256x128xf32>
    %eq3A_428 = arith.constant 7 : i32
    %eq3A_429 = vector.broadcast %eq3A_428 : i32 to vector<256xi32>
    %eq3A_430 = arith.cmpi eq, %shift_right_arithmetic3A_378, %eq3A_429 : vector<256xi32>
    %broadcast_in_dim3A_431 = vector.shape_cast %eq3A_430 : vector<256xi1> to vector<256x1xi1>
    %slice3A_432 = vector.extract_strided_slice %add3A_375 {offsets = [0, 896], sizes = [256, 128], strides = [1, 1]} : vector<256x1024xf32> to vector<256x128xf32>
    %broadcast_in_dim3A_433 = vector.shape_cast %broadcast_in_dim3A_431 : vector<256x1xi1> to vector<256x1xi1>
    %broadcast_in_dim3A_434 = vector.broadcast %broadcast_in_dim3A_433 : vector<256x1xi1> to vector<256x128xi1>
    %select_n3A_435 = arith.select %broadcast_in_dim3A_434, %slice3A_432, %select_n3A_427 : vector<256x128xi1>, vector<256x128xf32>
    %and3A_436 = arith.constant 1 : i32
    %and3A_437 = vector.broadcast %and3A_436 : i32 to vector<256xi32>
    %and3A_438 = arith.andi %argmax3A_364, %and3A_437 : vector<256xi32>
    %eq3A_439 = arith.constant 1 : i32
    %eq3A_440 = vector.broadcast %eq3A_439 : i32 to vector<256xi32>
    %eq3A_441 = arith.cmpi eq, %and3A_438, %eq3A_440 : vector<256xi32>
    %broadcast_in_dim3A_442 = vector.shape_cast %eq3A_441 : vector<256xi1> to vector<256x1xi1>
    %slice3A_443 = vector.extract_strided_slice %select_n3A_435 {offsets = [0, 64], sizes = [256, 64], strides = [1, 1]} : vector<256x128xf32> to vector<256x64xf32>
    %slice3A_444 = vector.extract_strided_slice %select_n3A_435 {offsets = [0, 0], sizes = [256, 64], strides = [1, 1]} : vector<256x128xf32> to vector<256x64xf32>
    %broadcast_in_dim3A_445 = vector.shape_cast %broadcast_in_dim3A_442 : vector<256x1xi1> to vector<256x1xi1>
    %broadcast_in_dim3A_446 = vector.broadcast %broadcast_in_dim3A_445 : vector<256x1xi1> to vector<256x64xi1>
    %select_n3A_447 = arith.select %broadcast_in_dim3A_446, %slice3A_443, %slice3A_444 : vector<256x64xi1>, vector<256x64xf32>
    %swap3A_448 = arith.constant 768 : index
    %swap3A_449 = arith.constant 0 : index
    %swap3A_450 = vector.load %arg10[%swap3A_448, %swap3A_449] : memref<1024x64xf32, #tpu.memory_space<vmem>>, vector<256x64xf32>
    tpu.vector_store %arg10[%swap3A_448, %swap3A_449], %select_n3A_447 {strides = array<i32>} : memref<1024x64xf32, #tpu.memory_space<vmem>>, vector<256x64xf32>,
    return
  }
  func.func @transform_0(%arg0: i32) -> (i32, i32, i32, i32) {
    %c0_i32 = arith.constant 0 : i32
    %c0_i32_0 = arith.constant 0 : i32
    %c0_i32_1 = arith.constant 0 : i32
    %c0_i32_2 = arith.constant 0 : i32
    return %arg0, %c0_i32, %c0_i32_0, %c0_i32_1 : i32, i32, i32, i32
  }
  func.func @transform_1(%arg0: i32) -> (i32, i32) {
    %c0_i32 = arith.constant 0 : i32
    %c0_i32_0 = arith.constant 0 : i32
    %c0_i32_1 = arith.constant 0 : i32
    return %c0_i32, %c0_i32_0 : i32, i32
  }
  func.func @transform_2(%arg0: i32) -> (i32, i32) {
    %c0_i32 = arith.constant 0 : i32
    %c0_i32_0 = arith.constant 0 : i32
    %c0_i32_1 = arith.constant 0 : i32
    return %c0_i32, %c0_i32_0 : i32, i32
  }
  func.func @transform_3(%arg0: i32) -> (i32, i32) {
    %c0_i32 = arith.constant 0 : i32
    %c0_i32_0 = arith.constant 0 : i32
    %c0_i32_1 = arith.constant 0 : i32
    return %c0_i32, %c0_i32_0 : i32, i32
  }
  func.func @transform_4(%arg0: i32) -> (i32, i32) {
    %c0_i32 = arith.constant 0 : i32
    %c0_i32_0 = arith.constant 0 : i32
    %c0_i32_1 = arith.constant 0 : i32
    return %c0_i32, %c0_i32_0 : i32, i32
  }
  func.func @transform_5(%arg0: i32) -> (i32, i32, i32) {
    %c0_i32 = arith.constant 0 : i32
    %c0_i32_0 = arith.constant 0 : i32
    %c0_i32_1 = arith.constant 0 : i32
    %c0_i32_2 = arith.constant 0 : i32
    return %c0_i32, %c0_i32_0, %c0_i32_1 : i32, i32, i32
  }
  func.func @transform_6(%arg0: i32) -> (i32, i32) {
    %c0_i32 = arith.constant 0 : i32
    %c0_i32_0 = arith.constant 0 : i32
    %c0_i32_1 = arith.constant 0 : i32
    return %c0_i32, %c0_i32_0 : i32, i32
  }
  func.func @transform_7(%arg0: i32) -> (i32, i32) {
    %c0_i32 = arith.constant 0 : i32
    %c0_i32_0 = arith.constant 0 : i32
    return %arg0, %c0_i32 : i32, i32
  }
  func.func @transform_8(%arg0: i32) -> (i32, i32) {
    %c0_i32 = arith.constant 0 : i32
    %c0_i32_0 = arith.constant 0 : i32
    return %arg0, %c0_i32 : i32, i32
  }
  func.func @transform_9(%arg0: i32) -> (i32, i32) {
    %c0_i32 = arith.constant 0 : i32
    %c0_i32_0 = arith.constant 0 : i32
    return %arg0, %c0_i32 : i32, i32
  }
}

</mosaic_0001>

<sc_bundles>
// kernel: _moe_fused.4.cloned.1.call-start
scs
__scs_entry_jumppad:
0x0: {  	(pc) =	sbr.rel $0x88, $3  }
0x1: {  	(tag) =	ssettag $0x0;
	lr =	simm.s32 $0x1  }
0x2: {  	[smem:$0x3F9A] =	sst lr;
	_ =	strace $0xD0000000  }
0x3: {  	_ = 	snop  }
0x4: {  	_ = 	snop  }
0x5: {  	_ = 	snop  }
0x6: {  	_ = 	snop  }
0x7: {  	_ = 	snop  }
__scs_overlays_trampoline_lowered:
0x8: {  	[smem:$0x3FA9] =	sst s0  }
0x9: {  	[smem:$0x3FAA] =	sst s1  }
0xa: {  	[smem:$0x3FAB] =	sst s2  }
0xb: {  	[smem:$0x3FAC] =	sst s3  }
0xc: {  	[smem:$0x3FAD] =	sst s4  }
0xd: {  	[smem:$0x3FAE] =	sst s5  }
0xe: {  	[smem:$0x3FAF] =	sst s6  }
0xf: {  	[smem:$0x3FB0] =	sst s7  }
0x10: {  	[smem:$0x3FB1] =	sst s8  }
0x11: {  	[smem:$0x3FB2] =	sst s9;
	s0 =	simm.s32 @!p0 $0x0  }
0x12: {  	s1 =	sld [smem:$0x3F98];
	s0 =	simm.s32 @p0 $0x1  }
0x13: {  	[smem:$0x3FB3] =	sst s0;
	s0 =	simm.s32 @!p1 $0x0  }
0x14: {  	s2 =	sld [smem:$0x3F97];
	s0 =	simm.s32 @p1 $0x1  }
0x15: {  	[smem:$0x3FB4] =	sst s0;
	s0 =	simm.s32 @!p2 $0x0  }
0x16: {  	s3 =	sld [smem:$0x3FDB];
	s0 =	simm.s32 @p2 $0x1  }
0x17: {  	s4 =	simm.s32 $0x1BF5;
	[smem:$0x3FB6] =	sst s0  }
0x18: {  	s0 =	sld [smem:$0x3F99];
	_ =	swait.ge [sflag:s4], $0x0  }
0x19: {  	s7 =	sld [smem:$0x3F9A]  }
0x1a: {  	s8 =	sadd.s32 $0xFFFFE003, lr  }
0x1b: {  	s9 =	sadd.s32 $0xFFFFFEF7, lr;
	s5 =	simm.s32 $0xFFFFFFFF;
	p2 =	slt.u32 s8, $0xFFFFF086  }
0x1c: {  	p1 =	slt.u32 s9, $0xF7A;
	s5 =	simm.s32 @!p2 $0x0  }
0x1d: {  	s5 =	simm.s32 @p1 $0x1;
	p0 =	seq.s32 s7, s2  }
0x1e: {  	s7 =	smul.u32 @!p0 $0xF7A, s2;
	p2 =	seq.s32 @!p0 s5, $0x0  }
0x1f: {  	s9 =	smul.u32 $0xF7A, s1;
	s8 =	simm.s32 @!p0 $0x1BF5;
	p2 =	por !p2, p0  }
0x20: {  	[sflag:s8] =	ssyncset.s32 @!p0 $0xFFFFF086;
	s6 =	sadd.s32 @!p0 s3, s7;
	s7 =	simm.s32 @!p0 $0x108  }
0x21: {  	s3 =	sadd.s32 s3, s9;
	s6 =	sadd.s32 @!p0 $0x88, s6;
	s7 =	simm.s32 @p2 $0x1082  }
0x22: {  	[simem:s7], [sflag:s8] =	dma.local @!p0 [hbm:s6], $0xF7A  }
0x23: {  	s9 =	sor.u32 $0xD0000000, s2;
	s6 =	simm.s32 $0x108;
	_ =	swait.ge @!p0 [sflag:s8], $0x0  }
0x24: {  	s3 =	sadd.s32 $0x88, s3;
	s6 =	simm.s32 @!p1 $0x1082;
	[sflag:s4] =	ssyncset.s32 $0xFFFFF086  }
0x25: {  	[simem:s6], [sflag:s4] =	dma.local [hbm:s3], $0xF7A  }
0x26: {  	[smem:$0x3F9A] =	sst s1;
	(tag) =	ssettag s2;
	_ =	strace s9  }
0x27: {  	s1 =	sld [smem:$0x3FAA]  }
0x28: {  	s2 =	sld [smem:$0x3FAB]  }
0x29: {  	s4 =	sld [smem:$0x3FAD]  }
0x2a: {  	p0 =	seq.s32 s5, $0x0;
	s5 =	sld [smem:$0x3FAE]  }
0x2b: {  	s6 =	sld [smem:$0x3FAF]  }
0x2c: {  	s7 =	sld [smem:$0x3FB0]  }
0x2d: {  	s3 =	simm.s32 $0x108;
	s8 =	sld [smem:$0x3FB1]  }
0x2e: {  	s3 =	simm.s32 @!p0 $0x1082;
	s9 =	sld [smem:$0x3FB2]  }
0x2f: {  	lr =	sadd.s32 s0, s3;
	s0 =	sld [smem:$0x3FA9]  }
0x30: {  	s3 =	sld [smem:$0x3FAC]  }
0x31: {  	[smem:$0x3FB5] =	sst s10  }
0x32: {  	s10 =	sld [smem:$0x3FB3];
	_ =	sdelay $0x3  }
0x33: {  	p0 =	seq.s32 s10, $0x1;
	s10 =	sld [smem:$0x3FB5];
	_ =	sdelay $0x3  }
0x34: {  	[smem:$0x3FB5] =	sst s10  }
0x35: {  	s10 =	sld [smem:$0x3FB4];
	_ =	sdelay $0x3  }
0x36: {  	p1 =	seq.s32 s10, $0x1;
	s10 =	sld [smem:$0x3FB5];
	_ =	sdelay $0x3  }
0x37: {  	[smem:$0x3FB5] =	sst s10  }
0x38: {  	s10 =	sld [smem:$0x3FB6]  }
0x39: {  	_ = 	snop;
	(pc) =	sbr.ind lr, $3  }
0x3a: {  	_ = 	snop  }
0x3b: {  	_ = 	snop  }
0x3c: {  	p2 =	seq.s32 s10, $0x1;
	s10 =	sld [smem:$0x3FB5]  }
0x3d: {  	_ =	shalt  }
0x3e: {  	_ =	shalt  }
0x3f: {  	_ =	shalt  }
0x40: {  	_ =	shalt  }
0x41: {  	_ =	shalt  }
0x42: {  	_ =	shalt  }
0x43: {  	_ =	shalt  }
0x44: {  	_ =	shalt  }
0x45: {  	_ =	shalt  }
0x46: {  	_ =	shalt  }
0x47: {  	_ =	shalt  }
0x48: {  	_ =	shalt  }
0x49: {  	_ =	shalt  }
0x4a: {  	_ =	shalt  }
0x4b: {  	_ =	shalt  }
0x4c: {  	_ =	shalt  }
0x4d: {  	_ =	shalt  }
0x4e: {  	_ =	shalt  }
0x4f: {  	_ =	shalt  }
0x50: {  	_ =	shalt  }
0x51: {  	_ =	shalt  }
0x52: {  	_ =	shalt  }
0x53: {  	_ =	shalt  }
0x54: {  	_ =	shalt  }
0x55: {  	_ =	shalt  }
0x56: {  	_ =	shalt  }
0x57: {  	_ =	shalt  }
0x58: {  	_ =	shalt  }
0x59: {  	_ =	shalt  }
0x5a: {  	_ =	shalt  }
0x5b: {  	_ =	shalt  }
0x5c: {  	_ =	shalt  }
0x5d: {  	_ =	shalt  }
0x5e: {  	_ =	shalt  }
0x5f: {  	_ =	shalt  }
0x60: {  	_ =	shalt  }
0x61: {  	_ =	shalt  }
0x62: {  	_ =	shalt  }
0x63: {  	_ =	shalt  }
0x64: {  	_ =	shalt  }
0x65: {  	_ =	shalt  }
0x66: {  	_ =	shalt  }
0x67: {  	_ =	shalt  }
0x68: {  	_ =	shalt  }
0x69: {  	_ =	shalt  }
0x6a: {  	_ =	shalt  }
0x6b: {  	_ =	shalt  }
0x6c: {  	_ =	shalt  }
0x6d: {  	_ =	shalt  }
0x6e: {  	_ =	shalt  }
0x6f: {  	_ =	shalt  }
0x70: {  	_ =	shalt  }
0x71: {  	_ =	shalt  }
0x72: {  	_ =	shalt  }
0x73: {  	_ =	shalt  }
0x74: {  	_ =	shalt  }
0x75: {  	_ =	shalt  }
0x76: {  	_ =	shalt  }
0x77: {  	_ =	shalt  }
0x78: {  	_ =	shalt  }
0x79: {  	_ =	shalt  }
0x7a: {  	_ =	shalt  }
0x7b: {  	_ =	shalt  }
0x7c: {  	_ =	shalt  }
0x7d: {  	_ =	shalt  }
0x7e: {  	_ =	shalt  }
0x7f: {  	_ =	shalt  }
0x80: {  	_ =	shalt  }
0x81: {  	_ =	shalt  }
0x82: {  	_ =	shalt  }
0x83: {  	_ =	shalt  }
0x84: {  	_ =	shalt  }
0x85: {  	_ =	shalt  }
0x86: {  	_ =	shalt  }
0x87: {  	_ =	shalt  }
.Lfunc_end0:
.L_simem_size_0:
called_computation_lowered:
.L_overlay_start_0:
0x88: {  	s2 =	sld [smem:$0x3FD9]  }
0x89: {  	s3 =	sld [smem:$0x3FFE];
	_ =	sdelay $0x1  }
0x8a: {  	s1 =	srdreg.scid  }
0x8b: {  	s0 =	sand.u32 $0x1, s1  }
0x8c: {  	s14 =	sshll.u32 s0, $0xA;
	s2 =	sadd.s32 s3, s2  }
0x8d: {  	s2 =	sadd.s32 s2, s14  }
0x8e: {  	[smem:$0x3FC1] =	sst s2  }
0x8f: {  	_ = 	snop  }
0x90: {  	s2 =	sld [smem:$0x3FD0];
	_ =	sdelay $0x2  }
0x91: {  	s15 =	simm.s32 $0xA;
	s4 =	simm.s32 $0x10  }
0x92: {  	[smem:s4], [sflag:s15] =	dma.local [hbm:s2], $0x1  }
0x93: {  	_ =	swait.eq [sflag:s15], $0x1  }
0x94: {  	s16 =	sld [smem:$0x11];
	[sflag:s15] =	ssyncset.done $0x0  }
0x95: {  	s17 =	sld [smem:$0x12];
	[sflag:s15] =	ssyncadd.s32 $0xFFFFFFFF  }
0x96: {  	s18 =	sld [smem:$0x13];
	(tm) =	ssettm $0x1  }
0x97: {  	s5 =	sld [smem:$0x3FFB];
	_ =	sdelay $0x3  }
0x98: {  	_ =	strace s5  }
0x99: {  	s5 =	sld [smem:$0x3FFC];
	_ =	sdelay $0x3  }
0x9a: {  	_ =	strace s5  }
0x9b: {  	s5 =	sld [smem:$0x3FFD];
	_ =	sdelay $0x3  }
0x9c: {  	_ =	strace s5  }
0x9d: {  	_ =	strace $0x8FFFFFFF  }
0x9e: {  	s19 =	sld [smem:$0x3FDB];
	_ =	sdelay $0x1  }
0x9f: {  	s6 =	simm.s32 $_scs_section_size  }
0xa0: {  	s7 =	simm.s32 $_size__tile_overlayer_lowered;
	s8 =	simm.s32 $_tile_overlayer_lowered  }
0xa1: {  	s22 =	simm.s32 $0x1BFF;
	s21 =	sshll.u32 s8, $0x1;
	s5 =	sadd.s32 s6, s19  }
0xa2: {  	s9 =	simm.s32 $0x0;
	s20 =	sshll.u32 s7, $0x1;
	s7 =	sadd.s32 s21, s5  }
0xa3: {  	[timem:s9], [sflag:s22] =	dma.local [hbm:s7], s20  }
0xa4: {  	_ =	swait.ge [sflag:s22], s20  }
0xa5: {  	s6 =	ssub.s32 $0x0, s20;
	[sflag:s22] =	ssyncset.done $0x0  }
0xa6: {  	[sflag:s22] =	ssyncadd.s32 s6;
	_ =	sdelay $0x1  }
0xa7: {  	s23 =	simm.s32 $0x1B8B  }
0xa8: {  	_ =	swait.ge [sflag:s23], $0x1  }
0xa9: {  	[sflag:s23] =	ssyncset.done $0x0  }
0xaa: {  	s25 =	simm.s32 $0x1B8E;
	s24 =	sld [smem:$0x3FFE];
	[sflag:s23] =	ssyncadd.s32 $0xFFFFFFFF  }
0xab: {  	s26 =	simm.s32 $execute0_lowered;
	[smem:$0x3FD2] =	sst s25  }
0xac: {  	s7 =	sshll.u32 s26, $0x1;
	_ =	strace $0x80000046;
	[dreg:$0x1] =	wrdreg $0xFFFFFFFF  }
0xad: {  	s28 =	simm.s32 $_size_execute0_lowered;
	s5 =	sadd.s32 s5, s7;
	[dreg:$0x0] =	wrdreg $0x0  }
0xae: {  	s7 =	sshll.u32 s28, $0x1;
	[dreg:$0x2] =	wrdreg s5  }
0xaf: {  	[dreg:$0x3] =	wrdreg s7  }
0xb0: {  	[dreg:$0x4] =	wrdreg $0xC0  }
0xb1: {  	_ =	task [dreg:s9], $0x5FFFF  }
0xb2: {  	[dreg:$0x1] =	wrdreg $0xFFFFFFFF  }
0xb3: {  	[dreg:$0x0] =	wrdreg $0x60  }
0xb4: {  	[dreg:$0x2] =	wrdreg s17  }
0xb5: {  	[dreg:$0x3] =	wrdreg s16  }
0xb6: {  	[dreg:$0x4] =	wrdreg s24  }
0xb7: {  	[dreg:$0x5] =	wrdreg s18  }
0xb8: {  	[dreg:$0x6] =	wrdreg $0x9  }
0xb9: {  	_ =	task.clear_ibuf [dreg:s9], $0x7FFFF;
	_ =	strace $0x90000046  }
0xba: {  	s29 =	simm.s32 $0x9;
	_ =	strace $0x80000048  }
0xbb: {  	_ =	swait.ge [sflag:s29], $0x1  }
0xbc: {  	[sflag:s29] =	ssyncadd.s32 $0xFFFFFFFF  }
0xbd: {  	_ =	strace $0x90000048  }
0xbe: {  	_ =	sfence  }
0xbf: {  	s30 =	sld [smem:$0x0];
	_ =	sdelay $0x2  }
0xc0: {  	s31 =	sshll.u32 s1, $0xD;
	s1 =	sshrl.u32 s1, $0x2  }
0xc1: {  	s3 =	sand.u32 $0x4000, s31;
	s1 =	sadd.s32 s1, s30  }
0xc2: {  	s0 =	sor.u32 s3, s0;
	s1 =	sshll.u32 s1, $0x11  }
0xc3: {  	s0 =	sor.u32 s1, s0  }
0xc4: {  	s0 =	sadd.s32 $0x8F2B, s0  }
0xc5: {  	[sflag:s0] =	ssyncadd.remote.s32 $0x1  }
0xc6: {  	_ =	sfence.sel $0xFFFF  }
0xc7: {  	[dreg:$0x0] =	wrdreg $0xFFFFFFFF;
	(pc) =	sbr.abs _section_cstart, $3  }
0xc8: {  	[dreg:$0x1] =	wrdreg $0xFFFFFFFF  }
0xc9: {  	_ =	task.clear_ibuf [dreg:s9], $0x2FFFF;
	_ =	strace $0x9FFFFFFF  }
0xca: {  	(tm) =	ssettm $0x7FFFFFFF  }
0xcb: {  	_ =	shalt  }
tec
execute0_lowered:
.L_overlay_start_1:
0x0: {  	(tag) =	ssettag $0x1  }
0x1: {  	v0 =	vimm.s32 $0xFEDCBA98;
	v1 =	vimm.s32 $0x76543210;
	v2 =	vimm.s32 $0xBA98FEDC  }
0x2: {  	v3 =	vimm.s32 $0x32107654;
	v4 =	vimm.s32 $0xDCFE98BA;
	v5 =	vimm.s32 $0x54761032  }
0x3: {  	v6 =	vimm.s32 $0xEFCDAB89;
	v7 =	vimm.s32 $0x67452301;
	vm1 =	vmmov $0x1  }
0x4: {  	v0 =	vunpack.c.l.s4.s8 v0;
	v2 =	vunpack.c.l.s4.s8 v2;
	v3 =	vunpack.c.l.s4.s8 v3  }
0x5: {  	v1 =	vunpack.c.l.s4.s8 v1;
	v4 =	vunpack.c.l.s4.s8 v4;
	v5 =	vunpack.c.l.s4.s8 v5  }
0x6: {  	v6 =	vunpack.c.l.s4.s8 v6;
	v2 =	vunpack.c.0.s8.s32 v2;
	v3 =	vunpack.c.0.s8.s32 v3  }
0x7: {  	v7 =	vunpack.c.l.s4.s8 v7;
	v0 =	vunpack.c.0.s8.s32 v0;
	v4 =	vunpack.c.0.s8.s32 v4  }
0x8: {  	v5 =	vunpack.c.0.s8.s32 v5;
	v1 =	vunpack.c.0.s8.s32 v1;
	v2 =	vcombine.low v3, v2  }
0x9: {  	s3 =	rddreg [dreg:$0x0];
	v6 =	vunpack.c.0.s8.s32 v6;
	v7 =	vunpack.c.0.s8.s32 v7;
	v0 =	vand.u32 $0xF, v0  }
0xa: {  	s4 =	rddreg [dreg:$0x1];
	v0 =	vcombine.low v0, v1;
	v1 =	vand.u32 $0xF, v2;
	v2 =	vlaneseq.u32  }
0xb: {  	s5 =	rddreg [dreg:$0x2];
	v3 =	vcombine.low v5, v4;
	v4 =	vcombine.low v7, v6;
	v53 =	vor.u32 $0x30, v2  }
0xc: {  	s6 =	rddreg [dreg:$0x3];
	s2 =	simm.s32 $0x0;
	v6 =	vor.u32 $0x20, v2;
	v7 =	vor.u32 $0x10, v2;
	v2 =	vimm.s32 $0x0  }
0xd: {  	s1 =	srdreg.scid;
	[smem:$0x7FF] =	sst s2;
	v2 =	vsel vm1, $0xFFFFFFFF, v2  }
0xe: {  	vm2 =	vmmov $0x3;
	s7 =	sand.u32 $0x1, s1;
	s1 =	rddreg [dreg:$0x4];
	_ =	strace $0x80000047;
	[tilespmem:$0x1FF10] =	vst v2;
	v2 =	vimm.s32 $0x0  }
0xf: {  	v2 =	vsel vm2, $0xFFFFFFFF, v2  }
0x10: {  	vm3 =	vmmov $0x7;
	[tilespmem:$0x1FF20] =	vst v2;
	v2 =	vimm.s32 $0x0  }
0x11: {  	v2 =	vsel vm3, $0xFFFFFFFF, v2  }
0x12: {  	vm4 =	vmmov $0xf;
	[tilespmem:$0x1FF30] =	vst v2;
	v2 =	vimm.s32 $0x0  }
0x13: {  	v2 =	vsel vm4, $0xFFFFFFFF, v2  }
0x14: {  	vm5 =	vmmov $0x1f;
	[tilespmem:$0x1FF40] =	vst v2;
	v2 =	vimm.s32 $0x0  }
0x15: {  	v2 =	vsel vm5, $0xFFFFFFFF, v2  }
0x16: {  	vm6 =	vmmov $0x3f;
	[tilespmem:$0x1FF50] =	vst v2;
	v2 =	vimm.s32 $0x0  }
0x17: {  	v2 =	vsel vm6, $0xFFFFFFFF, v2  }
0x18: {  	vm7 =	vmmov $0x7f;
	[tilespmem:$0x1FF60] =	vst v2;
	v2 =	vimm.s32 $0x0  }
0x19: {  	v2 =	vsel vm7, $0xFFFFFFFF, v2  }
0x1a: {  	vm8 =	vmmov $0xff;
	[tilespmem:$0x1FF70] =	vst v2;
	v2 =	vimm.s32 $0x0  }
0x1b: {  	v2 =	vsel vm8, $0xFFFFFFFF, v2  }
0x1c: {  	vm9 =	vmmov $0x1ff;
	[tilespmem:$0x1FF80] =	vst v2;
	v2 =	vimm.s32 $0x0  }
0x1d: {  	v2 =	vsel vm9, $0xFFFFFFFF, v2  }
0x1e: {  	vm10 =	vmmov $0x3ff;
	[tilespmem:$0x1FF90] =	vst v2;
	v2 =	vimm.s32 $0x0  }
0x1f: {  	v2 =	vsel vm10, $0xFFFFFFFF, v2  }
0x20: {  	vm11 =	vmmov $0x7ff;
	[tilespmem:$0x1FFA0] =	vst v2;
	v2 =	vimm.s32 $0x0  }
0x21: {  	v2 =	vsel vm11, $0xFFFFFFFF, v2  }
0x22: {  	vm12 =	vmmov $0xfff;
	[tilespmem:$0x1FFB0] =	vst v2;
	v2 =	vimm.s32 $0x0  }
0x23: {  	s0 =	stileid.u32;
	v2 =	vsel vm12, $0xFFFFFFFF, v2  }
0x24: {  	vm13 =	vmmov $0x1fff;
	s8 =	sshll.u32 s0, $0x1;
	[tilespmem:$0x1FFC0] =	vst v2;
	v2 =	vimm.s32 $0x0  }
0x25: {  	s11 =	simm.s32 $0x8100;
	s8 =	sor.u32 s7, s8;
	v2 =	vsel vm13, $0xFFFFFFFF, v2  }
0x26: {  	vm0 =	vmmov $0x3fff;
	s12 =	simm.s32 $0x0;
	s7 =	ssub.s32 $0x2, s7;
	s9 =	sshll.u32 s8, $0xB;
	[tilespmem:$0x1FFD0] =	vst v2;
	v2 =	vimm.s32 $0x0  }
0x27: {  	s10 =	sshrl.u32 s7, $0x1;
	s8 =	sshll.u32 s8, $0x5;
	s5 =	sadd.s32 s9, s5;
	v2 =	vsel vm0, $0xFFFFFFFF, v2  }
0x28: {  	vm14 =	vmmov $0x7fff;
	s7 =	ssub.s32 s7, s10;
	s3 =	sadd.s32 s3, s9;
	s4 =	sadd.s32 s4, s8;
	[tilespmem:$0x1FFE0] =	vst v2;
	v2 =	vimm.s32 $0x0  }
0x29: {  	s6 =	sadd.s32 s6, s8;
	s8 =	simm.s32 $0x1;
	s9 =	simm.s32 $0x4000;
	v2 =	vsel vm14, $0xFFFFFFFF, v2  }
0x2a: {  	s10 =	simm.s32 $0x4100;
	s5 =	sadd.s32 $0xE00, s5;
	s7 =	smax.u32 s7, $0x1;
	v3 =	vand.u32 $0xF, v3;
	v4 =	vand.u32 $0xF, v4;
	[tilespmem:$0x1FFF0] =	vst v2  }
.LBB2_1:
0x2b: {  	[tilespmem:s2], [sflag:$0x1] =	stream.linear.gather [hbm4b:s3+s2], $0x4000, $0x38;
	[tilespmem:$0x8200] =	vst v63  }
0x2c: {  	_ =	swait.ge [sflag:s8], $0x4000  }
0x2d: {  	[sflag:s8] =	ssyncset.done $0x0  }
0x2e: {  	[sflag:s8] =	ssyncadd.s32 $0xFFFFC000  }
0x2f: {  	[tilespmem:s9], [sflag:$0x1] =	stream.linear.gather [hbm4b:s4+s2], $0x100, $0x38;
	[tilespmem:$0x8200] =	vst v63  }
0x30: {  	_ =	swait.ge [sflag:s8], $0x100  }
0x31: {  	s13 =	simm.s32 $0x200;
	[sflag:s8] =	ssyncset.done $0x0  }
0x32: {  	s14 =	simm.s32 $0x4300;
	s15 =	simm.s32 $0x0;
	[sflag:s8] =	ssyncadd.s32 $0xFFFFFF00  }
.LBB2_2:
0x33: {  	v44 =	vld [tilespmem:s13+$0xFFFFFE00]  }
0x34: {  	v45 =	vld [tilespmem:s13+$0xFFFFFE10]  }
0x35: {  	v9 =	vld [tilespmem:s13+$0xFFFFFE20]  }
0x36: {  	v10 =	vld [tilespmem:s13+$0xFFFFFE30];
	_ =	sdelay $0x4  }
0x37: {  	v2 =	vmax.f32 v44, v45;
	v5 =	vmax.f32 v9, v10  }
0x38: {  	v2 =	vmax.f32 v2, v5  }
0x39: {  	v5 =	vperm.xlane v2, v0;
	_ =	sdelay $0x1  }
0x3a: {  	v2 =	vmax.f32 v2, v5  }
0x3b: {  	v5 =	vperm.xlane v2, v1;
	_ =	sdelay $0x1  }
0x3c: {  	v2 =	vmax.f32 v2, v5  }
0x3d: {  	v5 =	vperm.xlane v2, v3;
	_ =	sdelay $0x1  }
0x3e: {  	v2 =	vmax.f32 v2, v5  }
0x3f: {  	v5 =	vperm.xlane v2, v4;
	_ =	sdelay $0x1  }
0x40: {  	v23 =	vmax.f32 v2, v5  }
0x41: {  	v2 =	vsub.f32 v44, v23;
	_ =	sdelay $0x1  }
0x42: {  	v5 =	vsub.f32 v45, v23;
	v2 =	vmul.f32 $1.442695020e+00, v2  }
0x43: {  	v8 =	vsub.f32 v9, v23  }
0x44: {  	v17 =	vsub.f32 v10, v23;
	v5 =	vmul.f32 $1.442695020e+00, v5;
	(erf) = vpow2.f32 v2  }
0x45: {  	v2 =	vmul.f32 $1.442695020e+00, v8  }
0x46: {  	(erf) = vpow2.f32 v5;
	v5 =	vmul.f32 $1.442695020e+00, v17  }
0x47: {  	(erf) = vpow2.f32 v2  }
0x48: {  	(erf) = vpow2.f32 v5;
	_ =	sdelay $0x4  }
0x49: {  	v2 =	vpop (erf)  }
0x4a: {  	[tilespmem:$0x1FC70] =	vst v2  }
0x4b: {  	v8 =	vpop (erf);
	[tilespmem:s14+$0xFFFFFE00] =	vst v2  }
0x4c: {  	v5 =	vpop (erf);
	[tilespmem:s14+$0xFFFFFE10] =	vst v8  }
0x4d: {  	v2 =	vpop (erf);
	[tilespmem:s14+$0xFFFFFE20] =	vst v5  }
0x4e: {  	[tilespmem:s14+$0xFFFFFE30] =	vst v2  }
0x4f: {  	v26 =	vld [tilespmem:s13+$0xFFFFFE40]  }
0x50: {  	v27 =	vld [tilespmem:s13+$0xFFFFFE50]  }
0x51: {  	v18 =	vld [tilespmem:s13+$0xFFFFFE60]  }
0x52: {  	v19 =	vld [tilespmem:s13+$0xFFFFFE70];
	_ =	sdelay $0x3  }
0x53: {  	[tilespmem:$0x1FC90] =	vst v5  }
0x54: {  	[tilespmem:$0x1FCA0] =	vst v2;
	v2 =	vmax.f32 v26, v27;
	v5 =	vmax.f32 v18, v19  }
0x55: {  	v2 =	vmax.f32 v2, v5  }
0x56: {  	v5 =	vperm.xlane v2, v0;
	_ =	sdelay $0x1  }
0x57: {  	v2 =	vmax.f32 v2, v5  }
0x58: {  	v5 =	vperm.xlane v2, v1;
	_ =	sdelay $0x1  }
0x59: {  	v2 =	vmax.f32 v2, v5  }
0x5a: {  	v5 =	vperm.xlane v2, v3;
	_ =	sdelay $0x1  }
0x5b: {  	v2 =	vmax.f32 v2, v5  }
0x5c: {  	v5 =	vperm.xlane v2, v4;
	_ =	sdelay $0x1  }
0x5d: {  	v42 =	vmax.f32 v2, v5  }
0x5e: {  	v2 =	vsub.f32 v26, v42;
	_ =	sdelay $0x1  }
0x5f: {  	v5 =	vsub.f32 v27, v42;
	v2 =	vmul.f32 $1.442695020e+00, v2;
	_ =	sdelay $0x1  }
0x60: {  	[tilespmem:$0x1FC80] =	vst v8;
	v8 =	vsub.f32 v18, v42;
	v5 =	vmul.f32 $1.442695020e+00, v5;
	(erf) = vpow2.f32 v2  }
0x61: {  	v20 =	vsub.f32 v19, v42  }
0x62: {  	v2 =	vmul.f32 $1.442695020e+00, v8;
	(erf) = vpow2.f32 v5  }
0x63: {  	v5 =	vmul.f32 $1.442695020e+00, v20  }
0x64: {  	(erf) = vpow2.f32 v2  }
0x65: {  	(erf) = vpow2.f32 v5;
	_ =	sdelay $0x3  }
0x66: {  	v5 =	vpop (erf)  }
0x67: {  	[tilespmem:$0x1FCB0] =	vst v5  }
0x68: {  	v2 =	vpop (erf);
	[tilespmem:s14+$0xFFFFFE40] =	vst v5  }
0x69: {  	[tilespmem:$0x1FCC0] =	vst v2  }
0x6a: {  	v5 =	vpop (erf);
	[tilespmem:s14+$0xFFFFFE50] =	vst v2  }
0x6b: {  	v2 =	vpop (erf);
	[tilespmem:s14+$0xFFFFFE60] =	vst v5  }
0x6c: {  	[tilespmem:s14+$0xFFFFFE70] =	vst v2  }
0x6d: {  	v46 =	vld [tilespmem:s13+$0xFFFFFE80]  }
0x6e: {  	v28 =	vld [tilespmem:s13+$0xFFFFFE90]  }
0x6f: {  	v21 =	vld [tilespmem:s13+$0xFFFFFEA0]  }
0x70: {  	v22 =	vld [tilespmem:s13+$0xFFFFFEB0];
	_ =	sdelay $0x3  }
0x71: {  	[tilespmem:$0x1FCD0] =	vst v5  }
0x72: {  	[tilespmem:$0x1FCE0] =	vst v2;
	v2 =	vmax.f32 v46, v28;
	v5 =	vmax.f32 v21, v22  }
0x73: {  	v2 =	vmax.f32 v2, v5  }
0x74: {  	v5 =	vperm.xlane v2, v0;
	_ =	sdelay $0x1  }
0x75: {  	v2 =	vmax.f32 v2, v5  }
0x76: {  	v5 =	vperm.xlane v2, v1;
	_ =	sdelay $0x1  }
0x77: {  	v2 =	vmax.f32 v2, v5  }
0x78: {  	v5 =	vperm.xlane v2, v3;
	_ =	sdelay $0x1  }
0x79: {  	v2 =	vmax.f32 v2, v5  }
0x7a: {  	v5 =	vperm.xlane v2, v4;
	_ =	sdelay $0x1  }
0x7b: {  	v47 =	vmax.f32 v2, v5  }
0x7c: {  	[tilespmem:$0x1F990] =	vst v9;
	v2 =	vsub.f32 v46, v47  }
0x7d: {  	[tilespmem:$0x1F9A0] =	vst v10  }
0x7e: {  	[tilespmem:$0x1F9B0] =	vst v18;
	v5 =	vsub.f32 v28, v47;
	v2 =	vmul.f32 $1.442695020e+00, v2  }
0x7f: {  	[tilespmem:$0x1F9C0] =	vst v19  }
0x80: {  	[tilespmem:$0x1F9D0] =	vst v21;
	v8 =	vsub.f32 v21, v47;
	v5 =	vmul.f32 $1.442695020e+00, v5;
	(erf) = vpow2.f32 v2  }
0x81: {  	[tilespmem:$0x1F9E0] =	vst v22;
	v24 =	vsub.f32 v22, v47  }
0x82: {  	v2 =	vmul.f32 $1.442695020e+00, v8;
	(erf) = vpow2.f32 v5  }
0x83: {  	v5 =	vmul.f32 $1.442695020e+00, v24  }
0x84: {  	(erf) = vpow2.f32 v2  }
0x85: {  	(erf) = vpow2.f32 v5;
	_ =	sdelay $0x3  }
0x86: {  	v5 =	vpop (erf)  }
0x87: {  	[tilespmem:$0x1FCF0] =	vst v5  }
0x88: {  	v2 =	vpop (erf);
	[tilespmem:s14+$0xFFFFFE80] =	vst v5  }
0x89: {  	[tilespmem:$0x1FD00] =	vst v2  }
0x8a: {  	v5 =	vpop (erf);
	[tilespmem:s14+$0xFFFFFE90] =	vst v2  }
0x8b: {  	v2 =	vpop (erf);
	[tilespmem:s14+$0xFFFFFEA0] =	vst v5  }
0x8c: {  	[tilespmem:s14+$0xFFFFFEB0] =	vst v2  }
0x8d: {  	v49 =	vld [tilespmem:s13+$0xFFFFFEC0]  }
0x8e: {  	v51 =	vld [tilespmem:s13+$0xFFFFFED0]  }
0x8f: {  	v41 =	vld [tilespmem:s13+$0xFFFFFEE0]  }
0x90: {  	v48 =	vld [tilespmem:s13+$0xFFFFFEF0];
	_ =	sdelay $0x3  }
0x91: {  	[tilespmem:$0x1FD10] =	vst v5  }
0x92: {  	[tilespmem:$0x1FD20] =	vst v2;
	v2 =	vmax.f32 v49, v51;
	v5 =	vmax.f32 v41, v48  }
0x93: {  	v2 =	vmax.f32 v2, v5  }
0x94: {  	v5 =	vperm.xlane v2, v0;
	_ =	sdelay $0x1  }
0x95: {  	v2 =	vmax.f32 v2, v5  }
0x96: {  	v5 =	vperm.xlane v2, v1;
	_ =	sdelay $0x1  }
0x97: {  	v2 =	vmax.f32 v2, v5  }
0x98: {  	v5 =	vperm.xlane v2, v3;
	_ =	sdelay $0x1  }
0x99: {  	v2 =	vmax.f32 v2, v5  }
0x9a: {  	v5 =	vperm.xlane v2, v4;
	_ =	sdelay $0x1  }
0x9b: {  	v52 =	vmax.f32 v2, v5  }
0x9c: {  	v2 =	vsub.f32 v49, v52;
	_ =	sdelay $0x1  }
0x9d: {  	v5 =	vsub.f32 v51, v52;
	v2 =	vmul.f32 $1.442695020e+00, v2;
	_ =	sdelay $0x1  }
0x9e: {  	v8 =	vsub.f32 v41, v52;
	v5 =	vmul.f32 $1.442695020e+00, v5;
	(erf) = vpow2.f32 v2  }
0x9f: {  	v25 =	vsub.f32 v48, v52  }
0xa0: {  	v2 =	vmul.f32 $1.442695020e+00, v8;
	(erf) = vpow2.f32 v5  }
0xa1: {  	v5 =	vmul.f32 $1.442695020e+00, v25  }
0xa2: {  	(erf) = vpow2.f32 v2  }
0xa3: {  	(erf) = vpow2.f32 v5;
	_ =	sdelay $0x3  }
0xa4: {  	v5 =	vpop (erf)  }
0xa5: {  	[tilespmem:$0x1F9F0] =	vst v5  }
0xa6: {  	v2 =	vpop (erf);
	[tilespmem:s14+$0xFFFFFEC0] =	vst v5  }
0xa7: {  	[tilespmem:$0x1FD30] =	vst v2  }
0xa8: {  	v5 =	vpop (erf);
	[tilespmem:s14+$0xFFFFFED0] =	vst v2  }
0xa9: {  	v2 =	vpop (erf);
	[tilespmem:s14+$0xFFFFFEE0] =	vst v5  }
0xaa: {  	[tilespmem:s14+$0xFFFFFEF0] =	vst v2  }
0xab: {  	v57 =	vld [tilespmem:s13+$0xFFFFFF00]  }
0xac: {  	v55 =	vld [tilespmem:s13+$0xFFFFFF10]  }
0xad: {  	v56 =	vld [tilespmem:s13+$0xFFFFFF20]  }
0xae: {  	v50 =	vld [tilespmem:s13+$0xFFFFFF30];
	_ =	sdelay $0x3  }
0xaf: {  	[tilespmem:$0x1FA00] =	vst v5  }
0xb0: {  	[tilespmem:$0x1FA10] =	vst v2;
	v2 =	vmax.f32 v57, v55;
	v5 =	vmax.f32 v56, v50  }
0xb1: {  	v2 =	vmax.f32 v2, v5  }
0xb2: {  	v5 =	vperm.xlane v2, v0;
	_ =	sdelay $0x1  }
0xb3: {  	v2 =	vmax.f32 v2, v5  }
0xb4: {  	v5 =	vperm.xlane v2, v1;
	_ =	sdelay $0x1  }
0xb5: {  	v2 =	vmax.f32 v2, v5  }
0xb6: {  	v5 =	vperm.xlane v2, v3;
	_ =	sdelay $0x1  }
0xb7: {  	v2 =	vmax.f32 v2, v5  }
0xb8: {  	v5 =	vperm.xlane v2, v4;
	_ =	sdelay $0x1  }
0xb9: {  	v59 =	vmax.f32 v2, v5  }
0xba: {  	v2 =	vsub.f32 v57, v59;
	_ =	sdelay $0x1  }
0xbb: {  	v5 =	vsub.f32 v55, v59;
	v2 =	vmul.f32 $1.442695020e+00, v2;
	_ =	sdelay $0x1  }
0xbc: {  	v8 =	vsub.f32 v56, v59;
	v5 =	vmul.f32 $1.442695020e+00, v5;
	(erf) = vpow2.f32 v2  }
0xbd: {  	v29 =	vsub.f32 v50, v59  }
0xbe: {  	v2 =	vmul.f32 $1.442695020e+00, v8;
	(erf) = vpow2.f32 v5  }
0xbf: {  	v5 =	vmul.f32 $1.442695020e+00, v29  }
0xc0: {  	(erf) = vpow2.f32 v2  }
0xc1: {  	(erf) = vpow2.f32 v5;
	_ =	sdelay $0x3  }
0xc2: {  	v5 =	vpop (erf)  }
0xc3: {  	[tilespmem:$0x1FD40] =	vst v5  }
0xc4: {  	v2 =	vpop (erf);
	[tilespmem:s14+$0xFFFFFF00] =	vst v5  }
0xc5: {  	[tilespmem:$0x1FD50] =	vst v2  }
0xc6: {  	v5 =	vpop (erf);
	[tilespmem:s14+$0xFFFFFF10] =	vst v2  }
0xc7: {  	v2 =	vpop (erf);
	[tilespmem:s14+$0xFFFFFF20] =	vst v5  }
0xc8: {  	[tilespmem:s14+$0xFFFFFF30] =	vst v2  }
0xc9: {  	v61 =	vld [tilespmem:s13+$0xFFFFFF40]  }
0xca: {  	v60 =	vld [tilespmem:s13+$0xFFFFFF50]  }
0xcb: {  	v58 =	vld [tilespmem:s13+$0xFFFFFF60]  }
0xcc: {  	v54 =	vld [tilespmem:s13+$0xFFFFFF70];
	_ =	sdelay $0x3  }
0xcd: {  	[tilespmem:$0x1FD60] =	vst v5  }
0xce: {  	[tilespmem:$0x1FD70] =	vst v2;
	v2 =	vmax.f32 v61, v60;
	v5 =	vmax.f32 v58, v54  }
0xcf: {  	v2 =	vmax.f32 v2, v5  }
0xd0: {  	v5 =	vperm.xlane v2, v0;
	_ =	sdelay $0x1  }
0xd1: {  	v2 =	vmax.f32 v2, v5  }
0xd2: {  	v5 =	vperm.xlane v2, v1;
	_ =	sdelay $0x1  }
0xd3: {  	v2 =	vmax.f32 v2, v5  }
0xd4: {  	v5 =	vperm.xlane v2, v3;
	_ =	sdelay $0x1  }
0xd5: {  	v2 =	vmax.f32 v2, v5  }
0xd6: {  	v5 =	vperm.xlane v2, v4;
	_ =	sdelay $0x1  }
0xd7: {  	v62 =	vmax.f32 v2, v5  }
0xd8: {  	v2 =	vsub.f32 v61, v62;
	_ =	sdelay $0x1  }
0xd9: {  	v5 =	vsub.f32 v60, v62;
	v2 =	vmul.f32 $1.442695020e+00, v2  }
0xda: {  	v8 =	vsub.f32 v58, v62  }
0xdb: {  	v30 =	vsub.f32 v54, v62;
	v5 =	vmul.f32 $1.442695020e+00, v5;
	(erf) = vpow2.f32 v2  }
0xdc: {  	v2 =	vmul.f32 $1.442695020e+00, v8  }
0xdd: {  	(erf) = vpow2.f32 v5;
	v5 =	vmul.f32 $1.442695020e+00, v30  }
0xde: {  	(erf) = vpow2.f32 v2  }
0xdf: {  	(erf) = vpow2.f32 v5;
	_ =	sdelay $0x4  }
0xe0: {  	v2 =	vpop (erf)  }
0xe1: {  	[tilespmem:$0x1FD80] =	vst v2  }
0xe2: {  	v8 =	vpop (erf);
	[tilespmem:s14+$0xFFFFFF40] =	vst v2  }
0xe3: {  	v5 =	vpop (erf);
	[tilespmem:s14+$0xFFFFFF50] =	vst v8  }
0xe4: {  	v2 =	vpop (erf);
	[tilespmem:s14+$0xFFFFFF60] =	vst v5  }
0xe5: {  	[tilespmem:s14+$0xFFFFFF70] =	vst v2  }
0xe6: {  	v14 =	vld [tilespmem:s13+$0xFFFFFF80]  }
0xe7: {  	v20 =	vld [tilespmem:s13+$0xFFFFFF90]  }
0xe8: {  	v13 =	vld [tilespmem:s13+$0xFFFFFFA0]  }
0xe9: {  	v24 =	vld [tilespmem:s13+$0xFFFFFFB0];
	_ =	sdelay $0x3  }
0xea: {  	[tilespmem:$0x1FDA0] =	vst v5  }
0xeb: {  	[tilespmem:$0x1FDB0] =	vst v2;
	v2 =	vmax.f32 v14, v20;
	v5 =	vmax.f32 v13, v24  }
0xec: {  	v2 =	vmax.f32 v2, v5  }
0xed: {  	v5 =	vperm.xlane v2, v0;
	_ =	sdelay $0x1  }
0xee: {  	v2 =	vmax.f32 v2, v5  }
0xef: {  	v5 =	vperm.xlane v2, v1;
	_ =	sdelay $0x1  }
0xf0: {  	v2 =	vmax.f32 v2, v5  }
0xf1: {  	v5 =	vperm.xlane v2, v3;
	_ =	sdelay $0x1  }
0xf2: {  	v2 =	vmax.f32 v2, v5  }
0xf3: {  	v5 =	vperm.xlane v2, v4;
	_ =	sdelay $0x1  }
0xf4: {  	v17 =	vmax.f32 v2, v5  }
0xf5: {  	v2 =	vsub.f32 v14, v17;
	_ =	sdelay $0x1  }
0xf6: {  	v5 =	vsub.f32 v20, v17;
	v2 =	vmul.f32 $1.442695020e+00, v2;
	_ =	sdelay $0x1  }
0xf7: {  	[tilespmem:$0x1FD90] =	vst v8;
	v8 =	vsub.f32 v13, v17;
	v5 =	vmul.f32 $1.442695020e+00, v5;
	(erf) = vpow2.f32 v2  }
0xf8: {  	v31 =	vsub.f32 v24, v17  }
0xf9: {  	v2 =	vmul.f32 $1.442695020e+00, v8;
	(erf) = vpow2.f32 v5  }
0xfa: {  	v5 =	vmul.f32 $1.442695020e+00, v31  }
0xfb: {  	(erf) = vpow2.f32 v2  }
0xfc: {  	(erf) = vpow2.f32 v5;
	_ =	sdelay $0x3  }
0xfd: {  	v5 =	vpop (erf)  }
0xfe: {  	[tilespmem:$0x1FDC0] =	vst v5  }
0xff: {  	v2 =	vpop (erf);
	[tilespmem:s14+$0xFFFFFF80] =	vst v5  }
0x100: {  	[tilespmem:$0x1FDD0] =	vst v2  }
0x101: {  	v5 =	vpop (erf);
	[tilespmem:s14+$0xFFFFFF90] =	vst v2  }
0x102: {  	v2 =	vpop (erf);
	[tilespmem:s14+$0xFFFFFFA0] =	vst v5  }
0x103: {  	[tilespmem:s14+$0xFFFFFFB0] =	vst v2  }
0x104: {  	v18 =	vld [tilespmem:s13+$0xFFFFFFC0]  }
0x105: {  	v19 =	vld [tilespmem:s13+$0xFFFFFFD0]  }
0x106: {  	v12 =	vld [tilespmem:s13+$0xFFFFFFE0]  }
0x107: {  	v15 =	vld [tilespmem:s13+$0xFFFFFFF0];
	_ =	sdelay $0x3  }
0x108: {  	[tilespmem:$0x1FDE0] =	vst v5  }
0x109: {  	[tilespmem:$0x1FDF0] =	vst v2;
	v2 =	vmax.f32 v18, v19;
	v5 =	vmax.f32 v12, v15  }
0x10a: {  	v2 =	vmax.f32 v2, v5  }
0x10b: {  	v5 =	vperm.xlane v2, v0;
	_ =	sdelay $0x1  }
0x10c: {  	v2 =	vmax.f32 v2, v5  }
0x10d: {  	v5 =	vperm.xlane v2, v1;
	_ =	sdelay $0x1  }
0x10e: {  	v2 =	vmax.f32 v2, v5  }
0x10f: {  	v5 =	vperm.xlane v2, v3;
	_ =	sdelay $0x1  }
0x110: {  	v2 =	vmax.f32 v2, v5  }
0x111: {  	v5 =	vperm.xlane v2, v4;
	_ =	sdelay $0x1  }
0x112: {  	v2 =	vmax.f32 v2, v5  }
0x113: {  	v5 =	vsub.f32 v18, v2;
	_ =	sdelay $0x1  }
0x114: {  	v8 =	vsub.f32 v19, v2;
	v5 =	vmul.f32 $1.442695020e+00, v5;
	_ =	sdelay $0x1  }
0x115: {  	v32 =	vsub.f32 v12, v2;
	v8 =	vmul.f32 $1.442695020e+00, v8;
	(erf) = vpow2.f32 v5;
	_ =	sdelay $0x1  }
0x116: {  	v33 =	vsub.f32 v15, v2;
	v5 =	vmul.f32 $1.442695020e+00, v32;
	(erf) = vpow2.f32 v8;
	_ =	sdelay $0x1  }
0x117: {  	v8 =	vmul.f32 $1.442695020e+00, v33;
	(erf) = vpow2.f32 v5;
	_ =	sdelay $0x1  }
0x118: {  	(erf) = vpow2.f32 v8;
	_ =	sdelay $0x2  }
0x119: {  	v5 =	vpop (erf)  }
0x11a: {  	[tilespmem:$0x1FA30] =	vst v5  }
0x11b: {  	[tilespmem:s14+$0xFFFFFFC0] =	vst v5;
	v5 =	vpop (erf)  }
0x11c: {  	[tilespmem:$0x1FA20] =	vst v5  }
0x11d: {  	[tilespmem:s14+$0xFFFFFFD0] =	vst v5;
	v5 =	vpop (erf)  }
0x11e: {  	[tilespmem:$0x1FA40] =	vst v5  }
0x11f: {  	[tilespmem:s14+$0xFFFFFFE0] =	vst v5;
	v5 =	vpop (erf)  }
0x120: {  	[tilespmem:s14+$0xFFFFFFF0] =	vst v5  }
0x121: {  	v11 =	vld [tilespmem:s13+$0x0]  }
0x122: {  	v8 =	vld [tilespmem:s13+$0x10]  }
0x123: {  	v9 =	vld [tilespmem:s13+$0x20]  }
0x124: {  	v10 =	vld [tilespmem:s13+$0x30];
	_ =	sdelay $0x4  }
0x125: {  	[tilespmem:$0x1FA50] =	vst v5;
	v5 =	vmax.f32 v11, v8;
	v16 =	vmax.f32 v9, v10  }
0x126: {  	v5 =	vmax.f32 v5, v16  }
0x127: {  	v16 =	vperm.xlane v5, v0;
	_ =	sdelay $0x1  }
0x128: {  	v5 =	vmax.f32 v5, v16  }
0x129: {  	v16 =	vperm.xlane v5, v1;
	_ =	sdelay $0x1  }
0x12a: {  	v5 =	vmax.f32 v5, v16  }
0x12b: {  	v16 =	vperm.xlane v5, v3;
	_ =	sdelay $0x1  }
0x12c: {  	v5 =	vmax.f32 v5, v16  }
0x12d: {  	v16 =	vperm.xlane v5, v4;
	_ =	sdelay $0x1  }
0x12e: {  	v5 =	vmax.f32 v5, v16  }
0x12f: {  	v16 =	vsub.f32 v11, v5  }
0x130: {  	v21 =	vsub.f32 v8, v5  }
0x131: {  	v22 =	vsub.f32 v9, v5;
	v16 =	vmul.f32 $1.442695020e+00, v16  }
0x132: {  	v25 =	vsub.f32 v10, v5;
	v21 =	vmul.f32 $1.442695020e+00, v21  }
0x133: {  	v34 =	vmul.f32 $1.442695020e+00, v22;
	(erf) = vpow2.f32 v16  }
0x134: {  	v35 =	vmul.f32 $1.442695020e+00, v25;
	(erf) = vpow2.f32 v21  }
0x135: {  	(erf) = vpow2.f32 v34  }
0x136: {  	(erf) = vpow2.f32 v35;
	_ =	sdelay $0x5  }
0x137: {  	v36 =	vpop (erf)  }
0x138: {  	[tilespmem:s14+$0x0] =	vst v36;
	v37 =	vpop (erf)  }
0x139: {  	[tilespmem:s14+$0x10] =	vst v37;
	v38 =	vpop (erf)  }
0x13a: {  	[tilespmem:s14+$0x20] =	vst v38;
	v39 =	vpop (erf)  }
0x13b: {  	[tilespmem:s14+$0x30] =	vst v39  }
0x13c: {  	[tilespmem:$0x1FA60] =	vst v37;
	v37 =	vld [tilespmem:s13+$0x40]  }
0x13d: {  	[tilespmem:$0x1FA70] =	vst v36;
	v36 =	vld [tilespmem:s13+$0x50]  }
0x13e: {  	v35 =	vld [tilespmem:s13+$0x60]  }
0x13f: {  	v34 =	vld [tilespmem:s13+$0x70];
	_ =	sdelay $0x4  }
0x140: {  	v40 =	vmax.f32 v37, v36;
	v43 =	vmax.f32 v35, v34  }
0x141: {  	v16 =	vmax.f32 v40, v43  }
0x142: {  	v21 =	vperm.xlane v16, v0;
	_ =	sdelay $0x1  }
0x143: {  	v16 =	vmax.f32 v16, v21  }
0x144: {  	v21 =	vperm.xlane v16, v1;
	_ =	sdelay $0x1  }
0x145: {  	v16 =	vmax.f32 v16, v21  }
0x146: {  	v21 =	vperm.xlane v16, v3;
	_ =	sdelay $0x1  }
0x147: {  	v16 =	vmax.f32 v16, v21  }
0x148: {  	v21 =	vperm.xlane v16, v4;
	_ =	sdelay $0x1  }
0x149: {  	[tilespmem:$0x1FAA0] =	vst v38;
	v38 =	vmax.f32 v16, v21  }
0x14a: {  	v16 =	vsub.f32 v37, v38  }
0x14b: {  	v21 =	vsub.f32 v36, v38  }
0x14c: {  	v63 =	vsub.f32 v35, v38;
	v16 =	vmul.f32 $1.442695020e+00, v16  }
0x14d: {  	v29 =	vsub.f32 v34, v38;
	v21 =	vmul.f32 $1.442695020e+00, v21  }
0x14e: {  	v30 =	vmul.f32 $1.442695020e+00, v63;
	(erf) = vpow2.f32 v16  }
0x14f: {  	v31 =	vmul.f32 $1.442695020e+00, v29;
	(erf) = vpow2.f32 v21  }
0x150: {  	(erf) = vpow2.f32 v30  }
0x151: {  	(erf) = vpow2.f32 v31;
	_ =	sdelay $0x5  }
0x152: {  	[tilespmem:$0x1FAC0] =	vst v39;
	v32 =	vpop (erf)  }
0x153: {  	[tilespmem:s14+$0x40] =	vst v32;
	v33 =	vpop (erf)  }
0x154: {  	[tilespmem:s14+$0x50] =	vst v33;
	v39 =	vpop (erf)  }
0x155: {  	[tilespmem:s14+$0x60] =	vst v39;
	v40 =	vpop (erf)  }
0x156: {  	[tilespmem:s14+$0x70] =	vst v40  }
0x157: {  	v21 =	vld [tilespmem:s13+$0x80]  }
0x158: {  	v25 =	vld [tilespmem:s13+$0x90]  }
0x159: {  	v22 =	vld [tilespmem:s13+$0xA0]  }
0x15a: {  	v63 =	vld [tilespmem:s13+$0xB0];
	_ =	sdelay $0x4  }
0x15b: {  	v43 =	vmax.f32 v21, v25;
	v31 =	vmax.f32 v22, v63  }
0x15c: {  	v16 =	vmax.f32 v43, v31  }
0x15d: {  	v31 =	vperm.xlane v16, v0;
	_ =	sdelay $0x1  }
0x15e: {  	v16 =	vmax.f32 v16, v31  }
0x15f: {  	v31 =	vperm.xlane v16, v1;
	_ =	sdelay $0x1  }
0x160: {  	v16 =	vmax.f32 v16, v31  }
0x161: {  	v31 =	vperm.xlane v16, v3;
	_ =	sdelay $0x1  }
0x162: {  	v16 =	vmax.f32 v16, v31  }
0x163: {  	v31 =	vperm.xlane v16, v4;
	_ =	sdelay $0x1  }
0x164: {  	v16 =	vmax.f32 v16, v31  }
0x165: {  	v31 =	vsub.f32 v21, v16  }
0x166: {  	[tilespmem:$0x1FAD0] =	vst v40;
	v40 =	vsub.f32 v25, v16  }
0x167: {  	[tilespmem:$0x1FAB0] =	vst v39;
	v39 =	vsub.f32 v22, v16;
	v31 =	vmul.f32 $1.442695020e+00, v31  }
0x168: {  	v29 =	vsub.f32 v63, v16;
	v40 =	vmul.f32 $1.442695020e+00, v40  }
0x169: {  	[tilespmem:$0x1FA80] =	vst v33;
	v33 =	vmul.f32 $1.442695020e+00, v39;
	(erf) = vpow2.f32 v31  }
0x16a: {  	v29 =	vmul.f32 $1.442695020e+00, v29;
	(erf) = vpow2.f32 v40  }
0x16b: {  	(erf) = vpow2.f32 v33  }
0x16c: {  	(erf) = vpow2.f32 v29;
	_ =	sdelay $0x5  }
0x16d: {  	[tilespmem:$0x1FA90] =	vst v32;
	v39 =	vpop (erf)  }
0x16e: {  	[tilespmem:s14+$0x80] =	vst v39;
	v40 =	vpop (erf)  }
0x16f: {  	[tilespmem:s14+$0x90] =	vst v40;
	v43 =	vpop (erf)  }
0x170: {  	[tilespmem:s14+$0xA0] =	vst v43;
	v32 =	vpop (erf)  }
0x171: {  	[tilespmem:s14+$0xB0] =	vst v32  }
0x172: {  	[tilespmem:$0x1FAF0] =	vst v39;
	v39 =	vld [tilespmem:s13+$0xC0]  }
0x173: {  	[tilespmem:$0x1FAE0] =	vst v40;
	v40 =	vld [tilespmem:s13+$0xD0]  }
0x174: {  	[tilespmem:$0x1FB10] =	vst v32;
	v32 =	vld [tilespmem:s13+$0xE0]  }
0x175: {  	v30 =	vld [tilespmem:s13+$0xF0];
	_ =	sdelay $0x4  }
0x176: {  	[tilespmem:$0x1FB00] =	vst v43;
	v33 =	vmax.f32 v39, v40;
	v43 =	vmax.f32 v32, v30  }
0x177: {  	v29 =	vmax.f32 v33, v43  }
0x178: {  	v31 =	vperm.xlane v29, v0;
	_ =	sdelay $0x1  }
0x179: {  	v29 =	vmax.f32 v29, v31  }
0x17a: {  	v31 =	vperm.xlane v29, v1;
	_ =	sdelay $0x1  }
0x17b: {  	v29 =	vmax.f32 v29, v31  }
0x17c: {  	v31 =	vperm.xlane v29, v3;
	_ =	sdelay $0x1  }
0x17d: {  	v29 =	vmax.f32 v29, v31  }
0x17e: {  	v31 =	vperm.xlane v29, v4;
	_ =	sdelay $0x1  }
0x17f: {  	v31 =	vmax.f32 v29, v31  }
0x180: {  	v29 =	vsub.f32 v39, v31  }
0x181: {  	v33 =	vsub.f32 v40, v31  }
0x182: {  	[tilespmem:$0x1FBB0] =	vst v40;
	v40 =	vsub.f32 v32, v31;
	v29 =	vmul.f32 $1.442695020e+00, v29  }
0x183: {  	[tilespmem:$0x1FBA0] =	vst v39;
	v43 =	vsub.f32 v30, v31;
	v39 =	vmul.f32 $1.442695020e+00, v33  }
0x184: {  	v40 =	vmul.f32 $1.442695020e+00, v40;
	(erf) = vpow2.f32 v29  }
0x185: {  	[tilespmem:$0x1FBD0] =	vst v30;
	v30 =	vmul.f32 $1.442695020e+00, v43;
	(erf) = vpow2.f32 v39  }
0x186: {  	(erf) = vpow2.f32 v40  }
0x187: {  	(erf) = vpow2.f32 v30;
	_ =	sdelay $0x5  }
0x188: {  	[tilespmem:$0x1FBC0] =	vst v32;
	v43 =	vpop (erf)  }
0x189: {  	[tilespmem:s14+$0xC0] =	vst v43;
	v32 =	vpop (erf)  }
0x18a: {  	[tilespmem:s14+$0xD0] =	vst v32;
	v33 =	vpop (erf)  }
0x18b: {  	[tilespmem:s14+$0xE0] =	vst v33;
	v39 =	vpop (erf)  }
0x18c: {  	[tilespmem:s14+$0xF0] =	vst v39  }
0x18d: {  	[tilespmem:$0x1FB70] =	vst v39;
	v39 =	vld [tilespmem:s13+$0x100]  }
0x18e: {  	[tilespmem:$0x1FB30] =	vst v43;
	v43 =	vld [tilespmem:s13+$0x110]  }
0x18f: {  	[tilespmem:$0x1FB40] =	vst v33;
	v33 =	vld [tilespmem:s13+$0x120]  }
0x190: {  	[tilespmem:$0x1FB20] =	vst v32;
	v32 =	vld [tilespmem:s13+$0x130];
	_ =	sdelay $0x4  }
0x191: {  	v29 =	vmax.f32 v39, v43;
	v40 =	vmax.f32 v33, v32  }
0x192: {  	v29 =	vmax.f32 v29, v40  }
0x193: {  	v30 =	vperm.xlane v29, v0;
	_ =	sdelay $0x1  }
0x194: {  	v29 =	vmax.f32 v29, v30  }
0x195: {  	v30 =	vperm.xlane v29, v1;
	_ =	sdelay $0x1  }
0x196: {  	v29 =	vmax.f32 v29, v30  }
0x197: {  	v30 =	vperm.xlane v29, v3;
	_ =	sdelay $0x1  }
0x198: {  	v29 =	vmax.f32 v29, v30  }
0x199: {  	v30 =	vperm.xlane v29, v4;
	_ =	sdelay $0x1  }
0x19a: {  	v40 =	vmax.f32 v29, v30  }
0x19b: {  	v29 =	vsub.f32 v39, v40;
	_ =	sdelay $0x1  }
0x19c: {  	v30 =	vsub.f32 v43, v40;
	v29 =	vmul.f32 $1.442695020e+00, v29  }
0x19d: {  	[tilespmem:$0x1FBF0] =	vst v43;
	v43 =	vsub.f32 v33, v40  }
0x19e: {  	[tilespmem:$0x1FC00] =	vst v33;
	v33 =	vsub.f32 v32, v40;
	v30 =	vmul.f32 $1.442695020e+00, v30;
	(erf) = vpow2.f32 v29  }
0x19f: {  	v43 =	vmul.f32 $1.442695020e+00, v43  }
0x1a0: {  	v33 =	vmul.f32 $1.442695020e+00, v33;
	(erf) = vpow2.f32 v30  }
0x1a1: {  	(erf) = vpow2.f32 v43  }
0x1a2: {  	(erf) = vpow2.f32 v33;
	_ =	sdelay $0x4  }
0x1a3: {  	vm1 =	veq.f32 v45, v23;
	v45 =	vld [tilespmem:$0x1F990];
	[tilespmem:$0x1FC20] =	vst v32;
	v43 =	vpop (erf)  }
0x1a4: {  	[tilespmem:$0x1FB60] =	vst v43  }
0x1a5: {  	[tilespmem:s14+$0x100] =	vst v43;
	v32 =	vpop (erf)  }
0x1a6: {  	[tilespmem:s14+$0x110] =	vst v32;
	v33 =	vpop (erf)  }
0x1a7: {  	vm6 =	veq.f32 v27, v42;
	v27 =	vld [tilespmem:$0x1F9B0];
	[tilespmem:s14+$0x120] =	vst v33;
	v43 =	vpop (erf)  }
0x1a8: {  	vm2 =	veq.f32 v45, v23;
	v45 =	vld [tilespmem:$0x1F9A0];
	[tilespmem:s14+$0x130] =	vst v43  }
0x1a9: {  	v30 =	vld [tilespmem:s13+$0x160]  }
0x1aa: {  	[tilespmem:$0x1FB50] =	vst v32;
	v32 =	vld [tilespmem:s13+$0x170]  }
0x1ab: {  	vm5 =	veq.f32 v46, v47;
	v46 =	vld [tilespmem:$0x1F9E0]  }
0x1ac: {  	[tilespmem:$0x1FB80] =	vst v33;
	v33 =	vld [tilespmem:s13+$0x140]  }
0x1ad: {  	v29 =	vld [tilespmem:s13+$0x150]  }
0x1ae: {  	vm0 =	veq.f32 v44, v23;
	vm3 =	veq.f32 v26, v42;
	vm4 =	veq.f32 v45, v23  }
0x1af: {  	vm7 =	veq.f32 v27, v42;
	v23 =	vnsel vm4, $0x100000, v53;
	v27 =	vmax.f32 v30, v32;
	v45 =	vmovc v32;
	[tilespmem:$0x1FC60] =	vst v32;
	v32 =	vld [tilespmem:$0x1F9C0]  }
0x1b0: {  	vm11 =	veq.f32 v28, v47;
	vm13 =	veq.f32 v46, v47;
	v23 =	vsel vm2, v6, v23  }
0x1b1: {  	v23 =	vsel vm1, v7, v23;
	vm9 =	veq.f32 v51, v52;
	vm8 =	veq.f32 v41, v52  }
0x1b2: {  	vm10 =	veq.f32 v48, v52;
	[tilespmem:$0x1FBE0] =	vst v39;
	v39 =	vlaneseq.u32;
	v26 =	vmax.f32 v33, v29  }
0x1b3: {  	vm1 =	veq.f32 v55, v59;
	v23 =	vsel vm0, v39, v23;
	v26 =	vmax.f32 v26, v27  }
0x1b4: {  	v27 =	vperm.xlane v26, v0;
	vm4 =	veq.f32 v32, v42;
	v42 =	vld [tilespmem:$0x1F9D0];
	v32 =	vperm.xlane v23, v0  }
0x1b5: {  	vm2 =	veq.f32 v56, v59;
	vm14 =	veq.f32 v50, v59;
	v46 =	vnsel vm4, $0x100000, v53  }
0x1b6: {  	v26 =	vmax.f32 v26, v27;
	vm15 =	vlt.s32 v23, v32;
	v27 =	vsel vm7, v6, v46  }
0x1b7: {  	vm0 =	veq.f32 v49, v52;
	v23 =	vsel vm15, v23, v32;
	v27 =	vsel vm6, v7, v27  }
0x1b8: {  	vm4 =	veq.f32 v57, v59;
	v27 =	vsel vm3, v39, v27;
	v48 =	vperm.xlane v23, v1  }
0x1b9: {  	vm12 =	veq.f32 v42, v47;
	v42 =	vperm.xlane v26, v1;
	v50 =	vperm.xlane v27, v0  }
0x1ba: {  	vm7 =	veq.f32 v61, v62;
	v47 =	vnsel vm13, $0x100000, v53;
	vm13 =	vlt.s32 v23, v48  }
0x1bb: {  	v26 =	vmax.f32 v26, v42;
	vm15 =	vlt.s32 v27, v50;
	v23 =	vsel vm13, v23, v48  }
0x1bc: {  	v28 =	vperm.xlane v26, v3;
	v27 =	vsel vm15, v27, v50;
	v61 =	vperm.xlane v23, v3  }
0x1bd: {  	vm6 =	veq.f32 v54, v62;
	vm3 =	veq.f32 v58, v62;
	v42 =	vperm.xlane v27, v1  }
0x1be: {  	v26 =	vmax.f32 v26, v28;
	v28 =	vsel vm12, v6, v47;
	vm12 =	vlt.s32 v23, v61  }
0x1bf: {  	v49 =	vperm.xlane v26, v4;
	v28 =	vsel vm11, v7, v28;
	v23 =	vsel vm12, v23, v61  }
0x1c0: {  	[tilespmem:$0x1FB90] =	vst v43;
	v43 =	vmovc v29;
	v61 =	vnsel vm14, $0x100000, v53;
	vm14 =	veq.f32 v15, v2;
	v51 =	vsel vm5, v39, v28  }
0x1c1: {  	v44 =	vmovc v30;
	vm5 =	veq.f32 v60, v62;
	v47 =	vperm.xlane v23, v4;
	v46 =	vmax.f32 v26, v49  }
0x1c2: {  	[tilespmem:$0x1FC50] =	vst v30;
	v28 =	vperm.xlane v51, v0;
	v30 =	vsub.f32 v33, v46;
	v52 =	vsub.f32 v43, v46  }
0x1c3: {  	v55 =	vsub.f32 v44, v46;
	v59 =	vsub.f32 v45, v46;
	v44 =	vnsel vm10, $0x100000, v53  }
0x1c4: {  	vm13 =	vlt.s32 v23, v47;
	vm11 =	vlt.s32 v51, v28;
	v30 =	vmul.f32 $1.442695020e+00, v30  }
0x1c5: {  	v26 =	vsel vm11, v51, v28;
	v56 =	vmul.f32 $1.442695020e+00, v52;
	v28 =	vsel vm8, v6, v44  }
0x1c6: {  	vm11 =	vlt.s32 v27, v42;
	v51 =	vsel vm13, v23, v47;
	v45 =	vsel vm9, v7, v28  }
0x1c7: {  	vm13 =	veq.f32 v12, v2;
	v43 =	vperm.xlane v26, v1;
	v48 =	vsel vm0, v39, v45  }
0x1c8: {  	v27 =	vsel vm11, v27, v42;
	vm9 =	veq.f32 v20, v17;
	v50 =	vperm.xlane v48, v0  }
0x1c9: {  	(erf) = vpow2.f32 v30;
	v49 =	vperm.xlane v27, v3;
	vm12 =	vlt.s32 v26, v43  }
0x1ca: {  	(erf) = vpow2.f32 v56;
	v26 =	vsel vm12, v26, v43;
	vm12 =	vlt.s32 v48, v50  }
0x1cb: {  	vm11 =	vlt.s32 v27, v49;
	v52 =	vperm.xlane v26, v3;
	v20 =	vsel vm12, v48, v50  }
0x1cc: {  	v56 =	vsel vm11, v27, v49;
	vm11 =	veq.f32 v18, v2;
	v58 =	vperm.xlane v20, v1  }
0x1cd: {  	vm12 =	veq.f32 v19, v2;
	v2 =	vsel vm2, v6, v61;
	vm15 =	vlt.s32 v26, v52  }
0x1ce: {  	v43 =	vperm.xlane v56, v4;
	v26 =	vsel vm15, v26, v52;
	vm15 =	vlt.s32 v20, v58  }
0x1cf: {  	v2 =	vsel vm1, v7, v2;
	v47 =	vperm.xlane v26, v4;
	v62 =	vsel vm15, v20, v58  }
0x1d0: {  	v45 =	vsel vm4, v39, v2;
	vm4 =	vlt.s32 v56, v43;
	v48 =	vperm.xlane v62, v3  }
0x1d1: {  	v57 =	vmul.f32 $1.442695020e+00, v55;
	v2 =	vsel vm4, v56, v43;
	vm15 =	vlt.s32 v26, v47  }
0x1d2: {  	v54 =	vld [tilespmem:$0x1FC80];
	v41 =	vmul.f32 $1.442695020e+00, v59;
	[tilespmem:$0x1FE10] =	vst v2;
	v2 =	vsel vm15, v26, v47;
	vm4 =	vlt.s32 v62, v48  }
0x1d3: {  	v55 =	vld [tilespmem:$0x1FC70];
	[tilespmem:$0x1FE30] =	vst v2;
	v2 =	vimm.s32 $0x0;
	v15 =	vsel vm4, v62, v48;
	vm4 =	veq.f32 v11, v5  }
0x1d4: {  	(erf) = vpow2.f32 v57;
	vm1 =	veq.f32 v8, v5;
	v8 =	vld [tilespmem:$0x1FCB0];
	v2 =	vsel vm4, $0xFFFFFFFF, v2  }
0x1d5: {  	(erf) = vpow2.f32 v41;
	[tilespmem:$0x1FC10] =	vst v2;
	v2 =	vld [tilespmem:$0x1FCC0];
	_ =	sdelay $0x3  }
0x1d6: {  	vm0 =	veq.f32 v24, v17;
	v24 =	vadd.f32 v54, v55;
	v55 =	vld [tilespmem:$0x1FCF0]  }
0x1d7: {  	v8 =	vadd.f32 v2, v8;
	v2 =	vld [tilespmem:$0x1FD00]  }
0x1d8: {  	v42 =	vpop (erf)  }
0x1d9: {  	vm8 =	veq.f32 v14, v17;
	[tilespmem:s14+$0x140] =	vst v42;
	v14 =	vpop (erf)  }
0x1da: {  	vm10 =	veq.f32 v13, v17;
	v57 =	vld [tilespmem:$0x1FC90];
	[tilespmem:s14+$0x150] =	vst v14;
	v17 =	vpop (erf)  }
0x1db: {  	v59 =	vld [tilespmem:$0x1FCA0];
	[tilespmem:s14+$0x160] =	vst v17;
	v13 =	vpop (erf)  }
0x1dc: {  	[tilespmem:s14+$0x170] =	vst v13;
	vm4 =	veq.f32 v10, v5;
	v10 =	vadd.f32 v2, v55;
	v2 =	vld [tilespmem:$0x1FCD0]  }
0x1dd: {  	v12 =	vld [tilespmem:s13+$0x180]  }
0x1de: {  	v44 =	vld [tilespmem:s13+$0x190]  }
0x1df: {  	v24 =	vadd.f32 v24, v57;
	v49 =	vld [tilespmem:s13+$0x1A0]  }
0x1e0: {  	[tilespmem:$0x1FE00] =	vst v51;
	v51 =	vld [tilespmem:s13+$0x1B0]  }
0x1e1: {  	v60 =	vadd.f32 v24, v59;
	v8 =	vadd.f32 v8, v2;
	v2 =	vld [tilespmem:$0x1FD10];
	_ =	sdelay $0x1  }
0x1e2: {  	v41 =	vperm.xlane v60, v0;
	_ =	sdelay $0x1  }
0x1e3: {  	v18 =	vadd.f32 v60, v41  }
0x1e4: {  	v52 =	vmax.f32 v12, v44;
	v54 =	vmax.f32 v49, v51;
	v10 =	vadd.f32 v10, v2;
	v2 =	vld [tilespmem:$0x1FCE0]  }
0x1e5: {  	vm2 =	veq.f32 v9, v5;
	v5 =	vperm.xlane v18, v1;
	v9 =	vmax.f32 v52, v54  }
0x1e6: {  	v50 =	vperm.xlane v45, v0;
	v57 =	vperm.xlane v9, v0  }
0x1e7: {  	v61 =	vnsel vm0, $0x100000, v53;
	v5 =	vadd.f32 v18, v5  }
0x1e8: {  	v56 =	vnsel vm6, $0x100000, v53;
	vm15 =	vlt.s32 v45, v50;
	v9 =	vmax.f32 v9, v57  }
0x1e9: {  	v58 =	vperm.xlane v5, v3;
	v60 =	vperm.xlane v9, v1;
	v8 =	vadd.f32 v8, v2  }
0x1ea: {  	vm6 =	veq.f32 v34, v38;
	v19 =	vsel vm15, v45, v50;
	v11 =	vsel vm3, v6, v56  }
0x1eb: {  	v18 =	vadd.f32 v5, v58;
	v5 =	vmax.f32 v9, v60;
	v59 =	vperm.xlane v8, v0  }
0x1ec: {  	vm3 =	veq.f32 v36, v38;
	v32 =	vperm.xlane v19, v1;
	v30 =	vperm.xlane v5, v3;
	v2 =	vld [tilespmem:$0x1FD20]  }
0x1ed: {  	v11 =	vsel vm5, v7, v11;
	v20 =	vadd.f32 v8, v59;
	v8 =	vsel vm10, v6, v61  }
0x1ee: {  	vm5 =	veq.f32 v35, v38;
	v5 =	vmax.f32 v5, v30;
	v8 =	vsel vm9, v7, v8  }
0x1ef: {  	v34 =	vperm.xlane v15, v4;
	v35 =	vperm.xlane v5, v4;
	v8 =	vsel vm8, v39, v8  }
0x1f0: {  	v11 =	vsel vm7, v39, v11;
	vm7 =	vlt.s32 v19, v32;
	v36 =	vperm.xlane v8, v0  }
0x1f1: {  	v19 =	vsel vm7, v19, v32;
	v41 =	vmax.f32 v5, v35;
	v10 =	vadd.f32 v10, v2  }
0x1f2: {  	v5 =	vperm.xlane v19, v3;
	vm9 =	vlt.s32 v15, v34;
	vm10 =	vlt.s32 v8, v36  }
0x1f3: {  	[tilespmem:$0x1FE50] =	vst v44;
	v2 =	vsel vm9, v15, v34;
	v62 =	vperm.xlane v10, v0;
	v8 =	vsel vm10, v8, v36  }
0x1f4: {  	v43 =	vsub.f32 v44, v41;
	[tilespmem:$0x1FE60] =	vst v2;
	v2 =	vld [tilespmem:$0x1FD30];
	v44 =	vperm.xlane v8, v1  }
0x1f5: {  	vm9 =	vlt.s32 v19, v5;
	v9 =	vadd.f32 v10, v62;
	v62 =	vld [tilespmem:$0x1F9F0]  }
0x1f6: {  	[tilespmem:$0x1FC30] =	vst v33;
	v33 =	vperm.xlane v11, v0;
	v5 =	vsel vm9, v19, v5;
	vm7 =	vlt.s32 v8, v44  }
0x1f7: {  	v19 =	vsel vm7, v8, v44;
	v8 =	vperm.xlane v5, v4  }
0x1f8: {  	vm8 =	vlt.s32 v11, v33  }
0x1f9: {  	v10 =	vsel vm8, v11, v33;
	vm8 =	vlt.s32 v5, v8  }
0x1fa: {  	[tilespmem:$0x1FE20] =	vst v51;
	v57 =	vld [tilespmem:$0x1FD40];
	v48 =	vsub.f32 v51, v41;
	v51 =	vadd.f32 v2, v62;
	v2 =	vsel vm8, v5, v8  }
0x1fb: {  	[tilespmem:$0x1FE80] =	vst v2;
	v2 =	vld [tilespmem:$0x1FD50]  }
0x1fc: {  	vm15 =	veq.f32 v37, v38;
	v37 =	vsub.f32 v12, v41;
	_ =	sdelay $0x1  }
0x1fd: {  	v11 =	vmul.f32 $1.442695020e+00, v37  }
0x1fe: {  	v58 =	vld [tilespmem:$0x1FD80]  }
0x1ff: {  	(erf) = vpow2.f32 v11;
	v11 =	vadd.f32 v2, v57;
	v2 =	vld [tilespmem:$0x1FD90];
	_ =	sdelay $0x4  }
0x200: {  	v59 =	vadd.f32 v2, v58;
	v2 =	vld [tilespmem:$0x1FD60];
	_ =	sdelay $0x4  }
0x201: {  	v11 =	vadd.f32 v11, v2;
	v2 =	vld [tilespmem:$0x1FDA0];
	_ =	sdelay $0x4  }
0x202: {  	v15 =	vadd.f32 v59, v2;
	v2 =	vld [tilespmem:$0x1FD70];
	_ =	sdelay $0x4  }
0x203: {  	v11 =	vadd.f32 v11, v2;
	v2 =	vld [tilespmem:$0x1FDB0];
	_ =	sdelay $0x3  }
0x204: {  	v34 =	vld [tilespmem:$0x1FDC0]  }
0x205: {  	v47 =	vsub.f32 v49, v41;
	v15 =	vadd.f32 v15, v2;
	v2 =	vld [tilespmem:$0x1FDD0]  }
0x206: {  	v45 =	vmul.f32 $1.442695020e+00, v43  }
0x207: {  	[tilespmem:$0x1FE40] =	vst v49;
	v49 =	vmul.f32 $1.442695020e+00, v47  }
0x208: {  	v50 =	vmul.f32 $1.442695020e+00, v48;
	(erf) = vpow2.f32 v45  }
0x209: {  	(erf) = vpow2.f32 v49  }
0x20a: {  	v38 =	vperm.xlane v10, v1;
	(erf) = vpow2.f32 v50;
	v35 =	vadd.f32 v2, v34;
	v2 =	vld [tilespmem:$0x1FDE0]  }
0x20b: {  	v30 =	vld [tilespmem:$0x1FA00];
	v54 =	vperm.xlane v19, v3  }
0x20c: {  	v61 =	vperm.xlane v18, v4;
	vm10 =	vlt.s32 v10, v38  }
0x20d: {  	[tilespmem:$0x1FC40] =	vst v29;
	v29 =	vld [tilespmem:$0x1FA10];
	v24 =	vperm.xlane v9, v1;
	v10 =	vsel vm10, v10, v38;
	vm10 =	vlt.s32 v19, v54  }
0x20e: {  	v5 =	vsel vm10, v19, v54;
	vm10 =	veq.f32 v63, v16;
	v63 =	vperm.xlane v20, v1  }
0x20f: {  	v9 =	vadd.f32 v9, v24;
	v52 =	vperm.xlane v10, v3;
	v37 =	vadd.f32 v35, v2;
	v2 =	vld [tilespmem:$0x1FDF0]  }
0x210: {  	v55 =	vadd.f32 v51, v30;
	vm8 =	veq.f32 v25, v16;
	v28 =	vpop (erf);
	v25 =	vadd.f32 v20, v63  }
0x211: {  	vm7 =	veq.f32 v21, v16;
	vm9 =	vlt.s32 v10, v52;
	[tilespmem:s14+$0x180] =	vst v28;
	v48 =	vpop (erf);
	v27 =	vperm.xlane v11, v0  }
0x212: {  	v8 =	vsel vm9, v10, v52;
	v56 =	vadd.f32 v55, v29;
	[tilespmem:s14+$0x190] =	vst v48;
	v49 =	vpop (erf);
	v33 =	vperm.xlane v25, v3  }
0x213: {  	vm9 =	veq.f32 v22, v16;
	v16 =	vadd.f32 v18, v61;
	[tilespmem:s14+$0x1A0] =	vst v49;
	v50 =	vpop (erf);
	v11 =	vadd.f32 v11, v27  }
0x214: {  	v60 =	vperm.xlane v56, v0;
	[tilespmem:s14+$0x1B0] =	vst v50;
	v18 =	vadd.f32 v25, v33;
	v19 =	vadd.f32 v37, v2;
	v2 =	vld [tilespmem:$0x1FF10]  }
0x215: {  	v36 =	vperm.xlane v9, v3;
	v52 =	vld [tilespmem:s13+$0x1D0];
	v43 =	vperm.xlane v11, v1  }
0x216: {  	v10 =	vadd.f32 v56, v60;
	v23 =	vld [tilespmem:s13+$0x1F0];
	v45 =	vperm.xlane v18, v4;
	v32 =	vperm.xlane v15, v0  }
0x217: {  	v9 =	vadd.f32 v9, v36;
	v58 =	vld [tilespmem:s13+$0x1C0];
	v11 =	vadd.f32 v11, v43  }
0x218: {  	v26 =	vperm.xlane v10, v1;
	v18 =	vadd.f32 v18, v45;
	v45 =	vld [tilespmem:$0x1FA40];
	v15 =	vadd.f32 v15, v32  }
0x219: {  	v55 =	vperm.xlane v11, v3;
	v54 =	vperm.xlane v19, v0;
	vm0 =	vnez.u8 v2;
	v2 =	vld [tilespmem:$0x1FF20]  }
0x21a: {  	v10 =	vadd.f32 v10, v26;
	v27 =	vld [tilespmem:$0x1FA30];
	v44 =	vperm.xlane v15, v1  }
0x21b: {  	v47 =	vperm.xlane v9, v4;
	v11 =	vadd.f32 v11, v55;
	v55 =	vld [tilespmem:$0x1FA20];
	v57 =	vadd.f32 v19, v54  }
0x21c: {  	v15 =	vadd.f32 v15, v44;
	v44 =	vld [tilespmem:$0x1FA70]  }
0x21d: {  	v9 =	vadd.f32 v9, v47;
	v38 =	vperm.xlane v10, v3;
	v35 =	vld [tilespmem:s13+$0x1E0];
	v59 =	vperm.xlane v57, v1  }
0x21e: {  	v63 =	vperm.xlane v11, v4;
	v16 =	vsel vm0, v16, v18;
	vm0 =	vnez.u8 v2;
	v2 =	vld [tilespmem:$0x1FF30]  }
0x21f: {  	v56 =	vperm.xlane v15, v3;
	v9 =	vsel vm0, v16, v9;
	v16 =	vadd.f32 v57, v59;
	v57 =	vld [tilespmem:$0x1FA60]  }
0x220: {  	v10 =	vadd.f32 v10, v38;
	v26 =	vadd.f32 v11, v63;
	v63 =	vld [tilespmem:$0x1FA80]  }
0x221: {  	v15 =	vadd.f32 v15, v56;
	v56 =	vld [tilespmem:$0x1FAA0]  }
0x222: {  	v51 =	vperm.xlane v10, v4;
	v59 =	vld [tilespmem:$0x1FA90]  }
0x223: {  	v60 =	vmax.f32 v58, v52;
	v61 =	vmax.f32 v35, v23;
	vm0 =	vnez.u8 v2;
	v2 =	vld [tilespmem:$0x1FF40]  }
0x224: {  	v43 =	vld [tilespmem:$0x1FA50];
	v19 =	vmax.f32 v60, v61;
	v34 =	vperm.xlane v16, v3;
	v47 =	vadd.f32 v57, v44  }
0x225: {  	[tilespmem:$0x1FE70] =	vst v12;
	v10 =	vadd.f32 v10, v51;
	v12 =	vadd.f32 v55, v27;
	v61 =	vld [tilespmem:$0x1FAB0];
	v25 =	vperm.xlane v19, v0  }
0x226: {  	v38 =	vadd.f32 v16, v34;
	v16 =	vadd.f32 v47, v56;
	v47 =	vld [tilespmem:$0x1FAC0]  }
0x227: {  	v24 =	vperm.xlane v15, v4;
	v32 =	vadd.f32 v12, v45;
	v60 =	vld [tilespmem:$0x1FAD0];
	v33 =	vmax.f32 v19, v25  }
0x228: {  	v9 =	vsel vm0, v9, v10;
	v12 =	vadd.f32 v63, v59;
	vm0 =	vnez.u8 v2;
	v2 =	vld [tilespmem:$0x1FF50]  }
0x229: {  	v36 =	vadd.f32 v32, v43;
	v37 =	vperm.xlane v33, v1  }
0x22a: {  	v15 =	vadd.f32 v15, v24;
	v19 =	vadd.f32 v12, v61  }
0x22b: {  	v51 =	vperm.xlane v36, v0;
	v11 =	vmax.f32 v33, v37;
	v16 =	vadd.f32 v16, v47  }
0x22c: {  	v25 =	vperm.xlane v11, v3;
	v32 =	vperm.xlane v38, v4;
	v19 =	vadd.f32 v19, v60  }
0x22d: {  	v9 =	vsel vm0, v9, v26;
	vm0 =	vnez.u8 v2;
	v34 =	vperm.xlane v16, v0  }
0x22e: {  	v11 =	vmax.f32 v11, v25;
	v10 =	vadd.f32 v36, v51;
	v9 =	vsel vm0, v9, v15  }
0x22f: {  	v15 =	vadd.f32 v38, v32;
	v38 =	vperm.xlane v19, v0;
	v16 =	vadd.f32 v16, v34  }
0x230: {  	v24 =	vnsel vm14, $0x100000, v53;
	v36 =	vperm.xlane v11, v4;
	v33 =	vperm.xlane v10, v1  }
0x231: {  	v26 =	vsel vm13, v6, v24;
	v54 =	vadd.f32 v19, v38;
	v22 =	vperm.xlane v16, v1  }
0x232: {  	v51 =	vmax.f32 v11, v36;
	v10 =	vadd.f32 v10, v33;
	v18 =	vsel vm12, v7, v26  }
0x233: {  	v18 =	vsel vm11, v39, v18;
	v26 =	vperm.xlane v54, v1;
	v16 =	vadd.f32 v16, v22  }
0x234: {  	v36 =	vld [tilespmem:$0x1FAE0];
	v12 =	vsub.f32 v58, v51;
	v21 =	vperm.xlane v10, v3;
	v37 =	vperm.xlane v18, v0  }
0x235: {  	v25 =	vsub.f32 v52, v51;
	v2 =	vld [tilespmem:$0x1FAF0];
	v11 =	vadd.f32 v54, v26;
	v34 =	vperm.xlane v16, v3  }
0x236: {  	v33 =	vsub.f32 v35, v51;
	v10 =	vadd.f32 v10, v21;
	vm14 =	vlt.s32 v18, v37  }
0x237: {  	v19 =	vmul.f32 $1.442695020e+00, v12;
	v12 =	vperm.xlane v11, v3;
	v16 =	vadd.f32 v16, v34;
	v34 =	vld [tilespmem:$0x1FB00]  }
0x238: {  	v32 =	vmul.f32 $1.442695020e+00, v25;
	v18 =	vsel vm14, v18, v37;
	v37 =	vsub.f32 v23, v51  }
0x239: {  	v24 =	vld [tilespmem:$0x1FB10];
	(erf) = vpow2.f32 v19;
	v19 =	vmul.f32 $1.442695020e+00, v33;
	v11 =	vadd.f32 v11, v12  }
0x23a: {  	(erf) = vpow2.f32 v32;
	v54 =	vadd.f32 v36, v2;
	v12 =	vmul.f32 $1.442695020e+00, v37  }
0x23b: {  	(erf) = vpow2.f32 v19;
	v37 =	vld [tilespmem:$0x1FB20];
	v33 =	vperm.xlane v11, v4  }
0x23c: {  	(erf) = vpow2.f32 v12;
	v12 =	vld [tilespmem:$0x1FB30];
	v38 =	vadd.f32 v54, v34;
	v54 =	vperm.xlane v10, v4  }
0x23d: {  	v11 =	vadd.f32 v11, v33;
	v33 =	vld [tilespmem:$0x1FB40]  }
0x23e: {  	v32 =	vperm.xlane v16, v4;
	v10 =	vadd.f32 v10, v54;
	v20 =	vadd.f32 v38, v24;
	v54 =	vld [tilespmem:$0x1FF60];
	_ =	sdelay $0x1  }
0x23f: {  	v16 =	vadd.f32 v16, v32;
	v32 =	vld [tilespmem:$0x1FB70];
	v38 =	vperm.xlane v20, v0  }
0x240: {  	v22 =	vadd.f32 v37, v12  }
0x241: {  	v19 =	vadd.f32 v20, v38;
	v38 =	vld [tilespmem:$0x1FB60]  }
0x242: {  	v21 =	vperm.xlane v18, v1;
	v26 =	vadd.f32 v22, v33;
	vm11 =	vnez.u8 v54;
	v54 =	vld [tilespmem:$0x1FB50];
	_ =	sdelay $0x1  }
0x243: {  	vm12 =	vlt.s32 v18, v21;
	v9 =	vsel vm11, v9, v15;
	v15 =	vadd.f32 v26, v32;
	v26 =	vld [tilespmem:$0x1FF70]  }
0x244: {  	[tilespmem:$0x1FE90] =	vst v42;
	v18 =	vsel vm12, v18, v21;
	v21 =	vadd.f32 v14, v42;
	v42 =	vld [tilespmem:$0x1FF80]  }
0x245: {  	[tilespmem:$0x1FEA0] =	vst v14;
	v14 =	vld [tilespmem:$0x1FB80]  }
0x246: {  	v25 =	vadd.f32 v54, v38;
	_ =	sdelay $0x1  }
0x247: {  	vm13 =	vnez.u8 v26  }
0x248: {  	vm14 =	vnez.u8 v42;
	v42 =	vmov v17;
	v22 =	vpop (erf);
	v9 =	vsel vm13, v9, v10  }
0x249: {  	[tilespmem:$0x1FEC0] =	vst v28;
	v10 =	vadd.f32 v25, v14;
	v9 =	vsel vm14, v9, v16;
	v16 =	vadd.f32 v21, v17;
	v17 =	vld [tilespmem:$0x1FB90];
	v25 =	vpop (erf)  }
0x24a: {  	v20 =	vadd.f32 v48, v28;
	[tilespmem:$0x1FED0] =	vst v22;
	v28 =	vadd.f32 v25, v22;
	v22 =	vld [tilespmem:$0x1FF90];
	_ =	sdelay $0x3  }
0x24b: {  	[tilespmem:$0x1FEE0] =	vst v25;
	v25 =	vadd.f32 v20, v49;
	v26 =	vpop (erf);
	v10 =	vadd.f32 v10, v17  }
0x24c: {  	v20 =	vadd.f32 v28, v26;
	vm11 =	vnez.u8 v22  }
0x24d: {  	v9 =	vsel vm11, v9, v11;
	v11 =	vadd.f32 v25, v50;
	v25 =	vperm.xlane v10, v0  }
0x24e: {  	v16 =	vadd.f32 v16, v13;
	v28 =	vpop (erf);
	v22 =	vperm.xlane v19, v1  }
0x24f: {  	[tilespmem:$0x1FF00] =	vst v28;
	v20 =	vadd.f32 v20, v28;
	v10 =	vadd.f32 v10, v25;
	v28 =	vperm.xlane v11, v0  }
0x250: {  	v21 =	vperm.xlane v15, v0;
	[tilespmem:$0x1FEF0] =	vst v26;
	v26 =	vperm.xlane v16, v0  }
0x251: {  	v19 =	vadd.f32 v19, v22;
	v11 =	vadd.f32 v11, v28;
	v28 =	vperm.xlane v10, v1  }
0x252: {  	v15 =	vadd.f32 v15, v21;
	v16 =	vadd.f32 v16, v26;
	v25 =	vperm.xlane v20, v0  }
0x253: {  	v22 =	vperm.xlane v19, v3;
	v10 =	vadd.f32 v10, v28  }
0x254: {  	[tilespmem:$0x1FEB0] =	vst v13;
	v13 =	vperm.xlane v15, v1;
	v20 =	vadd.f32 v20, v25;
	v25 =	vperm.xlane v16, v1  }
0x255: {  	v19 =	vadd.f32 v19, v22;
	v28 =	vperm.xlane v11, v1;
	v26 =	vperm.xlane v10, v3  }
0x256: {  	v15 =	vadd.f32 v15, v13;
	v16 =	vadd.f32 v16, v25;
	v25 =	vperm.xlane v20, v1  }
0x257: {  	v11 =	vadd.f32 v11, v28;
	v28 =	vperm.xlane v19, v4;
	v10 =	vadd.f32 v10, v26;
	v26 =	vld [tilespmem:$0x1FFA0]  }
0x258: {  	v13 =	vperm.xlane v15, v3;
	v20 =	vadd.f32 v20, v25;
	v25 =	vperm.xlane v16, v3  }
0x259: {  	v19 =	vadd.f32 v19, v28;
	v28 =	vperm.xlane v11, v3  }
0x25a: {  	v15 =	vadd.f32 v15, v13;
	v16 =	vadd.f32 v16, v25  }
0x25b: {  	v11 =	vadd.f32 v11, v28;
	v28 =	vperm.xlane v10, v4  }
0x25c: {  	v21 =	vperm.xlane v15, v4;
	v22 =	vld [tilespmem:$0x1FBA0];
	vm12 =	vnez.u8 v26;
	v26 =	vperm.xlane v16, v4  }
0x25d: {  	v10 =	vadd.f32 v10, v28;
	v28 =	vld [tilespmem:$0x1FFB0]  }
0x25e: {  	v15 =	vadd.f32 v15, v21;
	v21 =	vadd.f32 v16, v26;
	v26 =	vld [tilespmem:$0x1FBB0]  }
0x25f: {  	v25 =	vperm.xlane v20, v3;
	_ =	sdelay $0x1  }
0x260: {  	v20 =	vadd.f32 v20, v25;
	v25 =	vperm.xlane v11, v4  }
0x261: {  	v9 =	vsel vm12, v9, v19;
	vm12 =	veq.f32 v22, v31;
	vm13 =	vnez.u8 v28;
	v28 =	vld [tilespmem:$0x1FFC0]  }
0x262: {  	v22 =	vperm.xlane v20, v4;
	v9 =	vsel vm13, v9, v15;
	vm13 =	veq.f32 v26, v31;
	v26 =	vld [tilespmem:$0x1FFD0]  }
0x263: {  	v16 =	vld [tilespmem:$0x1FFE0]  }
0x264: {  	v19 =	vadd.f32 v11, v25;
	v11 =	vadd.f32 v20, v22;
	v20 =	vld [tilespmem:$0x1FBE0];
	_ =	sdelay $0x1  }
0x265: {  	vm14 =	vnez.u8 v28  }
0x266: {  	v9 =	vsel vm14, v9, v10;
	vm11 =	vnez.u8 v26  }
0x267: {  	v22 =	vld [tilespmem:$0x1FFF0];
	v9 =	vsel vm11, v9, v21;
	vm11 =	vnez.u8 v16  }
0x268: {  	v9 =	vsel vm11, v9, v19;
	v19 =	vnsel vm4, $0x100000, v53;
	vm4 =	veq.f32 v20, v40;
	v20 =	vld [tilespmem:$0x1FC10];
	_ =	sdelay $0x2  }
0x269: {  	v16 =	vld [tilespmem:$0x1FBF0]  }
0x26a: {  	vm11 =	vnez.u8 v22;
	v10 =	vsel vm2, v6, v19;
	v19 =	vld [tilespmem:$0x1FC00]  }
0x26b: {  	v22 =	vnsel vm6, $0x100000, v53;
	v9 =	vsel vm11, v9, v11;
	vm2 =	vnez.u8 v20;
	v20 =	vld [tilespmem:$0x1FC20]  }
0x26c: {  	(erf) = vrcp.f32 v9;
	v15 =	vsel vm1, v7, v10;
	v10 =	vperm.xlane v18, v3  }
0x26d: {  	v22 =	vsel vm5, v6, v22;
	v9 =	vsel vm2, v39, v15  }
0x26e: {  	vm1 =	veq.f32 v16, v40;
	vm2 =	vlt.s32 v18, v10;
	v11 =	vperm.xlane v9, v0  }
0x26f: {  	vm11 =	veq.f32 v19, v40;
	v16 =	vsel vm2, v18, v10;
	v10 =	vsel vm3, v7, v22  }
0x270: {  	vm5 =	vlt.s32 v9, v11;
	vm6 =	veq.f32 v20, v40;
	v40 =	vperm.xlane v8, v4  }
0x271: {  	v19 =	vperm.xlane v16, v4;
	v11 =	vsel vm5, v9, v11;
	v9 =	vperm.xlane v5, v4  }
0x272: {  	v18 =	vsel vm15, v39, v10;
	v20 =	vperm.xlane v11, v1;
	vm15 =	vlt.s32 v8, v40  }
0x273: {  	vm2 =	vlt.s32 v16, v19;
	vm5 =	vlt.s32 v5, v9;
	v10 =	vsel vm15, v8, v40  }
0x274: {  	v40 =	vperm.xlane v18, v0;
	vm15 =	vlt.s32 v11, v20;
	v8 =	vsel vm2, v16, v19;
	v19 =	vld [tilespmem:$0x1FC40]  }
0x275: {  	v21 =	vimm.s32 $0x0;
	v9 =	vsel vm5, v5, v9;
	v5 =	vpop (erf);
	v11 =	vsel vm15, v11, v20;
	v20 =	vld [tilespmem:$0x1FC50]  }
0x276: {  	v16 =	vperm.xlane v5, v21;
	v21 =	vld [tilespmem:$0x1FC60];
	vm5 =	vlt.s32 v18, v40  }
0x277: {  	v15 =	vsel vm5, v18, v40;
	v40 =	vld [tilespmem:$0x1FC80]  }
0x278: {  	v18 =	vld [tilespmem:$0x1FC30];
	_ =	sdelay $0x2  }
0x279: {  	v22 =	vld [tilespmem:$0x1FC70]  }
0x27a: {  	vm2 =	veq.f32 v19, v46;
	vm3 =	veq.f32 v20, v46;
	v19 =	vmul.f32 v16, v40;
	v40 =	vld [tilespmem:$0x1FFA0]  }
0x27b: {  	v13 =	vld [tilespmem:$0x1FC90];
	vm5 =	veq.f32 v21, v46;
	vm15 =	veq.f32 v18, v46;
	v46 =	vnsel vm10, $0x100000, v53  }
0x27c: {  	v20 =	vsel vm9, v6, v46;
	v46 =	vld [tilespmem:$0x1FF90];
	_ =	sdelay $0x2  }
0x27d: {  	v25 =	vld [tilespmem:$0x1FBC0];
	v18 =	vmul.f32 v16, v22;
	vm10 =	vnez.u8 v40;
	v40 =	vperm.xlane v11, v3  }
0x27e: {  	v21 =	vmul.f32 v16, v13;
	v13 =	vsel vm8, v7, v20  }
0x27f: {  	[tilespmem:s14+$0xFFFFFE00] =	vst v18;
	v18 =	vsel vm7, v39, v13;
	vm9 =	vnez.u8 v46;
	v46 =	vld [tilespmem:$0x1FCA0];
	vm7 =	vlt.s32 v11, v40  }
0x280: {  	v11 =	vsel vm7, v11, v40;
	v40 =	vld [tilespmem:$0x1FCB0]  }
0x281: {  	v13 =	vld [tilespmem:$0x1FCD0]  }
0x282: {  	vm14 =	veq.f32 v25, v31;
	v25 =	vimm.s32 $0x1  }
0x283: {  	v20 =	vperm.xlane v5, v25  }
0x284: {  	[tilespmem:s14+$0xFFFFFE10] =	vst v19;
	v19 =	vperm.xlane v15, v1;
	v16 =	vmul.f32 v16, v46;
	v46 =	vld [tilespmem:$0x1FCC0]  }
0x285: {  	[tilespmem:s14+$0xFFFFFE20] =	vst v21;
	v21 =	vmul.f32 v20, v40;
	v40 =	vperm.xlane v11, v4  }
0x286: {  	v25 =	vmul.f32 v20, v13;
	vm7 =	vlt.s32 v15, v19;
	v13 =	vld [tilespmem:$0x1FCE0]  }
0x287: {  	v15 =	vsel vm7, v15, v19;
	vm7 =	vlt.s32 v11, v40  }
0x288: {  	v22 =	vperm.xlane v18, v0;
	v11 =	vsel vm7, v11, v40;
	v40 =	vld [tilespmem:$0x1FD00]  }
0x289: {  	v28 =	vld [tilespmem:$0x1FBD0];
	[tilespmem:s14+$0xFFFFFE30] =	vst v16;
	v16 =	vmul.f32 v20, v46  }
0x28a: {  	v26 =	vimm.s32 $0x2;
	vm8 =	vlt.s32 v18, v22;
	v46 =	vld [tilespmem:$0x1FF80]  }
0x28b: {  	v26 =	vperm.xlane v5, v26;
	v18 =	vsel vm8, v18, v22;
	v22 =	vld [tilespmem:$0x1FCF0];
	[tilespmem:s14+$0xFFFFFE50] =	vst v16;
	v16 =	vmul.f32 v20, v13;
	_ =	sdelay $0x1  }
0x28c: {  	[tilespmem:s14+$0xFFFFFE70] =	vst v16;
	v16 =	vmul.f32 v26, v40;
	v40 =	vld [tilespmem:$0x1FD30]  }
0x28d: {  	vm0 =	veq.f32 v28, v31;
	[tilespmem:s14+$0xFFFFFE60] =	vst v25;
	v25 =	vperm.xlane v15, v3;
	v13 =	vld [tilespmem:$0x1FD10]  }
0x28e: {  	v28 =	vimm.s32 $0x3;
	v20 =	vld [tilespmem:$0x1FD20];
	vm8 =	vnez.u8 v46;
	v46 =	vperm.xlane v18, v1  }
0x28f: {  	v19 =	vmul.f32 v26, v22;
	v22 =	vperm.xlane v5, v28;
	vm7 =	vlt.s32 v15, v25  }
0x290: {  	v28 =	vld [tilespmem:$0x1FFF0];
	v15 =	vsel vm7, v15, v25;
	vm7 =	vlt.s32 v18, v46  }
0x291: {  	v18 =	vsel vm7, v18, v46;
	v46 =	vmul.f32 v22, v40;
	v40 =	vld [tilespmem:$0x1FD40]  }
0x292: {  	[tilespmem:s14+$0xFFFFFE80] =	vst v19;
	v19 =	vmul.f32 v26, v13  }
0x293: {  	v31 =	vimm.s32 $0x4;
	v25 =	vnsel vm0, $0x100000, v53;
	[tilespmem:s14+$0xFFFFFE90] =	vst v16;
	v16 =	vmul.f32 v26, v20  }
0x294: {  	v26 =	vsel vm14, v6, v25;
	v25 =	vperm.xlane v5, v31;
	v31 =	vld [tilespmem:$0x1FFC0];
	[tilespmem:s14+$0xFFFFFEA0] =	vst v19  }
0x295: {  	v19 =	vmul.f32 v22, v62;
	[tilespmem:s14+$0xFFFFFEB0] =	vst v16;
	v62 =	vmul.f32 v22, v30;
	v16 =	vsel vm13, v7, v26;
	v26 =	vld [tilespmem:$0x1FFD0]  }
0x296: {  	vm14 =	vnez.u8 v28;
	v28 =	vperm.xlane v15, v4;
	[tilespmem:s14+$0xFFFFFED0] =	vst v46;
	v46 =	vmul.f32 v25, v40;
	v40 =	vld [tilespmem:$0x1FF70]  }
0x297: {  	v30 =	vmul.f32 v22, v29;
	v29 =	vld [tilespmem:$0x1FD60];
	v16 =	vsel vm12, v39, v16;
	[tilespmem:s14+$0xFFFFFEE0] =	vst v62  }
0x298: {  	vm7 =	vlt.s32 v15, v28;
	v62 =	vperm.xlane v16, v0;
	[tilespmem:s14+$0xFFFFFF00] =	vst v46;
	v46 =	vld [tilespmem:$0x1FD70]  }
0x299: {  	v15 =	vsel vm7, v15, v28;
	v28 =	vld [tilespmem:$0x1FD50]  }
0x29a: {  	vm7 =	vlt.s32 v16, v62;
	vm13 =	vnez.u8 v26;
	v26 =	vld [tilespmem:$0x1FD80]  }
0x29b: {  	v22 =	vperm.xlane v18, v3;
	v16 =	vsel vm7, v16, v62;
	vm7 =	vnez.u8 v40;
	v40 =	vld [tilespmem:$0x1FFB0]  }
0x29c: {  	vm12 =	vnez.u8 v31;
	v31 =	vimm.s32 $0x5  }
0x29d: {  	[tilespmem:s14+$0xFFFFFE40] =	vst v21;
	vm0 =	vlt.s32 v18, v22;
	v21 =	vperm.xlane v5, v31;
	v62 =	vmul.f32 v25, v46;
	v46 =	vld [tilespmem:$0x1FDA0]  }
0x29e: {  	[tilespmem:s14+$0xFFFFFEF0] =	vst v30;
	v18 =	vsel vm0, v18, v22;
	v30 =	vmul.f32 v25, v29  }
0x29f: {  	[tilespmem:s14+$0xFFFFFEC0] =	vst v19;
	v29 =	vnsel vm6, $0x100000, v53;
	v19 =	vmul.f32 v25, v28;
	v28 =	vld [tilespmem:$0x1FD90];
	v20 =	vmul.f32 v21, v26  }
0x2a0: {  	v31 =	vsel vm11, v6, v29;
	v26 =	vperm.xlane v18, v4;
	vm11 =	vnez.u8 v40;
	v40 =	vld [tilespmem:$0x1FF40]  }
0x2a1: {  	v13 =	vld [tilespmem:$0x1FDB0];
	[tilespmem:s14+$0xFFFFFF40] =	vst v20;
	v20 =	vperm.xlane v16, v1  }
0x2a2: {  	vm0 =	vlt.s32 v18, v26;
	v25 =	vmul.f32 v21, v46;
	v46 =	vld [tilespmem:$0x1FDC0]  }
0x2a3: {  	[tilespmem:s14+$0xFFFFFF10] =	vst v19;
	v19 =	vsel vm1, v7, v31;
	v18 =	vsel vm0, v18, v26;
	v26 =	vld [tilespmem:$0x1FDD0];
	vm1 =	vlt.s32 v16, v20  }
0x2a4: {  	v19 =	vsel vm4, v39, v19;
	[tilespmem:s14+$0xFFFFFF30] =	vst v62;
	v62 =	vimm.s32 $0x6;
	v16 =	vsel vm1, v16, v20;
	v20 =	vld [tilespmem:$0x1FF10]  }
0x2a5: {  	v22 =	vmul.f32 v21, v28;
	v28 =	vperm.xlane v5, v62;
	vm4 =	vnez.u8 v40;
	v40 =	vld [tilespmem:$0x1FDE0]  }
0x2a6: {  	[tilespmem:s14+$0xFFFFFF20] =	vst v30;
	v30 =	vld [tilespmem:$0x1FF60]  }
0x2a7: {  	[tilespmem:s14+$0xFFFFFF50] =	vst v22;
	v62 =	vperm.xlane v19, v0;
	v22 =	vmul.f32 v28, v46;
	v46 =	vld [tilespmem:$0x1FDF0]  }
0x2a8: {  	v29 =	vimm.s32 $0x7;
	v21 =	vmul.f32 v21, v13  }
0x2a9: {  	v31 =	vimm.s32 $0x9;
	vm0 =	vlt.s32 v19, v62;
	[tilespmem:s14+$0xFFFFFF80] =	vst v22;
	v22 =	vperm.xlane v5, v29;
	v29 =	vld [tilespmem:$0x1FF50]  }
0x2aa: {  	vm1 =	vnez.u8 v20;
	[tilespmem:s14+$0xFFFFFF70] =	vst v21;
	v20 =	vmul.f32 v28, v26;
	v21 =	vmul.f32 v28, v40;
	v40 =	vld [tilespmem:$0x1FF30]  }
0x2ab: {  	vm6 =	vnez.u8 v30;
	v30 =	vimm.s32 $0x8;
	v19 =	vsel vm0, v19, v62;
	[tilespmem:s14+$0xFFFFFF60] =	vst v25  }
0x2ac: {  	[tilespmem:s14+$0xFFFFFF90] =	vst v20;
	v20 =	vperm.xlane v19, v1;
	v62 =	vmul.f32 v28, v46;
	v28 =	vnsel vm5, $0x100000, v53  }
0x2ad: {  	v13 =	vmul.f32 v22, v55;
	[tilespmem:s14+$0xFFFFFFA0] =	vst v21;
	v21 =	vperm.xlane v16, v3;
	v25 =	vsel vm3, v6, v28  }
0x2ae: {  	v46 =	vmul.f32 v22, v27;
	vm5 =	vnez.u8 v29;
	[tilespmem:s14+$0xFFFFFFB0] =	vst v62;
	v25 =	vsel vm2, v7, v25;
	v62 =	vld [tilespmem:$0x1FF20]  }
0x2af: {  	vm0 =	vlt.s32 v16, v21;
	v29 =	vperm.xlane v5, v30;
	vm3 =	vnez.u8 v40  }
0x2b0: {  	v40 =	vmul.f32 v22, v45;
	v45 =	vmul.f32 v22, v43;
	v22 =	vsel vm15, v39, v25  }
0x2b1: {  	v16 =	vsel vm0, v16, v21;
	vm15 =	vlt.s32 v19, v20;
	v25 =	vperm.xlane v22, v0  }
0x2b2: {  	[tilespmem:s14+$0xFFFFFFC0] =	vst v46;
	v46 =	vmul.f32 v29, v44;
	v19 =	vsel vm15, v19, v20;
	v20 =	vperm.xlane v16, v4  }
0x2b3: {  	v55 =	vmul.f32 v29, v57;
	[tilespmem:s14+$0xFFFFFFE0] =	vst v40;
	vm2 =	vnez.u8 v62;
	v62 =	vperm.xlane v5, v31  }
0x2b4: {  	v43 =	vld [tilespmem:$0x1FE00];
	v57 =	vmul.f32 v29, v56;
	v40 =	vimm.s32 $0xA;
	[tilespmem:s14+$0x0] =	vst v46;
	v46 =	vmul.f32 v29, v47  }
0x2b5: {  	v44 =	vld [tilespmem:$0x1FE10];
	vm15 =	vlt.s32 v22, v25;
	[tilespmem:s14+$0x10] =	vst v55;
	v47 =	vperm.xlane v19, v3;
	v55 =	vmul.f32 v62, v59  }
0x2b6: {  	[tilespmem:s14+$0xFFFFFFD0] =	vst v13;
	v22 =	vsel vm15, v22, v25;
	v59 =	vmul.f32 v62, v61;
	v61 =	vperm.xlane v5, v40  }
0x2b7: {  	[tilespmem:s14+$0x20] =	vst v57;
	vm15 =	vlt.s32 v16, v20;
	v56 =	vperm.xlane v22, v1;
	v57 =	vmul.f32 v62, v63;
	v63 =	vld [tilespmem:$0x1FE20]  }
0x2b8: {  	[tilespmem:s14+$0xFFFFFFF0] =	vst v45;
	v16 =	vsel vm15, v16, v20;
	vm15 =	vlt.s32 v19, v47;
	v31 =	vmul.f32 v61, v2;
	v2 =	vld [tilespmem:$0x1FE30]  }
0x2b9: {  	v13 =	vimm.s32 $0xB;
	[tilespmem:s14+$0x30] =	vst v46;
	v19 =	vsel vm15, v19, v47;
	vm15 =	vlt.s32 v22, v56  }
0x2ba: {  	v45 =	vsel vm1, v43, v44;
	v62 =	vmul.f32 v62, v60;
	v47 =	vld [tilespmem:$0x1FE60];
	[tilespmem:s14+$0x50] =	vst v57;
	v20 =	vsel vm15, v22, v56  }
0x2bb: {  	[tilespmem:s14+$0x60] =	vst v59;
	v44 =	vmul.f32 v61, v36;
	v24 =	vmul.f32 v61, v24;
	v57 =	vld [tilespmem:$0x1FE80];
	v59 =	vimm.s32 $0xC  }
0x2bc: {  	[tilespmem:s14+$0x70] =	vst v62;
	v36 =	vimm.s32 $0xE;
	v62 =	vperm.xlane v5, v59;
	vm15 =	veq.f32 v63, v41  }
0x2bd: {  	[tilespmem:s14+$0x40] =	vst v55;
	v63 =	vimm.s32 $0xD;
	v40 =	vsel vm2, v45, v2;
	v45 =	vperm.xlane v5, v13  }
0x2be: {  	[tilespmem:s14+$0x80] =	vst v31;
	v29 =	vmul.f32 v62, v38;
	v31 =	vmul.f32 v62, v54;
	v43 =	vnsel vm15, $0x100000, v53  }
0x2bf: {  	[tilespmem:s14+$0x90] =	vst v44;
	v2 =	vld [tilespmem:$0x1FE40];
	v25 =	vsel vm3, v40, v47;
	v40 =	vperm.xlane v5, v36;
	v55 =	vmul.f32 v45, v12  }
0x2c0: {  	[tilespmem:s14+$0xB0] =	vst v24;
	v12 =	vsel vm4, v25, v57;
	v60 =	vmul.f32 v45, v37;
	v22 =	vmul.f32 v45, v32  }
0x2c1: {  	v44 =	vld [tilespmem:$0x1FEC0];
	[tilespmem:s14+$0x100] =	vst v29;
	vm4 =	veq.f32 v23, v51;
	v32 =	vmul.f32 v62, v14;
	v10 =	vsel vm5, v12, v10  }
0x2c2: {  	v46 =	vld [tilespmem:$0x1FE50];
	[tilespmem:s14+$0x110] =	vst v31;
	v28 =	vnsel vm4, $0x100000, v53;
	vm5 =	veq.f32 v35, v51;
	v47 =	vmul.f32 v40, v49  }
0x2c3: {  	v56 =	vld [tilespmem:$0x1FE70];
	[tilespmem:s14+$0xC0] =	vst v55;
	v9 =	vsel vm6, v10, v9;
	v30 =	vsel vm5, v6, v28;
	vm6 =	veq.f32 v52, v51  }
0x2c4: {  	[tilespmem:s14+$0xD0] =	vst v60;
	vm15 =	veq.f32 v2, v41;
	v2 =	vmul.f32 v61, v34;
	v61 =	vmul.f32 v45, v33  }
0x2c5: {  	v38 =	vld [tilespmem:$0x1FEA0];
	[tilespmem:s14+$0xF0] =	vst v22;
	v33 =	vperm.xlane v5, v63;
	v8 =	vsel vm7, v9, v8;
	v34 =	vmul.f32 v62, v17  }
0x2c6: {  	[tilespmem:s14+$0x120] =	vst v32;
	v10 =	vsel vm6, v7, v30;
	vm7 =	veq.f32 v58, v51;
	v9 =	vmul.f32 v40, v44  }
0x2c7: {  	v35 =	vld [tilespmem:$0x1FE90];
	[tilespmem:s14+$0x1A0] =	vst v47;
	v51 =	vperm.xlane v20, v3;
	v21 =	vsel vm15, v6, v43;
	vm15 =	veq.f32 v46, v41  }
0x2c8: {  	v58 =	vperm.xlane v19, v4;
	[tilespmem:s14+$0xA0] =	vst v2;
	v2 =	vsel vm15, v7, v21;
	vm15 =	veq.f32 v56, v41  }
0x2c9: {  	v46 =	vmul.f32 v40, v48;
	v48 =	vmul.f32 v40, v50;
	[tilespmem:s14+$0xE0] =	vst v61;
	v2 =	vsel vm15, v39, v2  }
0x2ca: {  	v55 =	vld [tilespmem:$0x1FEF0];
	v10 =	vsel vm7, v39, v10;
	[tilespmem:s14+$0x130] =	vst v34;
	v12 =	vmul.f32 v33, v38;
	v37 =	vperm.xlane v2, v0  }
0x2cb: {  	v8 =	vsel vm8, v8, v11;
	v43 =	vperm.xlane v10, v0;
	[tilespmem:s14+$0x180] =	vst v9;
	v39 =	vmul.f32 v33, v42;
	v42 =	vld [tilespmem:$0x1FEB0]  }
0x2cc: {  	v50 =	vld [tilespmem:$0x1FED0];
	v41 =	vimm.s32 $0xF;
	v11 =	vmul.f32 v33, v35;
	[tilespmem:s14+$0x190] =	vst v46;
	vm15 =	vlt.s32 v2, v37  }
0x2cd: {  	v52 =	vld [tilespmem:$0x1FEE0];
	v5 =	vperm.xlane v5, v41;
	[tilespmem:s14+$0x1B0] =	vst v48;
	vm4 =	vlt.s32 v10, v43;
	v2 =	vsel vm15, v2, v37  }
0x2ce: {  	v8 =	vsel vm9, v8, v15;
	v56 =	vld [tilespmem:$0x1FF00];
	[tilespmem:s14+$0x150] =	vst v12;
	v10 =	vsel vm4, v10, v43;
	v45 =	vperm.xlane v2, v1  }
0x2cf: {  	vm7 =	vlt.s32 v20, v51;
	[tilespmem:s14+$0x140] =	vst v11;
	v13 =	vmul.f32 v5, v55;
	v49 =	vperm.xlane v10, v1  }
0x2d0: {  	v8 =	vsel vm10, v8, v18;
	[tilespmem:s14+$0x160] =	vst v39;
	v12 =	vmul.f32 v33, v42;
	vm5 =	vlt.s32 v2, v45  }
0x2d1: {  	v9 =	vmul.f32 v5, v50;
	[tilespmem:s14+$0x1E0] =	vst v13;
	vm6 =	vlt.s32 v10, v49;
	v2 =	vsel vm5, v2, v45  }
0x2d2: {  	v63 =	vld [tilespmem:$0x1FFE0];
	v10 =	vsel vm6, v10, v49;
	[tilespmem:s14+$0x170] =	vst v12;
	v12 =	vmul.f32 v5, v52;
	v54 =	vperm.xlane v2, v3  }
0x2d3: {  	vm10 =	vlt.s32 v19, v58;
	[tilespmem:s14+$0x1C0] =	vst v9;
	v5 =	vmul.f32 v5, v56;
	v57 =	vperm.xlane v10, v3  }
0x2d4: {  	v8 =	vsel vm11, v8, v16;
	v11 =	vsel vm7, v20, v51;
	[tilespmem:s14+$0x1D0] =	vst v12;
	vm8 =	vlt.s32 v2, v54  }
0x2d5: {  	s16 =	sshra.s32 s15, $0x2;
	v59 =	vperm.xlane v11, v4;
	vm9 =	vlt.s32 v10, v57;
	[tilespmem:s14+$0x1F0] =	vst v5;
	v2 =	vsel vm8, v2, v54  }
0x2d6: {  	v13 =	vsel vm10, v19, v58;
	v5 =	vsel vm9, v10, v57;
	v61 =	vld [tilespmem:s16+$0x4000];
	v60 =	vperm.xlane v2, v4  }
0x2d7: {  	vm15 =	vnez.u8 v63;
	vm11 =	vlt.s32 v11, v59;
	v62 =	vperm.xlane v5, v4  }
0x2d8: {  	v8 =	vsel vm12, v8, v13;
	v9 =	vsel vm11, v11, v59;
	vm12 =	vlt.s32 v2, v60  }
0x2d9: {  	v8 =	vsel vm13, v8, v9;
	vm13 =	vlt.s32 v5, v62;
	v2 =	vsel vm12, v2, v60  }
0x2da: {  	p0 =	sne.s32 s15, $0x3C0;
	v5 =	vsel vm13, v5, v62;
	v2 =	vsel vm15, v8, v2  }
.Ltmp0:
0x2db: {  	v2 =	vsel vm14, v2, v5;
	v5 =	vshll.u32 v61, $0x6;
	(pc) =	sbr.rel @p0 .LBB2_2-.Ltmp0, $3  }
0x2dc: {  	v2 =	vadd.s32 v2, v5  }
0x2dd: {  	v2 =	vcvt.s32.f32 v2;
	_ =	sdelay $0x1  }
0x2de: {  	s15 =	sadd.s32 $0x40, s15;
	s13 =	sadd.s32 $0x400, s13;
	s14 =	sadd.s32 $0x400, s14;
	[tilespmem:s16+$0x8100] =	vst v2  }
0x2df: {  	[hbm4b:s5+s2] =	stream.linear.scatter [tilespmem:s10], [sflag:$0x1], $0x4000, $0x38;
	[tilespmem:$0x8200] =	vst v63  }
0x2e0: {  	s12 =	sadd.s32 $0x1, s12;
	_ =	swait.ge [sflag:s8], $0x4000  }
0x2e1: {  	p0 =	sne.s32 s12, s7;
	[sflag:s8] =	ssyncset.done $0x0  }
.Ltmp1:
0x2e2: {  	[sflag:s8] =	ssyncadd.s32 $0xFFFFC000;
	(pc) =	sbr.rel @p0 .LBB2_1-.Ltmp1, $4  }
0x2e3: {  	[hbm4b:s6+s2] =	stream.linear.scatter [tilespmem:s11], [sflag:$0x1], $0x100, $0x38;
	[tilespmem:$0x8200] =	vst v63  }
0x2e4: {  	_ =	swait.ge [sflag:s8], $0x100  }
0x2e5: {  	[sflag:s8] =	ssyncset.done $0x0  }
0x2e6: {  	[sflag:s8] =	ssyncadd.s32 $0xFFFFFF00  }
0x2e7: {  	_ =	sfence.sel $0x180000  }
0x2e8: {  	[bflag:$0x0] =	sbarrier.arrive $0xFFFF  }
0x2e9: {  	p0 =	sne.s32 s0, $0x0;
	_ =	strace $0x90000047  }
0x2ea: {  	s0 =	sadd.s32 @!p0 $0x100000, s1;
	[bflag:$0x2] =	sbarrier.arrive $0xFFFF  }
0x2eb: {  	[sflag:s0] =	ssyncadd.tile.s32 @!p0 $0x1;
	_ =	shalt  }
.Lfunc_end2:
_tile_overlayer_lowered:
.L_overlay_start_2:
0x2ec: {  	(tag) =	ssettag $0x2  }
0x2ed: {  	s0 =	rddreg [dreg:$0x0];
	s2 =	stileid.u32  }
0x2ee: {  	s1 =	rddreg [dreg:$0x1];
	p0 =	sne.s32 s2, $0x0  }
0x2ef: {  	s3 =	rddreg [dreg:$0x2];
	[bflag:$0x3] =	sbarrier.arrive $0xFFFF;
	s2 =	simm.s32 @!p0 $0x1C01  }
0x2f0: {  	[timem:s3], [sflag:s2] =	dma.local @!p0 [hbm:s0], s1  }
0x2f1: {  	s0 =	simm.s32 @!p0 $0x1  }
0x2f2: {  	_ =	swait.ge @!p0 [sflag:s0], s1  }
0x2f3: {  	s1 =	ssub.s32 @!p0 $0x0, s1;
	[sflag:s0] =	ssyncset.done @!p0 $0x0  }
0x2f4: {  	[sflag:s0] =	ssyncadd.s32 @!p0 s1  }
0x2f5: {  	[bflag:$0x3] =	sbarrier.arrive $0xFFFF  }
0x2f6: {  	_ =	shalt  }

</sc_bundles>
